<compile_context>
chip_gen: v7x
topology: tpu7x:2x2x1
jax: 0.10.2.dev20260603
libtpu: 0.0.44.dev20260713+nightly
codegen_flags: <defaults>
</compile_context>

<pallas_src>
import jax
import jax.numpy as jnp
from jax.experimental import pallas as pl
from jax.experimental.pallas import tpu as pltpu
from jax.experimental.pallas import tpu_sc as plsc

_RAD = 18
_EMB = 256
_H = 384
_W = 384
_N = _H * _W
_NBINS = 4096
_CHUNK = 16384
_NCHUNK = _N // _CHUNK
_NSLICE = 96
_NWORKER = 32
_K_RANK = 117964


def _to_key(x):
    b = jax.lax.bitcast_convert_type(x, jnp.int32)
    return b ^ ((b >> 31) & jnp.int32(0x7FFFFFFF))


def _from_key(k):
    b = k ^ ((k >> 31) & jnp.int32(0x7FFFFFFF))
    return jax.lax.bitcast_convert_type(b, jnp.float32)


def _mid(lo, hi):
    return (lo & hi) + ((lo ^ hi) >> 1)


_SB = 4


def _rsum(x):
    a = x[:, :, 0:128] + x[:, :, 128:256] + x[:, :, 256:384]
    a = a[:, 0:192] + a[:, 192:384]
    a = a[:, 0:96] + a[:, 96:192]
    a = a[:, 0:48] + a[:, 48:96]
    a = a[:, 0:24] + a[:, 24:48]
    a = a[:, 0:8] + a[:, 8:16] + a[:, 16:24]
    return jnp.sum(a, axis=(1, 2), keepdims=True)


def _rmin(x):
    a = jnp.minimum(jnp.minimum(x[:, :, 0:128], x[:, :, 128:256]), x[:, :, 256:384])
    a = jnp.minimum(a[:, 0:192], a[:, 192:384])
    a = jnp.minimum(a[:, 0:96], a[:, 96:192])
    a = jnp.minimum(a[:, 0:48], a[:, 48:96])
    a = jnp.minimum(a[:, 0:24], a[:, 24:48])
    a = jnp.minimum(jnp.minimum(a[:, 0:8], a[:, 8:16]), a[:, 16:24])
    return jnp.min(a, axis=(1, 2), keepdims=True)


def _rmax(x):
    a = jnp.maximum(jnp.maximum(x[:, :, 0:128], x[:, :, 128:256]), x[:, :, 256:384])
    a = jnp.maximum(a[:, 0:192], a[:, 192:384])
    a = jnp.maximum(a[:, 0:96], a[:, 96:192])
    a = jnp.maximum(a[:, 0:48], a[:, 48:96])
    a = jnp.maximum(a[:, 0:24], a[:, 24:48])
    a = jnp.maximum(jnp.maximum(a[:, 0:8], a[:, 8:16]), a[:, 16:24])
    return jnp.max(a, axis=(1, 2), keepdims=True)


def _count_le(key, pivot):
    return _rsum(jnp.where(key <= pivot, 1.0, 0.0))


def _step1(key, lo, hi, target):
    mid = _mid(lo, hi)
    pred = _count_le(key, mid) >= target
    return jnp.where(pred, lo, mid + 1), jnp.where(pred, mid, hi)


def _select_rank(key, rank_plus1, lo0, hi0, steps):

    def body(_, c):
        lo, hi = c
        return _step1(key, lo, hi, rank_plus1)

    lo, hi = jax.lax.fori_loop(0, steps, body, (lo0, hi0))
    return lo


def _sc_hist_body(vol_hbm, out_hbm, hist_v, buf_v, pref_v, sem_v):
    cid = jax.lax.axis_index("c")
    sid = jax.lax.axis_index("s")
    wid = sid * 2 + cid
    lane_base = jax.lax.iota(jnp.int32, 16) * _NBINS
    ones = jnp.ones((16,), jnp.float32)

    def per_slice(r, _):
        sl = wid + _NWORKER * r
        zeros16 = jnp.zeros((16,), jnp.float32)

        def zero(i, _z):
            for j in range(8):
                hist_v[pl.ds(i * 128 + j * 16, 16)] = zeros16
            return 0

        jax.lax.fori_loop(0, (_NBINS * 16) // 128, zero, 0)

        def _cp(c, bi):
            return pltpu.make_async_copy(
                vol_hbm.at[pl.ds(sl * _N + c * _CHUNK, _CHUNK)],
                buf_v.at[bi], sem_v.at[bi])

        def _process(bi):
            def vec(vi, _v):
                for j in range(8):
                    x = buf_v[bi, pl.ds(vi * 128 + j * 16, 16)]
                    b = jax.lax.bitcast_convert_type(x, jnp.int32)
                    key = b ^ ((b >> 31) & jnp.int32(0x7FFFFFFF))
                    bin_ = (key >> 20) + jnp.int32(2048)
                    plsc.addupdate_scatter(hist_v, [lane_base + bin_], ones)
                return 0

            jax.lax.fori_loop(0, _CHUNK // 128, vec, 0)

        _cp(0, 0).start()
        for c in range(_NCHUNK):
            if c + 1 < _NCHUNK:
                _cp(c + 1, (c + 1) % 2).start()
            _cp(c, c % 2).wait()
            _process(c % 2)

        def pref(j, running):
            acc = hist_v[pl.ds(j * 16, 16)]
            for l in range(1, 16):
                acc = acc + hist_v[pl.ds(l * _NBINS + j * 16, 16)]
            cs = plsc.cumsum(acc) + running
            pref_v[pl.ds(j * 16, 16)] = cs
            return jnp.max(cs, axis=0)

        jax.lax.fori_loop(0, _NBINS // 16, pref, jnp.float32(0.0))
        pltpu.sync_copy(pref_v, out_hbm.at[pl.ds(sl * _NBINS, _NBINS)])
        return 0

    jax.lax.fori_loop(0, _NSLICE // _NWORKER, per_slice, 0)


def _sc_prefix(volume_flat):
    mesh = plsc.VectorSubcoreMesh(core_axis_name="c", subcore_axis_name="s")
    fn = pl.kernel(
        _sc_hist_body,
        mesh=mesh,
        out_type=jax.ShapeDtypeStruct((_NSLICE * _NBINS,), jnp.float32),
        scratch_types=[
            pltpu.VMEM((_NBINS * 16,), jnp.float32),
            pltpu.VMEM((2, _CHUNK), jnp.float32),
            pltpu.VMEM((_NBINS,), jnp.float32),
            pltpu.SemaphoreType.DMA((2,)),
        ],
        compiler_params=pltpu.CompilerParams(needs_layout_passes=False),
    )
    return fn(volume_flat)


def _bucket_bounds(prow, target):
    t2 = target.reshape(_SB, 1)
    b = jnp.sum(jnp.where(prow < t2, 1.0, 0.0), axis=1, keepdims=True)
    b = b.reshape(_SB, 1, 1).astype(jnp.int32)
    lo = (b - jnp.int32(2048)) << 20
    return lo, lo + jnp.int32(0xFFFFF)


def _slice_kernel(vol_ref, pref_ref, wt_ref, bp_ref, g_ref, bb_ref, out_ref):
    sl = vol_ref[...]
    prow = pref_ref[0]
    key = _to_key(sl)

    ttarget = jnp.full((_SB, 1, 1), _K_RANK + 1, jnp.float32)
    tlo, thi = _bucket_bounds(prow, ttarget)
    tkey = _select_rank(key, ttarget, tlo, thi, 20)
    thr = _from_key(tkey)

    maskb = sl >= thr
    m = maskb.astype(jnp.float32)
    count = _rsum(m)

    mean = _rsum(sl * m) / count
    d = sl - mean
    d2 = d * d
    var = _rsum(d2 * m) / count
    std = jnp.sqrt(var)
    std_eps = jnp.maximum(std, 1e-6)
    m3 = _rsum(d2 * d * m) / count
    m4 = _rsum(d2 * d2 * m) / count
    skew = jnp.clip(m3 / (std_eps * std_eps * std_eps), -50.0, 50.0)
    kurt = jnp.clip(m4 / (std_eps * std_eps * std_eps * std_eps), 0.0, 100.0)

    big = jnp.float32(jnp.inf)
    vmin = _rmin(jnp.where(maskb, sl, big))
    vmax = _rmax(jnp.where(maskb, sl, -big))
    sqmean = _rsum(sl * sl * m) / count
    absmean = _rsum(jnp.abs(sl) * m) / count

    count_i = count.astype(jnp.int32)
    n_minus_count = jnp.int32(_N) - count_i

    ranks = []
    fracs = []
    for q in (0.25, 0.5, 0.75):
        pos = jnp.float32(q) * (count - 1.0)
        lo_i = jnp.floor(pos).astype(jnp.int32)
        fracs.append(pos - lo_i.astype(jnp.float32))
        ranks.append(n_minus_count + lo_i)

    targets = [ranks[j].astype(jnp.float32) + 1.0 for j in range(3)]
    b1 = _bucket_bounds(prow, targets[0])
    b2 = _bucket_bounds(prow, targets[1])
    b3 = _bucket_bounds(prow, targets[2])

    def qbody(_, c):
        l1, h1, l2, h2, l3, h3 = c
        l1, h1 = _step1(key, l1, h1, targets[0])
        l2, h2 = _step1(key, l2, h2, targets[1])
        l3, h3 = _step1(key, l3, h3, targets[2])
        return (l1, h1, l2, h2, l3, h3)

    l1, _, l2, _, l3, _ = jax.lax.fori_loop(
        0, 20, qbody, (b1[0], b1[1], b2[0], b2[1], b3[0], b3[1]))
    klo = (l1, l2, l3)

    imax = jnp.int32(0x7FFFFFFF)
    qvals = []
    for j in range(3):
        kj = klo[j]
        cle = _count_le(key, kj)
        nxt = _rmin(jnp.where(key > kj, key, imax))
        khi = jnp.where(cle >= ranks[j].astype(jnp.float32) + 2.0, kj, nxt)
        vlo = _from_key(kj)
        vhi = _from_key(khi)
        f = fracs[j]
        qvals.append(jnp.where(f > 0.0, vlo * (1.0 - f) + vhi * f, vlo))
    q25, q50, q75 = qvals

    rng = vmax - vmin
    safe_rng = jnp.where(rng > 0, rng, 1.0)
    idx = jnp.clip(jnp.floor((sl - vmin) / safe_rng * 16.0).astype(jnp.int32), 0, 15)
    hist = [_rsum(jnp.where(idx == k, m, 0.0)) for k in range(16)]
    hsum = hist[0]
    for k in range(1, 16):
        hsum = hsum + hist[k]
    hden = jnp.maximum(hsum, 1.0)
    ent = jnp.float32(0.0)
    for k in range(16):
        p = jnp.maximum(hist[k] / hden, 1e-6)
        ent = ent - p * jnp.log(p)
    ent = jnp.where(jnp.abs(vmin - vmax) <= 1e-8 + 1e-5 * jnp.abs(vmax), 0.0, ent)

    gy = jnp.concatenate(
        [sl[:, 1:2] - sl[:, 0:1], (sl[:, 2:] - sl[:, :-2]) * 0.5,
         sl[:, _H - 1:_H] - sl[:, _H - 2:_H - 1]],
        axis=1)
    gx = jnp.concatenate(
        [sl[:, :, 1:2] - sl[:, :, 0:1], (sl[:, :, 2:] - sl[:, :, :-2]) * 0.5,
         sl[:, :, _W - 1:_W] - sl[:, :, _W - 2:_W - 1]],
        axis=2)
    gm = jnp.sqrt(gy * gy + gx * gx)
    gm_mean = _rsum(gm * m) / count
    gd = gm - gm_mean
    gm_std = jnp.sqrt(_rsum(gd * gd * m) / count)

    rows = jax.lax.broadcasted_iota(jnp.int32, (_SB, _H, _W), 1).astype(jnp.float32)
    cols = jax.lax.broadcasted_iota(jnp.int32, (_SB, _H, _W), 2).astype(jnp.float32)
    center_y = _rsum(rows * m) / count / jnp.float32(_H - 1)
    center_x = _rsum(cols * m) / count / jnp.float32(_W - 1)
    frac_mask = count / jnp.float32(_N)

    feats = jnp.concatenate([
        s.reshape(_SB, 1) for s in (
            mean, std, vmin, vmax, q25, q50, q75, sqmean, ent, skew, kurt,
            frac_mask, gm_mean, gm_std, center_y, center_x, frac_mask,
            absmean)
    ], axis=1)

    x = jnp.dot(feats, wt_ref[...], preferred_element_type=jnp.float32)
    x = x + bp_ref[...]
    mu = jnp.mean(x, axis=1, keepdims=True)
    xc = x - mu
    v = jnp.mean(xc * xc, axis=1, keepdims=True)
    xhat = xc * jax.lax.rsqrt(v + 1e-5)
    out_ref[0] = xhat * g_ref[...] + bb_ref[...]


@jax.jit
def _run(volume, W_proj, b_proj, ln_g, ln_b):
    B, D, H, Wd = volume.shape
    slices = volume.reshape(B * D, H, Wd)
    ngrid = B * D // _SB
    prefix = _sc_prefix(volume.reshape(-1)).reshape(ngrid, _SB, _NBINS)
    wt = W_proj.T
    tokens = pl.pallas_call(
        _slice_kernel,
        grid=(ngrid,),
        in_specs=[
            pl.BlockSpec((_SB, H, Wd), lambda i: (i, 0, 0)),
            pl.BlockSpec((1, _SB, _NBINS), lambda i: (i, 0, 0)),
            pl.BlockSpec((_RAD, _EMB), lambda i: (0, 0)),
            pl.BlockSpec((1, _EMB), lambda i: (0, 0)),
            pl.BlockSpec((1, _EMB), lambda i: (0, 0)),
            pl.BlockSpec((1, _EMB), lambda i: (0, 0)),
        ],
        out_specs=pl.BlockSpec((1, _SB, _EMB), lambda i: (i, 0, 0)),
        out_shape=jax.ShapeDtypeStruct((ngrid, _SB, _EMB), jnp.float32),
        compiler_params=pltpu.CompilerParams(
            dimension_semantics=("arbitrary",)),
    )(slices, prefix, wt, b_proj.reshape(1, _EMB), ln_g.reshape(1, _EMB),
      ln_b.reshape(1, _EMB))
    tokens = tokens.reshape(B, D, _EMB)
    padding_mask = jnp.zeros((B, D), dtype=bool)
    return tokens, padding_mask


def kernel(volume, W_proj, b_proj, ln_g, ln_b):
    return _run(volume, W_proj, b_proj, ln_g, ln_b)

# --- scband reference (transcript-rebuilt; emitter-appended) ---
"""Pipeline reference for scband-radiomics-expert-17291538334409 (READ-ONLY COPY).

The authoritative reference and input builder live on the scoring server;
editing this copy changes nothing except your own understanding.
"""

import jax, jax.numpy as jnp
import numpy as np

RAD_FEATS = 18
EMBED_DIM = 256


def _slice_features(sl):
    H, W = sl.shape
    flat = sl.reshape(-1)
    threshold = jnp.quantile(flat, 0.8)
    maskb = flat >= threshold
    m = maskb.astype(sl.dtype)
    count = m.sum()
    mean = (flat * m).sum() / count
    var = (((flat - mean) ** 2) * m).sum() / count
    std = jnp.sqrt(var)
    std_eps = jnp.maximum(std, 1e-6)
    m3 = (((flat - mean) ** 3) * m).sum() / count
    m4 = (((flat - mean) ** 4) * m).sum() / count
    skew = jnp.clip(m3 / std_eps ** 3, -50.0, 50.0)
    kurt = jnp.clip(m4 / std_eps ** 4, 0.0, 100.0)
    big = jnp.asarray(jnp.inf, sl.dtype)
    vmin = jnp.min(jnp.where(maskb, flat, big))
    vmax = jnp.max(jnp.where(maskb, flat, -big))
    sorted_vals = jnp.sort(jnp.where(maskb, flat, big))

    def mq(q):
        pos = q * (count - 1.0)
        lo = jnp.floor(pos).astype(jnp.int32)
        hi = jnp.ceil(pos).astype(jnp.int32)
        frac = pos - lo.astype(sl.dtype)
        return sorted_vals[lo] * (1.0 - frac) + sorted_vals[hi] * frac

    q25 = mq(0.25)
    q50 = mq(0.5)
    q75 = mq(0.75)
    sqmean = ((flat ** 2) * m).sum() / count
    rng = vmax - vmin
    safe_rng = jnp.where(rng > 0, rng, 1.0)
    bin_idx = jnp.clip(jnp.floor((flat - vmin) / safe_rng * 16.0).astype(jnp.int32), 0, 15)
    hist = jnp.zeros(16, sl.dtype).at[bin_idx].add(m)
    probs = hist / jnp.maximum(hist.sum(), 1.0)
    probs = jnp.maximum(probs, 1e-6)
    ent = -(probs * jnp.log(probs)).sum()
    ent = jnp.where(jnp.isclose(vmin, vmax), 0.0, ent)
    gy, gx = jnp.gradient(sl)
    grad_mag = jnp.sqrt(gy ** 2 + gx ** 2).reshape(-1)
    gm_mean = (grad_mag * m).sum() / count
    gm_var = (((grad_mag - gm_mean) ** 2) * m).sum() / count
    gm_std = jnp.sqrt(gm_var)
    rows = jnp.repeat(jnp.arange(H, dtype=sl.dtype), W)
    cols = jnp.tile(jnp.arange(W, dtype=sl.dtype), H)
    center_y = (rows * m).sum() / count / float(max(H - 1, 1))
    center_x = (cols * m).sum() / count / float(max(W - 1, 1))
    frac_mask = count / float(H * W)
    absmean = (jnp.abs(flat) * m).sum() / count
    return jnp.stack([mean, std, vmin, vmax, q25, q50, q75, sqmean, ent, skew, kurt, frac_mask, gm_mean, gm_std, center_y, center_x, frac_mask, absmean])


def _forward(volume, W_proj, b_proj, ln_g, ln_b):
    B, D, H, Wd = volume.shape
    slices = volume.reshape(B * D, H, Wd)
    feats = jax.vmap(_slice_features)(slices).reshape(B, D, RAD_FEATS)
    x = feats @ W_proj.T + b_proj
    mu = x.mean(-1, keepdims=True)
    var = ((x - mu) ** 2).mean(-1, keepdims=True)
    xhat = (x - mu) / jnp.sqrt(var + 1e-5)
    tokens = xhat * ln_g + ln_b
    padding_mask = jnp.zeros((B, D), dtype=bool)
    return tokens, padding_mask


def setup_inputs(seed: int = 0) -> dict:
    key = jax.random.key(seed)
    k1, k2 = jax.random.split(key)
    volume = jax.random.normal(k1, (2, 48, 384, 384), dtype=jnp.float32)
    W_proj = jax.random.normal(k2, (EMBED_DIM, RAD_FEATS), dtype=jnp.float32) * 0.1
    b_proj = jnp.zeros((EMBED_DIM,), dtype=jnp.float32)
    ln_g = jnp.ones((EMBED_DIM,), dtype=jnp.float32)
    ln_b = jnp.zeros((EMBED_DIM,), dtype=jnp.float32)
    return {"volume": volume, "W_proj": W_proj, "b_proj": b_proj, "ln_g": ln_g, "ln_b": ln_b}


def reference(volume, W_proj, b_proj, ln_g, ln_b):
    return _forward(volume, W_proj, b_proj, ln_g, ln_b)

if __name__ == "__main__":
    import jax
    _d = setup_inputs()
    print(jax.jit(kernel)(*tuple(_d.values())))

</pallas_src>

<mosaic_0001>
#map = affine_map<(d0, d1) -> (0)>
module attributes {stable_mosaic.version = 14 : i64} {
  func.func @_sc_hist_body(%arg0: i32, %arg1: i32, %arg2: memref<14155776xf32, #tpu.memory_space<hbm>>, %arg3: memref<393216xf32, #tpu.memory_space<hbm>>, %arg4: memref<65536xf32, #tpu.memory_space<vmem>>, %arg5: memref<2x16384xf32, #tpu.memory_space<vmem>>, %arg6: memref<4096xf32, #tpu.memory_space<vmem>>, %arg7: memref<2x!tpu.dma_semaphore, #tpu.memory_space<semaphore_mem>>) attributes {dimension_semantics = [#tpu.dimension_semantics<core_parallel>, #tpu.dimension_semantics<subcore_parallel>], iteration_bounds = array<i64: 2, 16>, scalar_prefetch = 0 : i64, scratch_operands = 4 : i64, tpu.core_type = #tpu.core_type<sc_vector_subcore>, window_params = [{transform_indices = #map}, {transform_indices = #map}]} {
    %mul3A = arith.constant 2 : i32
    %mul3A_0 = arith.muli %arg1, %mul3A : i32
    %add3A = arith.addi %mul3A_0, %arg0 : i32
    %iota3A = tpu.iota {dimensions = array<i32: 0>} : vector<16xi32>
    %mul3A_1 = arith.constant 4096 : i32
    %mul3A_2 = vector.broadcast %mul3A_1 : i32 to vector<16xi32>
    %mul3A_3 = arith.muli %iota3A, %mul3A_2 : vector<16xi32>
    %broadcast_in_dim3A = arith.constant 1.000000e+00 : f32
    %broadcast_in_dim3A_4 = vector.broadcast %broadcast_in_dim3A : f32 to vector<16xf32>
    %scan3A = arith.constant 0 : i32
    %scan3A_5 = arith.constant 0 : i32
    %scan3A_6 = arith.constant 3 : i32
    %scan3A_7 = arith.addi %scan3A_5, %scan3A_6 : i32
    %scan3A_8 = arith.constant 1 : i32
    %scan3A_9 = scf.for %scan3A_11 = %scan3A_5 to %scan3A_7 step %scan3A_8 iter_args(%scan3A_12 = %scan3A) -> (i32)  : i32 {
      %mul3A_13 = arith.constant 32 : i32
      %mul3A_14 = arith.muli %mul3A_13, %scan3A_11 : i32
      %add3A_15 = arith.addi %add3A, %mul3A_14 : i32
      %broadcast_in_dim3A_16 = arith.constant 0.000000e+00 : f32
      %broadcast_in_dim3A_17 = vector.broadcast %broadcast_in_dim3A_16 : f32 to vector<16xf32>
      %scan3A_18 = arith.constant 0 : i32
      %scan3A_19 = arith.constant 0 : i32
      %scan3A_20 = arith.constant 512 : i32
      %scan3A_21 = arith.addi %scan3A_19, %scan3A_20 : i32
      %scan3A_22 = arith.constant 1 : i32
      %scan3A_23 = scf.for %scan3A_384 = %scan3A_19 to %scan3A_21 step %scan3A_22 iter_args(%scan3A_385 = %scan3A_18) -> (i32)  : i32 {
        %mul3A_386 = arith.constant 128 : i32
        %mul3A_387 = arith.muli %scan3A_384, %mul3A_386 : i32
        %add3A_388 = arith.constant 0 : i32
        %add3A_389 = arith.addi %mul3A_387, %add3A_388 : i32
        %swap3A = arith.index_cast %add3A_389 : i32 to index
        %swap3A_390 = tpu.vector_load %arg4[%swap3A] {strides = array<i32>} : memref<65536xf32, #tpu.memory_space<vmem>>, vector<16xf32>,
        tpu.vector_store %arg4[%swap3A], %broadcast_in_dim3A_17 {strides = array<i32>} : memref<65536xf32, #tpu.memory_space<vmem>>, vector<16xf32>,
        %mul3A_391 = arith.constant 128 : i32
        %mul3A_392 = arith.muli %scan3A_384, %mul3A_391 : i32
        %add3A_393 = arith.constant 16 : i32
        %add3A_394 = arith.addi %mul3A_392, %add3A_393 : i32
        %swap3A_395 = arith.index_cast %add3A_394 : i32 to index
        %swap3A_396 = tpu.vector_load %arg4[%swap3A_395] {strides = array<i32>} : memref<65536xf32, #tpu.memory_space<vmem>>, vector<16xf32>,
        tpu.vector_store %arg4[%swap3A_395], %broadcast_in_dim3A_17 {strides = array<i32>} : memref<65536xf32, #tpu.memory_space<vmem>>, vector<16xf32>,
        %mul3A_397 = arith.constant 128 : i32
        %mul3A_398 = arith.muli %scan3A_384, %mul3A_397 : i32
        %add3A_399 = arith.constant 32 : i32
        %add3A_400 = arith.addi %mul3A_398, %add3A_399 : i32
        %swap3A_401 = arith.index_cast %add3A_400 : i32 to index
        %swap3A_402 = tpu.vector_load %arg4[%swap3A_401] {strides = array<i32>} : memref<65536xf32, #tpu.memory_space<vmem>>, vector<16xf32>,
        tpu.vector_store %arg4[%swap3A_401], %broadcast_in_dim3A_17 {strides = array<i32>} : memref<65536xf32, #tpu.memory_space<vmem>>, vector<16xf32>,
        %mul3A_403 = arith.constant 128 : i32
        %mul3A_404 = arith.muli %scan3A_384, %mul3A_403 : i32
        %add3A_405 = arith.constant 48 : i32
        %add3A_406 = arith.addi %mul3A_404, %add3A_405 : i32
        %swap3A_407 = arith.index_cast %add3A_406 : i32 to index
        %swap3A_408 = tpu.vector_load %arg4[%swap3A_407] {strides = array<i32>} : memref<65536xf32, #tpu.memory_space<vmem>>, vector<16xf32>,
        tpu.vector_store %arg4[%swap3A_407], %broadcast_in_dim3A_17 {strides = array<i32>} : memref<65536xf32, #tpu.memory_space<vmem>>, vector<16xf32>,
        %mul3A_409 = arith.constant 128 : i32
        %mul3A_410 = arith.muli %scan3A_384, %mul3A_409 : i32
        %add3A_411 = arith.constant 64 : i32
        %add3A_412 = arith.addi %mul3A_410, %add3A_411 : i32
        %swap3A_413 = arith.index_cast %add3A_412 : i32 to index
        %swap3A_414 = tpu.vector_load %arg4[%swap3A_413] {strides = array<i32>} : memref<65536xf32, #tpu.memory_space<vmem>>, vector<16xf32>,
        tpu.vector_store %arg4[%swap3A_413], %broadcast_in_dim3A_17 {strides = array<i32>} : memref<65536xf32, #tpu.memory_space<vmem>>, vector<16xf32>,
        %mul3A_415 = arith.constant 128 : i32
        %mul3A_416 = arith.muli %scan3A_384, %mul3A_415 : i32
        %add3A_417 = arith.constant 80 : i32
        %add3A_418 = arith.addi %mul3A_416, %add3A_417 : i32
        %swap3A_419 = arith.index_cast %add3A_418 : i32 to index
        %swap3A_420 = tpu.vector_load %arg4[%swap3A_419] {strides = array<i32>} : memref<65536xf32, #tpu.memory_space<vmem>>, vector<16xf32>,
        tpu.vector_store %arg4[%swap3A_419], %broadcast_in_dim3A_17 {strides = array<i32>} : memref<65536xf32, #tpu.memory_space<vmem>>, vector<16xf32>,
        %mul3A_421 = arith.constant 128 : i32
        %mul3A_422 = arith.muli %scan3A_384, %mul3A_421 : i32
        %add3A_423 = arith.constant 96 : i32
        %add3A_424 = arith.addi %mul3A_422, %add3A_423 : i32
        %swap3A_425 = arith.index_cast %add3A_424 : i32 to index
        %swap3A_426 = tpu.vector_load %arg4[%swap3A_425] {strides = array<i32>} : memref<65536xf32, #tpu.memory_space<vmem>>, vector<16xf32>,
        tpu.vector_store %arg4[%swap3A_425], %broadcast_in_dim3A_17 {strides = array<i32>} : memref<65536xf32, #tpu.memory_space<vmem>>, vector<16xf32>,
        %mul3A_427 = arith.constant 128 : i32
        %mul3A_428 = arith.muli %scan3A_384, %mul3A_427 : i32
        %add3A_429 = arith.constant 112 : i32
        %add3A_430 = arith.addi %mul3A_428, %add3A_429 : i32
        %swap3A_431 = arith.index_cast %add3A_430 : i32 to index
        %swap3A_432 = tpu.vector_load %arg4[%swap3A_431] {strides = array<i32>} : memref<65536xf32, #tpu.memory_space<vmem>>, vector<16xf32>,
        tpu.vector_store %arg4[%swap3A_431], %broadcast_in_dim3A_17 {strides = array<i32>} : memref<65536xf32, #tpu.memory_space<vmem>>, vector<16xf32>,
        %scan3A_433 = arith.constant 0 : i32
        scf.yield %scan3A_433 : i32
      }
      %scan3A_24 = arith.constant 512 : i32
      %mul3A_25 = arith.constant 147456 : i32
      %mul3A_26 = arith.muli %add3A_15, %mul3A_25 : i32
      %add3A_27 = arith.constant 0 : i32
      %add3A_28 = arith.addi %mul3A_26, %add3A_27 : i32
      %dma_start3A = arith.constant 0 : i32
      %dma_start3A_29 = arith.constant 0 : i32
      %dma_start3A_30 = arith.constant 0 : i32
      %dma_start3A_31 = tpu.memref_slice %arg5[%dma_start3A, %dma_start3A_30] : memref<2x16384xf32, #tpu.memory_space<vmem>> -> memref<1x16384xf32, #tpu.memory_space<vmem>>
      %dma_start3A_32 = tpu.memref_squeeze %dma_start3A_31 : memref<1x16384xf32, #tpu.memory_space<vmem>> -> memref<16384xf32, #tpu.memory_space<vmem>>
      %dma_start3A_33 = tpu.memref_slice %arg2[%add3A_28] : memref<14155776xf32, #tpu.memory_space<hbm>> -> memref<16384xf32, #tpu.memory_space<hbm>>
      %dma_start3A_34 = tpu.memref_slice %arg7[%dma_start3A_29] : memref<2x!tpu.dma_semaphore, #tpu.memory_space<semaphore_mem>> -> memref<1x!tpu.dma_semaphore, #tpu.memory_space<semaphore_mem>>
      %dma_start3A_35 = tpu.memref_squeeze %dma_start3A_34 : memref<1x!tpu.dma_semaphore, #tpu.memory_space<semaphore_mem>> -> memref<!tpu.dma_semaphore, #tpu.memory_space<semaphore_mem>>
      %dma_start3A_36 = arith.constant 0 : i32
      %dma_start3A_37 = tpu.memref_slice %arg5[%dma_start3A, %dma_start3A_36] : memref<2x16384xf32, #tpu.memory_space<vmem>> -> memref<1x16384xf32, #tpu.memory_space<vmem>>
      %dma_start3A_38 = tpu.memref_squeeze %dma_start3A_37 : memref<1x16384xf32, #tpu.memory_space<vmem>> -> memref<16384xf32, #tpu.memory_space<vmem>>
      %dma_start3A_39 = tpu.memref_slice %arg2[%add3A_28] : memref<14155776xf32, #tpu.memory_space<hbm>> -> memref<16384xf32, #tpu.memory_space<hbm>>
      tpu.enqueue_dma source(%dma_start3A_39 : memref<16384xf32, #tpu.memory_space<hbm>>) target(%dma_start3A_38 : memref<16384xf32, #tpu.memory_space<vmem>>) target_semaphore(%dma_start3A_35 : memref<!tpu.dma_semaphore, #tpu.memory_space<semaphore_mem>>)
      %mul3A_40 = arith.constant 147456 : i32
      %mul3A_41 = arith.muli %add3A_15, %mul3A_40 : i32
      %add3A_42 = arith.constant 16384 : i32
      %add3A_43 = arith.addi %mul3A_41, %add3A_42 : i32
      %dma_start3A_44 = arith.constant 1 : i32
      %dma_start3A_45 = arith.constant 1 : i32
      %dma_start3A_46 = arith.constant 0 : i32
      %dma_start3A_47 = tpu.memref_slice %arg5[%dma_start3A_44, %dma_start3A_46] : memref<2x16384xf32, #tpu.memory_space<vmem>> -> memref<1x16384xf32, #tpu.memory_space<vmem>>
      %dma_start3A_48 = tpu.memref_squeeze %dma_start3A_47 : memref<1x16384xf32, #tpu.memory_space<vmem>> -> memref<16384xf32, #tpu.memory_space<vmem>>
      %dma_start3A_49 = tpu.memref_slice %arg2[%add3A_43] : memref<14155776xf32, #tpu.memory_space<hbm>> -> memref<16384xf32, #tpu.memory_space<hbm>>
      %dma_start3A_50 = tpu.memref_slice %arg7[%dma_start3A_45] : memref<2x!tpu.dma_semaphore, #tpu.memory_space<semaphore_mem>> -> memref<1x!tpu.dma_semaphore, #tpu.memory_space<semaphore_mem>>
      %dma_start3A_51 = tpu.memref_squeeze %dma_start3A_50 : memref<1x!tpu.dma_semaphore, #tpu.memory_space<semaphore_mem>> -> memref<!tpu.dma_semaphore, #tpu.memory_space<semaphore_mem>>
      %dma_start3A_52 = arith.constant 0 : i32
      %dma_start3A_53 = tpu.memref_slice %arg5[%dma_start3A_44, %dma_start3A_52] : memref<2x16384xf32, #tpu.memory_space<vmem>> -> memref<1x16384xf32, #tpu.memory_space<vmem>>
      %dma_start3A_54 = tpu.memref_squeeze %dma_start3A_53 : memref<1x16384xf32, #tpu.memory_space<vmem>> -> memref<16384xf32, #tpu.memory_space<vmem>>
      %dma_start3A_55 = tpu.memref_slice %arg2[%add3A_43] : memref<14155776xf32, #tpu.memory_space<hbm>> -> memref<16384xf32, #tpu.memory_space<hbm>>
      tpu.enqueue_dma source(%dma_start3A_55 : memref<16384xf32, #tpu.memory_space<hbm>>) target(%dma_start3A_54 : memref<16384xf32, #tpu.memory_space<vmem>>) target_semaphore(%dma_start3A_51 : memref<!tpu.dma_semaphore, #tpu.memory_space<semaphore_mem>>)
      %mul3A_56 = arith.constant 147456 : i32
      %mul3A_57 = arith.muli %add3A_15, %mul3A_56 : i32
      %add3A_58 = arith.constant 0 : i32
      %add3A_59 = arith.addi %mul3A_57, %add3A_58 : i32
      %dma_wait3A = arith.constant 0 : i32
      %dma_wait3A_60 = arith.constant 0 : i32
      %dma_wait3A_61 = arith.constant 0 : i32
      %dma_wait3A_62 = tpu.memref_slice %arg5[%dma_wait3A, %dma_wait3A_61] : memref<2x16384xf32, #tpu.memory_space<vmem>> -> memref<1x16384xf32, #tpu.memory_space<vmem>>
      %dma_wait3A_63 = tpu.memref_squeeze %dma_wait3A_62 : memref<1x16384xf32, #tpu.memory_space<vmem>> -> memref<16384xf32, #tpu.memory_space<vmem>>
      %dma_wait3A_64 = tpu.memref_slice %arg2[%add3A_59] : memref<14155776xf32, #tpu.memory_space<hbm>> -> memref<16384xf32, #tpu.memory_space<hbm>>
      %dma_wait3A_65 = tpu.memref_slice %arg7[%dma_wait3A_60] : memref<2x!tpu.dma_semaphore, #tpu.memory_space<semaphore_mem>> -> memref<1x!tpu.dma_semaphore, #tpu.memory_space<semaphore_mem>>
      %dma_wait3A_66 = tpu.memref_squeeze %dma_wait3A_65 : memref<1x!tpu.dma_semaphore, #tpu.memory_space<semaphore_mem>> -> memref<!tpu.dma_semaphore, #tpu.memory_space<semaphore_mem>>
      %dma_wait3A_67 = arith.constant 0 : i32
      %dma_wait3A_68 = tpu.memref_slice %arg5[%dma_wait3A, %dma_wait3A_67] : memref<2x16384xf32, #tpu.memory_space<vmem>> -> memref<1x16384xf32, #tpu.memory_space<vmem>>
      %dma_wait3A_69 = tpu.memref_squeeze %dma_wait3A_68 : memref<1x16384xf32, #tpu.memory_space<vmem>> -> memref<16384xf32, #tpu.memory_space<vmem>>
      %dma_wait3A_70 = tpu.memref_slice %arg2[%add3A_59] : memref<14155776xf32, #tpu.memory_space<hbm>> -> memref<16384xf32, #tpu.memory_space<hbm>>
      tpu.wait_dma2 semaphore(%dma_wait3A_66 : memref<!tpu.dma_semaphore, #tpu.memory_space<semaphore_mem>>) src(%dma_wait3A_70 : memref<16384xf32, #tpu.memory_space<hbm>>) dst(%dma_wait3A_69 : memref<16384xf32, #tpu.memory_space<vmem>>)
      %scan3A_71 = arith.constant 0 : i32
      %scan3A_72 = arith.constant 0 : i32
      %scan3A_73 = arith.constant 128 : i32
      %scan3A_74 = arith.addi %scan3A_72, %scan3A_73 : i32
      %scan3A_75 = arith.constant 1 : i32
      %scan3A_76 = scf.for %scan3A_384 = %scan3A_72 to %scan3A_74 step %scan3A_75 iter_args(%scan3A_385 = %scan3A_71) -> (i32)  : i32 {
        %mul3A_386 = arith.constant 128 : i32
        %mul3A_387 = arith.muli %scan3A_384, %mul3A_386 : i32
        %add3A_388 = arith.constant 0 : i32
        %add3A_389 = arith.addi %mul3A_387, %add3A_388 : i32
        %get3A = arith.constant 0 : i32
        %get3A_390 = arith.index_cast %get3A : i32 to index
        %get3A_391 = arith.index_cast %add3A_389 : i32 to index
        %get3A_392 = tpu.vector_load %arg5[%get3A_390, %get3A_391] {strides = array<i32>} : memref<2x16384xf32, #tpu.memory_space<vmem>>, vector<16xf32>,
        %bitcast_convert_type3A = tpu.bitcast %get3A_392 : vector<16xf32> -> vector<16xi32>
        %shift_right_arithmetic3A = arith.constant 31 : i32
        %shift_right_arithmetic3A_393 = vector.broadcast %shift_right_arithmetic3A : i32 to vector<16xi32>
        %shift_right_arithmetic3A_394 = arith.shrsi %bitcast_convert_type3A, %shift_right_arithmetic3A_393 : vector<16xi32>
        %and3A = arith.constant 2147483647 : i32
        %and3A_395 = vector.broadcast %and3A : i32 to vector<16xi32>
        %and3A_396 = arith.andi %shift_right_arithmetic3A_394, %and3A_395 : vector<16xi32>
        %xor3A = arith.xori %bitcast_convert_type3A, %and3A_396 : vector<16xi32>
        %shift_right_arithmetic3A_397 = arith.constant 20 : i32
        %shift_right_arithmetic3A_398 = vector.broadcast %shift_right_arithmetic3A_397 : i32 to vector<16xi32>
        %shift_right_arithmetic3A_399 = arith.shrsi %xor3A, %shift_right_arithmetic3A_398 : vector<16xi32>
        %add3A_400 = arith.constant 2048 : i32
        %add3A_401 = vector.broadcast %add3A_400 : i32 to vector<16xi32>
        %add3A_402 = arith.addi %shift_right_arithmetic3A_399, %add3A_401 : vector<16xi32>
        %add3A_403 = arith.addi %mul3A_3, %add3A_402 : vector<16xi32>
        tpu.vector_store_idx %arg4[%add3A_403], %broadcast_in_dim3A_4 {add = true} : memref<65536xf32, #tpu.memory_space<vmem>>[vector<16xi32>], vector<16xf32>,
        %mul3A_404 = arith.constant 128 : i32
        %mul3A_405 = arith.muli %scan3A_384, %mul3A_404 : i32
        %add3A_406 = arith.constant 16 : i32
        %add3A_407 = arith.addi %mul3A_405, %add3A_406 : i32
        %get3A_408 = arith.constant 0 : i32
        %get3A_409 = arith.index_cast %get3A_408 : i32 to index
        %get3A_410 = arith.index_cast %add3A_407 : i32 to index
        %get3A_411 = tpu.vector_load %arg5[%get3A_409, %get3A_410] {strides = array<i32>} : memref<2x16384xf32, #tpu.memory_space<vmem>>, vector<16xf32>,
        %bitcast_convert_type3A_412 = tpu.bitcast %get3A_411 : vector<16xf32> -> vector<16xi32>
        %shift_right_arithmetic3A_413 = arith.constant 31 : i32
        %shift_right_arithmetic3A_414 = vector.broadcast %shift_right_arithmetic3A_413 : i32 to vector<16xi32>
        %shift_right_arithmetic3A_415 = arith.shrsi %bitcast_convert_type3A_412, %shift_right_arithmetic3A_414 : vector<16xi32>
        %and3A_416 = arith.constant 2147483647 : i32
        %and3A_417 = vector.broadcast %and3A_416 : i32 to vector<16xi32>
        %and3A_418 = arith.andi %shift_right_arithmetic3A_415, %and3A_417 : vector<16xi32>
        %xor3A_419 = arith.xori %bitcast_convert_type3A_412, %and3A_418 : vector<16xi32>
        %shift_right_arithmetic3A_420 = arith.constant 20 : i32
        %shift_right_arithmetic3A_421 = vector.broadcast %shift_right_arithmetic3A_420 : i32 to vector<16xi32>
        %shift_right_arithmetic3A_422 = arith.shrsi %xor3A_419, %shift_right_arithmetic3A_421 : vector<16xi32>
        %add3A_423 = arith.constant 2048 : i32
        %add3A_424 = vector.broadcast %add3A_423 : i32 to vector<16xi32>
        %add3A_425 = arith.addi %shift_right_arithmetic3A_422, %add3A_424 : vector<16xi32>
        %add3A_426 = arith.addi %mul3A_3, %add3A_425 : vector<16xi32>
        tpu.vector_store_idx %arg4[%add3A_426], %broadcast_in_dim3A_4 {add = true} : memref<65536xf32, #tpu.memory_space<vmem>>[vector<16xi32>], vector<16xf32>,
        %mul3A_427 = arith.constant 128 : i32
        %mul3A_428 = arith.muli %scan3A_384, %mul3A_427 : i32
        %add3A_429 = arith.constant 32 : i32
        %add3A_430 = arith.addi %mul3A_428, %add3A_429 : i32
        %get3A_431 = arith.constant 0 : i32
        %get3A_432 = arith.index_cast %get3A_431 : i32 to index
        %get3A_433 = arith.index_cast %add3A_430 : i32 to index
        %get3A_434 = tpu.vector_load %arg5[%get3A_432, %get3A_433] {strides = array<i32>} : memref<2x16384xf32, #tpu.memory_space<vmem>>, vector<16xf32>,
        %bitcast_convert_type3A_435 = tpu.bitcast %get3A_434 : vector<16xf32> -> vector<16xi32>
        %shift_right_arithmetic3A_436 = arith.constant 31 : i32
        %shift_right_arithmetic3A_437 = vector.broadcast %shift_right_arithmetic3A_436 : i32 to vector<16xi32>
        %shift_right_arithmetic3A_438 = arith.shrsi %bitcast_convert_type3A_435, %shift_right_arithmetic3A_437 : vector<16xi32>
        %and3A_439 = arith.constant 2147483647 : i32
        %and3A_440 = vector.broadcast %and3A_439 : i32 to vector<16xi32>
        %and3A_441 = arith.andi %shift_right_arithmetic3A_438, %and3A_440 : vector<16xi32>
        %xor3A_442 = arith.xori %bitcast_convert_type3A_435, %and3A_441 : vector<16xi32>
        %shift_right_arithmetic3A_443 = arith.constant 20 : i32
        %shift_right_arithmetic3A_444 = vector.broadcast %shift_right_arithmetic3A_443 : i32 to vector<16xi32>
        %shift_right_arithmetic3A_445 = arith.shrsi %xor3A_442, %shift_right_arithmetic3A_444 : vector<16xi32>
        %add3A_446 = arith.constant 2048 : i32
        %add3A_447 = vector.broadcast %add3A_446 : i32 to vector<16xi32>
        %add3A_448 = arith.addi %shift_right_arithmetic3A_445, %add3A_447 : vector<16xi32>
        %add3A_449 = arith.addi %mul3A_3, %add3A_448 : vector<16xi32>
        tpu.vector_store_idx %arg4[%add3A_449], %broadcast_in_dim3A_4 {add = true} : memref<65536xf32, #tpu.memory_space<vmem>>[vector<16xi32>], vector<16xf32>,
        %mul3A_450 = arith.constant 128 : i32
        %mul3A_451 = arith.muli %scan3A_384, %mul3A_450 : i32
        %add3A_452 = arith.constant 48 : i32
        %add3A_453 = arith.addi %mul3A_451, %add3A_452 : i32
        %get3A_454 = arith.constant 0 : i32
        %get3A_455 = arith.index_cast %get3A_454 : i32 to index
        %get3A_456 = arith.index_cast %add3A_453 : i32 to index
        %get3A_457 = tpu.vector_load %arg5[%get3A_455, %get3A_456] {strides = array<i32>} : memref<2x16384xf32, #tpu.memory_space<vmem>>, vector<16xf32>,
        %bitcast_convert_type3A_458 = tpu.bitcast %get3A_457 : vector<16xf32> -> vector<16xi32>
        %shift_right_arithmetic3A_459 = arith.constant 31 : i32
        %shift_right_arithmetic3A_460 = vector.broadcast %shift_right_arithmetic3A_459 : i32 to vector<16xi32>
        %shift_right_arithmetic3A_461 = arith.shrsi %bitcast_convert_type3A_458, %shift_right_arithmetic3A_460 : vector<16xi32>
        %and3A_462 = arith.constant 2147483647 : i32
        %and3A_463 = vector.broadcast %and3A_462 : i32 to vector<16xi32>
        %and3A_464 = arith.andi %shift_right_arithmetic3A_461, %and3A_463 : vector<16xi32>
        %xor3A_465 = arith.xori %bitcast_convert_type3A_458, %and3A_464 : vector<16xi32>
        %shift_right_arithmetic3A_466 = arith.constant 20 : i32
        %shift_right_arithmetic3A_467 = vector.broadcast %shift_right_arithmetic3A_466 : i32 to vector<16xi32>
        %shift_right_arithmetic3A_468 = arith.shrsi %xor3A_465, %shift_right_arithmetic3A_467 : vector<16xi32>
        %add3A_469 = arith.constant 2048 : i32
        %add3A_470 = vector.broadcast %add3A_469 : i32 to vector<16xi32>
        %add3A_471 = arith.addi %shift_right_arithmetic3A_468, %add3A_470 : vector<16xi32>
        %add3A_472 = arith.addi %mul3A_3, %add3A_471 : vector<16xi32>
        tpu.vector_store_idx %arg4[%add3A_472], %broadcast_in_dim3A_4 {add = true} : memref<65536xf32, #tpu.memory_space<vmem>>[vector<16xi32>], vector<16xf32>,
        %mul3A_473 = arith.constant 128 : i32
        %mul3A_474 = arith.muli %scan3A_384, %mul3A_473 : i32
        %add3A_475 = arith.constant 64 : i32
        %add3A_476 = arith.addi %mul3A_474, %add3A_475 : i32
        %get3A_477 = arith.constant 0 : i32
        %get3A_478 = arith.index_cast %get3A_477 : i32 to index
        %get3A_479 = arith.index_cast %add3A_476 : i32 to index
        %get3A_480 = tpu.vector_load %arg5[%get3A_478, %get3A_479] {strides = array<i32>} : memref<2x16384xf32, #tpu.memory_space<vmem>>, vector<16xf32>,
        %bitcast_convert_type3A_481 = tpu.bitcast %get3A_480 : vector<16xf32> -> vector<16xi32>
        %shift_right_arithmetic3A_482 = arith.constant 31 : i32
        %shift_right_arithmetic3A_483 = vector.broadcast %shift_right_arithmetic3A_482 : i32 to vector<16xi32>
        %shift_right_arithmetic3A_484 = arith.shrsi %bitcast_convert_type3A_481, %shift_right_arithmetic3A_483 : vector<16xi32>
        %and3A_485 = arith.constant 2147483647 : i32
        %and3A_486 = vector.broadcast %and3A_485 : i32 to vector<16xi32>
        %and3A_487 = arith.andi %shift_right_arithmetic3A_484, %and3A_486 : vector<16xi32>
        %xor3A_488 = arith.xori %bitcast_convert_type3A_481, %and3A_487 : vector<16xi32>
        %shift_right_arithmetic3A_489 = arith.constant 20 : i32
        %shift_right_arithmetic3A_490 = vector.broadcast %shift_right_arithmetic3A_489 : i32 to vector<16xi32>
        %shift_right_arithmetic3A_491 = arith.shrsi %xor3A_488, %shift_right_arithmetic3A_490 : vector<16xi32>
        %add3A_492 = arith.constant 2048 : i32
        %add3A_493 = vector.broadcast %add3A_492 : i32 to vector<16xi32>
        %add3A_494 = arith.addi %shift_right_arithmetic3A_491, %add3A_493 : vector<16xi32>
        %add3A_495 = arith.addi %mul3A_3, %add3A_494 : vector<16xi32>
        tpu.vector_store_idx %arg4[%add3A_495], %broadcast_in_dim3A_4 {add = true} : memref<65536xf32, #tpu.memory_space<vmem>>[vector<16xi32>], vector<16xf32>,
        %mul3A_496 = arith.constant 128 : i32
        %mul3A_497 = arith.muli %scan3A_384, %mul3A_496 : i32
        %add3A_498 = arith.constant 80 : i32
        %add3A_499 = arith.addi %mul3A_497, %add3A_498 : i32
        %get3A_500 = arith.constant 0 : i32
        %get3A_501 = arith.index_cast %get3A_500 : i32 to index
        %get3A_502 = arith.index_cast %add3A_499 : i32 to index
        %get3A_503 = tpu.vector_load %arg5[%get3A_501, %get3A_502] {strides = array<i32>} : memref<2x16384xf32, #tpu.memory_space<vmem>>, vector<16xf32>,
        %bitcast_convert_type3A_504 = tpu.bitcast %get3A_503 : vector<16xf32> -> vector<16xi32>
        %shift_right_arithmetic3A_505 = arith.constant 31 : i32
        %shift_right_arithmetic3A_506 = vector.broadcast %shift_right_arithmetic3A_505 : i32 to vector<16xi32>
        %shift_right_arithmetic3A_507 = arith.shrsi %bitcast_convert_type3A_504, %shift_right_arithmetic3A_506 : vector<16xi32>
        %and3A_508 = arith.constant 2147483647 : i32
        %and3A_509 = vector.broadcast %and3A_508 : i32 to vector<16xi32>
        %and3A_510 = arith.andi %shift_right_arithmetic3A_507, %and3A_509 : vector<16xi32>
        %xor3A_511 = arith.xori %bitcast_convert_type3A_504, %and3A_510 : vector<16xi32>
        %shift_right_arithmetic3A_512 = arith.constant 20 : i32
        %shift_right_arithmetic3A_513 = vector.broadcast %shift_right_arithmetic3A_512 : i32 to vector<16xi32>
        %shift_right_arithmetic3A_514 = arith.shrsi %xor3A_511, %shift_right_arithmetic3A_513 : vector<16xi32>
        %add3A_515 = arith.constant 2048 : i32
        %add3A_516 = vector.broadcast %add3A_515 : i32 to vector<16xi32>
        %add3A_517 = arith.addi %shift_right_arithmetic3A_514, %add3A_516 : vector<16xi32>
        %add3A_518 = arith.addi %mul3A_3, %add3A_517 : vector<16xi32>
        tpu.vector_store_idx %arg4[%add3A_518], %broadcast_in_dim3A_4 {add = true} : memref<65536xf32, #tpu.memory_space<vmem>>[vector<16xi32>], vector<16xf32>,
        %mul3A_519 = arith.constant 128 : i32
        %mul3A_520 = arith.muli %scan3A_384, %mul3A_519 : i32
        %add3A_521 = arith.constant 96 : i32
        %add3A_522 = arith.addi %mul3A_520, %add3A_521 : i32
        %get3A_523 = arith.constant 0 : i32
        %get3A_524 = arith.index_cast %get3A_523 : i32 to index
        %get3A_525 = arith.index_cast %add3A_522 : i32 to index
        %get3A_526 = tpu.vector_load %arg5[%get3A_524, %get3A_525] {strides = array<i32>} : memref<2x16384xf32, #tpu.memory_space<vmem>>, vector<16xf32>,
        %bitcast_convert_type3A_527 = tpu.bitcast %get3A_526 : vector<16xf32> -> vector<16xi32>
        %shift_right_arithmetic3A_528 = arith.constant 31 : i32
        %shift_right_arithmetic3A_529 = vector.broadcast %shift_right_arithmetic3A_528 : i32 to vector<16xi32>
        %shift_right_arithmetic3A_530 = arith.shrsi %bitcast_convert_type3A_527, %shift_right_arithmetic3A_529 : vector<16xi32>
        %and3A_531 = arith.constant 2147483647 : i32
        %and3A_532 = vector.broadcast %and3A_531 : i32 to vector<16xi32>
        %and3A_533 = arith.andi %shift_right_arithmetic3A_530, %and3A_532 : vector<16xi32>
        %xor3A_534 = arith.xori %bitcast_convert_type3A_527, %and3A_533 : vector<16xi32>
        %shift_right_arithmetic3A_535 = arith.constant 20 : i32
        %shift_right_arithmetic3A_536 = vector.broadcast %shift_right_arithmetic3A_535 : i32 to vector<16xi32>
        %shift_right_arithmetic3A_537 = arith.shrsi %xor3A_534, %shift_right_arithmetic3A_536 : vector<16xi32>
        %add3A_538 = arith.constant 2048 : i32
        %add3A_539 = vector.broadcast %add3A_538 : i32 to vector<16xi32>
        %add3A_540 = arith.addi %shift_right_arithmetic3A_537, %add3A_539 : vector<16xi32>
        %add3A_541 = arith.addi %mul3A_3, %add3A_540 : vector<16xi32>
        tpu.vector_store_idx %arg4[%add3A_541], %broadcast_in_dim3A_4 {add = true} : memref<65536xf32, #tpu.memory_space<vmem>>[vector<16xi32>], vector<16xf32>,
        %mul3A_542 = arith.constant 128 : i32
        %mul3A_543 = arith.muli %scan3A_384, %mul3A_542 : i32
        %add3A_544 = arith.constant 112 : i32
        %add3A_545 = arith.addi %mul3A_543, %add3A_544 : i32
        %get3A_546 = arith.constant 0 : i32
        %get3A_547 = arith.index_cast %get3A_546 : i32 to index
        %get3A_548 = arith.index_cast %add3A_545 : i32 to index
        %get3A_549 = tpu.vector_load %arg5[%get3A_547, %get3A_548] {strides = array<i32>} : memref<2x16384xf32, #tpu.memory_space<vmem>>, vector<16xf32>,
        %bitcast_convert_type3A_550 = tpu.bitcast %get3A_549 : vector<16xf32> -> vector<16xi32>
        %shift_right_arithmetic3A_551 = arith.constant 31 : i32
        %shift_right_arithmetic3A_552 = vector.broadcast %shift_right_arithmetic3A_551 : i32 to vector<16xi32>
        %shift_right_arithmetic3A_553 = arith.shrsi %bitcast_convert_type3A_550, %shift_right_arithmetic3A_552 : vector<16xi32>
        %and3A_554 = arith.constant 2147483647 : i32
        %and3A_555 = vector.broadcast %and3A_554 : i32 to vector<16xi32>
        %and3A_556 = arith.andi %shift_right_arithmetic3A_553, %and3A_555 : vector<16xi32>
        %xor3A_557 = arith.xori %bitcast_convert_type3A_550, %and3A_556 : vector<16xi32>
        %shift_right_arithmetic3A_558 = arith.constant 20 : i32
        %shift_right_arithmetic3A_559 = vector.broadcast %shift_right_arithmetic3A_558 : i32 to vector<16xi32>
        %shift_right_arithmetic3A_560 = arith.shrsi %xor3A_557, %shift_right_arithmetic3A_559 : vector<16xi32>
        %add3A_561 = arith.constant 2048 : i32
        %add3A_562 = vector.broadcast %add3A_561 : i32 to vector<16xi32>
        %add3A_563 = arith.addi %shift_right_arithmetic3A_560, %add3A_562 : vector<16xi32>
        %add3A_564 = arith.addi %mul3A_3, %add3A_563 : vector<16xi32>
        tpu.vector_store_idx %arg4[%add3A_564], %broadcast_in_dim3A_4 {add = true} : memref<65536xf32, #tpu.memory_space<vmem>>[vector<16xi32>], vector<16xf32>,
        %scan3A_565 = arith.constant 0 : i32
        scf.yield %scan3A_565 : i32
      }
      %scan3A_77 = arith.constant 128 : i32
      %mul3A_78 = arith.constant 147456 : i32
      %mul3A_79 = arith.muli %add3A_15, %mul3A_78 : i32
      %add3A_80 = arith.constant 32768 : i32
      %add3A_81 = arith.addi %mul3A_79, %add3A_80 : i32
      %dma_start3A_82 = arith.constant 0 : i32
      %dma_start3A_83 = arith.constant 0 : i32
      %dma_start3A_84 = arith.constant 0 : i32
      %dma_start3A_85 = tpu.memref_slice %arg5[%dma_start3A_82, %dma_start3A_84] : memref<2x16384xf32, #tpu.memory_space<vmem>> -> memref<1x16384xf32, #tpu.memory_space<vmem>>
      %dma_start3A_86 = tpu.memref_squeeze %dma_start3A_85 : memref<1x16384xf32, #tpu.memory_space<vmem>> -> memref<16384xf32, #tpu.memory_space<vmem>>
      %dma_start3A_87 = tpu.memref_slice %arg2[%add3A_81] : memref<14155776xf32, #tpu.memory_space<hbm>> -> memref<16384xf32, #tpu.memory_space<hbm>>
      %dma_start3A_88 = tpu.memref_slice %arg7[%dma_start3A_83] : memref<2x!tpu.dma_semaphore, #tpu.memory_space<semaphore_mem>> -> memref<1x!tpu.dma_semaphore, #tpu.memory_space<semaphore_mem>>
      %dma_start3A_89 = tpu.memref_squeeze %dma_start3A_88 : memref<1x!tpu.dma_semaphore, #tpu.memory_space<semaphore_mem>> -> memref<!tpu.dma_semaphore, #tpu.memory_space<semaphore_mem>>
      %dma_start3A_90 = arith.constant 0 : i32
      %dma_start3A_91 = tpu.memref_slice %arg5[%dma_start3A_82, %dma_start3A_90] : memref<2x16384xf32, #tpu.memory_space<vmem>> -> memref<1x16384xf32, #tpu.memory_space<vmem>>
      %dma_start3A_92 = tpu.memref_squeeze %dma_start3A_91 : memref<1x16384xf32, #tpu.memory_space<vmem>> -> memref<16384xf32, #tpu.memory_space<vmem>>
      %dma_start3A_93 = tpu.memref_slice %arg2[%add3A_81] : memref<14155776xf32, #tpu.memory_space<hbm>> -> memref<16384xf32, #tpu.memory_space<hbm>>
      tpu.enqueue_dma source(%dma_start3A_93 : memref<16384xf32, #tpu.memory_space<hbm>>) target(%dma_start3A_92 : memref<16384xf32, #tpu.memory_space<vmem>>) target_semaphore(%dma_start3A_89 : memref<!tpu.dma_semaphore, #tpu.memory_space<semaphore_mem>>)
      %mul3A_94 = arith.constant 147456 : i32
      %mul3A_95 = arith.muli %add3A_15, %mul3A_94 : i32
      %add3A_96 = arith.constant 16384 : i32
      %add3A_97 = arith.addi %mul3A_95, %add3A_96 : i32
      %dma_wait3A_98 = arith.constant 1 : i32
      %dma_wait3A_99 = arith.constant 1 : i32
      %dma_wait3A_100 = arith.constant 0 : i32
      %dma_wait3A_101 = tpu.memref_slice %arg5[%dma_wait3A_98, %dma_wait3A_100] : memref<2x16384xf32, #tpu.memory_space<vmem>> -> memref<1x16384xf32, #tpu.memory_space<vmem>>
      %dma_wait3A_102 = tpu.memref_squeeze %dma_wait3A_101 : memref<1x16384xf32, #tpu.memory_space<vmem>> -> memref<16384xf32, #tpu.memory_space<vmem>>
      %dma_wait3A_103 = tpu.memref_slice %arg2[%add3A_97] : memref<14155776xf32, #tpu.memory_space<hbm>> -> memref<16384xf32, #tpu.memory_space<hbm>>
      %dma_wait3A_104 = tpu.memref_slice %arg7[%dma_wait3A_99] : memref<2x!tpu.dma_semaphore, #tpu.memory_space<semaphore_mem>> -> memref<1x!tpu.dma_semaphore, #tpu.memory_space<semaphore_mem>>
      %dma_wait3A_105 = tpu.memref_squeeze %dma_wait3A_104 : memref<1x!tpu.dma_semaphore, #tpu.memory_space<semaphore_mem>> -> memref<!tpu.dma_semaphore, #tpu.memory_space<semaphore_mem>>
      %dma_wait3A_106 = arith.constant 0 : i32
      %dma_wait3A_107 = tpu.memref_slice %arg5[%dma_wait3A_98, %dma_wait3A_106] : memref<2x16384xf32, #tpu.memory_space<vmem>> -> memref<1x16384xf32, #tpu.memory_space<vmem>>
      %dma_wait3A_108 = tpu.memref_squeeze %dma_wait3A_107 : memref<1x16384xf32, #tpu.memory_space<vmem>> -> memref<16384xf32, #tpu.memory_space<vmem>>
      %dma_wait3A_109 = tpu.memref_slice %arg2[%add3A_97] : memref<14155776xf32, #tpu.memory_space<hbm>> -> memref<16384xf32, #tpu.memory_space<hbm>>
      tpu.wait_dma2 semaphore(%dma_wait3A_105 : memref<!tpu.dma_semaphore, #tpu.memory_space<semaphore_mem>>) src(%dma_wait3A_109 : memref<16384xf32, #tpu.memory_space<hbm>>) dst(%dma_wait3A_108 : memref<16384xf32, #tpu.memory_space<vmem>>)
      %scan3A_110 = arith.constant 0 : i32
      %scan3A_111 = arith.constant 0 : i32
      %scan3A_112 = arith.constant 128 : i32
      %scan3A_113 = arith.addi %scan3A_111, %scan3A_112 : i32
      %scan3A_114 = arith.constant 1 : i32
      %scan3A_115 = scf.for %scan3A_384 = %scan3A_111 to %scan3A_113 step %scan3A_114 iter_args(%scan3A_385 = %scan3A_110) -> (i32)  : i32 {
        %mul3A_386 = arith.constant 128 : i32
        %mul3A_387 = arith.muli %scan3A_384, %mul3A_386 : i32
        %add3A_388 = arith.constant 0 : i32
        %add3A_389 = arith.addi %mul3A_387, %add3A_388 : i32
        %get3A = arith.constant 1 : i32
        %get3A_390 = arith.index_cast %get3A : i32 to index
        %get3A_391 = arith.index_cast %add3A_389 : i32 to index
        %get3A_392 = tpu.vector_load %arg5[%get3A_390, %get3A_391] {strides = array<i32>} : memref<2x16384xf32, #tpu.memory_space<vmem>>, vector<16xf32>,
        %bitcast_convert_type3A = tpu.bitcast %get3A_392 : vector<16xf32> -> vector<16xi32>
        %shift_right_arithmetic3A = arith.constant 31 : i32
        %shift_right_arithmetic3A_393 = vector.broadcast %shift_right_arithmetic3A : i32 to vector<16xi32>
        %shift_right_arithmetic3A_394 = arith.shrsi %bitcast_convert_type3A, %shift_right_arithmetic3A_393 : vector<16xi32>
        %and3A = arith.constant 2147483647 : i32
        %and3A_395 = vector.broadcast %and3A : i32 to vector<16xi32>
        %and3A_396 = arith.andi %shift_right_arithmetic3A_394, %and3A_395 : vector<16xi32>
        %xor3A = arith.xori %bitcast_convert_type3A, %and3A_396 : vector<16xi32>
        %shift_right_arithmetic3A_397 = arith.constant 20 : i32
        %shift_right_arithmetic3A_398 = vector.broadcast %shift_right_arithmetic3A_397 : i32 to vector<16xi32>
        %shift_right_arithmetic3A_399 = arith.shrsi %xor3A, %shift_right_arithmetic3A_398 : vector<16xi32>
        %add3A_400 = arith.constant 2048 : i32
        %add3A_401 = vector.broadcast %add3A_400 : i32 to vector<16xi32>
        %add3A_402 = arith.addi %shift_right_arithmetic3A_399, %add3A_401 : vector<16xi32>
        %add3A_403 = arith.addi %mul3A_3, %add3A_402 : vector<16xi32>
        tpu.vector_store_idx %arg4[%add3A_403], %broadcast_in_dim3A_4 {add = true} : memref<65536xf32, #tpu.memory_space<vmem>>[vector<16xi32>], vector<16xf32>,
        %mul3A_404 = arith.constant 128 : i32
        %mul3A_405 = arith.muli %scan3A_384, %mul3A_404 : i32
        %add3A_406 = arith.constant 16 : i32
        %add3A_407 = arith.addi %mul3A_405, %add3A_406 : i32
        %get3A_408 = arith.constant 1 : i32
        %get3A_409 = arith.index_cast %get3A_408 : i32 to index
        %get3A_410 = arith.index_cast %add3A_407 : i32 to index
        %get3A_411 = tpu.vector_load %arg5[%get3A_409, %get3A_410] {strides = array<i32>} : memref<2x16384xf32, #tpu.memory_space<vmem>>, vector<16xf32>,
        %bitcast_convert_type3A_412 = tpu.bitcast %get3A_411 : vector<16xf32> -> vector<16xi32>
        %shift_right_arithmetic3A_413 = arith.constant 31 : i32
        %shift_right_arithmetic3A_414 = vector.broadcast %shift_right_arithmetic3A_413 : i32 to vector<16xi32>
        %shift_right_arithmetic3A_415 = arith.shrsi %bitcast_convert_type3A_412, %shift_right_arithmetic3A_414 : vector<16xi32>
        %and3A_416 = arith.constant 2147483647 : i32
        %and3A_417 = vector.broadcast %and3A_416 : i32 to vector<16xi32>
        %and3A_418 = arith.andi %shift_right_arithmetic3A_415, %and3A_417 : vector<16xi32>
        %xor3A_419 = arith.xori %bitcast_convert_type3A_412, %and3A_418 : vector<16xi32>
        %shift_right_arithmetic3A_420 = arith.constant 20 : i32
        %shift_right_arithmetic3A_421 = vector.broadcast %shift_right_arithmetic3A_420 : i32 to vector<16xi32>
        %shift_right_arithmetic3A_422 = arith.shrsi %xor3A_419, %shift_right_arithmetic3A_421 : vector<16xi32>
        %add3A_423 = arith.constant 2048 : i32
        %add3A_424 = vector.broadcast %add3A_423 : i32 to vector<16xi32>
        %add3A_425 = arith.addi %shift_right_arithmetic3A_422, %add3A_424 : vector<16xi32>
        %add3A_426 = arith.addi %mul3A_3, %add3A_425 : vector<16xi32>
        tpu.vector_store_idx %arg4[%add3A_426], %broadcast_in_dim3A_4 {add = true} : memref<65536xf32, #tpu.memory_space<vmem>>[vector<16xi32>], vector<16xf32>,
        %mul3A_427 = arith.constant 128 : i32
        %mul3A_428 = arith.muli %scan3A_384, %mul3A_427 : i32
        %add3A_429 = arith.constant 32 : i32
        %add3A_430 = arith.addi %mul3A_428, %add3A_429 : i32
        %get3A_431 = arith.constant 1 : i32
        %get3A_432 = arith.index_cast %get3A_431 : i32 to index
        %get3A_433 = arith.index_cast %add3A_430 : i32 to index
        %get3A_434 = tpu.vector_load %arg5[%get3A_432, %get3A_433] {strides = array<i32>} : memref<2x16384xf32, #tpu.memory_space<vmem>>, vector<16xf32>,
        %bitcast_convert_type3A_435 = tpu.bitcast %get3A_434 : vector<16xf32> -> vector<16xi32>
        %shift_right_arithmetic3A_436 = arith.constant 31 : i32
        %shift_right_arithmetic3A_437 = vector.broadcast %shift_right_arithmetic3A_436 : i32 to vector<16xi32>
        %shift_right_arithmetic3A_438 = arith.shrsi %bitcast_convert_type3A_435, %shift_right_arithmetic3A_437 : vector<16xi32>
        %and3A_439 = arith.constant 2147483647 : i32
        %and3A_440 = vector.broadcast %and3A_439 : i32 to vector<16xi32>
        %and3A_441 = arith.andi %shift_right_arithmetic3A_438, %and3A_440 : vector<16xi32>
        %xor3A_442 = arith.xori %bitcast_convert_type3A_435, %and3A_441 : vector<16xi32>
        %shift_right_arithmetic3A_443 = arith.constant 20 : i32
        %shift_right_arithmetic3A_444 = vector.broadcast %shift_right_arithmetic3A_443 : i32 to vector<16xi32>
        %shift_right_arithmetic3A_445 = arith.shrsi %xor3A_442, %shift_right_arithmetic3A_444 : vector<16xi32>
        %add3A_446 = arith.constant 2048 : i32
        %add3A_447 = vector.broadcast %add3A_446 : i32 to vector<16xi32>
        %add3A_448 = arith.addi %shift_right_arithmetic3A_445, %add3A_447 : vector<16xi32>
        %add3A_449 = arith.addi %mul3A_3, %add3A_448 : vector<16xi32>
        tpu.vector_store_idx %arg4[%add3A_449], %broadcast_in_dim3A_4 {add = true} : memref<65536xf32, #tpu.memory_space<vmem>>[vector<16xi32>], vector<16xf32>,
        %mul3A_450 = arith.constant 128 : i32
        %mul3A_451 = arith.muli %scan3A_384, %mul3A_450 : i32
        %add3A_452 = arith.constant 48 : i32
        %add3A_453 = arith.addi %mul3A_451, %add3A_452 : i32
        %get3A_454 = arith.constant 1 : i32
        %get3A_455 = arith.index_cast %get3A_454 : i32 to index
        %get3A_456 = arith.index_cast %add3A_453 : i32 to index
        %get3A_457 = tpu.vector_load %arg5[%get3A_455, %get3A_456] {strides = array<i32>} : memref<2x16384xf32, #tpu.memory_space<vmem>>, vector<16xf32>,
        %bitcast_convert_type3A_458 = tpu.bitcast %get3A_457 : vector<16xf32> -> vector<16xi32>
        %shift_right_arithmetic3A_459 = arith.constant 31 : i32
        %shift_right_arithmetic3A_460 = vector.broadcast %shift_right_arithmetic3A_459 : i32 to vector<16xi32>
        %shift_right_arithmetic3A_461 = arith.shrsi %bitcast_convert_type3A_458, %shift_right_arithmetic3A_460 : vector<16xi32>
        %and3A_462 = arith.constant 2147483647 : i32
        %and3A_463 = vector.broadcast %and3A_462 : i32 to vector<16xi32>
        %and3A_464 = arith.andi %shift_right_arithmetic3A_461, %and3A_463 : vector<16xi32>
        %xor3A_465 = arith.xori %bitcast_convert_type3A_458, %and3A_464 : vector<16xi32>
        %shift_right_arithmetic3A_466 = arith.constant 20 : i32
        %shift_right_arithmetic3A_467 = vector.broadcast %shift_right_arithmetic3A_466 : i32 to vector<16xi32>
        %shift_right_arithmetic3A_468 = arith.shrsi %xor3A_465, %shift_right_arithmetic3A_467 : vector<16xi32>
        %add3A_469 = arith.constant 2048 : i32
        %add3A_470 = vector.broadcast %add3A_469 : i32 to vector<16xi32>
        %add3A_471 = arith.addi %shift_right_arithmetic3A_468, %add3A_470 : vector<16xi32>
        %add3A_472 = arith.addi %mul3A_3, %add3A_471 : vector<16xi32>
        tpu.vector_store_idx %arg4[%add3A_472], %broadcast_in_dim3A_4 {add = true} : memref<65536xf32, #tpu.memory_space<vmem>>[vector<16xi32>], vector<16xf32>,
        %mul3A_473 = arith.constant 128 : i32
        %mul3A_474 = arith.muli %scan3A_384, %mul3A_473 : i32
        %add3A_475 = arith.constant 64 : i32
        %add3A_476 = arith.addi %mul3A_474, %add3A_475 : i32
        %get3A_477 = arith.constant 1 : i32
        %get3A_478 = arith.index_cast %get3A_477 : i32 to index
        %get3A_479 = arith.index_cast %add3A_476 : i32 to index
        %get3A_480 = tpu.vector_load %arg5[%get3A_478, %get3A_479] {strides = array<i32>} : memref<2x16384xf32, #tpu.memory_space<vmem>>, vector<16xf32>,
        %bitcast_convert_type3A_481 = tpu.bitcast %get3A_480 : vector<16xf32> -> vector<16xi32>
        %shift_right_arithmetic3A_482 = arith.constant 31 : i32
        %shift_right_arithmetic3A_483 = vector.broadcast %shift_right_arithmetic3A_482 : i32 to vector<16xi32>
        %shift_right_arithmetic3A_484 = arith.shrsi %bitcast_convert_type3A_481, %shift_right_arithmetic3A_483 : vector<16xi32>
        %and3A_485 = arith.constant 2147483647 : i32
        %and3A_486 = vector.broadcast %and3A_485 : i32 to vector<16xi32>
        %and3A_487 = arith.andi %shift_right_arithmetic3A_484, %and3A_486 : vector<16xi32>
        %xor3A_488 = arith.xori %bitcast_convert_type3A_481, %and3A_487 : vector<16xi32>
        %shift_right_arithmetic3A_489 = arith.constant 20 : i32
        %shift_right_arithmetic3A_490 = vector.broadcast %shift_right_arithmetic3A_489 : i32 to vector<16xi32>
        %shift_right_arithmetic3A_491 = arith.shrsi %xor3A_488, %shift_right_arithmetic3A_490 : vector<16xi32>
        %add3A_492 = arith.constant 2048 : i32
        %add3A_493 = vector.broadcast %add3A_492 : i32 to vector<16xi32>
        %add3A_494 = arith.addi %shift_right_arithmetic3A_491, %add3A_493 : vector<16xi32>
        %add3A_495 = arith.addi %mul3A_3, %add3A_494 : vector<16xi32>
        tpu.vector_store_idx %arg4[%add3A_495], %broadcast_in_dim3A_4 {add = true} : memref<65536xf32, #tpu.memory_space<vmem>>[vector<16xi32>], vector<16xf32>,
        %mul3A_496 = arith.constant 128 : i32
        %mul3A_497 = arith.muli %scan3A_384, %mul3A_496 : i32
        %add3A_498 = arith.constant 80 : i32
        %add3A_499 = arith.addi %mul3A_497, %add3A_498 : i32
        %get3A_500 = arith.constant 1 : i32
        %get3A_501 = arith.index_cast %get3A_500 : i32 to index
        %get3A_502 = arith.index_cast %add3A_499 : i32 to index
        %get3A_503 = tpu.vector_load %arg5[%get3A_501, %get3A_502] {strides = array<i32>} : memref<2x16384xf32, #tpu.memory_space<vmem>>, vector<16xf32>,
        %bitcast_convert_type3A_504 = tpu.bitcast %get3A_503 : vector<16xf32> -> vector<16xi32>
        %shift_right_arithmetic3A_505 = arith.constant 31 : i32
        %shift_right_arithmetic3A_506 = vector.broadcast %shift_right_arithmetic3A_505 : i32 to vector<16xi32>
        %shift_right_arithmetic3A_507 = arith.shrsi %bitcast_convert_type3A_504, %shift_right_arithmetic3A_506 : vector<16xi32>
        %and3A_508 = arith.constant 2147483647 : i32
        %and3A_509 = vector.broadcast %and3A_508 : i32 to vector<16xi32>
        %and3A_510 = arith.andi %shift_right_arithmetic3A_507, %and3A_509 : vector<16xi32>
        %xor3A_511 = arith.xori %bitcast_convert_type3A_504, %and3A_510 : vector<16xi32>
        %shift_right_arithmetic3A_512 = arith.constant 20 : i32
        %shift_right_arithmetic3A_513 = vector.broadcast %shift_right_arithmetic3A_512 : i32 to vector<16xi32>
        %shift_right_arithmetic3A_514 = arith.shrsi %xor3A_511, %shift_right_arithmetic3A_513 : vector<16xi32>
        %add3A_515 = arith.constant 2048 : i32
        %add3A_516 = vector.broadcast %add3A_515 : i32 to vector<16xi32>
        %add3A_517 = arith.addi %shift_right_arithmetic3A_514, %add3A_516 : vector<16xi32>
        %add3A_518 = arith.addi %mul3A_3, %add3A_517 : vector<16xi32>
        tpu.vector_store_idx %arg4[%add3A_518], %broadcast_in_dim3A_4 {add = true} : memref<65536xf32, #tpu.memory_space<vmem>>[vector<16xi32>], vector<16xf32>,
        %mul3A_519 = arith.constant 128 : i32
        %mul3A_520 = arith.muli %scan3A_384, %mul3A_519 : i32
        %add3A_521 = arith.constant 96 : i32
        %add3A_522 = arith.addi %mul3A_520, %add3A_521 : i32
        %get3A_523 = arith.constant 1 : i32
        %get3A_524 = arith.index_cast %get3A_523 : i32 to index
        %get3A_525 = arith.index_cast %add3A_522 : i32 to index
        %get3A_526 = tpu.vector_load %arg5[%get3A_524, %get3A_525] {strides = array<i32>} : memref<2x16384xf32, #tpu.memory_space<vmem>>, vector<16xf32>,
        %bitcast_convert_type3A_527 = tpu.bitcast %get3A_526 : vector<16xf32> -> vector<16xi32>
        %shift_right_arithmetic3A_528 = arith.constant 31 : i32
        %shift_right_arithmetic3A_529 = vector.broadcast %shift_right_arithmetic3A_528 : i32 to vector<16xi32>
        %shift_right_arithmetic3A_530 = arith.shrsi %bitcast_convert_type3A_527, %shift_right_arithmetic3A_529 : vector<16xi32>
        %and3A_531 = arith.constant 2147483647 : i32
        %and3A_532 = vector.broadcast %and3A_531 : i32 to vector<16xi32>
        %and3A_533 = arith.andi %shift_right_arithmetic3A_530, %and3A_532 : vector<16xi32>
        %xor3A_534 = arith.xori %bitcast_convert_type3A_527, %and3A_533 : vector<16xi32>
        %shift_right_arithmetic3A_535 = arith.constant 20 : i32
        %shift_right_arithmetic3A_536 = vector.broadcast %shift_right_arithmetic3A_535 : i32 to vector<16xi32>
        %shift_right_arithmetic3A_537 = arith.shrsi %xor3A_534, %shift_right_arithmetic3A_536 : vector<16xi32>
        %add3A_538 = arith.constant 2048 : i32
        %add3A_539 = vector.broadcast %add3A_538 : i32 to vector<16xi32>
        %add3A_540 = arith.addi %shift_right_arithmetic3A_537, %add3A_539 : vector<16xi32>
        %add3A_541 = arith.addi %mul3A_3, %add3A_540 : vector<16xi32>
        tpu.vector_store_idx %arg4[%add3A_541], %broadcast_in_dim3A_4 {add = true} : memref<65536xf32, #tpu.memory_space<vmem>>[vector<16xi32>], vector<16xf32>,
        %mul3A_542 = arith.constant 128 : i32
        %mul3A_543 = arith.muli %scan3A_384, %mul3A_542 : i32
        %add3A_544 = arith.constant 112 : i32
        %add3A_545 = arith.addi %mul3A_543, %add3A_544 : i32
        %get3A_546 = arith.constant 1 : i32
        %get3A_547 = arith.index_cast %get3A_546 : i32 to index
        %get3A_548 = arith.index_cast %add3A_545 : i32 to index
        %get3A_549 = tpu.vector_load %arg5[%get3A_547, %get3A_548] {strides = array<i32>} : memref<2x16384xf32, #tpu.memory_space<vmem>>, vector<16xf32>,
        %bitcast_convert_type3A_550 = tpu.bitcast %get3A_549 : vector<16xf32> -> vector<16xi32>
        %shift_right_arithmetic3A_551 = arith.constant 31 : i32
        %shift_right_arithmetic3A_552 = vector.broadcast %shift_right_arithmetic3A_551 : i32 to vector<16xi32>
        %shift_right_arithmetic3A_553 = arith.shrsi %bitcast_convert_type3A_550, %shift_right_arithmetic3A_552 : vector<16xi32>
        %and3A_554 = arith.constant 2147483647 : i32
        %and3A_555 = vector.broadcast %and3A_554 : i32 to vector<16xi32>
        %and3A_556 = arith.andi %shift_right_arithmetic3A_553, %and3A_555 : vector<16xi32>
        %xor3A_557 = arith.xori %bitcast_convert_type3A_550, %and3A_556 : vector<16xi32>
        %shift_right_arithmetic3A_558 = arith.constant 20 : i32
        %shift_right_arithmetic3A_559 = vector.broadcast %shift_right_arithmetic3A_558 : i32 to vector<16xi32>
        %shift_right_arithmetic3A_560 = arith.shrsi %xor3A_557, %shift_right_arithmetic3A_559 : vector<16xi32>
        %add3A_561 = arith.constant 2048 : i32
        %add3A_562 = vector.broadcast %add3A_561 : i32 to vector<16xi32>
        %add3A_563 = arith.addi %shift_right_arithmetic3A_560, %add3A_562 : vector<16xi32>
        %add3A_564 = arith.addi %mul3A_3, %add3A_563 : vector<16xi32>
        tpu.vector_store_idx %arg4[%add3A_564], %broadcast_in_dim3A_4 {add = true} : memref<65536xf32, #tpu.memory_space<vmem>>[vector<16xi32>], vector<16xf32>,
        %scan3A_565 = arith.constant 0 : i32
        scf.yield %scan3A_565 : i32
      }
      %scan3A_116 = arith.constant 128 : i32
      %mul3A_117 = arith.constant 147456 : i32
      %mul3A_118 = arith.muli %add3A_15, %mul3A_117 : i32
      %add3A_119 = arith.constant 49152 : i32
      %add3A_120 = arith.addi %mul3A_118, %add3A_119 : i32
      %dma_start3A_121 = arith.constant 1 : i32
      %dma_start3A_122 = arith.constant 1 : i32
      %dma_start3A_123 = arith.constant 0 : i32
      %dma_start3A_124 = tpu.memref_slice %arg5[%dma_start3A_121, %dma_start3A_123] : memref<2x16384xf32, #tpu.memory_space<vmem>> -> memref<1x16384xf32, #tpu.memory_space<vmem>>
      %dma_start3A_125 = tpu.memref_squeeze %dma_start3A_124 : memref<1x16384xf32, #tpu.memory_space<vmem>> -> memref<16384xf32, #tpu.memory_space<vmem>>
      %dma_start3A_126 = tpu.memref_slice %arg2[%add3A_120] : memref<14155776xf32, #tpu.memory_space<hbm>> -> memref<16384xf32, #tpu.memory_space<hbm>>
      %dma_start3A_127 = tpu.memref_slice %arg7[%dma_start3A_122] : memref<2x!tpu.dma_semaphore, #tpu.memory_space<semaphore_mem>> -> memref<1x!tpu.dma_semaphore, #tpu.memory_space<semaphore_mem>>
      %dma_start3A_128 = tpu.memref_squeeze %dma_start3A_127 : memref<1x!tpu.dma_semaphore, #tpu.memory_space<semaphore_mem>> -> memref<!tpu.dma_semaphore, #tpu.memory_space<semaphore_mem>>
      %dma_start3A_129 = arith.constant 0 : i32
      %dma_start3A_130 = tpu.memref_slice %arg5[%dma_start3A_121, %dma_start3A_129] : memref<2x16384xf32, #tpu.memory_space<vmem>> -> memref<1x16384xf32, #tpu.memory_space<vmem>>
      %dma_start3A_131 = tpu.memref_squeeze %dma_start3A_130 : memref<1x16384xf32, #tpu.memory_space<vmem>> -> memref<16384xf32, #tpu.memory_space<vmem>>
      %dma_start3A_132 = tpu.memref_slice %arg2[%add3A_120] : memref<14155776xf32, #tpu.memory_space<hbm>> -> memref<16384xf32, #tpu.memory_space<hbm>>
      tpu.enqueue_dma source(%dma_start3A_132 : memref<16384xf32, #tpu.memory_space<hbm>>) target(%dma_start3A_131 : memref<16384xf32, #tpu.memory_space<vmem>>) target_semaphore(%dma_start3A_128 : memref<!tpu.dma_semaphore, #tpu.memory_space<semaphore_mem>>)
      %mul3A_133 = arith.constant 147456 : i32
      %mul3A_134 = arith.muli %add3A_15, %mul3A_133 : i32
      %add3A_135 = arith.constant 32768 : i32
      %add3A_136 = arith.addi %mul3A_134, %add3A_135 : i32
      %dma_wait3A_137 = arith.constant 0 : i32
      %dma_wait3A_138 = arith.constant 0 : i32
      %dma_wait3A_139 = arith.constant 0 : i32
      %dma_wait3A_140 = tpu.memref_slice %arg5[%dma_wait3A_137, %dma_wait3A_139] : memref<2x16384xf32, #tpu.memory_space<vmem>> -> memref<1x16384xf32, #tpu.memory_space<vmem>>
      %dma_wait3A_141 = tpu.memref_squeeze %dma_wait3A_140 : memref<1x16384xf32, #tpu.memory_space<vmem>> -> memref<16384xf32, #tpu.memory_space<vmem>>
      %dma_wait3A_142 = tpu.memref_slice %arg2[%add3A_136] : memref<14155776xf32, #tpu.memory_space<hbm>> -> memref<16384xf32, #tpu.memory_space<hbm>>
      %dma_wait3A_143 = tpu.memref_slice %arg7[%dma_wait3A_138] : memref<2x!tpu.dma_semaphore, #tpu.memory_space<semaphore_mem>> -> memref<1x!tpu.dma_semaphore, #tpu.memory_space<semaphore_mem>>
      %dma_wait3A_144 = tpu.memref_squeeze %dma_wait3A_143 : memref<1x!tpu.dma_semaphore, #tpu.memory_space<semaphore_mem>> -> memref<!tpu.dma_semaphore, #tpu.memory_space<semaphore_mem>>
      %dma_wait3A_145 = arith.constant 0 : i32
      %dma_wait3A_146 = tpu.memref_slice %arg5[%dma_wait3A_137, %dma_wait3A_145] : memref<2x16384xf32, #tpu.memory_space<vmem>> -> memref<1x16384xf32, #tpu.memory_space<vmem>>
      %dma_wait3A_147 = tpu.memref_squeeze %dma_wait3A_146 : memref<1x16384xf32, #tpu.memory_space<vmem>> -> memref<16384xf32, #tpu.memory_space<vmem>>
      %dma_wait3A_148 = tpu.memref_slice %arg2[%add3A_136] : memref<14155776xf32, #tpu.memory_space<hbm>> -> memref<16384xf32, #tpu.memory_space<hbm>>
      tpu.wait_dma2 semaphore(%dma_wait3A_144 : memref<!tpu.dma_semaphore, #tpu.memory_space<semaphore_mem>>) src(%dma_wait3A_148 : memref<16384xf32, #tpu.memory_space<hbm>>) dst(%dma_wait3A_147 : memref<16384xf32, #tpu.memory_space<vmem>>)
      %scan3A_149 = arith.constant 0 : i32
      %scan3A_150 = arith.constant 0 : i32
      %scan3A_151 = arith.constant 128 : i32
      %scan3A_152 = arith.addi %scan3A_150, %scan3A_151 : i32
      %scan3A_153 = arith.constant 1 : i32
      %scan3A_154 = scf.for %scan3A_384 = %scan3A_150 to %scan3A_152 step %scan3A_153 iter_args(%scan3A_385 = %scan3A_149) -> (i32)  : i32 {
        %mul3A_386 = arith.constant 128 : i32
        %mul3A_387 = arith.muli %scan3A_384, %mul3A_386 : i32
        %add3A_388 = arith.constant 0 : i32
        %add3A_389 = arith.addi %mul3A_387, %add3A_388 : i32
        %get3A = arith.constant 0 : i32
        %get3A_390 = arith.index_cast %get3A : i32 to index
        %get3A_391 = arith.index_cast %add3A_389 : i32 to index
        %get3A_392 = tpu.vector_load %arg5[%get3A_390, %get3A_391] {strides = array<i32>} : memref<2x16384xf32, #tpu.memory_space<vmem>>, vector<16xf32>,
        %bitcast_convert_type3A = tpu.bitcast %get3A_392 : vector<16xf32> -> vector<16xi32>
        %shift_right_arithmetic3A = arith.constant 31 : i32
        %shift_right_arithmetic3A_393 = vector.broadcast %shift_right_arithmetic3A : i32 to vector<16xi32>
        %shift_right_arithmetic3A_394 = arith.shrsi %bitcast_convert_type3A, %shift_right_arithmetic3A_393 : vector<16xi32>
        %and3A = arith.constant 2147483647 : i32
        %and3A_395 = vector.broadcast %and3A : i32 to vector<16xi32>
        %and3A_396 = arith.andi %shift_right_arithmetic3A_394, %and3A_395 : vector<16xi32>
        %xor3A = arith.xori %bitcast_convert_type3A, %and3A_396 : vector<16xi32>
        %shift_right_arithmetic3A_397 = arith.constant 20 : i32
        %shift_right_arithmetic3A_398 = vector.broadcast %shift_right_arithmetic3A_397 : i32 to vector<16xi32>
        %shift_right_arithmetic3A_399 = arith.shrsi %xor3A, %shift_right_arithmetic3A_398 : vector<16xi32>
        %add3A_400 = arith.constant 2048 : i32
        %add3A_401 = vector.broadcast %add3A_400 : i32 to vector<16xi32>
        %add3A_402 = arith.addi %shift_right_arithmetic3A_399, %add3A_401 : vector<16xi32>
        %add3A_403 = arith.addi %mul3A_3, %add3A_402 : vector<16xi32>
        tpu.vector_store_idx %arg4[%add3A_403], %broadcast_in_dim3A_4 {add = true} : memref<65536xf32, #tpu.memory_space<vmem>>[vector<16xi32>], vector<16xf32>,
        %mul3A_404 = arith.constant 128 : i32
        %mul3A_405 = arith.muli %scan3A_384, %mul3A_404 : i32
        %add3A_406 = arith.constant 16 : i32
        %add3A_407 = arith.addi %mul3A_405, %add3A_406 : i32
        %get3A_408 = arith.constant 0 : i32
        %get3A_409 = arith.index_cast %get3A_408 : i32 to index
        %get3A_410 = arith.index_cast %add3A_407 : i32 to index
        %get3A_411 = tpu.vector_load %arg5[%get3A_409, %get3A_410] {strides = array<i32>} : memref<2x16384xf32, #tpu.memory_space<vmem>>, vector<16xf32>,
        %bitcast_convert_type3A_412 = tpu.bitcast %get3A_411 : vector<16xf32> -> vector<16xi32>
        %shift_right_arithmetic3A_413 = arith.constant 31 : i32
        %shift_right_arithmetic3A_414 = vector.broadcast %shift_right_arithmetic3A_413 : i32 to vector<16xi32>
        %shift_right_arithmetic3A_415 = arith.shrsi %bitcast_convert_type3A_412, %shift_right_arithmetic3A_414 : vector<16xi32>
        %and3A_416 = arith.constant 2147483647 : i32
        %and3A_417 = vector.broadcast %and3A_416 : i32 to vector<16xi32>
        %and3A_418 = arith.andi %shift_right_arithmetic3A_415, %and3A_417 : vector<16xi32>
        %xor3A_419 = arith.xori %bitcast_convert_type3A_412, %and3A_418 : vector<16xi32>
        %shift_right_arithmetic3A_420 = arith.constant 20 : i32
        %shift_right_arithmetic3A_421 = vector.broadcast %shift_right_arithmetic3A_420 : i32 to vector<16xi32>
        %shift_right_arithmetic3A_422 = arith.shrsi %xor3A_419, %shift_right_arithmetic3A_421 : vector<16xi32>
        %add3A_423 = arith.constant 2048 : i32
        %add3A_424 = vector.broadcast %add3A_423 : i32 to vector<16xi32>
        %add3A_425 = arith.addi %shift_right_arithmetic3A_422, %add3A_424 : vector<16xi32>
        %add3A_426 = arith.addi %mul3A_3, %add3A_425 : vector<16xi32>
        tpu.vector_store_idx %arg4[%add3A_426], %broadcast_in_dim3A_4 {add = true} : memref<65536xf32, #tpu.memory_space<vmem>>[vector<16xi32>], vector<16xf32>,
        %mul3A_427 = arith.constant 128 : i32
        %mul3A_428 = arith.muli %scan3A_384, %mul3A_427 : i32
        %add3A_429 = arith.constant 32 : i32
        %add3A_430 = arith.addi %mul3A_428, %add3A_429 : i32
        %get3A_431 = arith.constant 0 : i32
        %get3A_432 = arith.index_cast %get3A_431 : i32 to index
        %get3A_433 = arith.index_cast %add3A_430 : i32 to index
        %get3A_434 = tpu.vector_load %arg5[%get3A_432, %get3A_433] {strides = array<i32>} : memref<2x16384xf32, #tpu.memory_space<vmem>>, vector<16xf32>,
        %bitcast_convert_type3A_435 = tpu.bitcast %get3A_434 : vector<16xf32> -> vector<16xi32>
        %shift_right_arithmetic3A_436 = arith.constant 31 : i32
        %shift_right_arithmetic3A_437 = vector.broadcast %shift_right_arithmetic3A_436 : i32 to vector<16xi32>
        %shift_right_arithmetic3A_438 = arith.shrsi %bitcast_convert_type3A_435, %shift_right_arithmetic3A_437 : vector<16xi32>
        %and3A_439 = arith.constant 2147483647 : i32
        %and3A_440 = vector.broadcast %and3A_439 : i32 to vector<16xi32>
        %and3A_441 = arith.andi %shift_right_arithmetic3A_438, %and3A_440 : vector<16xi32>
        %xor3A_442 = arith.xori %bitcast_convert_type3A_435, %and3A_441 : vector<16xi32>
        %shift_right_arithmetic3A_443 = arith.constant 20 : i32
        %shift_right_arithmetic3A_444 = vector.broadcast %shift_right_arithmetic3A_443 : i32 to vector<16xi32>
        %shift_right_arithmetic3A_445 = arith.shrsi %xor3A_442, %shift_right_arithmetic3A_444 : vector<16xi32>
        %add3A_446 = arith.constant 2048 : i32
        %add3A_447 = vector.broadcast %add3A_446 : i32 to vector<16xi32>
        %add3A_448 = arith.addi %shift_right_arithmetic3A_445, %add3A_447 : vector<16xi32>
        %add3A_449 = arith.addi %mul3A_3, %add3A_448 : vector<16xi32>
        tpu.vector_store_idx %arg4[%add3A_449], %broadcast_in_dim3A_4 {add = true} : memref<65536xf32, #tpu.memory_space<vmem>>[vector<16xi32>], vector<16xf32>,
        %mul3A_450 = arith.constant 128 : i32
        %mul3A_451 = arith.muli %scan3A_384, %mul3A_450 : i32
        %add3A_452 = arith.constant 48 : i32
        %add3A_453 = arith.addi %mul3A_451, %add3A_452 : i32
        %get3A_454 = arith.constant 0 : i32
        %get3A_455 = arith.index_cast %get3A_454 : i32 to index
        %get3A_456 = arith.index_cast %add3A_453 : i32 to index
        %get3A_457 = tpu.vector_load %arg5[%get3A_455, %get3A_456] {strides = array<i32>} : memref<2x16384xf32, #tpu.memory_space<vmem>>, vector<16xf32>,
        %bitcast_convert_type3A_458 = tpu.bitcast %get3A_457 : vector<16xf32> -> vector<16xi32>
        %shift_right_arithmetic3A_459 = arith.constant 31 : i32
        %shift_right_arithmetic3A_460 = vector.broadcast %shift_right_arithmetic3A_459 : i32 to vector<16xi32>
        %shift_right_arithmetic3A_461 = arith.shrsi %bitcast_convert_type3A_458, %shift_right_arithmetic3A_460 : vector<16xi32>
        %and3A_462 = arith.constant 2147483647 : i32
        %and3A_463 = vector.broadcast %and3A_462 : i32 to vector<16xi32>
        %and3A_464 = arith.andi %shift_right_arithmetic3A_461, %and3A_463 : vector<16xi32>
        %xor3A_465 = arith.xori %bitcast_convert_type3A_458, %and3A_464 : vector<16xi32>
        %shift_right_arithmetic3A_466 = arith.constant 20 : i32
        %shift_right_arithmetic3A_467 = vector.broadcast %shift_right_arithmetic3A_466 : i32 to vector<16xi32>
        %shift_right_arithmetic3A_468 = arith.shrsi %xor3A_465, %shift_right_arithmetic3A_467 : vector<16xi32>
        %add3A_469 = arith.constant 2048 : i32
        %add3A_470 = vector.broadcast %add3A_469 : i32 to vector<16xi32>
        %add3A_471 = arith.addi %shift_right_arithmetic3A_468, %add3A_470 : vector<16xi32>
        %add3A_472 = arith.addi %mul3A_3, %add3A_471 : vector<16xi32>
        tpu.vector_store_idx %arg4[%add3A_472], %broadcast_in_dim3A_4 {add = true} : memref<65536xf32, #tpu.memory_space<vmem>>[vector<16xi32>], vector<16xf32>,
        %mul3A_473 = arith.constant 128 : i32
        %mul3A_474 = arith.muli %scan3A_384, %mul3A_473 : i32
        %add3A_475 = arith.constant 64 : i32
        %add3A_476 = arith.addi %mul3A_474, %add3A_475 : i32
        %get3A_477 = arith.constant 0 : i32
        %get3A_478 = arith.index_cast %get3A_477 : i32 to index
        %get3A_479 = arith.index_cast %add3A_476 : i32 to index
        %get3A_480 = tpu.vector_load %arg5[%get3A_478, %get3A_479] {strides = array<i32>} : memref<2x16384xf32, #tpu.memory_space<vmem>>, vector<16xf32>,
        %bitcast_convert_type3A_481 = tpu.bitcast %get3A_480 : vector<16xf32> -> vector<16xi32>
        %shift_right_arithmetic3A_482 = arith.constant 31 : i32
        %shift_right_arithmetic3A_483 = vector.broadcast %shift_right_arithmetic3A_482 : i32 to vector<16xi32>
        %shift_right_arithmetic3A_484 = arith.shrsi %bitcast_convert_type3A_481, %shift_right_arithmetic3A_483 : vector<16xi32>
        %and3A_485 = arith.constant 2147483647 : i32
        %and3A_486 = vector.broadcast %and3A_485 : i32 to vector<16xi32>
        %and3A_487 = arith.andi %shift_right_arithmetic3A_484, %and3A_486 : vector<16xi32>
        %xor3A_488 = arith.xori %bitcast_convert_type3A_481, %and3A_487 : vector<16xi32>
        %shift_right_arithmetic3A_489 = arith.constant 20 : i32
        %shift_right_arithmetic3A_490 = vector.broadcast %shift_right_arithmetic3A_489 : i32 to vector<16xi32>
        %shift_right_arithmetic3A_491 = arith.shrsi %xor3A_488, %shift_right_arithmetic3A_490 : vector<16xi32>
        %add3A_492 = arith.constant 2048 : i32
        %add3A_493 = vector.broadcast %add3A_492 : i32 to vector<16xi32>
        %add3A_494 = arith.addi %shift_right_arithmetic3A_491, %add3A_493 : vector<16xi32>
        %add3A_495 = arith.addi %mul3A_3, %add3A_494 : vector<16xi32>
        tpu.vector_store_idx %arg4[%add3A_495], %broadcast_in_dim3A_4 {add = true} : memref<65536xf32, #tpu.memory_space<vmem>>[vector<16xi32>], vector<16xf32>,
        %mul3A_496 = arith.constant 128 : i32
        %mul3A_497 = arith.muli %scan3A_384, %mul3A_496 : i32
        %add3A_498 = arith.constant 80 : i32
        %add3A_499 = arith.addi %mul3A_497, %add3A_498 : i32
        %get3A_500 = arith.constant 0 : i32
        %get3A_501 = arith.index_cast %get3A_500 : i32 to index
        %get3A_502 = arith.index_cast %add3A_499 : i32 to index
        %get3A_503 = tpu.vector_load %arg5[%get3A_501, %get3A_502] {strides = array<i32>} : memref<2x16384xf32, #tpu.memory_space<vmem>>, vector<16xf32>,
        %bitcast_convert_type3A_504 = tpu.bitcast %get3A_503 : vector<16xf32> -> vector<16xi32>
        %shift_right_arithmetic3A_505 = arith.constant 31 : i32
        %shift_right_arithmetic3A_506 = vector.broadcast %shift_right_arithmetic3A_505 : i32 to vector<16xi32>
        %shift_right_arithmetic3A_507 = arith.shrsi %bitcast_convert_type3A_504, %shift_right_arithmetic3A_506 : vector<16xi32>
        %and3A_508 = arith.constant 2147483647 : i32
        %and3A_509 = vector.broadcast %and3A_508 : i32 to vector<16xi32>
        %and3A_510 = arith.andi %shift_right_arithmetic3A_507, %and3A_509 : vector<16xi32>
        %xor3A_511 = arith.xori %bitcast_convert_type3A_504, %and3A_510 : vector<16xi32>
        %shift_right_arithmetic3A_512 = arith.constant 20 : i32
        %shift_right_arithmetic3A_513 = vector.broadcast %shift_right_arithmetic3A_512 : i32 to vector<16xi32>
        %shift_right_arithmetic3A_514 = arith.shrsi %xor3A_511, %shift_right_arithmetic3A_513 : vector<16xi32>
        %add3A_515 = arith.constant 2048 : i32
        %add3A_516 = vector.broadcast %add3A_515 : i32 to vector<16xi32>
        %add3A_517 = arith.addi %shift_right_arithmetic3A_514, %add3A_516 : vector<16xi32>
        %add3A_518 = arith.addi %mul3A_3, %add3A_517 : vector<16xi32>
        tpu.vector_store_idx %arg4[%add3A_518], %broadcast_in_dim3A_4 {add = true} : memref<65536xf32, #tpu.memory_space<vmem>>[vector<16xi32>], vector<16xf32>,
        %mul3A_519 = arith.constant 128 : i32
        %mul3A_520 = arith.muli %scan3A_384, %mul3A_519 : i32
        %add3A_521 = arith.constant 96 : i32
        %add3A_522 = arith.addi %mul3A_520, %add3A_521 : i32
        %get3A_523 = arith.constant 0 : i32
        %get3A_524 = arith.index_cast %get3A_523 : i32 to index
        %get3A_525 = arith.index_cast %add3A_522 : i32 to index
        %get3A_526 = tpu.vector_load %arg5[%get3A_524, %get3A_525] {strides = array<i32>} : memref<2x16384xf32, #tpu.memory_space<vmem>>, vector<16xf32>,
        %bitcast_convert_type3A_527 = tpu.bitcast %get3A_526 : vector<16xf32> -> vector<16xi32>
        %shift_right_arithmetic3A_528 = arith.constant 31 : i32
        %shift_right_arithmetic3A_529 = vector.broadcast %shift_right_arithmetic3A_528 : i32 to vector<16xi32>
        %shift_right_arithmetic3A_530 = arith.shrsi %bitcast_convert_type3A_527, %shift_right_arithmetic3A_529 : vector<16xi32>
        %and3A_531 = arith.constant 2147483647 : i32
        %and3A_532 = vector.broadcast %and3A_531 : i32 to vector<16xi32>
        %and3A_533 = arith.andi %shift_right_arithmetic3A_530, %and3A_532 : vector<16xi32>
        %xor3A_534 = arith.xori %bitcast_convert_type3A_527, %and3A_533 : vector<16xi32>
        %shift_right_arithmetic3A_535 = arith.constant 20 : i32
        %shift_right_arithmetic3A_536 = vector.broadcast %shift_right_arithmetic3A_535 : i32 to vector<16xi32>
        %shift_right_arithmetic3A_537 = arith.shrsi %xor3A_534, %shift_right_arithmetic3A_536 : vector<16xi32>
        %add3A_538 = arith.constant 2048 : i32
        %add3A_539 = vector.broadcast %add3A_538 : i32 to vector<16xi32>
        %add3A_540 = arith.addi %shift_right_arithmetic3A_537, %add3A_539 : vector<16xi32>
        %add3A_541 = arith.addi %mul3A_3, %add3A_540 : vector<16xi32>
        tpu.vector_store_idx %arg4[%add3A_541], %broadcast_in_dim3A_4 {add = true} : memref<65536xf32, #tpu.memory_space<vmem>>[vector<16xi32>], vector<16xf32>,
        %mul3A_542 = arith.constant 128 : i32
        %mul3A_543 = arith.muli %scan3A_384, %mul3A_542 : i32
        %add3A_544 = arith.constant 112 : i32
        %add3A_545 = arith.addi %mul3A_543, %add3A_544 : i32
        %get3A_546 = arith.constant 0 : i32
        %get3A_547 = arith.index_cast %get3A_546 : i32 to index
        %get3A_548 = arith.index_cast %add3A_545 : i32 to index
        %get3A_549 = tpu.vector_load %arg5[%get3A_547, %get3A_548] {strides = array<i32>} : memref<2x16384xf32, #tpu.memory_space<vmem>>, vector<16xf32>,
        %bitcast_convert_type3A_550 = tpu.bitcast %get3A_549 : vector<16xf32> -> vector<16xi32>
        %shift_right_arithmetic3A_551 = arith.constant 31 : i32
        %shift_right_arithmetic3A_552 = vector.broadcast %shift_right_arithmetic3A_551 : i32 to vector<16xi32>
        %shift_right_arithmetic3A_553 = arith.shrsi %bitcast_convert_type3A_550, %shift_right_arithmetic3A_552 : vector<16xi32>
        %and3A_554 = arith.constant 2147483647 : i32
        %and3A_555 = vector.broadcast %and3A_554 : i32 to vector<16xi32>
        %and3A_556 = arith.andi %shift_right_arithmetic3A_553, %and3A_555 : vector<16xi32>
        %xor3A_557 = arith.xori %bitcast_convert_type3A_550, %and3A_556 : vector<16xi32>
        %shift_right_arithmetic3A_558 = arith.constant 20 : i32
        %shift_right_arithmetic3A_559 = vector.broadcast %shift_right_arithmetic3A_558 : i32 to vector<16xi32>
        %shift_right_arithmetic3A_560 = arith.shrsi %xor3A_557, %shift_right_arithmetic3A_559 : vector<16xi32>
        %add3A_561 = arith.constant 2048 : i32
        %add3A_562 = vector.broadcast %add3A_561 : i32 to vector<16xi32>
        %add3A_563 = arith.addi %shift_right_arithmetic3A_560, %add3A_562 : vector<16xi32>
        %add3A_564 = arith.addi %mul3A_3, %add3A_563 : vector<16xi32>
        tpu.vector_store_idx %arg4[%add3A_564], %broadcast_in_dim3A_4 {add = true} : memref<65536xf32, #tpu.memory_space<vmem>>[vector<16xi32>], vector<16xf32>,
        %scan3A_565 = arith.constant 0 : i32
        scf.yield %scan3A_565 : i32
      }
      %scan3A_155 = arith.constant 128 : i32
      %mul3A_156 = arith.constant 147456 : i32
      %mul3A_157 = arith.muli %add3A_15, %mul3A_156 : i32
      %add3A_158 = arith.constant 65536 : i32
      %add3A_159 = arith.addi %mul3A_157, %add3A_158 : i32
      %dma_start3A_160 = arith.constant 0 : i32
      %dma_start3A_161 = arith.constant 0 : i32
      %dma_start3A_162 = arith.constant 0 : i32
      %dma_start3A_163 = tpu.memref_slice %arg5[%dma_start3A_160, %dma_start3A_162] : memref<2x16384xf32, #tpu.memory_space<vmem>> -> memref<1x16384xf32, #tpu.memory_space<vmem>>
      %dma_start3A_164 = tpu.memref_squeeze %dma_start3A_163 : memref<1x16384xf32, #tpu.memory_space<vmem>> -> memref<16384xf32, #tpu.memory_space<vmem>>
      %dma_start3A_165 = tpu.memref_slice %arg2[%add3A_159] : memref<14155776xf32, #tpu.memory_space<hbm>> -> memref<16384xf32, #tpu.memory_space<hbm>>
      %dma_start3A_166 = tpu.memref_slice %arg7[%dma_start3A_161] : memref<2x!tpu.dma_semaphore, #tpu.memory_space<semaphore_mem>> -> memref<1x!tpu.dma_semaphore, #tpu.memory_space<semaphore_mem>>
      %dma_start3A_167 = tpu.memref_squeeze %dma_start3A_166 : memref<1x!tpu.dma_semaphore, #tpu.memory_space<semaphore_mem>> -> memref<!tpu.dma_semaphore, #tpu.memory_space<semaphore_mem>>
      %dma_start3A_168 = arith.constant 0 : i32
      %dma_start3A_169 = tpu.memref_slice %arg5[%dma_start3A_160, %dma_start3A_168] : memref<2x16384xf32, #tpu.memory_space<vmem>> -> memref<1x16384xf32, #tpu.memory_space<vmem>>
      %dma_start3A_170 = tpu.memref_squeeze %dma_start3A_169 : memref<1x16384xf32, #tpu.memory_space<vmem>> -> memref<16384xf32, #tpu.memory_space<vmem>>
      %dma_start3A_171 = tpu.memref_slice %arg2[%add3A_159] : memref<14155776xf32, #tpu.memory_space<hbm>> -> memref<16384xf32, #tpu.memory_space<hbm>>
      tpu.enqueue_dma source(%dma_start3A_171 : memref<16384xf32, #tpu.memory_space<hbm>>) target(%dma_start3A_170 : memref<16384xf32, #tpu.memory_space<vmem>>) target_semaphore(%dma_start3A_167 : memref<!tpu.dma_semaphore, #tpu.memory_space<semaphore_mem>>)
      %mul3A_172 = arith.constant 147456 : i32
      %mul3A_173 = arith.muli %add3A_15, %mul3A_172 : i32
      %add3A_174 = arith.constant 49152 : i32
      %add3A_175 = arith.addi %mul3A_173, %add3A_174 : i32
      %dma_wait3A_176 = arith.constant 1 : i32
      %dma_wait3A_177 = arith.constant 1 : i32
      %dma_wait3A_178 = arith.constant 0 : i32
      %dma_wait3A_179 = tpu.memref_slice %arg5[%dma_wait3A_176, %dma_wait3A_178] : memref<2x16384xf32, #tpu.memory_space<vmem>> -> memref<1x16384xf32, #tpu.memory_space<vmem>>
      %dma_wait3A_180 = tpu.memref_squeeze %dma_wait3A_179 : memref<1x16384xf32, #tpu.memory_space<vmem>> -> memref<16384xf32, #tpu.memory_space<vmem>>
      %dma_wait3A_181 = tpu.memref_slice %arg2[%add3A_175] : memref<14155776xf32, #tpu.memory_space<hbm>> -> memref<16384xf32, #tpu.memory_space<hbm>>
      %dma_wait3A_182 = tpu.memref_slice %arg7[%dma_wait3A_177] : memref<2x!tpu.dma_semaphore, #tpu.memory_space<semaphore_mem>> -> memref<1x!tpu.dma_semaphore, #tpu.memory_space<semaphore_mem>>
      %dma_wait3A_183 = tpu.memref_squeeze %dma_wait3A_182 : memref<1x!tpu.dma_semaphore, #tpu.memory_space<semaphore_mem>> -> memref<!tpu.dma_semaphore, #tpu.memory_space<semaphore_mem>>
      %dma_wait3A_184 = arith.constant 0 : i32
      %dma_wait3A_185 = tpu.memref_slice %arg5[%dma_wait3A_176, %dma_wait3A_184] : memref<2x16384xf32, #tpu.memory_space<vmem>> -> memref<1x16384xf32, #tpu.memory_space<vmem>>
      %dma_wait3A_186 = tpu.memref_squeeze %dma_wait3A_185 : memref<1x16384xf32, #tpu.memory_space<vmem>> -> memref<16384xf32, #tpu.memory_space<vmem>>
      %dma_wait3A_187 = tpu.memref_slice %arg2[%add3A_175] : memref<14155776xf32, #tpu.memory_space<hbm>> -> memref<16384xf32, #tpu.memory_space<hbm>>
      tpu.wait_dma2 semaphore(%dma_wait3A_183 : memref<!tpu.dma_semaphore, #tpu.memory_space<semaphore_mem>>) src(%dma_wait3A_187 : memref<16384xf32, #tpu.memory_space<hbm>>) dst(%dma_wait3A_186 : memref<16384xf32, #tpu.memory_space<vmem>>)
      %scan3A_188 = arith.constant 0 : i32
      %scan3A_189 = arith.constant 0 : i32
      %scan3A_190 = arith.constant 128 : i32
      %scan3A_191 = arith.addi %scan3A_189, %scan3A_190 : i32
      %scan3A_192 = arith.constant 1 : i32
      %scan3A_193 = scf.for %scan3A_384 = %scan3A_189 to %scan3A_191 step %scan3A_192 iter_args(%scan3A_385 = %scan3A_188) -> (i32)  : i32 {
        %mul3A_386 = arith.constant 128 : i32
        %mul3A_387 = arith.muli %scan3A_384, %mul3A_386 : i32
        %add3A_388 = arith.constant 0 : i32
        %add3A_389 = arith.addi %mul3A_387, %add3A_388 : i32
        %get3A = arith.constant 1 : i32
        %get3A_390 = arith.index_cast %get3A : i32 to index
        %get3A_391 = arith.index_cast %add3A_389 : i32 to index
        %get3A_392 = tpu.vector_load %arg5[%get3A_390, %get3A_391] {strides = array<i32>} : memref<2x16384xf32, #tpu.memory_space<vmem>>, vector<16xf32>,
        %bitcast_convert_type3A = tpu.bitcast %get3A_392 : vector<16xf32> -> vector<16xi32>
        %shift_right_arithmetic3A = arith.constant 31 : i32
        %shift_right_arithmetic3A_393 = vector.broadcast %shift_right_arithmetic3A : i32 to vector<16xi32>
        %shift_right_arithmetic3A_394 = arith.shrsi %bitcast_convert_type3A, %shift_right_arithmetic3A_393 : vector<16xi32>
        %and3A = arith.constant 2147483647 : i32
        %and3A_395 = vector.broadcast %and3A : i32 to vector<16xi32>
        %and3A_396 = arith.andi %shift_right_arithmetic3A_394, %and3A_395 : vector<16xi32>
        %xor3A = arith.xori %bitcast_convert_type3A, %and3A_396 : vector<16xi32>
        %shift_right_arithmetic3A_397 = arith.constant 20 : i32
        %shift_right_arithmetic3A_398 = vector.broadcast %shift_right_arithmetic3A_397 : i32 to vector<16xi32>
        %shift_right_arithmetic3A_399 = arith.shrsi %xor3A, %shift_right_arithmetic3A_398 : vector<16xi32>
        %add3A_400 = arith.constant 2048 : i32
        %add3A_401 = vector.broadcast %add3A_400 : i32 to vector<16xi32>
        %add3A_402 = arith.addi %shift_right_arithmetic3A_399, %add3A_401 : vector<16xi32>
        %add3A_403 = arith.addi %mul3A_3, %add3A_402 : vector<16xi32>
        tpu.vector_store_idx %arg4[%add3A_403], %broadcast_in_dim3A_4 {add = true} : memref<65536xf32, #tpu.memory_space<vmem>>[vector<16xi32>], vector<16xf32>,
        %mul3A_404 = arith.constant 128 : i32
        %mul3A_405 = arith.muli %scan3A_384, %mul3A_404 : i32
        %add3A_406 = arith.constant 16 : i32
        %add3A_407 = arith.addi %mul3A_405, %add3A_406 : i32
        %get3A_408 = arith.constant 1 : i32
        %get3A_409 = arith.index_cast %get3A_408 : i32 to index
        %get3A_410 = arith.index_cast %add3A_407 : i32 to index
        %get3A_411 = tpu.vector_load %arg5[%get3A_409, %get3A_410] {strides = array<i32>} : memref<2x16384xf32, #tpu.memory_space<vmem>>, vector<16xf32>,
        %bitcast_convert_type3A_412 = tpu.bitcast %get3A_411 : vector<16xf32> -> vector<16xi32>
        %shift_right_arithmetic3A_413 = arith.constant 31 : i32
        %shift_right_arithmetic3A_414 = vector.broadcast %shift_right_arithmetic3A_413 : i32 to vector<16xi32>
        %shift_right_arithmetic3A_415 = arith.shrsi %bitcast_convert_type3A_412, %shift_right_arithmetic3A_414 : vector<16xi32>
        %and3A_416 = arith.constant 2147483647 : i32
        %and3A_417 = vector.broadcast %and3A_416 : i32 to vector<16xi32>
        %and3A_418 = arith.andi %shift_right_arithmetic3A_415, %and3A_417 : vector<16xi32>
        %xor3A_419 = arith.xori %bitcast_convert_type3A_412, %and3A_418 : vector<16xi32>
        %shift_right_arithmetic3A_420 = arith.constant 20 : i32
        %shift_right_arithmetic3A_421 = vector.broadcast %shift_right_arithmetic3A_420 : i32 to vector<16xi32>
        %shift_right_arithmetic3A_422 = arith.shrsi %xor3A_419, %shift_right_arithmetic3A_421 : vector<16xi32>
        %add3A_423 = arith.constant 2048 : i32
        %add3A_424 = vector.broadcast %add3A_423 : i32 to vector<16xi32>
        %add3A_425 = arith.addi %shift_right_arithmetic3A_422, %add3A_424 : vector<16xi32>
        %add3A_426 = arith.addi %mul3A_3, %add3A_425 : vector<16xi32>
        tpu.vector_store_idx %arg4[%add3A_426], %broadcast_in_dim3A_4 {add = true} : memref<65536xf32, #tpu.memory_space<vmem>>[vector<16xi32>], vector<16xf32>,
        %mul3A_427 = arith.constant 128 : i32
        %mul3A_428 = arith.muli %scan3A_384, %mul3A_427 : i32
        %add3A_429 = arith.constant 32 : i32
        %add3A_430 = arith.addi %mul3A_428, %add3A_429 : i32
        %get3A_431 = arith.constant 1 : i32
        %get3A_432 = arith.index_cast %get3A_431 : i32 to index
        %get3A_433 = arith.index_cast %add3A_430 : i32 to index
        %get3A_434 = tpu.vector_load %arg5[%get3A_432, %get3A_433] {strides = array<i32>} : memref<2x16384xf32, #tpu.memory_space<vmem>>, vector<16xf32>,
        %bitcast_convert_type3A_435 = tpu.bitcast %get3A_434 : vector<16xf32> -> vector<16xi32>
        %shift_right_arithmetic3A_436 = arith.constant 31 : i32
        %shift_right_arithmetic3A_437 = vector.broadcast %shift_right_arithmetic3A_436 : i32 to vector<16xi32>
        %shift_right_arithmetic3A_438 = arith.shrsi %bitcast_convert_type3A_435, %shift_right_arithmetic3A_437 : vector<16xi32>
        %and3A_439 = arith.constant 2147483647 : i32
        %and3A_440 = vector.broadcast %and3A_439 : i32 to vector<16xi32>
        %and3A_441 = arith.andi %shift_right_arithmetic3A_438, %and3A_440 : vector<16xi32>
        %xor3A_442 = arith.xori %bitcast_convert_type3A_435, %and3A_441 : vector<16xi32>
        %shift_right_arithmetic3A_443 = arith.constant 20 : i32
        %shift_right_arithmetic3A_444 = vector.broadcast %shift_right_arithmetic3A_443 : i32 to vector<16xi32>
        %shift_right_arithmetic3A_445 = arith.shrsi %xor3A_442, %shift_right_arithmetic3A_444 : vector<16xi32>
        %add3A_446 = arith.constant 2048 : i32
        %add3A_447 = vector.broadcast %add3A_446 : i32 to vector<16xi32>
        %add3A_448 = arith.addi %shift_right_arithmetic3A_445, %add3A_447 : vector<16xi32>
        %add3A_449 = arith.addi %mul3A_3, %add3A_448 : vector<16xi32>
        tpu.vector_store_idx %arg4[%add3A_449], %broadcast_in_dim3A_4 {add = true} : memref<65536xf32, #tpu.memory_space<vmem>>[vector<16xi32>], vector<16xf32>,
        %mul3A_450 = arith.constant 128 : i32
        %mul3A_451 = arith.muli %scan3A_384, %mul3A_450 : i32
        %add3A_452 = arith.constant 48 : i32
        %add3A_453 = arith.addi %mul3A_451, %add3A_452 : i32
        %get3A_454 = arith.constant 1 : i32
        %get3A_455 = arith.index_cast %get3A_454 : i32 to index
        %get3A_456 = arith.index_cast %add3A_453 : i32 to index
        %get3A_457 = tpu.vector_load %arg5[%get3A_455, %get3A_456] {strides = array<i32>} : memref<2x16384xf32, #tpu.memory_space<vmem>>, vector<16xf32>,
        %bitcast_convert_type3A_458 = tpu.bitcast %get3A_457 : vector<16xf32> -> vector<16xi32>
        %shift_right_arithmetic3A_459 = arith.constant 31 : i32
        %shift_right_arithmetic3A_460 = vector.broadcast %shift_right_arithmetic3A_459 : i32 to vector<16xi32>
        %shift_right_arithmetic3A_461 = arith.shrsi %bitcast_convert_type3A_458, %shift_right_arithmetic3A_460 : vector<16xi32>
        %and3A_462 = arith.constant 2147483647 : i32
        %and3A_463 = vector.broadcast %and3A_462 : i32 to vector<16xi32>
        %and3A_464 = arith.andi %shift_right_arithmetic3A_461, %and3A_463 : vector<16xi32>
        %xor3A_465 = arith.xori %bitcast_convert_type3A_458, %and3A_464 : vector<16xi32>
        %shift_right_arithmetic3A_466 = arith.constant 20 : i32
        %shift_right_arithmetic3A_467 = vector.broadcast %shift_right_arithmetic3A_466 : i32 to vector<16xi32>
        %shift_right_arithmetic3A_468 = arith.shrsi %xor3A_465, %shift_right_arithmetic3A_467 : vector<16xi32>
        %add3A_469 = arith.constant 2048 : i32
        %add3A_470 = vector.broadcast %add3A_469 : i32 to vector<16xi32>
        %add3A_471 = arith.addi %shift_right_arithmetic3A_468, %add3A_470 : vector<16xi32>
        %add3A_472 = arith.addi %mul3A_3, %add3A_471 : vector<16xi32>
        tpu.vector_store_idx %arg4[%add3A_472], %broadcast_in_dim3A_4 {add = true} : memref<65536xf32, #tpu.memory_space<vmem>>[vector<16xi32>], vector<16xf32>,
        %mul3A_473 = arith.constant 128 : i32
        %mul3A_474 = arith.muli %scan3A_384, %mul3A_473 : i32
        %add3A_475 = arith.constant 64 : i32
        %add3A_476 = arith.addi %mul3A_474, %add3A_475 : i32
        %get3A_477 = arith.constant 1 : i32
        %get3A_478 = arith.index_cast %get3A_477 : i32 to index
        %get3A_479 = arith.index_cast %add3A_476 : i32 to index
        %get3A_480 = tpu.vector_load %arg5[%get3A_478, %get3A_479] {strides = array<i32>} : memref<2x16384xf32, #tpu.memory_space<vmem>>, vector<16xf32>,
        %bitcast_convert_type3A_481 = tpu.bitcast %get3A_480 : vector<16xf32> -> vector<16xi32>
        %shift_right_arithmetic3A_482 = arith.constant 31 : i32
        %shift_right_arithmetic3A_483 = vector.broadcast %shift_right_arithmetic3A_482 : i32 to vector<16xi32>
        %shift_right_arithmetic3A_484 = arith.shrsi %bitcast_convert_type3A_481, %shift_right_arithmetic3A_483 : vector<16xi32>
        %and3A_485 = arith.constant 2147483647 : i32
        %and3A_486 = vector.broadcast %and3A_485 : i32 to vector<16xi32>
        %and3A_487 = arith.andi %shift_right_arithmetic3A_484, %and3A_486 : vector<16xi32>
        %xor3A_488 = arith.xori %bitcast_convert_type3A_481, %and3A_487 : vector<16xi32>
        %shift_right_arithmetic3A_489 = arith.constant 20 : i32
        %shift_right_arithmetic3A_490 = vector.broadcast %shift_right_arithmetic3A_489 : i32 to vector<16xi32>
        %shift_right_arithmetic3A_491 = arith.shrsi %xor3A_488, %shift_right_arithmetic3A_490 : vector<16xi32>
        %add3A_492 = arith.constant 2048 : i32
        %add3A_493 = vector.broadcast %add3A_492 : i32 to vector<16xi32>
        %add3A_494 = arith.addi %shift_right_arithmetic3A_491, %add3A_493 : vector<16xi32>
        %add3A_495 = arith.addi %mul3A_3, %add3A_494 : vector<16xi32>
        tpu.vector_store_idx %arg4[%add3A_495], %broadcast_in_dim3A_4 {add = true} : memref<65536xf32, #tpu.memory_space<vmem>>[vector<16xi32>], vector<16xf32>,
        %mul3A_496 = arith.constant 128 : i32
        %mul3A_497 = arith.muli %scan3A_384, %mul3A_496 : i32
        %add3A_498 = arith.constant 80 : i32
        %add3A_499 = arith.addi %mul3A_497, %add3A_498 : i32
        %get3A_500 = arith.constant 1 : i32
        %get3A_501 = arith.index_cast %get3A_500 : i32 to index
        %get3A_502 = arith.index_cast %add3A_499 : i32 to index
        %get3A_503 = tpu.vector_load %arg5[%get3A_501, %get3A_502] {strides = array<i32>} : memref<2x16384xf32, #tpu.memory_space<vmem>>, vector<16xf32>,
        %bitcast_convert_type3A_504 = tpu.bitcast %get3A_503 : vector<16xf32> -> vector<16xi32>
        %shift_right_arithmetic3A_505 = arith.constant 31 : i32
        %shift_right_arithmetic3A_506 = vector.broadcast %shift_right_arithmetic3A_505 : i32 to vector<16xi32>
        %shift_right_arithmetic3A_507 = arith.shrsi %bitcast_convert_type3A_504, %shift_right_arithmetic3A_506 : vector<16xi32>
        %and3A_508 = arith.constant 2147483647 : i32
        %and3A_509 = vector.broadcast %and3A_508 : i32 to vector<16xi32>
        %and3A_510 = arith.andi %shift_right_arithmetic3A_507, %and3A_509 : vector<16xi32>
        %xor3A_511 = arith.xori %bitcast_convert_type3A_504, %and3A_510 : vector<16xi32>
        %shift_right_arithmetic3A_512 = arith.constant 20 : i32
        %shift_right_arithmetic3A_513 = vector.broadcast %shift_right_arithmetic3A_512 : i32 to vector<16xi32>
        %shift_right_arithmetic3A_514 = arith.shrsi %xor3A_511, %shift_right_arithmetic3A_513 : vector<16xi32>
        %add3A_515 = arith.constant 2048 : i32
        %add3A_516 = vector.broadcast %add3A_515 : i32 to vector<16xi32>
        %add3A_517 = arith.addi %shift_right_arithmetic3A_514, %add3A_516 : vector<16xi32>
        %add3A_518 = arith.addi %mul3A_3, %add3A_517 : vector<16xi32>
        tpu.vector_store_idx %arg4[%add3A_518], %broadcast_in_dim3A_4 {add = true} : memref<65536xf32, #tpu.memory_space<vmem>>[vector<16xi32>], vector<16xf32>,
        %mul3A_519 = arith.constant 128 : i32
        %mul3A_520 = arith.muli %scan3A_384, %mul3A_519 : i32
        %add3A_521 = arith.constant 96 : i32
        %add3A_522 = arith.addi %mul3A_520, %add3A_521 : i32
        %get3A_523 = arith.constant 1 : i32
        %get3A_524 = arith.index_cast %get3A_523 : i32 to index
        %get3A_525 = arith.index_cast %add3A_522 : i32 to index
        %get3A_526 = tpu.vector_load %arg5[%get3A_524, %get3A_525] {strides = array<i32>} : memref<2x16384xf32, #tpu.memory_space<vmem>>, vector<16xf32>,
        %bitcast_convert_type3A_527 = tpu.bitcast %get3A_526 : vector<16xf32> -> vector<16xi32>
        %shift_right_arithmetic3A_528 = arith.constant 31 : i32
        %shift_right_arithmetic3A_529 = vector.broadcast %shift_right_arithmetic3A_528 : i32 to vector<16xi32>
        %shift_right_arithmetic3A_530 = arith.shrsi %bitcast_convert_type3A_527, %shift_right_arithmetic3A_529 : vector<16xi32>
        %and3A_531 = arith.constant 2147483647 : i32
        %and3A_532 = vector.broadcast %and3A_531 : i32 to vector<16xi32>
        %and3A_533 = arith.andi %shift_right_arithmetic3A_530, %and3A_532 : vector<16xi32>
        %xor3A_534 = arith.xori %bitcast_convert_type3A_527, %and3A_533 : vector<16xi32>
        %shift_right_arithmetic3A_535 = arith.constant 20 : i32
        %shift_right_arithmetic3A_536 = vector.broadcast %shift_right_arithmetic3A_535 : i32 to vector<16xi32>
        %shift_right_arithmetic3A_537 = arith.shrsi %xor3A_534, %shift_right_arithmetic3A_536 : vector<16xi32>
        %add3A_538 = arith.constant 2048 : i32
        %add3A_539 = vector.broadcast %add3A_538 : i32 to vector<16xi32>
        %add3A_540 = arith.addi %shift_right_arithmetic3A_537, %add3A_539 : vector<16xi32>
        %add3A_541 = arith.addi %mul3A_3, %add3A_540 : vector<16xi32>
        tpu.vector_store_idx %arg4[%add3A_541], %broadcast_in_dim3A_4 {add = true} : memref<65536xf32, #tpu.memory_space<vmem>>[vector<16xi32>], vector<16xf32>,
        %mul3A_542 = arith.constant 128 : i32
        %mul3A_543 = arith.muli %scan3A_384, %mul3A_542 : i32
        %add3A_544 = arith.constant 112 : i32
        %add3A_545 = arith.addi %mul3A_543, %add3A_544 : i32
        %get3A_546 = arith.constant 1 : i32
        %get3A_547 = arith.index_cast %get3A_546 : i32 to index
        %get3A_548 = arith.index_cast %add3A_545 : i32 to index
        %get3A_549 = tpu.vector_load %arg5[%get3A_547, %get3A_548] {strides = array<i32>} : memref<2x16384xf32, #tpu.memory_space<vmem>>, vector<16xf32>,
        %bitcast_convert_type3A_550 = tpu.bitcast %get3A_549 : vector<16xf32> -> vector<16xi32>
        %shift_right_arithmetic3A_551 = arith.constant 31 : i32
        %shift_right_arithmetic3A_552 = vector.broadcast %shift_right_arithmetic3A_551 : i32 to vector<16xi32>
        %shift_right_arithmetic3A_553 = arith.shrsi %bitcast_convert_type3A_550, %shift_right_arithmetic3A_552 : vector<16xi32>
        %and3A_554 = arith.constant 2147483647 : i32
        %and3A_555 = vector.broadcast %and3A_554 : i32 to vector<16xi32>
        %and3A_556 = arith.andi %shift_right_arithmetic3A_553, %and3A_555 : vector<16xi32>
        %xor3A_557 = arith.xori %bitcast_convert_type3A_550, %and3A_556 : vector<16xi32>
        %shift_right_arithmetic3A_558 = arith.constant 20 : i32
        %shift_right_arithmetic3A_559 = vector.broadcast %shift_right_arithmetic3A_558 : i32 to vector<16xi32>
        %shift_right_arithmetic3A_560 = arith.shrsi %xor3A_557, %shift_right_arithmetic3A_559 : vector<16xi32>
        %add3A_561 = arith.constant 2048 : i32
        %add3A_562 = vector.broadcast %add3A_561 : i32 to vector<16xi32>
        %add3A_563 = arith.addi %shift_right_arithmetic3A_560, %add3A_562 : vector<16xi32>
        %add3A_564 = arith.addi %mul3A_3, %add3A_563 : vector<16xi32>
        tpu.vector_store_idx %arg4[%add3A_564], %broadcast_in_dim3A_4 {add = true} : memref<65536xf32, #tpu.memory_space<vmem>>[vector<16xi32>], vector<16xf32>,
        %scan3A_565 = arith.constant 0 : i32
        scf.yield %scan3A_565 : i32
      }
      %scan3A_194 = arith.constant 128 : i32
      %mul3A_195 = arith.constant 147456 : i32
      %mul3A_196 = arith.muli %add3A_15, %mul3A_195 : i32
      %add3A_197 = arith.constant 81920 : i32
      %add3A_198 = arith.addi %mul3A_196, %add3A_197 : i32
      %dma_start3A_199 = arith.constant 1 : i32
      %dma_start3A_200 = arith.constant 1 : i32
      %dma_start3A_201 = arith.constant 0 : i32
      %dma_start3A_202 = tpu.memref_slice %arg5[%dma_start3A_199, %dma_start3A_201] : memref<2x16384xf32, #tpu.memory_space<vmem>> -> memref<1x16384xf32, #tpu.memory_space<vmem>>
      %dma_start3A_203 = tpu.memref_squeeze %dma_start3A_202 : memref<1x16384xf32, #tpu.memory_space<vmem>> -> memref<16384xf32, #tpu.memory_space<vmem>>
      %dma_start3A_204 = tpu.memref_slice %arg2[%add3A_198] : memref<14155776xf32, #tpu.memory_space<hbm>> -> memref<16384xf32, #tpu.memory_space<hbm>>
      %dma_start3A_205 = tpu.memref_slice %arg7[%dma_start3A_200] : memref<2x!tpu.dma_semaphore, #tpu.memory_space<semaphore_mem>> -> memref<1x!tpu.dma_semaphore, #tpu.memory_space<semaphore_mem>>
      %dma_start3A_206 = tpu.memref_squeeze %dma_start3A_205 : memref<1x!tpu.dma_semaphore, #tpu.memory_space<semaphore_mem>> -> memref<!tpu.dma_semaphore, #tpu.memory_space<semaphore_mem>>
      %dma_start3A_207 = arith.constant 0 : i32
      %dma_start3A_208 = tpu.memref_slice %arg5[%dma_start3A_199, %dma_start3A_207] : memref<2x16384xf32, #tpu.memory_space<vmem>> -> memref<1x16384xf32, #tpu.memory_space<vmem>>
      %dma_start3A_209 = tpu.memref_squeeze %dma_start3A_208 : memref<1x16384xf32, #tpu.memory_space<vmem>> -> memref<16384xf32, #tpu.memory_space<vmem>>
      %dma_start3A_210 = tpu.memref_slice %arg2[%add3A_198] : memref<14155776xf32, #tpu.memory_space<hbm>> -> memref<16384xf32, #tpu.memory_space<hbm>>
      tpu.enqueue_dma source(%dma_start3A_210 : memref<16384xf32, #tpu.memory_space<hbm>>) target(%dma_start3A_209 : memref<16384xf32, #tpu.memory_space<vmem>>) target_semaphore(%dma_start3A_206 : memref<!tpu.dma_semaphore, #tpu.memory_space<semaphore_mem>>)
      %mul3A_211 = arith.constant 147456 : i32
      %mul3A_212 = arith.muli %add3A_15, %mul3A_211 : i32
      %add3A_213 = arith.constant 65536 : i32
      %add3A_214 = arith.addi %mul3A_212, %add3A_213 : i32
      %dma_wait3A_215 = arith.constant 0 : i32
      %dma_wait3A_216 = arith.constant 0 : i32
      %dma_wait3A_217 = arith.constant 0 : i32
      %dma_wait3A_218 = tpu.memref_slice %arg5[%dma_wait3A_215, %dma_wait3A_217] : memref<2x16384xf32, #tpu.memory_space<vmem>> -> memref<1x16384xf32, #tpu.memory_space<vmem>>
      %dma_wait3A_219 = tpu.memref_squeeze %dma_wait3A_218 : memref<1x16384xf32, #tpu.memory_space<vmem>> -> memref<16384xf32, #tpu.memory_space<vmem>>
      %dma_wait3A_220 = tpu.memref_slice %arg2[%add3A_214] : memref<14155776xf32, #tpu.memory_space<hbm>> -> memref<16384xf32, #tpu.memory_space<hbm>>
      %dma_wait3A_221 = tpu.memref_slice %arg7[%dma_wait3A_216] : memref<2x!tpu.dma_semaphore, #tpu.memory_space<semaphore_mem>> -> memref<1x!tpu.dma_semaphore, #tpu.memory_space<semaphore_mem>>
      %dma_wait3A_222 = tpu.memref_squeeze %dma_wait3A_221 : memref<1x!tpu.dma_semaphore, #tpu.memory_space<semaphore_mem>> -> memref<!tpu.dma_semaphore, #tpu.memory_space<semaphore_mem>>
      %dma_wait3A_223 = arith.constant 0 : i32
      %dma_wait3A_224 = tpu.memref_slice %arg5[%dma_wait3A_215, %dma_wait3A_223] : memref<2x16384xf32, #tpu.memory_space<vmem>> -> memref<1x16384xf32, #tpu.memory_space<vmem>>
      %dma_wait3A_225 = tpu.memref_squeeze %dma_wait3A_224 : memref<1x16384xf32, #tpu.memory_space<vmem>> -> memref<16384xf32, #tpu.memory_space<vmem>>
      %dma_wait3A_226 = tpu.memref_slice %arg2[%add3A_214] : memref<14155776xf32, #tpu.memory_space<hbm>> -> memref<16384xf32, #tpu.memory_space<hbm>>
      tpu.wait_dma2 semaphore(%dma_wait3A_222 : memref<!tpu.dma_semaphore, #tpu.memory_space<semaphore_mem>>) src(%dma_wait3A_226 : memref<16384xf32, #tpu.memory_space<hbm>>) dst(%dma_wait3A_225 : memref<16384xf32, #tpu.memory_space<vmem>>)
      %scan3A_227 = arith.constant 0 : i32
      %scan3A_228 = arith.constant 0 : i32
      %scan3A_229 = arith.constant 128 : i32
      %scan3A_230 = arith.addi %scan3A_228, %scan3A_229 : i32
      %scan3A_231 = arith.constant 1 : i32
      %scan3A_232 = scf.for %scan3A_384 = %scan3A_228 to %scan3A_230 step %scan3A_231 iter_args(%scan3A_385 = %scan3A_227) -> (i32)  : i32 {
        %mul3A_386 = arith.constant 128 : i32
        %mul3A_387 = arith.muli %scan3A_384, %mul3A_386 : i32
        %add3A_388 = arith.constant 0 : i32
        %add3A_389 = arith.addi %mul3A_387, %add3A_388 : i32
        %get3A = arith.constant 0 : i32
        %get3A_390 = arith.index_cast %get3A : i32 to index
        %get3A_391 = arith.index_cast %add3A_389 : i32 to index
        %get3A_392 = tpu.vector_load %arg5[%get3A_390, %get3A_391] {strides = array<i32>} : memref<2x16384xf32, #tpu.memory_space<vmem>>, vector<16xf32>,
        %bitcast_convert_type3A = tpu.bitcast %get3A_392 : vector<16xf32> -> vector<16xi32>
        %shift_right_arithmetic3A = arith.constant 31 : i32
        %shift_right_arithmetic3A_393 = vector.broadcast %shift_right_arithmetic3A : i32 to vector<16xi32>
        %shift_right_arithmetic3A_394 = arith.shrsi %bitcast_convert_type3A, %shift_right_arithmetic3A_393 : vector<16xi32>
        %and3A = arith.constant 2147483647 : i32
        %and3A_395 = vector.broadcast %and3A : i32 to vector<16xi32>
        %and3A_396 = arith.andi %shift_right_arithmetic3A_394, %and3A_395 : vector<16xi32>
        %xor3A = arith.xori %bitcast_convert_type3A, %and3A_396 : vector<16xi32>
        %shift_right_arithmetic3A_397 = arith.constant 20 : i32
        %shift_right_arithmetic3A_398 = vector.broadcast %shift_right_arithmetic3A_397 : i32 to vector<16xi32>
        %shift_right_arithmetic3A_399 = arith.shrsi %xor3A, %shift_right_arithmetic3A_398 : vector<16xi32>
        %add3A_400 = arith.constant 2048 : i32
        %add3A_401 = vector.broadcast %add3A_400 : i32 to vector<16xi32>
        %add3A_402 = arith.addi %shift_right_arithmetic3A_399, %add3A_401 : vector<16xi32>
        %add3A_403 = arith.addi %mul3A_3, %add3A_402 : vector<16xi32>
        tpu.vector_store_idx %arg4[%add3A_403], %broadcast_in_dim3A_4 {add = true} : memref<65536xf32, #tpu.memory_space<vmem>>[vector<16xi32>], vector<16xf32>,
        %mul3A_404 = arith.constant 128 : i32
        %mul3A_405 = arith.muli %scan3A_384, %mul3A_404 : i32
        %add3A_406 = arith.constant 16 : i32
        %add3A_407 = arith.addi %mul3A_405, %add3A_406 : i32
        %get3A_408 = arith.constant 0 : i32
        %get3A_409 = arith.index_cast %get3A_408 : i32 to index
        %get3A_410 = arith.index_cast %add3A_407 : i32 to index
        %get3A_411 = tpu.vector_load %arg5[%get3A_409, %get3A_410] {strides = array<i32>} : memref<2x16384xf32, #tpu.memory_space<vmem>>, vector<16xf32>,
        %bitcast_convert_type3A_412 = tpu.bitcast %get3A_411 : vector<16xf32> -> vector<16xi32>
        %shift_right_arithmetic3A_413 = arith.constant 31 : i32
        %shift_right_arithmetic3A_414 = vector.broadcast %shift_right_arithmetic3A_413 : i32 to vector<16xi32>
        %shift_right_arithmetic3A_415 = arith.shrsi %bitcast_convert_type3A_412, %shift_right_arithmetic3A_414 : vector<16xi32>
        %and3A_416 = arith.constant 2147483647 : i32
        %and3A_417 = vector.broadcast %and3A_416 : i32 to vector<16xi32>
        %and3A_418 = arith.andi %shift_right_arithmetic3A_415, %and3A_417 : vector<16xi32>
        %xor3A_419 = arith.xori %bitcast_convert_type3A_412, %and3A_418 : vector<16xi32>
        %shift_right_arithmetic3A_420 = arith.constant 20 : i32
        %shift_right_arithmetic3A_421 = vector.broadcast %shift_right_arithmetic3A_420 : i32 to vector<16xi32>
        %shift_right_arithmetic3A_422 = arith.shrsi %xor3A_419, %shift_right_arithmetic3A_421 : vector<16xi32>
        %add3A_423 = arith.constant 2048 : i32
        %add3A_424 = vector.broadcast %add3A_423 : i32 to vector<16xi32>
        %add3A_425 = arith.addi %shift_right_arithmetic3A_422, %add3A_424 : vector<16xi32>
        %add3A_426 = arith.addi %mul3A_3, %add3A_425 : vector<16xi32>
        tpu.vector_store_idx %arg4[%add3A_426], %broadcast_in_dim3A_4 {add = true} : memref<65536xf32, #tpu.memory_space<vmem>>[vector<16xi32>], vector<16xf32>,
        %mul3A_427 = arith.constant 128 : i32
        %mul3A_428 = arith.muli %scan3A_384, %mul3A_427 : i32
        %add3A_429 = arith.constant 32 : i32
        %add3A_430 = arith.addi %mul3A_428, %add3A_429 : i32
        %get3A_431 = arith.constant 0 : i32
        %get3A_432 = arith.index_cast %get3A_431 : i32 to index
        %get3A_433 = arith.index_cast %add3A_430 : i32 to index
        %get3A_434 = tpu.vector_load %arg5[%get3A_432, %get3A_433] {strides = array<i32>} : memref<2x16384xf32, #tpu.memory_space<vmem>>, vector<16xf32>,
        %bitcast_convert_type3A_435 = tpu.bitcast %get3A_434 : vector<16xf32> -> vector<16xi32>
        %shift_right_arithmetic3A_436 = arith.constant 31 : i32
        %shift_right_arithmetic3A_437 = vector.broadcast %shift_right_arithmetic3A_436 : i32 to vector<16xi32>
        %shift_right_arithmetic3A_438 = arith.shrsi %bitcast_convert_type3A_435, %shift_right_arithmetic3A_437 : vector<16xi32>
        %and3A_439 = arith.constant 2147483647 : i32
        %and3A_440 = vector.broadcast %and3A_439 : i32 to vector<16xi32>
        %and3A_441 = arith.andi %shift_right_arithmetic3A_438, %and3A_440 : vector<16xi32>
        %xor3A_442 = arith.xori %bitcast_convert_type3A_435, %and3A_441 : vector<16xi32>
        %shift_right_arithmetic3A_443 = arith.constant 20 : i32
        %shift_right_arithmetic3A_444 = vector.broadcast %shift_right_arithmetic3A_443 : i32 to vector<16xi32>
        %shift_right_arithmetic3A_445 = arith.shrsi %xor3A_442, %shift_right_arithmetic3A_444 : vector<16xi32>
        %add3A_446 = arith.constant 2048 : i32
        %add3A_447 = vector.broadcast %add3A_446 : i32 to vector<16xi32>
        %add3A_448 = arith.addi %shift_right_arithmetic3A_445, %add3A_447 : vector<16xi32>
        %add3A_449 = arith.addi %mul3A_3, %add3A_448 : vector<16xi32>
        tpu.vector_store_idx %arg4[%add3A_449], %broadcast_in_dim3A_4 {add = true} : memref<65536xf32, #tpu.memory_space<vmem>>[vector<16xi32>], vector<16xf32>,
        %mul3A_450 = arith.constant 128 : i32
        %mul3A_451 = arith.muli %scan3A_384, %mul3A_450 : i32
        %add3A_452 = arith.constant 48 : i32
        %add3A_453 = arith.addi %mul3A_451, %add3A_452 : i32
        %get3A_454 = arith.constant 0 : i32
        %get3A_455 = arith.index_cast %get3A_454 : i32 to index
        %get3A_456 = arith.index_cast %add3A_453 : i32 to index
        %get3A_457 = tpu.vector_load %arg5[%get3A_455, %get3A_456] {strides = array<i32>} : memref<2x16384xf32, #tpu.memory_space<vmem>>, vector<16xf32>,
        %bitcast_convert_type3A_458 = tpu.bitcast %get3A_457 : vector<16xf32> -> vector<16xi32>
        %shift_right_arithmetic3A_459 = arith.constant 31 : i32
        %shift_right_arithmetic3A_460 = vector.broadcast %shift_right_arithmetic3A_459 : i32 to vector<16xi32>
        %shift_right_arithmetic3A_461 = arith.shrsi %bitcast_convert_type3A_458, %shift_right_arithmetic3A_460 : vector<16xi32>
        %and3A_462 = arith.constant 2147483647 : i32
        %and3A_463 = vector.broadcast %and3A_462 : i32 to vector<16xi32>
        %and3A_464 = arith.andi %shift_right_arithmetic3A_461, %and3A_463 : vector<16xi32>
        %xor3A_465 = arith.xori %bitcast_convert_type3A_458, %and3A_464 : vector<16xi32>
        %shift_right_arithmetic3A_466 = arith.constant 20 : i32
        %shift_right_arithmetic3A_467 = vector.broadcast %shift_right_arithmetic3A_466 : i32 to vector<16xi32>
        %shift_right_arithmetic3A_468 = arith.shrsi %xor3A_465, %shift_right_arithmetic3A_467 : vector<16xi32>
        %add3A_469 = arith.constant 2048 : i32
        %add3A_470 = vector.broadcast %add3A_469 : i32 to vector<16xi32>
        %add3A_471 = arith.addi %shift_right_arithmetic3A_468, %add3A_470 : vector<16xi32>
        %add3A_472 = arith.addi %mul3A_3, %add3A_471 : vector<16xi32>
        tpu.vector_store_idx %arg4[%add3A_472], %broadcast_in_dim3A_4 {add = true} : memref<65536xf32, #tpu.memory_space<vmem>>[vector<16xi32>], vector<16xf32>,
        %mul3A_473 = arith.constant 128 : i32
        %mul3A_474 = arith.muli %scan3A_384, %mul3A_473 : i32
        %add3A_475 = arith.constant 64 : i32
        %add3A_476 = arith.addi %mul3A_474, %add3A_475 : i32
        %get3A_477 = arith.constant 0 : i32
        %get3A_478 = arith.index_cast %get3A_477 : i32 to index
        %get3A_479 = arith.index_cast %add3A_476 : i32 to index
        %get3A_480 = tpu.vector_load %arg5[%get3A_478, %get3A_479] {strides = array<i32>} : memref<2x16384xf32, #tpu.memory_space<vmem>>, vector<16xf32>,
        %bitcast_convert_type3A_481 = tpu.bitcast %get3A_480 : vector<16xf32> -> vector<16xi32>
        %shift_right_arithmetic3A_482 = arith.constant 31 : i32
        %shift_right_arithmetic3A_483 = vector.broadcast %shift_right_arithmetic3A_482 : i32 to vector<16xi32>
        %shift_right_arithmetic3A_484 = arith.shrsi %bitcast_convert_type3A_481, %shift_right_arithmetic3A_483 : vector<16xi32>
        %and3A_485 = arith.constant 2147483647 : i32
        %and3A_486 = vector.broadcast %and3A_485 : i32 to vector<16xi32>
        %and3A_487 = arith.andi %shift_right_arithmetic3A_484, %and3A_486 : vector<16xi32>
        %xor3A_488 = arith.xori %bitcast_convert_type3A_481, %and3A_487 : vector<16xi32>
        %shift_right_arithmetic3A_489 = arith.constant 20 : i32
        %shift_right_arithmetic3A_490 = vector.broadcast %shift_right_arithmetic3A_489 : i32 to vector<16xi32>
        %shift_right_arithmetic3A_491 = arith.shrsi %xor3A_488, %shift_right_arithmetic3A_490 : vector<16xi32>
        %add3A_492 = arith.constant 2048 : i32
        %add3A_493 = vector.broadcast %add3A_492 : i32 to vector<16xi32>
        %add3A_494 = arith.addi %shift_right_arithmetic3A_491, %add3A_493 : vector<16xi32>
        %add3A_495 = arith.addi %mul3A_3, %add3A_494 : vector<16xi32>
        tpu.vector_store_idx %arg4[%add3A_495], %broadcast_in_dim3A_4 {add = true} : memref<65536xf32, #tpu.memory_space<vmem>>[vector<16xi32>], vector<16xf32>,
        %mul3A_496 = arith.constant 128 : i32
        %mul3A_497 = arith.muli %scan3A_384, %mul3A_496 : i32
        %add3A_498 = arith.constant 80 : i32
        %add3A_499 = arith.addi %mul3A_497, %add3A_498 : i32
        %get3A_500 = arith.constant 0 : i32
        %get3A_501 = arith.index_cast %get3A_500 : i32 to index
        %get3A_502 = arith.index_cast %add3A_499 : i32 to index
        %get3A_503 = tpu.vector_load %arg5[%get3A_501, %get3A_502] {strides = array<i32>} : memref<2x16384xf32, #tpu.memory_space<vmem>>, vector<16xf32>,
        %bitcast_convert_type3A_504 = tpu.bitcast %get3A_503 : vector<16xf32> -> vector<16xi32>
        %shift_right_arithmetic3A_505 = arith.constant 31 : i32
        %shift_right_arithmetic3A_506 = vector.broadcast %shift_right_arithmetic3A_505 : i32 to vector<16xi32>
        %shift_right_arithmetic3A_507 = arith.shrsi %bitcast_convert_type3A_504, %shift_right_arithmetic3A_506 : vector<16xi32>
        %and3A_508 = arith.constant 2147483647 : i32
        %and3A_509 = vector.broadcast %and3A_508 : i32 to vector<16xi32>
        %and3A_510 = arith.andi %shift_right_arithmetic3A_507, %and3A_509 : vector<16xi32>
        %xor3A_511 = arith.xori %bitcast_convert_type3A_504, %and3A_510 : vector<16xi32>
        %shift_right_arithmetic3A_512 = arith.constant 20 : i32
        %shift_right_arithmetic3A_513 = vector.broadcast %shift_right_arithmetic3A_512 : i32 to vector<16xi32>
        %shift_right_arithmetic3A_514 = arith.shrsi %xor3A_511, %shift_right_arithmetic3A_513 : vector<16xi32>
        %add3A_515 = arith.constant 2048 : i32
        %add3A_516 = vector.broadcast %add3A_515 : i32 to vector<16xi32>
        %add3A_517 = arith.addi %shift_right_arithmetic3A_514, %add3A_516 : vector<16xi32>
        %add3A_518 = arith.addi %mul3A_3, %add3A_517 : vector<16xi32>
        tpu.vector_store_idx %arg4[%add3A_518], %broadcast_in_dim3A_4 {add = true} : memref<65536xf32, #tpu.memory_space<vmem>>[vector<16xi32>], vector<16xf32>,
        %mul3A_519 = arith.constant 128 : i32
        %mul3A_520 = arith.muli %scan3A_384, %mul3A_519 : i32
        %add3A_521 = arith.constant 96 : i32
        %add3A_522 = arith.addi %mul3A_520, %add3A_521 : i32
        %get3A_523 = arith.constant 0 : i32
        %get3A_524 = arith.index_cast %get3A_523 : i32 to index
        %get3A_525 = arith.index_cast %add3A_522 : i32 to index
        %get3A_526 = tpu.vector_load %arg5[%get3A_524, %get3A_525] {strides = array<i32>} : memref<2x16384xf32, #tpu.memory_space<vmem>>, vector<16xf32>,
        %bitcast_convert_type3A_527 = tpu.bitcast %get3A_526 : vector<16xf32> -> vector<16xi32>
        %shift_right_arithmetic3A_528 = arith.constant 31 : i32
        %shift_right_arithmetic3A_529 = vector.broadcast %shift_right_arithmetic3A_528 : i32 to vector<16xi32>
        %shift_right_arithmetic3A_530 = arith.shrsi %bitcast_convert_type3A_527, %shift_right_arithmetic3A_529 : vector<16xi32>
        %and3A_531 = arith.constant 2147483647 : i32
        %and3A_532 = vector.broadcast %and3A_531 : i32 to vector<16xi32>
        %and3A_533 = arith.andi %shift_right_arithmetic3A_530, %and3A_532 : vector<16xi32>
        %xor3A_534 = arith.xori %bitcast_convert_type3A_527, %and3A_533 : vector<16xi32>
        %shift_right_arithmetic3A_535 = arith.constant 20 : i32
        %shift_right_arithmetic3A_536 = vector.broadcast %shift_right_arithmetic3A_535 : i32 to vector<16xi32>
        %shift_right_arithmetic3A_537 = arith.shrsi %xor3A_534, %shift_right_arithmetic3A_536 : vector<16xi32>
        %add3A_538 = arith.constant 2048 : i32
        %add3A_539 = vector.broadcast %add3A_538 : i32 to vector<16xi32>
        %add3A_540 = arith.addi %shift_right_arithmetic3A_537, %add3A_539 : vector<16xi32>
        %add3A_541 = arith.addi %mul3A_3, %add3A_540 : vector<16xi32>
        tpu.vector_store_idx %arg4[%add3A_541], %broadcast_in_dim3A_4 {add = true} : memref<65536xf32, #tpu.memory_space<vmem>>[vector<16xi32>], vector<16xf32>,
        %mul3A_542 = arith.constant 128 : i32
        %mul3A_543 = arith.muli %scan3A_384, %mul3A_542 : i32
        %add3A_544 = arith.constant 112 : i32
        %add3A_545 = arith.addi %mul3A_543, %add3A_544 : i32
        %get3A_546 = arith.constant 0 : i32
        %get3A_547 = arith.index_cast %get3A_546 : i32 to index
        %get3A_548 = arith.index_cast %add3A_545 : i32 to index
        %get3A_549 = tpu.vector_load %arg5[%get3A_547, %get3A_548] {strides = array<i32>} : memref<2x16384xf32, #tpu.memory_space<vmem>>, vector<16xf32>,
        %bitcast_convert_type3A_550 = tpu.bitcast %get3A_549 : vector<16xf32> -> vector<16xi32>
        %shift_right_arithmetic3A_551 = arith.constant 31 : i32
        %shift_right_arithmetic3A_552 = vector.broadcast %shift_right_arithmetic3A_551 : i32 to vector<16xi32>
        %shift_right_arithmetic3A_553 = arith.shrsi %bitcast_convert_type3A_550, %shift_right_arithmetic3A_552 : vector<16xi32>
        %and3A_554 = arith.constant 2147483647 : i32
        %and3A_555 = vector.broadcast %and3A_554 : i32 to vector<16xi32>
        %and3A_556 = arith.andi %shift_right_arithmetic3A_553, %and3A_555 : vector<16xi32>
        %xor3A_557 = arith.xori %bitcast_convert_type3A_550, %and3A_556 : vector<16xi32>
        %shift_right_arithmetic3A_558 = arith.constant 20 : i32
        %shift_right_arithmetic3A_559 = vector.broadcast %shift_right_arithmetic3A_558 : i32 to vector<16xi32>
        %shift_right_arithmetic3A_560 = arith.shrsi %xor3A_557, %shift_right_arithmetic3A_559 : vector<16xi32>
        %add3A_561 = arith.constant 2048 : i32
        %add3A_562 = vector.broadcast %add3A_561 : i32 to vector<16xi32>
        %add3A_563 = arith.addi %shift_right_arithmetic3A_560, %add3A_562 : vector<16xi32>
        %add3A_564 = arith.addi %mul3A_3, %add3A_563 : vector<16xi32>
        tpu.vector_store_idx %arg4[%add3A_564], %broadcast_in_dim3A_4 {add = true} : memref<65536xf32, #tpu.memory_space<vmem>>[vector<16xi32>], vector<16xf32>,
        %scan3A_565 = arith.constant 0 : i32
        scf.yield %scan3A_565 : i32
      }
      %scan3A_233 = arith.constant 128 : i32
      %mul3A_234 = arith.constant 147456 : i32
      %mul3A_235 = arith.muli %add3A_15, %mul3A_234 : i32
      %add3A_236 = arith.constant 98304 : i32
      %add3A_237 = arith.addi %mul3A_235, %add3A_236 : i32
      %dma_start3A_238 = arith.constant 0 : i32
      %dma_start3A_239 = arith.constant 0 : i32
      %dma_start3A_240 = arith.constant 0 : i32
      %dma_start3A_241 = tpu.memref_slice %arg5[%dma_start3A_238, %dma_start3A_240] : memref<2x16384xf32, #tpu.memory_space<vmem>> -> memref<1x16384xf32, #tpu.memory_space<vmem>>
      %dma_start3A_242 = tpu.memref_squeeze %dma_start3A_241 : memref<1x16384xf32, #tpu.memory_space<vmem>> -> memref<16384xf32, #tpu.memory_space<vmem>>
      %dma_start3A_243 = tpu.memref_slice %arg2[%add3A_237] : memref<14155776xf32, #tpu.memory_space<hbm>> -> memref<16384xf32, #tpu.memory_space<hbm>>
      %dma_start3A_244 = tpu.memref_slice %arg7[%dma_start3A_239] : memref<2x!tpu.dma_semaphore, #tpu.memory_space<semaphore_mem>> -> memref<1x!tpu.dma_semaphore, #tpu.memory_space<semaphore_mem>>
      %dma_start3A_245 = tpu.memref_squeeze %dma_start3A_244 : memref<1x!tpu.dma_semaphore, #tpu.memory_space<semaphore_mem>> -> memref<!tpu.dma_semaphore, #tpu.memory_space<semaphore_mem>>
      %dma_start3A_246 = arith.constant 0 : i32
      %dma_start3A_247 = tpu.memref_slice %arg5[%dma_start3A_238, %dma_start3A_246] : memref<2x16384xf32, #tpu.memory_space<vmem>> -> memref<1x16384xf32, #tpu.memory_space<vmem>>
      %dma_start3A_248 = tpu.memref_squeeze %dma_start3A_247 : memref<1x16384xf32, #tpu.memory_space<vmem>> -> memref<16384xf32, #tpu.memory_space<vmem>>
      %dma_start3A_249 = tpu.memref_slice %arg2[%add3A_237] : memref<14155776xf32, #tpu.memory_space<hbm>> -> memref<16384xf32, #tpu.memory_space<hbm>>
      tpu.enqueue_dma source(%dma_start3A_249 : memref<16384xf32, #tpu.memory_space<hbm>>) target(%dma_start3A_248 : memref<16384xf32, #tpu.memory_space<vmem>>) target_semaphore(%dma_start3A_245 : memref<!tpu.dma_semaphore, #tpu.memory_space<semaphore_mem>>)
      %mul3A_250 = arith.constant 147456 : i32
      %mul3A_251 = arith.muli %add3A_15, %mul3A_250 : i32
      %add3A_252 = arith.constant 81920 : i32
      %add3A_253 = arith.addi %mul3A_251, %add3A_252 : i32
      %dma_wait3A_254 = arith.constant 1 : i32
      %dma_wait3A_255 = arith.constant 1 : i32
      %dma_wait3A_256 = arith.constant 0 : i32
      %dma_wait3A_257 = tpu.memref_slice %arg5[%dma_wait3A_254, %dma_wait3A_256] : memref<2x16384xf32, #tpu.memory_space<vmem>> -> memref<1x16384xf32, #tpu.memory_space<vmem>>
      %dma_wait3A_258 = tpu.memref_squeeze %dma_wait3A_257 : memref<1x16384xf32, #tpu.memory_space<vmem>> -> memref<16384xf32, #tpu.memory_space<vmem>>
      %dma_wait3A_259 = tpu.memref_slice %arg2[%add3A_253] : memref<14155776xf32, #tpu.memory_space<hbm>> -> memref<16384xf32, #tpu.memory_space<hbm>>
      %dma_wait3A_260 = tpu.memref_slice %arg7[%dma_wait3A_255] : memref<2x!tpu.dma_semaphore, #tpu.memory_space<semaphore_mem>> -> memref<1x!tpu.dma_semaphore, #tpu.memory_space<semaphore_mem>>
      %dma_wait3A_261 = tpu.memref_squeeze %dma_wait3A_260 : memref<1x!tpu.dma_semaphore, #tpu.memory_space<semaphore_mem>> -> memref<!tpu.dma_semaphore, #tpu.memory_space<semaphore_mem>>
      %dma_wait3A_262 = arith.constant 0 : i32
      %dma_wait3A_263 = tpu.memref_slice %arg5[%dma_wait3A_254, %dma_wait3A_262] : memref<2x16384xf32, #tpu.memory_space<vmem>> -> memref<1x16384xf32, #tpu.memory_space<vmem>>
      %dma_wait3A_264 = tpu.memref_squeeze %dma_wait3A_263 : memref<1x16384xf32, #tpu.memory_space<vmem>> -> memref<16384xf32, #tpu.memory_space<vmem>>
      %dma_wait3A_265 = tpu.memref_slice %arg2[%add3A_253] : memref<14155776xf32, #tpu.memory_space<hbm>> -> memref<16384xf32, #tpu.memory_space<hbm>>
      tpu.wait_dma2 semaphore(%dma_wait3A_261 : memref<!tpu.dma_semaphore, #tpu.memory_space<semaphore_mem>>) src(%dma_wait3A_265 : memref<16384xf32, #tpu.memory_space<hbm>>) dst(%dma_wait3A_264 : memref<16384xf32, #tpu.memory_space<vmem>>)
      %scan3A_266 = arith.constant 0 : i32
      %scan3A_267 = arith.constant 0 : i32
      %scan3A_268 = arith.constant 128 : i32
      %scan3A_269 = arith.addi %scan3A_267, %scan3A_268 : i32
      %scan3A_270 = arith.constant 1 : i32
      %scan3A_271 = scf.for %scan3A_384 = %scan3A_267 to %scan3A_269 step %scan3A_270 iter_args(%scan3A_385 = %scan3A_266) -> (i32)  : i32 {
        %mul3A_386 = arith.constant 128 : i32
        %mul3A_387 = arith.muli %scan3A_384, %mul3A_386 : i32
        %add3A_388 = arith.constant 0 : i32
        %add3A_389 = arith.addi %mul3A_387, %add3A_388 : i32
        %get3A = arith.constant 1 : i32
        %get3A_390 = arith.index_cast %get3A : i32 to index
        %get3A_391 = arith.index_cast %add3A_389 : i32 to index
        %get3A_392 = tpu.vector_load %arg5[%get3A_390, %get3A_391] {strides = array<i32>} : memref<2x16384xf32, #tpu.memory_space<vmem>>, vector<16xf32>,
        %bitcast_convert_type3A = tpu.bitcast %get3A_392 : vector<16xf32> -> vector<16xi32>
        %shift_right_arithmetic3A = arith.constant 31 : i32
        %shift_right_arithmetic3A_393 = vector.broadcast %shift_right_arithmetic3A : i32 to vector<16xi32>
        %shift_right_arithmetic3A_394 = arith.shrsi %bitcast_convert_type3A, %shift_right_arithmetic3A_393 : vector<16xi32>
        %and3A = arith.constant 2147483647 : i32
        %and3A_395 = vector.broadcast %and3A : i32 to vector<16xi32>
        %and3A_396 = arith.andi %shift_right_arithmetic3A_394, %and3A_395 : vector<16xi32>
        %xor3A = arith.xori %bitcast_convert_type3A, %and3A_396 : vector<16xi32>
        %shift_right_arithmetic3A_397 = arith.constant 20 : i32
        %shift_right_arithmetic3A_398 = vector.broadcast %shift_right_arithmetic3A_397 : i32 to vector<16xi32>
        %shift_right_arithmetic3A_399 = arith.shrsi %xor3A, %shift_right_arithmetic3A_398 : vector<16xi32>
        %add3A_400 = arith.constant 2048 : i32
        %add3A_401 = vector.broadcast %add3A_400 : i32 to vector<16xi32>
        %add3A_402 = arith.addi %shift_right_arithmetic3A_399, %add3A_401 : vector<16xi32>
        %add3A_403 = arith.addi %mul3A_3, %add3A_402 : vector<16xi32>
        tpu.vector_store_idx %arg4[%add3A_403], %broadcast_in_dim3A_4 {add = true} : memref<65536xf32, #tpu.memory_space<vmem>>[vector<16xi32>], vector<16xf32>,
        %mul3A_404 = arith.constant 128 : i32
        %mul3A_405 = arith.muli %scan3A_384, %mul3A_404 : i32
        %add3A_406 = arith.constant 16 : i32
        %add3A_407 = arith.addi %mul3A_405, %add3A_406 : i32
        %get3A_408 = arith.constant 1 : i32
        %get3A_409 = arith.index_cast %get3A_408 : i32 to index
        %get3A_410 = arith.index_cast %add3A_407 : i32 to index
        %get3A_411 = tpu.vector_load %arg5[%get3A_409, %get3A_410] {strides = array<i32>} : memref<2x16384xf32, #tpu.memory_space<vmem>>, vector<16xf32>,
        %bitcast_convert_type3A_412 = tpu.bitcast %get3A_411 : vector<16xf32> -> vector<16xi32>
        %shift_right_arithmetic3A_413 = arith.constant 31 : i32
        %shift_right_arithmetic3A_414 = vector.broadcast %shift_right_arithmetic3A_413 : i32 to vector<16xi32>
        %shift_right_arithmetic3A_415 = arith.shrsi %bitcast_convert_type3A_412, %shift_right_arithmetic3A_414 : vector<16xi32>
        %and3A_416 = arith.constant 2147483647 : i32
        %and3A_417 = vector.broadcast %and3A_416 : i32 to vector<16xi32>
        %and3A_418 = arith.andi %shift_right_arithmetic3A_415, %and3A_417 : vector<16xi32>
        %xor3A_419 = arith.xori %bitcast_convert_type3A_412, %and3A_418 : vector<16xi32>
        %shift_right_arithmetic3A_420 = arith.constant 20 : i32
        %shift_right_arithmetic3A_421 = vector.broadcast %shift_right_arithmetic3A_420 : i32 to vector<16xi32>
        %shift_right_arithmetic3A_422 = arith.shrsi %xor3A_419, %shift_right_arithmetic3A_421 : vector<16xi32>
        %add3A_423 = arith.constant 2048 : i32
        %add3A_424 = vector.broadcast %add3A_423 : i32 to vector<16xi32>
        %add3A_425 = arith.addi %shift_right_arithmetic3A_422, %add3A_424 : vector<16xi32>
        %add3A_426 = arith.addi %mul3A_3, %add3A_425 : vector<16xi32>
        tpu.vector_store_idx %arg4[%add3A_426], %broadcast_in_dim3A_4 {add = true} : memref<65536xf32, #tpu.memory_space<vmem>>[vector<16xi32>], vector<16xf32>,
        %mul3A_427 = arith.constant 128 : i32
        %mul3A_428 = arith.muli %scan3A_384, %mul3A_427 : i32
        %add3A_429 = arith.constant 32 : i32
        %add3A_430 = arith.addi %mul3A_428, %add3A_429 : i32
        %get3A_431 = arith.constant 1 : i32
        %get3A_432 = arith.index_cast %get3A_431 : i32 to index
        %get3A_433 = arith.index_cast %add3A_430 : i32 to index
        %get3A_434 = tpu.vector_load %arg5[%get3A_432, %get3A_433] {strides = array<i32>} : memref<2x16384xf32, #tpu.memory_space<vmem>>, vector<16xf32>,
        %bitcast_convert_type3A_435 = tpu.bitcast %get3A_434 : vector<16xf32> -> vector<16xi32>
        %shift_right_arithmetic3A_436 = arith.constant 31 : i32
        %shift_right_arithmetic3A_437 = vector.broadcast %shift_right_arithmetic3A_436 : i32 to vector<16xi32>
        %shift_right_arithmetic3A_438 = arith.shrsi %bitcast_convert_type3A_435, %shift_right_arithmetic3A_437 : vector<16xi32>
        %and3A_439 = arith.constant 2147483647 : i32
        %and3A_440 = vector.broadcast %and3A_439 : i32 to vector<16xi32>
        %and3A_441 = arith.andi %shift_right_arithmetic3A_438, %and3A_440 : vector<16xi32>
        %xor3A_442 = arith.xori %bitcast_convert_type3A_435, %and3A_441 : vector<16xi32>
        %shift_right_arithmetic3A_443 = arith.constant 20 : i32
        %shift_right_arithmetic3A_444 = vector.broadcast %shift_right_arithmetic3A_443 : i32 to vector<16xi32>
        %shift_right_arithmetic3A_445 = arith.shrsi %xor3A_442, %shift_right_arithmetic3A_444 : vector<16xi32>
        %add3A_446 = arith.constant 2048 : i32
        %add3A_447 = vector.broadcast %add3A_446 : i32 to vector<16xi32>
        %add3A_448 = arith.addi %shift_right_arithmetic3A_445, %add3A_447 : vector<16xi32>
        %add3A_449 = arith.addi %mul3A_3, %add3A_448 : vector<16xi32>
        tpu.vector_store_idx %arg4[%add3A_449], %broadcast_in_dim3A_4 {add = true} : memref<65536xf32, #tpu.memory_space<vmem>>[vector<16xi32>], vector<16xf32>,
        %mul3A_450 = arith.constant 128 : i32
        %mul3A_451 = arith.muli %scan3A_384, %mul3A_450 : i32
        %add3A_452 = arith.constant 48 : i32
        %add3A_453 = arith.addi %mul3A_451, %add3A_452 : i32
        %get3A_454 = arith.constant 1 : i32
        %get3A_455 = arith.index_cast %get3A_454 : i32 to index
        %get3A_456 = arith.index_cast %add3A_453 : i32 to index
        %get3A_457 = tpu.vector_load %arg5[%get3A_455, %get3A_456] {strides = array<i32>} : memref<2x16384xf32, #tpu.memory_space<vmem>>, vector<16xf32>,
        %bitcast_convert_type3A_458 = tpu.bitcast %get3A_457 : vector<16xf32> -> vector<16xi32>
        %shift_right_arithmetic3A_459 = arith.constant 31 : i32
        %shift_right_arithmetic3A_460 = vector.broadcast %shift_right_arithmetic3A_459 : i32 to vector<16xi32>
        %shift_right_arithmetic3A_461 = arith.shrsi %bitcast_convert_type3A_458, %shift_right_arithmetic3A_460 : vector<16xi32>
        %and3A_462 = arith.constant 2147483647 : i32
        %and3A_463 = vector.broadcast %and3A_462 : i32 to vector<16xi32>
        %and3A_464 = arith.andi %shift_right_arithmetic3A_461, %and3A_463 : vector<16xi32>
        %xor3A_465 = arith.xori %bitcast_convert_type3A_458, %and3A_464 : vector<16xi32>
        %shift_right_arithmetic3A_466 = arith.constant 20 : i32
        %shift_right_arithmetic3A_467 = vector.broadcast %shift_right_arithmetic3A_466 : i32 to vector<16xi32>
        %shift_right_arithmetic3A_468 = arith.shrsi %xor3A_465, %shift_right_arithmetic3A_467 : vector<16xi32>
        %add3A_469 = arith.constant 2048 : i32
        %add3A_470 = vector.broadcast %add3A_469 : i32 to vector<16xi32>
        %add3A_471 = arith.addi %shift_right_arithmetic3A_468, %add3A_470 : vector<16xi32>
        %add3A_472 = arith.addi %mul3A_3, %add3A_471 : vector<16xi32>
        tpu.vector_store_idx %arg4[%add3A_472], %broadcast_in_dim3A_4 {add = true} : memref<65536xf32, #tpu.memory_space<vmem>>[vector<16xi32>], vector<16xf32>,
        %mul3A_473 = arith.constant 128 : i32
        %mul3A_474 = arith.muli %scan3A_384, %mul3A_473 : i32
        %add3A_475 = arith.constant 64 : i32
        %add3A_476 = arith.addi %mul3A_474, %add3A_475 : i32
        %get3A_477 = arith.constant 1 : i32
        %get3A_478 = arith.index_cast %get3A_477 : i32 to index
        %get3A_479 = arith.index_cast %add3A_476 : i32 to index
        %get3A_480 = tpu.vector_load %arg5[%get3A_478, %get3A_479] {strides = array<i32>} : memref<2x16384xf32, #tpu.memory_space<vmem>>, vector<16xf32>,
        %bitcast_convert_type3A_481 = tpu.bitcast %get3A_480 : vector<16xf32> -> vector<16xi32>
        %shift_right_arithmetic3A_482 = arith.constant 31 : i32
        %shift_right_arithmetic3A_483 = vector.broadcast %shift_right_arithmetic3A_482 : i32 to vector<16xi32>
        %shift_right_arithmetic3A_484 = arith.shrsi %bitcast_convert_type3A_481, %shift_right_arithmetic3A_483 : vector<16xi32>
        %and3A_485 = arith.constant 2147483647 : i32
        %and3A_486 = vector.broadcast %and3A_485 : i32 to vector<16xi32>
        %and3A_487 = arith.andi %shift_right_arithmetic3A_484, %and3A_486 : vector<16xi32>
        %xor3A_488 = arith.xori %bitcast_convert_type3A_481, %and3A_487 : vector<16xi32>
        %shift_right_arithmetic3A_489 = arith.constant 20 : i32
        %shift_right_arithmetic3A_490 = vector.broadcast %shift_right_arithmetic3A_489 : i32 to vector<16xi32>
        %shift_right_arithmetic3A_491 = arith.shrsi %xor3A_488, %shift_right_arithmetic3A_490 : vector<16xi32>
        %add3A_492 = arith.constant 2048 : i32
        %add3A_493 = vector.broadcast %add3A_492 : i32 to vector<16xi32>
        %add3A_494 = arith.addi %shift_right_arithmetic3A_491, %add3A_493 : vector<16xi32>
        %add3A_495 = arith.addi %mul3A_3, %add3A_494 : vector<16xi32>
        tpu.vector_store_idx %arg4[%add3A_495], %broadcast_in_dim3A_4 {add = true} : memref<65536xf32, #tpu.memory_space<vmem>>[vector<16xi32>], vector<16xf32>,
        %mul3A_496 = arith.constant 128 : i32
        %mul3A_497 = arith.muli %scan3A_384, %mul3A_496 : i32
        %add3A_498 = arith.constant 80 : i32
        %add3A_499 = arith.addi %mul3A_497, %add3A_498 : i32
        %get3A_500 = arith.constant 1 : i32
        %get3A_501 = arith.index_cast %get3A_500 : i32 to index
        %get3A_502 = arith.index_cast %add3A_499 : i32 to index
        %get3A_503 = tpu.vector_load %arg5[%get3A_501, %get3A_502] {strides = array<i32>} : memref<2x16384xf32, #tpu.memory_space<vmem>>, vector<16xf32>,
        %bitcast_convert_type3A_504 = tpu.bitcast %get3A_503 : vector<16xf32> -> vector<16xi32>
        %shift_right_arithmetic3A_505 = arith.constant 31 : i32
        %shift_right_arithmetic3A_506 = vector.broadcast %shift_right_arithmetic3A_505 : i32 to vector<16xi32>
        %shift_right_arithmetic3A_507 = arith.shrsi %bitcast_convert_type3A_504, %shift_right_arithmetic3A_506 : vector<16xi32>
        %and3A_508 = arith.constant 2147483647 : i32
        %and3A_509 = vector.broadcast %and3A_508 : i32 to vector<16xi32>
        %and3A_510 = arith.andi %shift_right_arithmetic3A_507, %and3A_509 : vector<16xi32>
        %xor3A_511 = arith.xori %bitcast_convert_type3A_504, %and3A_510 : vector<16xi32>
        %shift_right_arithmetic3A_512 = arith.constant 20 : i32
        %shift_right_arithmetic3A_513 = vector.broadcast %shift_right_arithmetic3A_512 : i32 to vector<16xi32>
        %shift_right_arithmetic3A_514 = arith.shrsi %xor3A_511, %shift_right_arithmetic3A_513 : vector<16xi32>
        %add3A_515 = arith.constant 2048 : i32
        %add3A_516 = vector.broadcast %add3A_515 : i32 to vector<16xi32>
        %add3A_517 = arith.addi %shift_right_arithmetic3A_514, %add3A_516 : vector<16xi32>
        %add3A_518 = arith.addi %mul3A_3, %add3A_517 : vector<16xi32>
        tpu.vector_store_idx %arg4[%add3A_518], %broadcast_in_dim3A_4 {add = true} : memref<65536xf32, #tpu.memory_space<vmem>>[vector<16xi32>], vector<16xf32>,
        %mul3A_519 = arith.constant 128 : i32
        %mul3A_520 = arith.muli %scan3A_384, %mul3A_519 : i32
        %add3A_521 = arith.constant 96 : i32
        %add3A_522 = arith.addi %mul3A_520, %add3A_521 : i32
        %get3A_523 = arith.constant 1 : i32
        %get3A_524 = arith.index_cast %get3A_523 : i32 to index
        %get3A_525 = arith.index_cast %add3A_522 : i32 to index
        %get3A_526 = tpu.vector_load %arg5[%get3A_524, %get3A_525] {strides = array<i32>} : memref<2x16384xf32, #tpu.memory_space<vmem>>, vector<16xf32>,
        %bitcast_convert_type3A_527 = tpu.bitcast %get3A_526 : vector<16xf32> -> vector<16xi32>
        %shift_right_arithmetic3A_528 = arith.constant 31 : i32
        %shift_right_arithmetic3A_529 = vector.broadcast %shift_right_arithmetic3A_528 : i32 to vector<16xi32>
        %shift_right_arithmetic3A_530 = arith.shrsi %bitcast_convert_type3A_527, %shift_right_arithmetic3A_529 : vector<16xi32>
        %and3A_531 = arith.constant 2147483647 : i32
        %and3A_532 = vector.broadcast %and3A_531 : i32 to vector<16xi32>
        %and3A_533 = arith.andi %shift_right_arithmetic3A_530, %and3A_532 : vector<16xi32>
        %xor3A_534 = arith.xori %bitcast_convert_type3A_527, %and3A_533 : vector<16xi32>
        %shift_right_arithmetic3A_535 = arith.constant 20 : i32
        %shift_right_arithmetic3A_536 = vector.broadcast %shift_right_arithmetic3A_535 : i32 to vector<16xi32>
        %shift_right_arithmetic3A_537 = arith.shrsi %xor3A_534, %shift_right_arithmetic3A_536 : vector<16xi32>
        %add3A_538 = arith.constant 2048 : i32
        %add3A_539 = vector.broadcast %add3A_538 : i32 to vector<16xi32>
        %add3A_540 = arith.addi %shift_right_arithmetic3A_537, %add3A_539 : vector<16xi32>
        %add3A_541 = arith.addi %mul3A_3, %add3A_540 : vector<16xi32>
        tpu.vector_store_idx %arg4[%add3A_541], %broadcast_in_dim3A_4 {add = true} : memref<65536xf32, #tpu.memory_space<vmem>>[vector<16xi32>], vector<16xf32>,
        %mul3A_542 = arith.constant 128 : i32
        %mul3A_543 = arith.muli %scan3A_384, %mul3A_542 : i32
        %add3A_544 = arith.constant 112 : i32
        %add3A_545 = arith.addi %mul3A_543, %add3A_544 : i32
        %get3A_546 = arith.constant 1 : i32
        %get3A_547 = arith.index_cast %get3A_546 : i32 to index
        %get3A_548 = arith.index_cast %add3A_545 : i32 to index
        %get3A_549 = tpu.vector_load %arg5[%get3A_547, %get3A_548] {strides = array<i32>} : memref<2x16384xf32, #tpu.memory_space<vmem>>, vector<16xf32>,
        %bitcast_convert_type3A_550 = tpu.bitcast %get3A_549 : vector<16xf32> -> vector<16xi32>
        %shift_right_arithmetic3A_551 = arith.constant 31 : i32
        %shift_right_arithmetic3A_552 = vector.broadcast %shift_right_arithmetic3A_551 : i32 to vector<16xi32>
        %shift_right_arithmetic3A_553 = arith.shrsi %bitcast_convert_type3A_550, %shift_right_arithmetic3A_552 : vector<16xi32>
        %and3A_554 = arith.constant 2147483647 : i32
        %and3A_555 = vector.broadcast %and3A_554 : i32 to vector<16xi32>
        %and3A_556 = arith.andi %shift_right_arithmetic3A_553, %and3A_555 : vector<16xi32>
        %xor3A_557 = arith.xori %bitcast_convert_type3A_550, %and3A_556 : vector<16xi32>
        %shift_right_arithmetic3A_558 = arith.constant 20 : i32
        %shift_right_arithmetic3A_559 = vector.broadcast %shift_right_arithmetic3A_558 : i32 to vector<16xi32>
        %shift_right_arithmetic3A_560 = arith.shrsi %xor3A_557, %shift_right_arithmetic3A_559 : vector<16xi32>
        %add3A_561 = arith.constant 2048 : i32
        %add3A_562 = vector.broadcast %add3A_561 : i32 to vector<16xi32>
        %add3A_563 = arith.addi %shift_right_arithmetic3A_560, %add3A_562 : vector<16xi32>
        %add3A_564 = arith.addi %mul3A_3, %add3A_563 : vector<16xi32>
        tpu.vector_store_idx %arg4[%add3A_564], %broadcast_in_dim3A_4 {add = true} : memref<65536xf32, #tpu.memory_space<vmem>>[vector<16xi32>], vector<16xf32>,
        %scan3A_565 = arith.constant 0 : i32
        scf.yield %scan3A_565 : i32
      }
      %scan3A_272 = arith.constant 128 : i32
      %mul3A_273 = arith.constant 147456 : i32
      %mul3A_274 = arith.muli %add3A_15, %mul3A_273 : i32
      %add3A_275 = arith.constant 114688 : i32
      %add3A_276 = arith.addi %mul3A_274, %add3A_275 : i32
      %dma_start3A_277 = arith.constant 1 : i32
      %dma_start3A_278 = arith.constant 1 : i32
      %dma_start3A_279 = arith.constant 0 : i32
      %dma_start3A_280 = tpu.memref_slice %arg5[%dma_start3A_277, %dma_start3A_279] : memref<2x16384xf32, #tpu.memory_space<vmem>> -> memref<1x16384xf32, #tpu.memory_space<vmem>>
      %dma_start3A_281 = tpu.memref_squeeze %dma_start3A_280 : memref<1x16384xf32, #tpu.memory_space<vmem>> -> memref<16384xf32, #tpu.memory_space<vmem>>
      %dma_start3A_282 = tpu.memref_slice %arg2[%add3A_276] : memref<14155776xf32, #tpu.memory_space<hbm>> -> memref<16384xf32, #tpu.memory_space<hbm>>
      %dma_start3A_283 = tpu.memref_slice %arg7[%dma_start3A_278] : memref<2x!tpu.dma_semaphore, #tpu.memory_space<semaphore_mem>> -> memref<1x!tpu.dma_semaphore, #tpu.memory_space<semaphore_mem>>
      %dma_start3A_284 = tpu.memref_squeeze %dma_start3A_283 : memref<1x!tpu.dma_semaphore, #tpu.memory_space<semaphore_mem>> -> memref<!tpu.dma_semaphore, #tpu.memory_space<semaphore_mem>>
      %dma_start3A_285 = arith.constant 0 : i32
      %dma_start3A_286 = tpu.memref_slice %arg5[%dma_start3A_277, %dma_start3A_285] : memref<2x16384xf32, #tpu.memory_space<vmem>> -> memref<1x16384xf32, #tpu.memory_space<vmem>>
      %dma_start3A_287 = tpu.memref_squeeze %dma_start3A_286 : memref<1x16384xf32, #tpu.memory_space<vmem>> -> memref<16384xf32, #tpu.memory_space<vmem>>
      %dma_start3A_288 = tpu.memref_slice %arg2[%add3A_276] : memref<14155776xf32, #tpu.memory_space<hbm>> -> memref<16384xf32, #tpu.memory_space<hbm>>
      tpu.enqueue_dma source(%dma_start3A_288 : memref<16384xf32, #tpu.memory_space<hbm>>) target(%dma_start3A_287 : memref<16384xf32, #tpu.memory_space<vmem>>) target_semaphore(%dma_start3A_284 : memref<!tpu.dma_semaphore, #tpu.memory_space<semaphore_mem>>)
      %mul3A_289 = arith.constant 147456 : i32
      %mul3A_290 = arith.muli %add3A_15, %mul3A_289 : i32
      %add3A_291 = arith.constant 98304 : i32
      %add3A_292 = arith.addi %mul3A_290, %add3A_291 : i32
      %dma_wait3A_293 = arith.constant 0 : i32
      %dma_wait3A_294 = arith.constant 0 : i32
      %dma_wait3A_295 = arith.constant 0 : i32
      %dma_wait3A_296 = tpu.memref_slice %arg5[%dma_wait3A_293, %dma_wait3A_295] : memref<2x16384xf32, #tpu.memory_space<vmem>> -> memref<1x16384xf32, #tpu.memory_space<vmem>>
      %dma_wait3A_297 = tpu.memref_squeeze %dma_wait3A_296 : memref<1x16384xf32, #tpu.memory_space<vmem>> -> memref<16384xf32, #tpu.memory_space<vmem>>
      %dma_wait3A_298 = tpu.memref_slice %arg2[%add3A_292] : memref<14155776xf32, #tpu.memory_space<hbm>> -> memref<16384xf32, #tpu.memory_space<hbm>>
      %dma_wait3A_299 = tpu.memref_slice %arg7[%dma_wait3A_294] : memref<2x!tpu.dma_semaphore, #tpu.memory_space<semaphore_mem>> -> memref<1x!tpu.dma_semaphore, #tpu.memory_space<semaphore_mem>>
      %dma_wait3A_300 = tpu.memref_squeeze %dma_wait3A_299 : memref<1x!tpu.dma_semaphore, #tpu.memory_space<semaphore_mem>> -> memref<!tpu.dma_semaphore, #tpu.memory_space<semaphore_mem>>
      %dma_wait3A_301 = arith.constant 0 : i32
      %dma_wait3A_302 = tpu.memref_slice %arg5[%dma_wait3A_293, %dma_wait3A_301] : memref<2x16384xf32, #tpu.memory_space<vmem>> -> memref<1x16384xf32, #tpu.memory_space<vmem>>
      %dma_wait3A_303 = tpu.memref_squeeze %dma_wait3A_302 : memref<1x16384xf32, #tpu.memory_space<vmem>> -> memref<16384xf32, #tpu.memory_space<vmem>>
      %dma_wait3A_304 = tpu.memref_slice %arg2[%add3A_292] : memref<14155776xf32, #tpu.memory_space<hbm>> -> memref<16384xf32, #tpu.memory_space<hbm>>
      tpu.wait_dma2 semaphore(%dma_wait3A_300 : memref<!tpu.dma_semaphore, #tpu.memory_space<semaphore_mem>>) src(%dma_wait3A_304 : memref<16384xf32, #tpu.memory_space<hbm>>) dst(%dma_wait3A_303 : memref<16384xf32, #tpu.memory_space<vmem>>)
      %scan3A_305 = arith.constant 0 : i32
      %scan3A_306 = arith.constant 0 : i32
      %scan3A_307 = arith.constant 128 : i32
      %scan3A_308 = arith.addi %scan3A_306, %scan3A_307 : i32
      %scan3A_309 = arith.constant 1 : i32
      %scan3A_310 = scf.for %scan3A_384 = %scan3A_306 to %scan3A_308 step %scan3A_309 iter_args(%scan3A_385 = %scan3A_305) -> (i32)  : i32 {
        %mul3A_386 = arith.constant 128 : i32
        %mul3A_387 = arith.muli %scan3A_384, %mul3A_386 : i32
        %add3A_388 = arith.constant 0 : i32
        %add3A_389 = arith.addi %mul3A_387, %add3A_388 : i32
        %get3A = arith.constant 0 : i32
        %get3A_390 = arith.index_cast %get3A : i32 to index
        %get3A_391 = arith.index_cast %add3A_389 : i32 to index
        %get3A_392 = tpu.vector_load %arg5[%get3A_390, %get3A_391] {strides = array<i32>} : memref<2x16384xf32, #tpu.memory_space<vmem>>, vector<16xf32>,
        %bitcast_convert_type3A = tpu.bitcast %get3A_392 : vector<16xf32> -> vector<16xi32>
        %shift_right_arithmetic3A = arith.constant 31 : i32
        %shift_right_arithmetic3A_393 = vector.broadcast %shift_right_arithmetic3A : i32 to vector<16xi32>
        %shift_right_arithmetic3A_394 = arith.shrsi %bitcast_convert_type3A, %shift_right_arithmetic3A_393 : vector<16xi32>
        %and3A = arith.constant 2147483647 : i32
        %and3A_395 = vector.broadcast %and3A : i32 to vector<16xi32>
        %and3A_396 = arith.andi %shift_right_arithmetic3A_394, %and3A_395 : vector<16xi32>
        %xor3A = arith.xori %bitcast_convert_type3A, %and3A_396 : vector<16xi32>
        %shift_right_arithmetic3A_397 = arith.constant 20 : i32
        %shift_right_arithmetic3A_398 = vector.broadcast %shift_right_arithmetic3A_397 : i32 to vector<16xi32>
        %shift_right_arithmetic3A_399 = arith.shrsi %xor3A, %shift_right_arithmetic3A_398 : vector<16xi32>
        %add3A_400 = arith.constant 2048 : i32
        %add3A_401 = vector.broadcast %add3A_400 : i32 to vector<16xi32>
        %add3A_402 = arith.addi %shift_right_arithmetic3A_399, %add3A_401 : vector<16xi32>
        %add3A_403 = arith.addi %mul3A_3, %add3A_402 : vector<16xi32>
        tpu.vector_store_idx %arg4[%add3A_403], %broadcast_in_dim3A_4 {add = true} : memref<65536xf32, #tpu.memory_space<vmem>>[vector<16xi32>], vector<16xf32>,
        %mul3A_404 = arith.constant 128 : i32
        %mul3A_405 = arith.muli %scan3A_384, %mul3A_404 : i32
        %add3A_406 = arith.constant 16 : i32
        %add3A_407 = arith.addi %mul3A_405, %add3A_406 : i32
        %get3A_408 = arith.constant 0 : i32
        %get3A_409 = arith.index_cast %get3A_408 : i32 to index
        %get3A_410 = arith.index_cast %add3A_407 : i32 to index
        %get3A_411 = tpu.vector_load %arg5[%get3A_409, %get3A_410] {strides = array<i32>} : memref<2x16384xf32, #tpu.memory_space<vmem>>, vector<16xf32>,
        %bitcast_convert_type3A_412 = tpu.bitcast %get3A_411 : vector<16xf32> -> vector<16xi32>
        %shift_right_arithmetic3A_413 = arith.constant 31 : i32
        %shift_right_arithmetic3A_414 = vector.broadcast %shift_right_arithmetic3A_413 : i32 to vector<16xi32>
        %shift_right_arithmetic3A_415 = arith.shrsi %bitcast_convert_type3A_412, %shift_right_arithmetic3A_414 : vector<16xi32>
        %and3A_416 = arith.constant 2147483647 : i32
        %and3A_417 = vector.broadcast %and3A_416 : i32 to vector<16xi32>
        %and3A_418 = arith.andi %shift_right_arithmetic3A_415, %and3A_417 : vector<16xi32>
        %xor3A_419 = arith.xori %bitcast_convert_type3A_412, %and3A_418 : vector<16xi32>
        %shift_right_arithmetic3A_420 = arith.constant 20 : i32
        %shift_right_arithmetic3A_421 = vector.broadcast %shift_right_arithmetic3A_420 : i32 to vector<16xi32>
        %shift_right_arithmetic3A_422 = arith.shrsi %xor3A_419, %shift_right_arithmetic3A_421 : vector<16xi32>
        %add3A_423 = arith.constant 2048 : i32
        %add3A_424 = vector.broadcast %add3A_423 : i32 to vector<16xi32>
        %add3A_425 = arith.addi %shift_right_arithmetic3A_422, %add3A_424 : vector<16xi32>
        %add3A_426 = arith.addi %mul3A_3, %add3A_425 : vector<16xi32>
        tpu.vector_store_idx %arg4[%add3A_426], %broadcast_in_dim3A_4 {add = true} : memref<65536xf32, #tpu.memory_space<vmem>>[vector<16xi32>], vector<16xf32>,
        %mul3A_427 = arith.constant 128 : i32
        %mul3A_428 = arith.muli %scan3A_384, %mul3A_427 : i32
        %add3A_429 = arith.constant 32 : i32
        %add3A_430 = arith.addi %mul3A_428, %add3A_429 : i32
        %get3A_431 = arith.constant 0 : i32
        %get3A_432 = arith.index_cast %get3A_431 : i32 to index
        %get3A_433 = arith.index_cast %add3A_430 : i32 to index
        %get3A_434 = tpu.vector_load %arg5[%get3A_432, %get3A_433] {strides = array<i32>} : memref<2x16384xf32, #tpu.memory_space<vmem>>, vector<16xf32>,
        %bitcast_convert_type3A_435 = tpu.bitcast %get3A_434 : vector<16xf32> -> vector<16xi32>
        %shift_right_arithmetic3A_436 = arith.constant 31 : i32
        %shift_right_arithmetic3A_437 = vector.broadcast %shift_right_arithmetic3A_436 : i32 to vector<16xi32>
        %shift_right_arithmetic3A_438 = arith.shrsi %bitcast_convert_type3A_435, %shift_right_arithmetic3A_437 : vector<16xi32>
        %and3A_439 = arith.constant 2147483647 : i32
        %and3A_440 = vector.broadcast %and3A_439 : i32 to vector<16xi32>
        %and3A_441 = arith.andi %shift_right_arithmetic3A_438, %and3A_440 : vector<16xi32>
        %xor3A_442 = arith.xori %bitcast_convert_type3A_435, %and3A_441 : vector<16xi32>
        %shift_right_arithmetic3A_443 = arith.constant 20 : i32
        %shift_right_arithmetic3A_444 = vector.broadcast %shift_right_arithmetic3A_443 : i32 to vector<16xi32>
        %shift_right_arithmetic3A_445 = arith.shrsi %xor3A_442, %shift_right_arithmetic3A_444 : vector<16xi32>
        %add3A_446 = arith.constant 2048 : i32
        %add3A_447 = vector.broadcast %add3A_446 : i32 to vector<16xi32>
        %add3A_448 = arith.addi %shift_right_arithmetic3A_445, %add3A_447 : vector<16xi32>
        %add3A_449 = arith.addi %mul3A_3, %add3A_448 : vector<16xi32>
        tpu.vector_store_idx %arg4[%add3A_449], %broadcast_in_dim3A_4 {add = true} : memref<65536xf32, #tpu.memory_space<vmem>>[vector<16xi32>], vector<16xf32>,
        %mul3A_450 = arith.constant 128 : i32
        %mul3A_451 = arith.muli %scan3A_384, %mul3A_450 : i32
        %add3A_452 = arith.constant 48 : i32
        %add3A_453 = arith.addi %mul3A_451, %add3A_452 : i32
        %get3A_454 = arith.constant 0 : i32
        %get3A_455 = arith.index_cast %get3A_454 : i32 to index
        %get3A_456 = arith.index_cast %add3A_453 : i32 to index
        %get3A_457 = tpu.vector_load %arg5[%get3A_455, %get3A_456] {strides = array<i32>} : memref<2x16384xf32, #tpu.memory_space<vmem>>, vector<16xf32>,
        %bitcast_convert_type3A_458 = tpu.bitcast %get3A_457 : vector<16xf32> -> vector<16xi32>
        %shift_right_arithmetic3A_459 = arith.constant 31 : i32
        %shift_right_arithmetic3A_460 = vector.broadcast %shift_right_arithmetic3A_459 : i32 to vector<16xi32>
        %shift_right_arithmetic3A_461 = arith.shrsi %bitcast_convert_type3A_458, %shift_right_arithmetic3A_460 : vector<16xi32>
        %and3A_462 = arith.constant 2147483647 : i32
        %and3A_463 = vector.broadcast %and3A_462 : i32 to vector<16xi32>
        %and3A_464 = arith.andi %shift_right_arithmetic3A_461, %and3A_463 : vector<16xi32>
        %xor3A_465 = arith.xori %bitcast_convert_type3A_458, %and3A_464 : vector<16xi32>
        %shift_right_arithmetic3A_466 = arith.constant 20 : i32
        %shift_right_arithmetic3A_467 = vector.broadcast %shift_right_arithmetic3A_466 : i32 to vector<16xi32>
        %shift_right_arithmetic3A_468 = arith.shrsi %xor3A_465, %shift_right_arithmetic3A_467 : vector<16xi32>
        %add3A_469 = arith.constant 2048 : i32
        %add3A_470 = vector.broadcast %add3A_469 : i32 to vector<16xi32>
        %add3A_471 = arith.addi %shift_right_arithmetic3A_468, %add3A_470 : vector<16xi32>
        %add3A_472 = arith.addi %mul3A_3, %add3A_471 : vector<16xi32>
        tpu.vector_store_idx %arg4[%add3A_472], %broadcast_in_dim3A_4 {add = true} : memref<65536xf32, #tpu.memory_space<vmem>>[vector<16xi32>], vector<16xf32>,
        %mul3A_473 = arith.constant 128 : i32
        %mul3A_474 = arith.muli %scan3A_384, %mul3A_473 : i32
        %add3A_475 = arith.constant 64 : i32
        %add3A_476 = arith.addi %mul3A_474, %add3A_475 : i32
        %get3A_477 = arith.constant 0 : i32
        %get3A_478 = arith.index_cast %get3A_477 : i32 to index
        %get3A_479 = arith.index_cast %add3A_476 : i32 to index
        %get3A_480 = tpu.vector_load %arg5[%get3A_478, %get3A_479] {strides = array<i32>} : memref<2x16384xf32, #tpu.memory_space<vmem>>, vector<16xf32>,
        %bitcast_convert_type3A_481 = tpu.bitcast %get3A_480 : vector<16xf32> -> vector<16xi32>
        %shift_right_arithmetic3A_482 = arith.constant 31 : i32
        %shift_right_arithmetic3A_483 = vector.broadcast %shift_right_arithmetic3A_482 : i32 to vector<16xi32>
        %shift_right_arithmetic3A_484 = arith.shrsi %bitcast_convert_type3A_481, %shift_right_arithmetic3A_483 : vector<16xi32>
        %and3A_485 = arith.constant 2147483647 : i32
        %and3A_486 = vector.broadcast %and3A_485 : i32 to vector<16xi32>
        %and3A_487 = arith.andi %shift_right_arithmetic3A_484, %and3A_486 : vector<16xi32>
        %xor3A_488 = arith.xori %bitcast_convert_type3A_481, %and3A_487 : vector<16xi32>
        %shift_right_arithmetic3A_489 = arith.constant 20 : i32
        %shift_right_arithmetic3A_490 = vector.broadcast %shift_right_arithmetic3A_489 : i32 to vector<16xi32>
        %shift_right_arithmetic3A_491 = arith.shrsi %xor3A_488, %shift_right_arithmetic3A_490 : vector<16xi32>
        %add3A_492 = arith.constant 2048 : i32
        %add3A_493 = vector.broadcast %add3A_492 : i32 to vector<16xi32>
        %add3A_494 = arith.addi %shift_right_arithmetic3A_491, %add3A_493 : vector<16xi32>
        %add3A_495 = arith.addi %mul3A_3, %add3A_494 : vector<16xi32>
        tpu.vector_store_idx %arg4[%add3A_495], %broadcast_in_dim3A_4 {add = true} : memref<65536xf32, #tpu.memory_space<vmem>>[vector<16xi32>], vector<16xf32>,
        %mul3A_496 = arith.constant 128 : i32
        %mul3A_497 = arith.muli %scan3A_384, %mul3A_496 : i32
        %add3A_498 = arith.constant 80 : i32
        %add3A_499 = arith.addi %mul3A_497, %add3A_498 : i32
        %get3A_500 = arith.constant 0 : i32
        %get3A_501 = arith.index_cast %get3A_500 : i32 to index
        %get3A_502 = arith.index_cast %add3A_499 : i32 to index
        %get3A_503 = tpu.vector_load %arg5[%get3A_501, %get3A_502] {strides = array<i32>} : memref<2x16384xf32, #tpu.memory_space<vmem>>, vector<16xf32>,
        %bitcast_convert_type3A_504 = tpu.bitcast %get3A_503 : vector<16xf32> -> vector<16xi32>
        %shift_right_arithmetic3A_505 = arith.constant 31 : i32
        %shift_right_arithmetic3A_506 = vector.broadcast %shift_right_arithmetic3A_505 : i32 to vector<16xi32>
        %shift_right_arithmetic3A_507 = arith.shrsi %bitcast_convert_type3A_504, %shift_right_arithmetic3A_506 : vector<16xi32>
        %and3A_508 = arith.constant 2147483647 : i32
        %and3A_509 = vector.broadcast %and3A_508 : i32 to vector<16xi32>
        %and3A_510 = arith.andi %shift_right_arithmetic3A_507, %and3A_509 : vector<16xi32>
        %xor3A_511 = arith.xori %bitcast_convert_type3A_504, %and3A_510 : vector<16xi32>
        %shift_right_arithmetic3A_512 = arith.constant 20 : i32
        %shift_right_arithmetic3A_513 = vector.broadcast %shift_right_arithmetic3A_512 : i32 to vector<16xi32>
        %shift_right_arithmetic3A_514 = arith.shrsi %xor3A_511, %shift_right_arithmetic3A_513 : vector<16xi32>
        %add3A_515 = arith.constant 2048 : i32
        %add3A_516 = vector.broadcast %add3A_515 : i32 to vector<16xi32>
        %add3A_517 = arith.addi %shift_right_arithmetic3A_514, %add3A_516 : vector<16xi32>
        %add3A_518 = arith.addi %mul3A_3, %add3A_517 : vector<16xi32>
        tpu.vector_store_idx %arg4[%add3A_518], %broadcast_in_dim3A_4 {add = true} : memref<65536xf32, #tpu.memory_space<vmem>>[vector<16xi32>], vector<16xf32>,
        %mul3A_519 = arith.constant 128 : i32
        %mul3A_520 = arith.muli %scan3A_384, %mul3A_519 : i32
        %add3A_521 = arith.constant 96 : i32
        %add3A_522 = arith.addi %mul3A_520, %add3A_521 : i32
        %get3A_523 = arith.constant 0 : i32
        %get3A_524 = arith.index_cast %get3A_523 : i32 to index
        %get3A_525 = arith.index_cast %add3A_522 : i32 to index
        %get3A_526 = tpu.vector_load %arg5[%get3A_524, %get3A_525] {strides = array<i32>} : memref<2x16384xf32, #tpu.memory_space<vmem>>, vector<16xf32>,
        %bitcast_convert_type3A_527 = tpu.bitcast %get3A_526 : vector<16xf32> -> vector<16xi32>
        %shift_right_arithmetic3A_528 = arith.constant 31 : i32
        %shift_right_arithmetic3A_529 = vector.broadcast %shift_right_arithmetic3A_528 : i32 to vector<16xi32>
        %shift_right_arithmetic3A_530 = arith.shrsi %bitcast_convert_type3A_527, %shift_right_arithmetic3A_529 : vector<16xi32>
        %and3A_531 = arith.constant 2147483647 : i32
        %and3A_532 = vector.broadcast %and3A_531 : i32 to vector<16xi32>
        %and3A_533 = arith.andi %shift_right_arithmetic3A_530, %and3A_532 : vector<16xi32>
        %xor3A_534 = arith.xori %bitcast_convert_type3A_527, %and3A_533 : vector<16xi32>
        %shift_right_arithmetic3A_535 = arith.constant 20 : i32
        %shift_right_arithmetic3A_536 = vector.broadcast %shift_right_arithmetic3A_535 : i32 to vector<16xi32>
        %shift_right_arithmetic3A_537 = arith.shrsi %xor3A_534, %shift_right_arithmetic3A_536 : vector<16xi32>
        %add3A_538 = arith.constant 2048 : i32
        %add3A_539 = vector.broadcast %add3A_538 : i32 to vector<16xi32>
        %add3A_540 = arith.addi %shift_right_arithmetic3A_537, %add3A_539 : vector<16xi32>
        %add3A_541 = arith.addi %mul3A_3, %add3A_540 : vector<16xi32>
        tpu.vector_store_idx %arg4[%add3A_541], %broadcast_in_dim3A_4 {add = true} : memref<65536xf32, #tpu.memory_space<vmem>>[vector<16xi32>], vector<16xf32>,
        %mul3A_542 = arith.constant 128 : i32
        %mul3A_543 = arith.muli %scan3A_384, %mul3A_542 : i32
        %add3A_544 = arith.constant 112 : i32
        %add3A_545 = arith.addi %mul3A_543, %add3A_544 : i32
        %get3A_546 = arith.constant 0 : i32
        %get3A_547 = arith.index_cast %get3A_546 : i32 to index
        %get3A_548 = arith.index_cast %add3A_545 : i32 to index
        %get3A_549 = tpu.vector_load %arg5[%get3A_547, %get3A_548] {strides = array<i32>} : memref<2x16384xf32, #tpu.memory_space<vmem>>, vector<16xf32>,
        %bitcast_convert_type3A_550 = tpu.bitcast %get3A_549 : vector<16xf32> -> vector<16xi32>
        %shift_right_arithmetic3A_551 = arith.constant 31 : i32
        %shift_right_arithmetic3A_552 = vector.broadcast %shift_right_arithmetic3A_551 : i32 to vector<16xi32>
        %shift_right_arithmetic3A_553 = arith.shrsi %bitcast_convert_type3A_550, %shift_right_arithmetic3A_552 : vector<16xi32>
        %and3A_554 = arith.constant 2147483647 : i32
        %and3A_555 = vector.broadcast %and3A_554 : i32 to vector<16xi32>
        %and3A_556 = arith.andi %shift_right_arithmetic3A_553, %and3A_555 : vector<16xi32>
        %xor3A_557 = arith.xori %bitcast_convert_type3A_550, %and3A_556 : vector<16xi32>
        %shift_right_arithmetic3A_558 = arith.constant 20 : i32
        %shift_right_arithmetic3A_559 = vector.broadcast %shift_right_arithmetic3A_558 : i32 to vector<16xi32>
        %shift_right_arithmetic3A_560 = arith.shrsi %xor3A_557, %shift_right_arithmetic3A_559 : vector<16xi32>
        %add3A_561 = arith.constant 2048 : i32
        %add3A_562 = vector.broadcast %add3A_561 : i32 to vector<16xi32>
        %add3A_563 = arith.addi %shift_right_arithmetic3A_560, %add3A_562 : vector<16xi32>
        %add3A_564 = arith.addi %mul3A_3, %add3A_563 : vector<16xi32>
        tpu.vector_store_idx %arg4[%add3A_564], %broadcast_in_dim3A_4 {add = true} : memref<65536xf32, #tpu.memory_space<vmem>>[vector<16xi32>], vector<16xf32>,
        %scan3A_565 = arith.constant 0 : i32
        scf.yield %scan3A_565 : i32
      }
      %scan3A_311 = arith.constant 128 : i32
      %mul3A_312 = arith.constant 147456 : i32
      %mul3A_313 = arith.muli %add3A_15, %mul3A_312 : i32
      %add3A_314 = arith.constant 131072 : i32
      %add3A_315 = arith.addi %mul3A_313, %add3A_314 : i32
      %dma_start3A_316 = arith.constant 0 : i32
      %dma_start3A_317 = arith.constant 0 : i32
      %dma_start3A_318 = arith.constant 0 : i32
      %dma_start3A_319 = tpu.memref_slice %arg5[%dma_start3A_316, %dma_start3A_318] : memref<2x16384xf32, #tpu.memory_space<vmem>> -> memref<1x16384xf32, #tpu.memory_space<vmem>>
      %dma_start3A_320 = tpu.memref_squeeze %dma_start3A_319 : memref<1x16384xf32, #tpu.memory_space<vmem>> -> memref<16384xf32, #tpu.memory_space<vmem>>
      %dma_start3A_321 = tpu.memref_slice %arg2[%add3A_315] : memref<14155776xf32, #tpu.memory_space<hbm>> -> memref<16384xf32, #tpu.memory_space<hbm>>
      %dma_start3A_322 = tpu.memref_slice %arg7[%dma_start3A_317] : memref<2x!tpu.dma_semaphore, #tpu.memory_space<semaphore_mem>> -> memref<1x!tpu.dma_semaphore, #tpu.memory_space<semaphore_mem>>
      %dma_start3A_323 = tpu.memref_squeeze %dma_start3A_322 : memref<1x!tpu.dma_semaphore, #tpu.memory_space<semaphore_mem>> -> memref<!tpu.dma_semaphore, #tpu.memory_space<semaphore_mem>>
      %dma_start3A_324 = arith.constant 0 : i32
      %dma_start3A_325 = tpu.memref_slice %arg5[%dma_start3A_316, %dma_start3A_324] : memref<2x16384xf32, #tpu.memory_space<vmem>> -> memref<1x16384xf32, #tpu.memory_space<vmem>>
      %dma_start3A_326 = tpu.memref_squeeze %dma_start3A_325 : memref<1x16384xf32, #tpu.memory_space<vmem>> -> memref<16384xf32, #tpu.memory_space<vmem>>
      %dma_start3A_327 = tpu.memref_slice %arg2[%add3A_315] : memref<14155776xf32, #tpu.memory_space<hbm>> -> memref<16384xf32, #tpu.memory_space<hbm>>
      tpu.enqueue_dma source(%dma_start3A_327 : memref<16384xf32, #tpu.memory_space<hbm>>) target(%dma_start3A_326 : memref<16384xf32, #tpu.memory_space<vmem>>) target_semaphore(%dma_start3A_323 : memref<!tpu.dma_semaphore, #tpu.memory_space<semaphore_mem>>)
      %mul3A_328 = arith.constant 147456 : i32
      %mul3A_329 = arith.muli %add3A_15, %mul3A_328 : i32
      %add3A_330 = arith.constant 114688 : i32
      %add3A_331 = arith.addi %mul3A_329, %add3A_330 : i32
      %dma_wait3A_332 = arith.constant 1 : i32
      %dma_wait3A_333 = arith.constant 1 : i32
      %dma_wait3A_334 = arith.constant 0 : i32
      %dma_wait3A_335 = tpu.memref_slice %arg5[%dma_wait3A_332, %dma_wait3A_334] : memref<2x16384xf32, #tpu.memory_space<vmem>> -> memref<1x16384xf32, #tpu.memory_space<vmem>>
      %dma_wait3A_336 = tpu.memref_squeeze %dma_wait3A_335 : memref<1x16384xf32, #tpu.memory_space<vmem>> -> memref<16384xf32, #tpu.memory_space<vmem>>
      %dma_wait3A_337 = tpu.memref_slice %arg2[%add3A_331] : memref<14155776xf32, #tpu.memory_space<hbm>> -> memref<16384xf32, #tpu.memory_space<hbm>>
      %dma_wait3A_338 = tpu.memref_slice %arg7[%dma_wait3A_333] : memref<2x!tpu.dma_semaphore, #tpu.memory_space<semaphore_mem>> -> memref<1x!tpu.dma_semaphore, #tpu.memory_space<semaphore_mem>>
      %dma_wait3A_339 = tpu.memref_squeeze %dma_wait3A_338 : memref<1x!tpu.dma_semaphore, #tpu.memory_space<semaphore_mem>> -> memref<!tpu.dma_semaphore, #tpu.memory_space<semaphore_mem>>
      %dma_wait3A_340 = arith.constant 0 : i32
      %dma_wait3A_341 = tpu.memref_slice %arg5[%dma_wait3A_332, %dma_wait3A_340] : memref<2x16384xf32, #tpu.memory_space<vmem>> -> memref<1x16384xf32, #tpu.memory_space<vmem>>
      %dma_wait3A_342 = tpu.memref_squeeze %dma_wait3A_341 : memref<1x16384xf32, #tpu.memory_space<vmem>> -> memref<16384xf32, #tpu.memory_space<vmem>>
      %dma_wait3A_343 = tpu.memref_slice %arg2[%add3A_331] : memref<14155776xf32, #tpu.memory_space<hbm>> -> memref<16384xf32, #tpu.memory_space<hbm>>
      tpu.wait_dma2 semaphore(%dma_wait3A_339 : memref<!tpu.dma_semaphore, #tpu.memory_space<semaphore_mem>>) src(%dma_wait3A_343 : memref<16384xf32, #tpu.memory_space<hbm>>) dst(%dma_wait3A_342 : memref<16384xf32, #tpu.memory_space<vmem>>)
      %scan3A_344 = arith.constant 0 : i32
      %scan3A_345 = arith.constant 0 : i32
      %scan3A_346 = arith.constant 128 : i32
      %scan3A_347 = arith.addi %scan3A_345, %scan3A_346 : i32
      %scan3A_348 = arith.constant 1 : i32
      %scan3A_349 = scf.for %scan3A_384 = %scan3A_345 to %scan3A_347 step %scan3A_348 iter_args(%scan3A_385 = %scan3A_344) -> (i32)  : i32 {
        %mul3A_386 = arith.constant 128 : i32
        %mul3A_387 = arith.muli %scan3A_384, %mul3A_386 : i32
        %add3A_388 = arith.constant 0 : i32
        %add3A_389 = arith.addi %mul3A_387, %add3A_388 : i32
        %get3A = arith.constant 1 : i32
        %get3A_390 = arith.index_cast %get3A : i32 to index
        %get3A_391 = arith.index_cast %add3A_389 : i32 to index
        %get3A_392 = tpu.vector_load %arg5[%get3A_390, %get3A_391] {strides = array<i32>} : memref<2x16384xf32, #tpu.memory_space<vmem>>, vector<16xf32>,
        %bitcast_convert_type3A = tpu.bitcast %get3A_392 : vector<16xf32> -> vector<16xi32>
        %shift_right_arithmetic3A = arith.constant 31 : i32
        %shift_right_arithmetic3A_393 = vector.broadcast %shift_right_arithmetic3A : i32 to vector<16xi32>
        %shift_right_arithmetic3A_394 = arith.shrsi %bitcast_convert_type3A, %shift_right_arithmetic3A_393 : vector<16xi32>
        %and3A = arith.constant 2147483647 : i32
        %and3A_395 = vector.broadcast %and3A : i32 to vector<16xi32>
        %and3A_396 = arith.andi %shift_right_arithmetic3A_394, %and3A_395 : vector<16xi32>
        %xor3A = arith.xori %bitcast_convert_type3A, %and3A_396 : vector<16xi32>
        %shift_right_arithmetic3A_397 = arith.constant 20 : i32
        %shift_right_arithmetic3A_398 = vector.broadcast %shift_right_arithmetic3A_397 : i32 to vector<16xi32>
        %shift_right_arithmetic3A_399 = arith.shrsi %xor3A, %shift_right_arithmetic3A_398 : vector<16xi32>
        %add3A_400 = arith.constant 2048 : i32
        %add3A_401 = vector.broadcast %add3A_400 : i32 to vector<16xi32>
        %add3A_402 = arith.addi %shift_right_arithmetic3A_399, %add3A_401 : vector<16xi32>
        %add3A_403 = arith.addi %mul3A_3, %add3A_402 : vector<16xi32>
        tpu.vector_store_idx %arg4[%add3A_403], %broadcast_in_dim3A_4 {add = true} : memref<65536xf32, #tpu.memory_space<vmem>>[vector<16xi32>], vector<16xf32>,
        %mul3A_404 = arith.constant 128 : i32
        %mul3A_405 = arith.muli %scan3A_384, %mul3A_404 : i32
        %add3A_406 = arith.constant 16 : i32
        %add3A_407 = arith.addi %mul3A_405, %add3A_406 : i32
        %get3A_408 = arith.constant 1 : i32
        %get3A_409 = arith.index_cast %get3A_408 : i32 to index
        %get3A_410 = arith.index_cast %add3A_407 : i32 to index
        %get3A_411 = tpu.vector_load %arg5[%get3A_409, %get3A_410] {strides = array<i32>} : memref<2x16384xf32, #tpu.memory_space<vmem>>, vector<16xf32>,
        %bitcast_convert_type3A_412 = tpu.bitcast %get3A_411 : vector<16xf32> -> vector<16xi32>
        %shift_right_arithmetic3A_413 = arith.constant 31 : i32
        %shift_right_arithmetic3A_414 = vector.broadcast %shift_right_arithmetic3A_413 : i32 to vector<16xi32>
        %shift_right_arithmetic3A_415 = arith.shrsi %bitcast_convert_type3A_412, %shift_right_arithmetic3A_414 : vector<16xi32>
        %and3A_416 = arith.constant 2147483647 : i32
        %and3A_417 = vector.broadcast %and3A_416 : i32 to vector<16xi32>
        %and3A_418 = arith.andi %shift_right_arithmetic3A_415, %and3A_417 : vector<16xi32>
        %xor3A_419 = arith.xori %bitcast_convert_type3A_412, %and3A_418 : vector<16xi32>
        %shift_right_arithmetic3A_420 = arith.constant 20 : i32
        %shift_right_arithmetic3A_421 = vector.broadcast %shift_right_arithmetic3A_420 : i32 to vector<16xi32>
        %shift_right_arithmetic3A_422 = arith.shrsi %xor3A_419, %shift_right_arithmetic3A_421 : vector<16xi32>
        %add3A_423 = arith.constant 2048 : i32
        %add3A_424 = vector.broadcast %add3A_423 : i32 to vector<16xi32>
        %add3A_425 = arith.addi %shift_right_arithmetic3A_422, %add3A_424 : vector<16xi32>
        %add3A_426 = arith.addi %mul3A_3, %add3A_425 : vector<16xi32>
        tpu.vector_store_idx %arg4[%add3A_426], %broadcast_in_dim3A_4 {add = true} : memref<65536xf32, #tpu.memory_space<vmem>>[vector<16xi32>], vector<16xf32>,
        %mul3A_427 = arith.constant 128 : i32
        %mul3A_428 = arith.muli %scan3A_384, %mul3A_427 : i32
        %add3A_429 = arith.constant 32 : i32
        %add3A_430 = arith.addi %mul3A_428, %add3A_429 : i32
        %get3A_431 = arith.constant 1 : i32
        %get3A_432 = arith.index_cast %get3A_431 : i32 to index
        %get3A_433 = arith.index_cast %add3A_430 : i32 to index
        %get3A_434 = tpu.vector_load %arg5[%get3A_432, %get3A_433] {strides = array<i32>} : memref<2x16384xf32, #tpu.memory_space<vmem>>, vector<16xf32>,
        %bitcast_convert_type3A_435 = tpu.bitcast %get3A_434 : vector<16xf32> -> vector<16xi32>
        %shift_right_arithmetic3A_436 = arith.constant 31 : i32
        %shift_right_arithmetic3A_437 = vector.broadcast %shift_right_arithmetic3A_436 : i32 to vector<16xi32>
        %shift_right_arithmetic3A_438 = arith.shrsi %bitcast_convert_type3A_435, %shift_right_arithmetic3A_437 : vector<16xi32>
        %and3A_439 = arith.constant 2147483647 : i32
        %and3A_440 = vector.broadcast %and3A_439 : i32 to vector<16xi32>
        %and3A_441 = arith.andi %shift_right_arithmetic3A_438, %and3A_440 : vector<16xi32>
        %xor3A_442 = arith.xori %bitcast_convert_type3A_435, %and3A_441 : vector<16xi32>
        %shift_right_arithmetic3A_443 = arith.constant 20 : i32
        %shift_right_arithmetic3A_444 = vector.broadcast %shift_right_arithmetic3A_443 : i32 to vector<16xi32>
        %shift_right_arithmetic3A_445 = arith.shrsi %xor3A_442, %shift_right_arithmetic3A_444 : vector<16xi32>
        %add3A_446 = arith.constant 2048 : i32
        %add3A_447 = vector.broadcast %add3A_446 : i32 to vector<16xi32>
        %add3A_448 = arith.addi %shift_right_arithmetic3A_445, %add3A_447 : vector<16xi32>
        %add3A_449 = arith.addi %mul3A_3, %add3A_448 : vector<16xi32>
        tpu.vector_store_idx %arg4[%add3A_449], %broadcast_in_dim3A_4 {add = true} : memref<65536xf32, #tpu.memory_space<vmem>>[vector<16xi32>], vector<16xf32>,
        %mul3A_450 = arith.constant 128 : i32
        %mul3A_451 = arith.muli %scan3A_384, %mul3A_450 : i32
        %add3A_452 = arith.constant 48 : i32
        %add3A_453 = arith.addi %mul3A_451, %add3A_452 : i32
        %get3A_454 = arith.constant 1 : i32
        %get3A_455 = arith.index_cast %get3A_454 : i32 to index
        %get3A_456 = arith.index_cast %add3A_453 : i32 to index
        %get3A_457 = tpu.vector_load %arg5[%get3A_455, %get3A_456] {strides = array<i32>} : memref<2x16384xf32, #tpu.memory_space<vmem>>, vector<16xf32>,
        %bitcast_convert_type3A_458 = tpu.bitcast %get3A_457 : vector<16xf32> -> vector<16xi32>
        %shift_right_arithmetic3A_459 = arith.constant 31 : i32
        %shift_right_arithmetic3A_460 = vector.broadcast %shift_right_arithmetic3A_459 : i32 to vector<16xi32>
        %shift_right_arithmetic3A_461 = arith.shrsi %bitcast_convert_type3A_458, %shift_right_arithmetic3A_460 : vector<16xi32>
        %and3A_462 = arith.constant 2147483647 : i32
        %and3A_463 = vector.broadcast %and3A_462 : i32 to vector<16xi32>
        %and3A_464 = arith.andi %shift_right_arithmetic3A_461, %and3A_463 : vector<16xi32>
        %xor3A_465 = arith.xori %bitcast_convert_type3A_458, %and3A_464 : vector<16xi32>
        %shift_right_arithmetic3A_466 = arith.constant 20 : i32
        %shift_right_arithmetic3A_467 = vector.broadcast %shift_right_arithmetic3A_466 : i32 to vector<16xi32>
        %shift_right_arithmetic3A_468 = arith.shrsi %xor3A_465, %shift_right_arithmetic3A_467 : vector<16xi32>
        %add3A_469 = arith.constant 2048 : i32
        %add3A_470 = vector.broadcast %add3A_469 : i32 to vector<16xi32>
        %add3A_471 = arith.addi %shift_right_arithmetic3A_468, %add3A_470 : vector<16xi32>
        %add3A_472 = arith.addi %mul3A_3, %add3A_471 : vector<16xi32>
        tpu.vector_store_idx %arg4[%add3A_472], %broadcast_in_dim3A_4 {add = true} : memref<65536xf32, #tpu.memory_space<vmem>>[vector<16xi32>], vector<16xf32>,
        %mul3A_473 = arith.constant 128 : i32
        %mul3A_474 = arith.muli %scan3A_384, %mul3A_473 : i32
        %add3A_475 = arith.constant 64 : i32
        %add3A_476 = arith.addi %mul3A_474, %add3A_475 : i32
        %get3A_477 = arith.constant 1 : i32
        %get3A_478 = arith.index_cast %get3A_477 : i32 to index
        %get3A_479 = arith.index_cast %add3A_476 : i32 to index
        %get3A_480 = tpu.vector_load %arg5[%get3A_478, %get3A_479] {strides = array<i32>} : memref<2x16384xf32, #tpu.memory_space<vmem>>, vector<16xf32>,
        %bitcast_convert_type3A_481 = tpu.bitcast %get3A_480 : vector<16xf32> -> vector<16xi32>
        %shift_right_arithmetic3A_482 = arith.constant 31 : i32
        %shift_right_arithmetic3A_483 = vector.broadcast %shift_right_arithmetic3A_482 : i32 to vector<16xi32>
        %shift_right_arithmetic3A_484 = arith.shrsi %bitcast_convert_type3A_481, %shift_right_arithmetic3A_483 : vector<16xi32>
        %and3A_485 = arith.constant 2147483647 : i32
        %and3A_486 = vector.broadcast %and3A_485 : i32 to vector<16xi32>
        %and3A_487 = arith.andi %shift_right_arithmetic3A_484, %and3A_486 : vector<16xi32>
        %xor3A_488 = arith.xori %bitcast_convert_type3A_481, %and3A_487 : vector<16xi32>
        %shift_right_arithmetic3A_489 = arith.constant 20 : i32
        %shift_right_arithmetic3A_490 = vector.broadcast %shift_right_arithmetic3A_489 : i32 to vector<16xi32>
        %shift_right_arithmetic3A_491 = arith.shrsi %xor3A_488, %shift_right_arithmetic3A_490 : vector<16xi32>
        %add3A_492 = arith.constant 2048 : i32
        %add3A_493 = vector.broadcast %add3A_492 : i32 to vector<16xi32>
        %add3A_494 = arith.addi %shift_right_arithmetic3A_491, %add3A_493 : vector<16xi32>
        %add3A_495 = arith.addi %mul3A_3, %add3A_494 : vector<16xi32>
        tpu.vector_store_idx %arg4[%add3A_495], %broadcast_in_dim3A_4 {add = true} : memref<65536xf32, #tpu.memory_space<vmem>>[vector<16xi32>], vector<16xf32>,
        %mul3A_496 = arith.constant 128 : i32
        %mul3A_497 = arith.muli %scan3A_384, %mul3A_496 : i32
        %add3A_498 = arith.constant 80 : i32
        %add3A_499 = arith.addi %mul3A_497, %add3A_498 : i32
        %get3A_500 = arith.constant 1 : i32
        %get3A_501 = arith.index_cast %get3A_500 : i32 to index
        %get3A_502 = arith.index_cast %add3A_499 : i32 to index
        %get3A_503 = tpu.vector_load %arg5[%get3A_501, %get3A_502] {strides = array<i32>} : memref<2x16384xf32, #tpu.memory_space<vmem>>, vector<16xf32>,
        %bitcast_convert_type3A_504 = tpu.bitcast %get3A_503 : vector<16xf32> -> vector<16xi32>
        %shift_right_arithmetic3A_505 = arith.constant 31 : i32
        %shift_right_arithmetic3A_506 = vector.broadcast %shift_right_arithmetic3A_505 : i32 to vector<16xi32>
        %shift_right_arithmetic3A_507 = arith.shrsi %bitcast_convert_type3A_504, %shift_right_arithmetic3A_506 : vector<16xi32>
        %and3A_508 = arith.constant 2147483647 : i32
        %and3A_509 = vector.broadcast %and3A_508 : i32 to vector<16xi32>
        %and3A_510 = arith.andi %shift_right_arithmetic3A_507, %and3A_509 : vector<16xi32>
        %xor3A_511 = arith.xori %bitcast_convert_type3A_504, %and3A_510 : vector<16xi32>
        %shift_right_arithmetic3A_512 = arith.constant 20 : i32
        %shift_right_arithmetic3A_513 = vector.broadcast %shift_right_arithmetic3A_512 : i32 to vector<16xi32>
        %shift_right_arithmetic3A_514 = arith.shrsi %xor3A_511, %shift_right_arithmetic3A_513 : vector<16xi32>
        %add3A_515 = arith.constant 2048 : i32
        %add3A_516 = vector.broadcast %add3A_515 : i32 to vector<16xi32>
        %add3A_517 = arith.addi %shift_right_arithmetic3A_514, %add3A_516 : vector<16xi32>
        %add3A_518 = arith.addi %mul3A_3, %add3A_517 : vector<16xi32>
        tpu.vector_store_idx %arg4[%add3A_518], %broadcast_in_dim3A_4 {add = true} : memref<65536xf32, #tpu.memory_space<vmem>>[vector<16xi32>], vector<16xf32>,
        %mul3A_519 = arith.constant 128 : i32
        %mul3A_520 = arith.muli %scan3A_384, %mul3A_519 : i32
        %add3A_521 = arith.constant 96 : i32
        %add3A_522 = arith.addi %mul3A_520, %add3A_521 : i32
        %get3A_523 = arith.constant 1 : i32
        %get3A_524 = arith.index_cast %get3A_523 : i32 to index
        %get3A_525 = arith.index_cast %add3A_522 : i32 to index
        %get3A_526 = tpu.vector_load %arg5[%get3A_524, %get3A_525] {strides = array<i32>} : memref<2x16384xf32, #tpu.memory_space<vmem>>, vector<16xf32>,
        %bitcast_convert_type3A_527 = tpu.bitcast %get3A_526 : vector<16xf32> -> vector<16xi32>
        %shift_right_arithmetic3A_528 = arith.constant 31 : i32
        %shift_right_arithmetic3A_529 = vector.broadcast %shift_right_arithmetic3A_528 : i32 to vector<16xi32>
        %shift_right_arithmetic3A_530 = arith.shrsi %bitcast_convert_type3A_527, %shift_right_arithmetic3A_529 : vector<16xi32>
        %and3A_531 = arith.constant 2147483647 : i32
        %and3A_532 = vector.broadcast %and3A_531 : i32 to vector<16xi32>
        %and3A_533 = arith.andi %shift_right_arithmetic3A_530, %and3A_532 : vector<16xi32>
        %xor3A_534 = arith.xori %bitcast_convert_type3A_527, %and3A_533 : vector<16xi32>
        %shift_right_arithmetic3A_535 = arith.constant 20 : i32
        %shift_right_arithmetic3A_536 = vector.broadcast %shift_right_arithmetic3A_535 : i32 to vector<16xi32>
        %shift_right_arithmetic3A_537 = arith.shrsi %xor3A_534, %shift_right_arithmetic3A_536 : vector<16xi32>
        %add3A_538 = arith.constant 2048 : i32
        %add3A_539 = vector.broadcast %add3A_538 : i32 to vector<16xi32>
        %add3A_540 = arith.addi %shift_right_arithmetic3A_537, %add3A_539 : vector<16xi32>
        %add3A_541 = arith.addi %mul3A_3, %add3A_540 : vector<16xi32>
        tpu.vector_store_idx %arg4[%add3A_541], %broadcast_in_dim3A_4 {add = true} : memref<65536xf32, #tpu.memory_space<vmem>>[vector<16xi32>], vector<16xf32>,
        %mul3A_542 = arith.constant 128 : i32
        %mul3A_543 = arith.muli %scan3A_384, %mul3A_542 : i32
        %add3A_544 = arith.constant 112 : i32
        %add3A_545 = arith.addi %mul3A_543, %add3A_544 : i32
        %get3A_546 = arith.constant 1 : i32
        %get3A_547 = arith.index_cast %get3A_546 : i32 to index
        %get3A_548 = arith.index_cast %add3A_545 : i32 to index
        %get3A_549 = tpu.vector_load %arg5[%get3A_547, %get3A_548] {strides = array<i32>} : memref<2x16384xf32, #tpu.memory_space<vmem>>, vector<16xf32>,
        %bitcast_convert_type3A_550 = tpu.bitcast %get3A_549 : vector<16xf32> -> vector<16xi32>
        %shift_right_arithmetic3A_551 = arith.constant 31 : i32
        %shift_right_arithmetic3A_552 = vector.broadcast %shift_right_arithmetic3A_551 : i32 to vector<16xi32>
        %shift_right_arithmetic3A_553 = arith.shrsi %bitcast_convert_type3A_550, %shift_right_arithmetic3A_552 : vector<16xi32>
        %and3A_554 = arith.constant 2147483647 : i32
        %and3A_555 = vector.broadcast %and3A_554 : i32 to vector<16xi32>
        %and3A_556 = arith.andi %shift_right_arithmetic3A_553, %and3A_555 : vector<16xi32>
        %xor3A_557 = arith.xori %bitcast_convert_type3A_550, %and3A_556 : vector<16xi32>
        %shift_right_arithmetic3A_558 = arith.constant 20 : i32
        %shift_right_arithmetic3A_559 = vector.broadcast %shift_right_arithmetic3A_558 : i32 to vector<16xi32>
        %shift_right_arithmetic3A_560 = arith.shrsi %xor3A_557, %shift_right_arithmetic3A_559 : vector<16xi32>
        %add3A_561 = arith.constant 2048 : i32
        %add3A_562 = vector.broadcast %add3A_561 : i32 to vector<16xi32>
        %add3A_563 = arith.addi %shift_right_arithmetic3A_560, %add3A_562 : vector<16xi32>
        %add3A_564 = arith.addi %mul3A_3, %add3A_563 : vector<16xi32>
        tpu.vector_store_idx %arg4[%add3A_564], %broadcast_in_dim3A_4 {add = true} : memref<65536xf32, #tpu.memory_space<vmem>>[vector<16xi32>], vector<16xf32>,
        %scan3A_565 = arith.constant 0 : i32
        scf.yield %scan3A_565 : i32
      }
      %scan3A_350 = arith.constant 128 : i32
      %mul3A_351 = arith.constant 147456 : i32
      %mul3A_352 = arith.muli %add3A_15, %mul3A_351 : i32
      %add3A_353 = arith.constant 131072 : i32
      %add3A_354 = arith.addi %mul3A_352, %add3A_353 : i32
      %dma_wait3A_355 = arith.constant 0 : i32
      %dma_wait3A_356 = arith.constant 0 : i32
      %dma_wait3A_357 = arith.constant 0 : i32
      %dma_wait3A_358 = tpu.memref_slice %arg5[%dma_wait3A_355, %dma_wait3A_357] : memref<2x16384xf32, #tpu.memory_space<vmem>> -> memref<1x16384xf32, #tpu.memory_space<vmem>>
      %dma_wait3A_359 = tpu.memref_squeeze %dma_wait3A_358 : memref<1x16384xf32, #tpu.memory_space<vmem>> -> memref<16384xf32, #tpu.memory_space<vmem>>
      %dma_wait3A_360 = tpu.memref_slice %arg2[%add3A_354] : memref<14155776xf32, #tpu.memory_space<hbm>> -> memref<16384xf32, #tpu.memory_space<hbm>>
      %dma_wait3A_361 = tpu.memref_slice %arg7[%dma_wait3A_356] : memref<2x!tpu.dma_semaphore, #tpu.memory_space<semaphore_mem>> -> memref<1x!tpu.dma_semaphore, #tpu.memory_space<semaphore_mem>>
      %dma_wait3A_362 = tpu.memref_squeeze %dma_wait3A_361 : memref<1x!tpu.dma_semaphore, #tpu.memory_space<semaphore_mem>> -> memref<!tpu.dma_semaphore, #tpu.memory_space<semaphore_mem>>
      %dma_wait3A_363 = arith.constant 0 : i32
      %dma_wait3A_364 = tpu.memref_slice %arg5[%dma_wait3A_355, %dma_wait3A_363] : memref<2x16384xf32, #tpu.memory_space<vmem>> -> memref<1x16384xf32, #tpu.memory_space<vmem>>
      %dma_wait3A_365 = tpu.memref_squeeze %dma_wait3A_364 : memref<1x16384xf32, #tpu.memory_space<vmem>> -> memref<16384xf32, #tpu.memory_space<vmem>>
      %dma_wait3A_366 = tpu.memref_slice %arg2[%add3A_354] : memref<14155776xf32, #tpu.memory_space<hbm>> -> memref<16384xf32, #tpu.memory_space<hbm>>
      tpu.wait_dma2 semaphore(%dma_wait3A_362 : memref<!tpu.dma_semaphore, #tpu.memory_space<semaphore_mem>>) src(%dma_wait3A_366 : memref<16384xf32, #tpu.memory_space<hbm>>) dst(%dma_wait3A_365 : memref<16384xf32, #tpu.memory_space<vmem>>)
      %scan3A_367 = arith.constant 0 : i32
      %scan3A_368 = arith.constant 0 : i32
      %scan3A_369 = arith.constant 128 : i32
      %scan3A_370 = arith.addi %scan3A_368, %scan3A_369 : i32
      %scan3A_371 = arith.constant 1 : i32
      %scan3A_372 = scf.for %scan3A_384 = %scan3A_368 to %scan3A_370 step %scan3A_371 iter_args(%scan3A_385 = %scan3A_367) -> (i32)  : i32 {
        %mul3A_386 = arith.constant 128 : i32
        %mul3A_387 = arith.muli %scan3A_384, %mul3A_386 : i32
        %add3A_388 = arith.constant 0 : i32
        %add3A_389 = arith.addi %mul3A_387, %add3A_388 : i32
        %get3A = arith.constant 0 : i32
        %get3A_390 = arith.index_cast %get3A : i32 to index
        %get3A_391 = arith.index_cast %add3A_389 : i32 to index
        %get3A_392 = tpu.vector_load %arg5[%get3A_390, %get3A_391] {strides = array<i32>} : memref<2x16384xf32, #tpu.memory_space<vmem>>, vector<16xf32>,
        %bitcast_convert_type3A = tpu.bitcast %get3A_392 : vector<16xf32> -> vector<16xi32>
        %shift_right_arithmetic3A = arith.constant 31 : i32
        %shift_right_arithmetic3A_393 = vector.broadcast %shift_right_arithmetic3A : i32 to vector<16xi32>
        %shift_right_arithmetic3A_394 = arith.shrsi %bitcast_convert_type3A, %shift_right_arithmetic3A_393 : vector<16xi32>
        %and3A = arith.constant 2147483647 : i32
        %and3A_395 = vector.broadcast %and3A : i32 to vector<16xi32>
        %and3A_396 = arith.andi %shift_right_arithmetic3A_394, %and3A_395 : vector<16xi32>
        %xor3A = arith.xori %bitcast_convert_type3A, %and3A_396 : vector<16xi32>
        %shift_right_arithmetic3A_397 = arith.constant 20 : i32
        %shift_right_arithmetic3A_398 = vector.broadcast %shift_right_arithmetic3A_397 : i32 to vector<16xi32>
        %shift_right_arithmetic3A_399 = arith.shrsi %xor3A, %shift_right_arithmetic3A_398 : vector<16xi32>
        %add3A_400 = arith.constant 2048 : i32
        %add3A_401 = vector.broadcast %add3A_400 : i32 to vector<16xi32>
        %add3A_402 = arith.addi %shift_right_arithmetic3A_399, %add3A_401 : vector<16xi32>
        %add3A_403 = arith.addi %mul3A_3, %add3A_402 : vector<16xi32>
        tpu.vector_store_idx %arg4[%add3A_403], %broadcast_in_dim3A_4 {add = true} : memref<65536xf32, #tpu.memory_space<vmem>>[vector<16xi32>], vector<16xf32>,
        %mul3A_404 = arith.constant 128 : i32
        %mul3A_405 = arith.muli %scan3A_384, %mul3A_404 : i32
        %add3A_406 = arith.constant 16 : i32
        %add3A_407 = arith.addi %mul3A_405, %add3A_406 : i32
        %get3A_408 = arith.constant 0 : i32
        %get3A_409 = arith.index_cast %get3A_408 : i32 to index
        %get3A_410 = arith.index_cast %add3A_407 : i32 to index
        %get3A_411 = tpu.vector_load %arg5[%get3A_409, %get3A_410] {strides = array<i32>} : memref<2x16384xf32, #tpu.memory_space<vmem>>, vector<16xf32>,
        %bitcast_convert_type3A_412 = tpu.bitcast %get3A_411 : vector<16xf32> -> vector<16xi32>
        %shift_right_arithmetic3A_413 = arith.constant 31 : i32
        %shift_right_arithmetic3A_414 = vector.broadcast %shift_right_arithmetic3A_413 : i32 to vector<16xi32>
        %shift_right_arithmetic3A_415 = arith.shrsi %bitcast_convert_type3A_412, %shift_right_arithmetic3A_414 : vector<16xi32>
        %and3A_416 = arith.constant 2147483647 : i32
        %and3A_417 = vector.broadcast %and3A_416 : i32 to vector<16xi32>
        %and3A_418 = arith.andi %shift_right_arithmetic3A_415, %and3A_417 : vector<16xi32>
        %xor3A_419 = arith.xori %bitcast_convert_type3A_412, %and3A_418 : vector<16xi32>
        %shift_right_arithmetic3A_420 = arith.constant 20 : i32
        %shift_right_arithmetic3A_421 = vector.broadcast %shift_right_arithmetic3A_420 : i32 to vector<16xi32>
        %shift_right_arithmetic3A_422 = arith.shrsi %xor3A_419, %shift_right_arithmetic3A_421 : vector<16xi32>
        %add3A_423 = arith.constant 2048 : i32
        %add3A_424 = vector.broadcast %add3A_423 : i32 to vector<16xi32>
        %add3A_425 = arith.addi %shift_right_arithmetic3A_422, %add3A_424 : vector<16xi32>
        %add3A_426 = arith.addi %mul3A_3, %add3A_425 : vector<16xi32>
        tpu.vector_store_idx %arg4[%add3A_426], %broadcast_in_dim3A_4 {add = true} : memref<65536xf32, #tpu.memory_space<vmem>>[vector<16xi32>], vector<16xf32>,
        %mul3A_427 = arith.constant 128 : i32
        %mul3A_428 = arith.muli %scan3A_384, %mul3A_427 : i32
        %add3A_429 = arith.constant 32 : i32
        %add3A_430 = arith.addi %mul3A_428, %add3A_429 : i32
        %get3A_431 = arith.constant 0 : i32
        %get3A_432 = arith.index_cast %get3A_431 : i32 to index
        %get3A_433 = arith.index_cast %add3A_430 : i32 to index
        %get3A_434 = tpu.vector_load %arg5[%get3A_432, %get3A_433] {strides = array<i32>} : memref<2x16384xf32, #tpu.memory_space<vmem>>, vector<16xf32>,
        %bitcast_convert_type3A_435 = tpu.bitcast %get3A_434 : vector<16xf32> -> vector<16xi32>
        %shift_right_arithmetic3A_436 = arith.constant 31 : i32
        %shift_right_arithmetic3A_437 = vector.broadcast %shift_right_arithmetic3A_436 : i32 to vector<16xi32>
        %shift_right_arithmetic3A_438 = arith.shrsi %bitcast_convert_type3A_435, %shift_right_arithmetic3A_437 : vector<16xi32>
        %and3A_439 = arith.constant 2147483647 : i32
        %and3A_440 = vector.broadcast %and3A_439 : i32 to vector<16xi32>
        %and3A_441 = arith.andi %shift_right_arithmetic3A_438, %and3A_440 : vector<16xi32>
        %xor3A_442 = arith.xori %bitcast_convert_type3A_435, %and3A_441 : vector<16xi32>
        %shift_right_arithmetic3A_443 = arith.constant 20 : i32
        %shift_right_arithmetic3A_444 = vector.broadcast %shift_right_arithmetic3A_443 : i32 to vector<16xi32>
        %shift_right_arithmetic3A_445 = arith.shrsi %xor3A_442, %shift_right_arithmetic3A_444 : vector<16xi32>
        %add3A_446 = arith.constant 2048 : i32
        %add3A_447 = vector.broadcast %add3A_446 : i32 to vector<16xi32>
        %add3A_448 = arith.addi %shift_right_arithmetic3A_445, %add3A_447 : vector<16xi32>
        %add3A_449 = arith.addi %mul3A_3, %add3A_448 : vector<16xi32>
        tpu.vector_store_idx %arg4[%add3A_449], %broadcast_in_dim3A_4 {add = true} : memref<65536xf32, #tpu.memory_space<vmem>>[vector<16xi32>], vector<16xf32>,
        %mul3A_450 = arith.constant 128 : i32
        %mul3A_451 = arith.muli %scan3A_384, %mul3A_450 : i32
        %add3A_452 = arith.constant 48 : i32
        %add3A_453 = arith.addi %mul3A_451, %add3A_452 : i32
        %get3A_454 = arith.constant 0 : i32
        %get3A_455 = arith.index_cast %get3A_454 : i32 to index
        %get3A_456 = arith.index_cast %add3A_453 : i32 to index
        %get3A_457 = tpu.vector_load %arg5[%get3A_455, %get3A_456] {strides = array<i32>} : memref<2x16384xf32, #tpu.memory_space<vmem>>, vector<16xf32>,
        %bitcast_convert_type3A_458 = tpu.bitcast %get3A_457 : vector<16xf32> -> vector<16xi32>
        %shift_right_arithmetic3A_459 = arith.constant 31 : i32
        %shift_right_arithmetic3A_460 = vector.broadcast %shift_right_arithmetic3A_459 : i32 to vector<16xi32>
        %shift_right_arithmetic3A_461 = arith.shrsi %bitcast_convert_type3A_458, %shift_right_arithmetic3A_460 : vector<16xi32>
        %and3A_462 = arith.constant 2147483647 : i32
        %and3A_463 = vector.broadcast %and3A_462 : i32 to vector<16xi32>
        %and3A_464 = arith.andi %shift_right_arithmetic3A_461, %and3A_463 : vector<16xi32>
        %xor3A_465 = arith.xori %bitcast_convert_type3A_458, %and3A_464 : vector<16xi32>
        %shift_right_arithmetic3A_466 = arith.constant 20 : i32
        %shift_right_arithmetic3A_467 = vector.broadcast %shift_right_arithmetic3A_466 : i32 to vector<16xi32>
        %shift_right_arithmetic3A_468 = arith.shrsi %xor3A_465, %shift_right_arithmetic3A_467 : vector<16xi32>
        %add3A_469 = arith.constant 2048 : i32
        %add3A_470 = vector.broadcast %add3A_469 : i32 to vector<16xi32>
        %add3A_471 = arith.addi %shift_right_arithmetic3A_468, %add3A_470 : vector<16xi32>
        %add3A_472 = arith.addi %mul3A_3, %add3A_471 : vector<16xi32>
        tpu.vector_store_idx %arg4[%add3A_472], %broadcast_in_dim3A_4 {add = true} : memref<65536xf32, #tpu.memory_space<vmem>>[vector<16xi32>], vector<16xf32>,
        %mul3A_473 = arith.constant 128 : i32
        %mul3A_474 = arith.muli %scan3A_384, %mul3A_473 : i32
        %add3A_475 = arith.constant 64 : i32
        %add3A_476 = arith.addi %mul3A_474, %add3A_475 : i32
        %get3A_477 = arith.constant 0 : i32
        %get3A_478 = arith.index_cast %get3A_477 : i32 to index
        %get3A_479 = arith.index_cast %add3A_476 : i32 to index
        %get3A_480 = tpu.vector_load %arg5[%get3A_478, %get3A_479] {strides = array<i32>} : memref<2x16384xf32, #tpu.memory_space<vmem>>, vector<16xf32>,
        %bitcast_convert_type3A_481 = tpu.bitcast %get3A_480 : vector<16xf32> -> vector<16xi32>
        %shift_right_arithmetic3A_482 = arith.constant 31 : i32
        %shift_right_arithmetic3A_483 = vector.broadcast %shift_right_arithmetic3A_482 : i32 to vector<16xi32>
        %shift_right_arithmetic3A_484 = arith.shrsi %bitcast_convert_type3A_481, %shift_right_arithmetic3A_483 : vector<16xi32>
        %and3A_485 = arith.constant 2147483647 : i32
        %and3A_486 = vector.broadcast %and3A_485 : i32 to vector<16xi32>
        %and3A_487 = arith.andi %shift_right_arithmetic3A_484, %and3A_486 : vector<16xi32>
        %xor3A_488 = arith.xori %bitcast_convert_type3A_481, %and3A_487 : vector<16xi32>
        %shift_right_arithmetic3A_489 = arith.constant 20 : i32
        %shift_right_arithmetic3A_490 = vector.broadcast %shift_right_arithmetic3A_489 : i32 to vector<16xi32>
        %shift_right_arithmetic3A_491 = arith.shrsi %xor3A_488, %shift_right_arithmetic3A_490 : vector<16xi32>
        %add3A_492 = arith.constant 2048 : i32
        %add3A_493 = vector.broadcast %add3A_492 : i32 to vector<16xi32>
        %add3A_494 = arith.addi %shift_right_arithmetic3A_491, %add3A_493 : vector<16xi32>
        %add3A_495 = arith.addi %mul3A_3, %add3A_494 : vector<16xi32>
        tpu.vector_store_idx %arg4[%add3A_495], %broadcast_in_dim3A_4 {add = true} : memref<65536xf32, #tpu.memory_space<vmem>>[vector<16xi32>], vector<16xf32>,
        %mul3A_496 = arith.constant 128 : i32
        %mul3A_497 = arith.muli %scan3A_384, %mul3A_496 : i32
        %add3A_498 = arith.constant 80 : i32
        %add3A_499 = arith.addi %mul3A_497, %add3A_498 : i32
        %get3A_500 = arith.constant 0 : i32
        %get3A_501 = arith.index_cast %get3A_500 : i32 to index
        %get3A_502 = arith.index_cast %add3A_499 : i32 to index
        %get3A_503 = tpu.vector_load %arg5[%get3A_501, %get3A_502] {strides = array<i32>} : memref<2x16384xf32, #tpu.memory_space<vmem>>, vector<16xf32>,
        %bitcast_convert_type3A_504 = tpu.bitcast %get3A_503 : vector<16xf32> -> vector<16xi32>
        %shift_right_arithmetic3A_505 = arith.constant 31 : i32
        %shift_right_arithmetic3A_506 = vector.broadcast %shift_right_arithmetic3A_505 : i32 to vector<16xi32>
        %shift_right_arithmetic3A_507 = arith.shrsi %bitcast_convert_type3A_504, %shift_right_arithmetic3A_506 : vector<16xi32>
        %and3A_508 = arith.constant 2147483647 : i32
        %and3A_509 = vector.broadcast %and3A_508 : i32 to vector<16xi32>
        %and3A_510 = arith.andi %shift_right_arithmetic3A_507, %and3A_509 : vector<16xi32>
        %xor3A_511 = arith.xori %bitcast_convert_type3A_504, %and3A_510 : vector<16xi32>
        %shift_right_arithmetic3A_512 = arith.constant 20 : i32
        %shift_right_arithmetic3A_513 = vector.broadcast %shift_right_arithmetic3A_512 : i32 to vector<16xi32>
        %shift_right_arithmetic3A_514 = arith.shrsi %xor3A_511, %shift_right_arithmetic3A_513 : vector<16xi32>
        %add3A_515 = arith.constant 2048 : i32
        %add3A_516 = vector.broadcast %add3A_515 : i32 to vector<16xi32>
        %add3A_517 = arith.addi %shift_right_arithmetic3A_514, %add3A_516 : vector<16xi32>
        %add3A_518 = arith.addi %mul3A_3, %add3A_517 : vector<16xi32>
        tpu.vector_store_idx %arg4[%add3A_518], %broadcast_in_dim3A_4 {add = true} : memref<65536xf32, #tpu.memory_space<vmem>>[vector<16xi32>], vector<16xf32>,
        %mul3A_519 = arith.constant 128 : i32
        %mul3A_520 = arith.muli %scan3A_384, %mul3A_519 : i32
        %add3A_521 = arith.constant 96 : i32
        %add3A_522 = arith.addi %mul3A_520, %add3A_521 : i32
        %get3A_523 = arith.constant 0 : i32
        %get3A_524 = arith.index_cast %get3A_523 : i32 to index
        %get3A_525 = arith.index_cast %add3A_522 : i32 to index
        %get3A_526 = tpu.vector_load %arg5[%get3A_524, %get3A_525] {strides = array<i32>} : memref<2x16384xf32, #tpu.memory_space<vmem>>, vector<16xf32>,
        %bitcast_convert_type3A_527 = tpu.bitcast %get3A_526 : vector<16xf32> -> vector<16xi32>
        %shift_right_arithmetic3A_528 = arith.constant 31 : i32
        %shift_right_arithmetic3A_529 = vector.broadcast %shift_right_arithmetic3A_528 : i32 to vector<16xi32>
        %shift_right_arithmetic3A_530 = arith.shrsi %bitcast_convert_type3A_527, %shift_right_arithmetic3A_529 : vector<16xi32>
        %and3A_531 = arith.constant 2147483647 : i32
        %and3A_532 = vector.broadcast %and3A_531 : i32 to vector<16xi32>
        %and3A_533 = arith.andi %shift_right_arithmetic3A_530, %and3A_532 : vector<16xi32>
        %xor3A_534 = arith.xori %bitcast_convert_type3A_527, %and3A_533 : vector<16xi32>
        %shift_right_arithmetic3A_535 = arith.constant 20 : i32
        %shift_right_arithmetic3A_536 = vector.broadcast %shift_right_arithmetic3A_535 : i32 to vector<16xi32>
        %shift_right_arithmetic3A_537 = arith.shrsi %xor3A_534, %shift_right_arithmetic3A_536 : vector<16xi32>
        %add3A_538 = arith.constant 2048 : i32
        %add3A_539 = vector.broadcast %add3A_538 : i32 to vector<16xi32>
        %add3A_540 = arith.addi %shift_right_arithmetic3A_537, %add3A_539 : vector<16xi32>
        %add3A_541 = arith.addi %mul3A_3, %add3A_540 : vector<16xi32>
        tpu.vector_store_idx %arg4[%add3A_541], %broadcast_in_dim3A_4 {add = true} : memref<65536xf32, #tpu.memory_space<vmem>>[vector<16xi32>], vector<16xf32>,
        %mul3A_542 = arith.constant 128 : i32
        %mul3A_543 = arith.muli %scan3A_384, %mul3A_542 : i32
        %add3A_544 = arith.constant 112 : i32
        %add3A_545 = arith.addi %mul3A_543, %add3A_544 : i32
        %get3A_546 = arith.constant 0 : i32
        %get3A_547 = arith.index_cast %get3A_546 : i32 to index
        %get3A_548 = arith.index_cast %add3A_545 : i32 to index
        %get3A_549 = tpu.vector_load %arg5[%get3A_547, %get3A_548] {strides = array<i32>} : memref<2x16384xf32, #tpu.memory_space<vmem>>, vector<16xf32>,
        %bitcast_convert_type3A_550 = tpu.bitcast %get3A_549 : vector<16xf32> -> vector<16xi32>
        %shift_right_arithmetic3A_551 = arith.constant 31 : i32
        %shift_right_arithmetic3A_552 = vector.broadcast %shift_right_arithmetic3A_551 : i32 to vector<16xi32>
        %shift_right_arithmetic3A_553 = arith.shrsi %bitcast_convert_type3A_550, %shift_right_arithmetic3A_552 : vector<16xi32>
        %and3A_554 = arith.constant 2147483647 : i32
        %and3A_555 = vector.broadcast %and3A_554 : i32 to vector<16xi32>
        %and3A_556 = arith.andi %shift_right_arithmetic3A_553, %and3A_555 : vector<16xi32>
        %xor3A_557 = arith.xori %bitcast_convert_type3A_550, %and3A_556 : vector<16xi32>
        %shift_right_arithmetic3A_558 = arith.constant 20 : i32
        %shift_right_arithmetic3A_559 = vector.broadcast %shift_right_arithmetic3A_558 : i32 to vector<16xi32>
        %shift_right_arithmetic3A_560 = arith.shrsi %xor3A_557, %shift_right_arithmetic3A_559 : vector<16xi32>
        %add3A_561 = arith.constant 2048 : i32
        %add3A_562 = vector.broadcast %add3A_561 : i32 to vector<16xi32>
        %add3A_563 = arith.addi %shift_right_arithmetic3A_560, %add3A_562 : vector<16xi32>
        %add3A_564 = arith.addi %mul3A_3, %add3A_563 : vector<16xi32>
        tpu.vector_store_idx %arg4[%add3A_564], %broadcast_in_dim3A_4 {add = true} : memref<65536xf32, #tpu.memory_space<vmem>>[vector<16xi32>], vector<16xf32>,
        %scan3A_565 = arith.constant 0 : i32
        scf.yield %scan3A_565 : i32
      }
      %scan3A_373 = arith.constant 128 : i32
      %scan3A_374 = arith.constant 0.000000e+00 : f32
      %scan3A_375 = arith.constant 0 : i32
      %scan3A_376 = arith.constant 256 : i32
      %scan3A_377 = arith.addi %scan3A_375, %scan3A_376 : i32
      %scan3A_378 = arith.constant 1 : i32
      %scan3A_379 = scf.for %scan3A_384 = %scan3A_375 to %scan3A_377 step %scan3A_378 iter_args(%scan3A_385 = %scan3A_374) -> (f32)  : i32 {
        %mul3A_386 = arith.constant 16 : i32
        %mul3A_387 = arith.muli %scan3A_384, %mul3A_386 : i32
        %get3A = arith.index_cast %mul3A_387 : i32 to index
        %get3A_388 = tpu.vector_load %arg4[%get3A] {strides = array<i32>} : memref<65536xf32, #tpu.memory_space<vmem>>, vector<16xf32>,
        %mul3A_389 = arith.constant 16 : i32
        %mul3A_390 = arith.muli %scan3A_384, %mul3A_389 : i32
        %add3A_391 = arith.constant 4096 : i32
        %add3A_392 = arith.addi %add3A_391, %mul3A_390 : i32
        %get3A_393 = arith.index_cast %add3A_392 : i32 to index
        %get3A_394 = tpu.vector_load %arg4[%get3A_393] {strides = array<i32>} : memref<65536xf32, #tpu.memory_space<vmem>>, vector<16xf32>,
        %add3A_395 = arith.addf %get3A_388, %get3A_394 : vector<16xf32>
        %mul3A_396 = arith.constant 16 : i32
        %mul3A_397 = arith.muli %scan3A_384, %mul3A_396 : i32
        %add3A_398 = arith.constant 8192 : i32
        %add3A_399 = arith.addi %add3A_398, %mul3A_397 : i32
        %get3A_400 = arith.index_cast %add3A_399 : i32 to index
        %get3A_401 = tpu.vector_load %arg4[%get3A_400] {strides = array<i32>} : memref<65536xf32, #tpu.memory_space<vmem>>, vector<16xf32>,
        %add3A_402 = arith.addf %add3A_395, %get3A_401 : vector<16xf32>
        %mul3A_403 = arith.constant 16 : i32
        %mul3A_404 = arith.muli %scan3A_384, %mul3A_403 : i32
        %add3A_405 = arith.constant 12288 : i32
        %add3A_406 = arith.addi %add3A_405, %mul3A_404 : i32
        %get3A_407 = arith.index_cast %add3A_406 : i32 to index
        %get3A_408 = tpu.vector_load %arg4[%get3A_407] {strides = array<i32>} : memref<65536xf32, #tpu.memory_space<vmem>>, vector<16xf32>,
        %add3A_409 = arith.addf %add3A_402, %get3A_408 : vector<16xf32>
        %mul3A_410 = arith.constant 16 : i32
        %mul3A_411 = arith.muli %scan3A_384, %mul3A_410 : i32
        %add3A_412 = arith.constant 16384 : i32
        %add3A_413 = arith.addi %add3A_412, %mul3A_411 : i32
        %get3A_414 = arith.index_cast %add3A_413 : i32 to index
        %get3A_415 = tpu.vector_load %arg4[%get3A_414] {strides = array<i32>} : memref<65536xf32, #tpu.memory_space<vmem>>, vector<16xf32>,
        %add3A_416 = arith.addf %add3A_409, %get3A_415 : vector<16xf32>
        %mul3A_417 = arith.constant 16 : i32
        %mul3A_418 = arith.muli %scan3A_384, %mul3A_417 : i32
        %add3A_419 = arith.constant 20480 : i32
        %add3A_420 = arith.addi %add3A_419, %mul3A_418 : i32
        %get3A_421 = arith.index_cast %add3A_420 : i32 to index
        %get3A_422 = tpu.vector_load %arg4[%get3A_421] {strides = array<i32>} : memref<65536xf32, #tpu.memory_space<vmem>>, vector<16xf32>,
        %add3A_423 = arith.addf %add3A_416, %get3A_422 : vector<16xf32>
        %mul3A_424 = arith.constant 16 : i32
        %mul3A_425 = arith.muli %scan3A_384, %mul3A_424 : i32
        %add3A_426 = arith.constant 24576 : i32
        %add3A_427 = arith.addi %add3A_426, %mul3A_425 : i32
        %get3A_428 = arith.index_cast %add3A_427 : i32 to index
        %get3A_429 = tpu.vector_load %arg4[%get3A_428] {strides = array<i32>} : memref<65536xf32, #tpu.memory_space<vmem>>, vector<16xf32>,
        %add3A_430 = arith.addf %add3A_423, %get3A_429 : vector<16xf32>
        %mul3A_431 = arith.constant 16 : i32
        %mul3A_432 = arith.muli %scan3A_384, %mul3A_431 : i32
        %add3A_433 = arith.constant 28672 : i32
        %add3A_434 = arith.addi %add3A_433, %mul3A_432 : i32
        %get3A_435 = arith.index_cast %add3A_434 : i32 to index
        %get3A_436 = tpu.vector_load %arg4[%get3A_435] {strides = array<i32>} : memref<65536xf32, #tpu.memory_space<vmem>>, vector<16xf32>,
        %add3A_437 = arith.addf %add3A_430, %get3A_436 : vector<16xf32>
        %mul3A_438 = arith.constant 16 : i32
        %mul3A_439 = arith.muli %scan3A_384, %mul3A_438 : i32
        %add3A_440 = arith.constant 32768 : i32
        %add3A_441 = arith.addi %add3A_440, %mul3A_439 : i32
        %get3A_442 = arith.index_cast %add3A_441 : i32 to index
        %get3A_443 = tpu.vector_load %arg4[%get3A_442] {strides = array<i32>} : memref<65536xf32, #tpu.memory_space<vmem>>, vector<16xf32>,
        %add3A_444 = arith.addf %add3A_437, %get3A_443 : vector<16xf32>
        %mul3A_445 = arith.constant 16 : i32
        %mul3A_446 = arith.muli %scan3A_384, %mul3A_445 : i32
        %add3A_447 = arith.constant 36864 : i32
        %add3A_448 = arith.addi %add3A_447, %mul3A_446 : i32
        %get3A_449 = arith.index_cast %add3A_448 : i32 to index
        %get3A_450 = tpu.vector_load %arg4[%get3A_449] {strides = array<i32>} : memref<65536xf32, #tpu.memory_space<vmem>>, vector<16xf32>,
        %add3A_451 = arith.addf %add3A_444, %get3A_450 : vector<16xf32>
        %mul3A_452 = arith.constant 16 : i32
        %mul3A_453 = arith.muli %scan3A_384, %mul3A_452 : i32
        %add3A_454 = arith.constant 40960 : i32
        %add3A_455 = arith.addi %add3A_454, %mul3A_453 : i32
        %get3A_456 = arith.index_cast %add3A_455 : i32 to index
        %get3A_457 = tpu.vector_load %arg4[%get3A_456] {strides = array<i32>} : memref<65536xf32, #tpu.memory_space<vmem>>, vector<16xf32>,
        %add3A_458 = arith.addf %add3A_451, %get3A_457 : vector<16xf32>
        %mul3A_459 = arith.constant 16 : i32
        %mul3A_460 = arith.muli %scan3A_384, %mul3A_459 : i32
        %add3A_461 = arith.constant 45056 : i32
        %add3A_462 = arith.addi %add3A_461, %mul3A_460 : i32
        %get3A_463 = arith.index_cast %add3A_462 : i32 to index
        %get3A_464 = tpu.vector_load %arg4[%get3A_463] {strides = array<i32>} : memref<65536xf32, #tpu.memory_space<vmem>>, vector<16xf32>,
        %add3A_465 = arith.addf %add3A_458, %get3A_464 : vector<16xf32>
        %mul3A_466 = arith.constant 16 : i32
        %mul3A_467 = arith.muli %scan3A_384, %mul3A_466 : i32
        %add3A_468 = arith.constant 49152 : i32
        %add3A_469 = arith.addi %add3A_468, %mul3A_467 : i32
        %get3A_470 = arith.index_cast %add3A_469 : i32 to index
        %get3A_471 = tpu.vector_load %arg4[%get3A_470] {strides = array<i32>} : memref<65536xf32, #tpu.memory_space<vmem>>, vector<16xf32>,
        %add3A_472 = arith.addf %add3A_465, %get3A_471 : vector<16xf32>
        %mul3A_473 = arith.constant 16 : i32
        %mul3A_474 = arith.muli %scan3A_384, %mul3A_473 : i32
        %add3A_475 = arith.constant 53248 : i32
        %add3A_476 = arith.addi %add3A_475, %mul3A_474 : i32
        %get3A_477 = arith.index_cast %add3A_476 : i32 to index
        %get3A_478 = tpu.vector_load %arg4[%get3A_477] {strides = array<i32>} : memref<65536xf32, #tpu.memory_space<vmem>>, vector<16xf32>,
        %add3A_479 = arith.addf %add3A_472, %get3A_478 : vector<16xf32>
        %mul3A_480 = arith.constant 16 : i32
        %mul3A_481 = arith.muli %scan3A_384, %mul3A_480 : i32
        %add3A_482 = arith.constant 57344 : i32
        %add3A_483 = arith.addi %add3A_482, %mul3A_481 : i32
        %get3A_484 = arith.index_cast %add3A_483 : i32 to index
        %get3A_485 = tpu.vector_load %arg4[%get3A_484] {strides = array<i32>} : memref<65536xf32, #tpu.memory_space<vmem>>, vector<16xf32>,
        %add3A_486 = arith.addf %add3A_479, %get3A_485 : vector<16xf32>
        %mul3A_487 = arith.constant 16 : i32
        %mul3A_488 = arith.muli %scan3A_384, %mul3A_487 : i32
        %add3A_489 = arith.constant 61440 : i32
        %add3A_490 = arith.addi %add3A_489, %mul3A_488 : i32
        %get3A_491 = arith.index_cast %add3A_490 : i32 to index
        %get3A_492 = tpu.vector_load %arg4[%get3A_491] {strides = array<i32>} : memref<65536xf32, #tpu.memory_space<vmem>>, vector<16xf32>,
        %add3A_493 = arith.addf %add3A_486, %get3A_492 : vector<16xf32>
        %broadcast_in_dim3A_494 = arith.constant true
        %broadcast_in_dim3A_495 = vector.broadcast %broadcast_in_dim3A_494 : i1 to vector<16xi1>
        %masked_cumsum3A = tpu.scan <sum>, %add3A_493 masked %broadcast_in_dim3A_495 : vector<16xf32>, vector<16xi1> -> vector<16xf32>
        %add3A_496 = vector.broadcast %scan3A_385 : f32 to vector<16xf32>
        %add3A_497 = arith.addf %masked_cumsum3A, %add3A_496 : vector<16xf32>
        %mul3A_498 = arith.constant 16 : i32
        %mul3A_499 = arith.muli %scan3A_384, %mul3A_498 : i32
        %swap3A = arith.index_cast %mul3A_499 : i32 to index
        %swap3A_500 = tpu.vector_load %arg6[%swap3A] {strides = array<i32>} : memref<4096xf32, #tpu.memory_space<vmem>>, vector<16xf32>,
        tpu.vector_store %arg6[%swap3A], %add3A_497 {strides = array<i32>} : memref<4096xf32, #tpu.memory_space<vmem>>, vector<16xf32>,
        %reduce_max3A = arith.constant true
        %reduce_max3A_501 = vector.broadcast %reduce_max3A : i1 to vector<16xi1>
        %reduce_max3A_502 = tpu.scan <max>, %add3A_497 masked %reduce_max3A_501 : vector<16xf32>, vector<16xi1> -> vector<16xf32>
        %reduce_max3A_503 = vector.extract %reduce_max3A_502[15] : f32 from vector<16xf32>
        scf.yield %reduce_max3A_503 : f32
      }
      %scan3A_380 = arith.constant 256 : i32
      %mul3A_381 = arith.constant 4096 : i32
      %mul3A_382 = arith.muli %add3A_15, %mul3A_381 : i32
      "tpu.region"() ({
        %run_scoped3A = tpu.sem_alloc : memref<!tpu.dma_semaphore, #tpu.memory_space<semaphore_mem>>
        %dma_start3A_384 = tpu.memref_slice %arg3[%mul3A_382] : memref<393216xf32, #tpu.memory_space<hbm>> -> memref<4096xf32, #tpu.memory_space<hbm>>
        %dma_start3A_385 = tpu.memref_slice %arg3[%mul3A_382] : memref<393216xf32, #tpu.memory_space<hbm>> -> memref<4096xf32, #tpu.memory_space<hbm>>
        tpu.enqueue_dma source(%arg6 : memref<4096xf32, #tpu.memory_space<vmem>>) target(%dma_start3A_385 : memref<4096xf32, #tpu.memory_space<hbm>>) target_semaphore(%run_scoped3A : memref<!tpu.dma_semaphore, #tpu.memory_space<semaphore_mem>>)
        %dma_wait3A_386 = tpu.memref_slice %arg3[%mul3A_382] : memref<393216xf32, #tpu.memory_space<hbm>> -> memref<4096xf32, #tpu.memory_space<hbm>>
        %dma_wait3A_387 = tpu.memref_slice %arg3[%mul3A_382] : memref<393216xf32, #tpu.memory_space<hbm>> -> memref<4096xf32, #tpu.memory_space<hbm>>
        tpu.wait_dma2 semaphore(%run_scoped3A : memref<!tpu.dma_semaphore, #tpu.memory_space<semaphore_mem>>) src(%arg6 : memref<4096xf32, #tpu.memory_space<vmem>>) dst(%dma_wait3A_387 : memref<4096xf32, #tpu.memory_space<hbm>>)
        tpu.yield
      }) : () -> ()
      %scan3A_383 = arith.constant 0 : i32
      scf.yield %scan3A_383 : i32
    }
    %scan3A_10 = arith.constant 3 : i32
    return
  }
}

module attributes {stable_mosaic.version = 14 : i64} {
  func.func @_slice_kernel(%arg0: i32, %arg1: memref<4x384x384xf32, #tpu.memory_space<vmem>>, %arg2: memref<1x4x4096xf32, #tpu.memory_space<vmem>>, %arg3: memref<18x256xf32, #tpu.memory_space<vmem>>, %arg4: memref<1x256xf32, #tpu.memory_space<vmem>>, %arg5: memref<1x256xf32, #tpu.memory_space<vmem>>, %arg6: memref<1x256xf32, #tpu.memory_space<vmem>>, %arg7: memref<1x4x256xf32, #tpu.memory_space<vmem>>) attributes {dimension_semantics = [#tpu.dimension_semantics<arbitrary>], iteration_bounds = array<i64: 24>, scalar_prefetch = 0 : i64, scratch_operands = 0 : i64, tpu.core_type = #tpu.core_type<tc>, window_params = [{transform_indices = @transform_0, window_bounds = array<i64: 4, 384, 384>}, {transform_indices = @transform_1, window_bounds = array<i64: 1, 4, 4096>}, {pipeline_mode = #tpu.pipeline_mode<synchronous>, transform_indices = @transform_2, window_bounds = array<i64: 18, 256>}, {pipeline_mode = #tpu.pipeline_mode<synchronous>, transform_indices = @transform_3, window_bounds = array<i64: 1, 256>}, {pipeline_mode = #tpu.pipeline_mode<synchronous>, transform_indices = @transform_4, window_bounds = array<i64: 1, 256>}, {pipeline_mode = #tpu.pipeline_mode<synchronous>, transform_indices = @transform_5, window_bounds = array<i64: 1, 256>}, {transform_indices = @transform_6, window_bounds = array<i64: 1, 4, 256>}]} {
    %get3A = arith.constant 0 : index
    %get3A_0 = arith.constant 0 : index
    %get3A_1 = arith.constant 0 : index
    %get3A_2 = vector.load %arg1[%get3A, %get3A_0, %get3A_1] : memref<4x384x384xf32, #tpu.memory_space<vmem>>, vector<4x384x384xf32>
    %get3A_3 = arith.constant 0 : index
    %get3A_4 = arith.constant 0 : index
    %get3A_5 = arith.constant 0 : index
    %get3A_6 = vector.load %arg2[%get3A_3, %get3A_4, %get3A_5] : memref<1x4x4096xf32, #tpu.memory_space<vmem>>, vector<1x4x4096xf32>
    %get3A_7 = vector.shape_cast %get3A_6 : vector<1x4x4096xf32> to vector<4x4096xf32>
    %bitcast_convert_type3A = tpu.bitcast %get3A_2 : vector<4x384x384xf32> -> vector<4x384x384xi32>
    %shift_right_arithmetic3A = arith.constant 31 : i32
    %shift_right_arithmetic3A_8 = vector.broadcast %shift_right_arithmetic3A : i32 to vector<4x384x384xi32>
    %shift_right_arithmetic3A_9 = arith.shrsi %bitcast_convert_type3A, %shift_right_arithmetic3A_8 : vector<4x384x384xi32>
    %and3A = arith.constant 2147483647 : i32
    %and3A_10 = vector.broadcast %and3A : i32 to vector<4x384x384xi32>
    %and3A_11 = arith.andi %shift_right_arithmetic3A_9, %and3A_10 : vector<4x384x384xi32>
    %xor3A = arith.xori %bitcast_convert_type3A, %and3A_11 : vector<4x384x384xi32>
    %broadcast_in_dim3A = arith.constant 1.179650e+05 : f32
    %broadcast_in_dim3A_12 = vector.broadcast %broadcast_in_dim3A : f32 to vector<4x1x1xf32>
    %reshape3A = vector.shape_cast %broadcast_in_dim3A_12 : vector<4x1x1xf32> to vector<4x1xf32>
    %lt3A = vector.broadcast %reshape3A : vector<4x1xf32> to vector<4x4096xf32>
    %lt3A_13 = arith.cmpf olt, %get3A_7, %lt3A : vector<4x4096xf32>
    %jit3A = arith.constant 1.000000e+00 : f32
    %jit3A_14 = arith.constant 0.000000e+00 : f32
    %broadcast_in_dim3A_15 = vector.broadcast %jit3A : f32 to vector<4x4096xf32>
    %broadcast_in_dim3A_16 = vector.broadcast %jit3A_14 : f32 to vector<4x4096xf32>
    %select_n3A = arith.select %lt3A_13, %broadcast_in_dim3A_15, %broadcast_in_dim3A_16 : vector<4x4096xi1>, vector<4x4096xf32>
    %reduce_sum3A = arith.constant dense<0.000000e+00> : vector<4xf32>
    %reduce_sum3A_17 = vector.multi_reduction <add>, %select_n3A, %reduce_sum3A [1] : vector<4x4096xf32> to vector<4xf32>
    %broadcast_in_dim3A_18 = vector.shape_cast %reduce_sum3A_17 : vector<4xf32> to vector<4x1xf32>
    %reshape3A_19 = vector.shape_cast %broadcast_in_dim3A_18 : vector<4x1xf32> to vector<4x1x1xf32>
    %convert_element_type3A = arith.fptosi %reshape3A_19 : vector<4x1x1xf32> to vector<4x1x1xi32>
    %sub3A = arith.constant 2048 : i32
    %sub3A_20 = vector.broadcast %sub3A : i32 to vector<4x1x1xi32>
    %sub3A_21 = arith.subi %convert_element_type3A, %sub3A_20 : vector<4x1x1xi32>
    %shift_left3A = arith.constant 20 : i32
    %shift_left3A_22 = vector.broadcast %shift_left3A : i32 to vector<4x1x1xi32>
    %shift_left3A_23 = arith.shli %sub3A_21, %shift_left3A_22 : vector<4x1x1xi32>
    %add3A = arith.constant 1048575 : i32
    %add3A_24 = vector.broadcast %add3A : i32 to vector<4x1x1xi32>
    %add3A_25 = arith.addi %shift_left3A_23, %add3A_24 : vector<4x1x1xi32>
    %scan3A = arith.constant 0 : i32
    %scan3A_26 = arith.constant 20 : i32
    %scan3A_27 = arith.addi %scan3A, %scan3A_26 : i32
    %scan3A_28 = arith.constant 1 : i32
    %scan3A_29:2 = scf.for %scan3A_1582 = %scan3A to %scan3A_27 step %scan3A_28 iter_args(%scan3A_1583 = %shift_left3A_23, %scan3A_1584 = %add3A_25) -> (vector<4x1x1xi32>, vector<4x1x1xi32>)  : i32 {
      %and3A_1585 = arith.andi %scan3A_1583, %scan3A_1584 : vector<4x1x1xi32>
      %xor3A_1586 = arith.xori %scan3A_1583, %scan3A_1584 : vector<4x1x1xi32>
      %shift_right_arithmetic3A_1587 = arith.constant 1 : i32
      %shift_right_arithmetic3A_1588 = vector.broadcast %shift_right_arithmetic3A_1587 : i32 to vector<4x1x1xi32>
      %shift_right_arithmetic3A_1589 = arith.shrsi %xor3A_1586, %shift_right_arithmetic3A_1588 : vector<4x1x1xi32>
      %add3A_1590 = arith.addi %and3A_1585, %shift_right_arithmetic3A_1589 : vector<4x1x1xi32>
      %le3A_1591 = vector.broadcast %add3A_1590 : vector<4x1x1xi32> to vector<4x384x384xi32>
      %le3A_1592 = arith.cmpi sle, %xor3A, %le3A_1591 : vector<4x384x384xi32>
      %jit3A_1593 = arith.constant 1.000000e+00 : f32
      %jit3A_1594 = arith.constant 0.000000e+00 : f32
      %broadcast_in_dim3A_1595 = vector.broadcast %jit3A_1593 : f32 to vector<4x384x384xf32>
      %broadcast_in_dim3A_1596 = vector.broadcast %jit3A_1594 : f32 to vector<4x384x384xf32>
      %select_n3A_1597 = arith.select %le3A_1592, %broadcast_in_dim3A_1595, %broadcast_in_dim3A_1596 : vector<4x384x384xi1>, vector<4x384x384xf32>
      %slice3A_1598 = vector.extract_strided_slice %select_n3A_1597 {offsets = [0, 0, 0], sizes = [4, 384, 128], strides = [1, 1, 1]} : vector<4x384x384xf32> to vector<4x384x128xf32>
      %slice3A_1599 = vector.extract_strided_slice %select_n3A_1597 {offsets = [0, 0, 128], sizes = [4, 384, 128], strides = [1, 1, 1]} : vector<4x384x384xf32> to vector<4x384x128xf32>
      %add3A_1600 = arith.addf %slice3A_1598, %slice3A_1599 : vector<4x384x128xf32>
      %slice3A_1601 = vector.extract_strided_slice %select_n3A_1597 {offsets = [0, 0, 256], sizes = [4, 384, 128], strides = [1, 1, 1]} : vector<4x384x384xf32> to vector<4x384x128xf32>
      %add3A_1602 = arith.addf %add3A_1600, %slice3A_1601 : vector<4x384x128xf32>
      %slice3A_1603 = vector.extract_strided_slice %add3A_1602 {offsets = [0, 0, 0], sizes = [4, 192, 128], strides = [1, 1, 1]} : vector<4x384x128xf32> to vector<4x192x128xf32>
      %slice3A_1604 = vector.extract_strided_slice %add3A_1602 {offsets = [0, 192, 0], sizes = [4, 192, 128], strides = [1, 1, 1]} : vector<4x384x128xf32> to vector<4x192x128xf32>
      %add3A_1605 = arith.addf %slice3A_1603, %slice3A_1604 : vector<4x192x128xf32>
      %slice3A_1606 = vector.extract_strided_slice %add3A_1605 {offsets = [0, 0, 0], sizes = [4, 96, 128], strides = [1, 1, 1]} : vector<4x192x128xf32> to vector<4x96x128xf32>
      %slice3A_1607 = vector.extract_strided_slice %add3A_1605 {offsets = [0, 96, 0], sizes = [4, 96, 128], strides = [1, 1, 1]} : vector<4x192x128xf32> to vector<4x96x128xf32>
      %add3A_1608 = arith.addf %slice3A_1606, %slice3A_1607 : vector<4x96x128xf32>
      %slice3A_1609 = vector.extract_strided_slice %add3A_1608 {offsets = [0, 0, 0], sizes = [4, 48, 128], strides = [1, 1, 1]} : vector<4x96x128xf32> to vector<4x48x128xf32>
      %slice3A_1610 = vector.extract_strided_slice %add3A_1608 {offsets = [0, 48, 0], sizes = [4, 48, 128], strides = [1, 1, 1]} : vector<4x96x128xf32> to vector<4x48x128xf32>
      %add3A_1611 = arith.addf %slice3A_1609, %slice3A_1610 : vector<4x48x128xf32>
      %slice3A_1612 = vector.extract_strided_slice %add3A_1611 {offsets = [0, 0, 0], sizes = [4, 24, 128], strides = [1, 1, 1]} : vector<4x48x128xf32> to vector<4x24x128xf32>
      %slice3A_1613 = vector.extract_strided_slice %add3A_1611 {offsets = [0, 24, 0], sizes = [4, 24, 128], strides = [1, 1, 1]} : vector<4x48x128xf32> to vector<4x24x128xf32>
      %add3A_1614 = arith.addf %slice3A_1612, %slice3A_1613 : vector<4x24x128xf32>
      %slice3A_1615 = vector.extract_strided_slice %add3A_1614 {offsets = [0, 0, 0], sizes = [4, 8, 128], strides = [1, 1, 1]} : vector<4x24x128xf32> to vector<4x8x128xf32>
      %slice3A_1616 = vector.extract_strided_slice %add3A_1614 {offsets = [0, 8, 0], sizes = [4, 8, 128], strides = [1, 1, 1]} : vector<4x24x128xf32> to vector<4x8x128xf32>
      %add3A_1617 = arith.addf %slice3A_1615, %slice3A_1616 : vector<4x8x128xf32>
      %slice3A_1618 = vector.extract_strided_slice %add3A_1614 {offsets = [0, 16, 0], sizes = [4, 8, 128], strides = [1, 1, 1]} : vector<4x24x128xf32> to vector<4x8x128xf32>
      %add3A_1619 = arith.addf %add3A_1617, %slice3A_1618 : vector<4x8x128xf32>
      %reduce_sum3A_1620 = arith.constant dense<0.000000e+00> : vector<4xf32>
      %reduce_sum3A_1621 = vector.multi_reduction <add>, %add3A_1619, %reduce_sum3A_1620 [1, 2] : vector<4x8x128xf32> to vector<4xf32>
      %broadcast_in_dim3A_1622 = vector.shape_cast %reduce_sum3A_1621 : vector<4xf32> to vector<4x1x1xf32>
      %ge3A_1623 = arith.cmpf oge, %broadcast_in_dim3A_1622, %broadcast_in_dim3A_12 : vector<4x1x1xf32>
      %add3A_1624 = arith.constant 1 : i32
      %add3A_1625 = vector.broadcast %add3A_1624 : i32 to vector<4x1x1xi32>
      %add3A_1626 = arith.addi %add3A_1590, %add3A_1625 : vector<4x1x1xi32>
      %select_n3A_1627 = arith.select %ge3A_1623, %scan3A_1583, %add3A_1626 : vector<4x1x1xi1>, vector<4x1x1xi32>
      %select_n3A_1628 = arith.select %ge3A_1623, %add3A_1590, %scan3A_1584 : vector<4x1x1xi1>, vector<4x1x1xi32>
      scf.yield %select_n3A_1627, %select_n3A_1628 : vector<4x1x1xi32>, vector<4x1x1xi32>
    }
    %shift_right_arithmetic3A_30 = arith.constant 31 : i32
    %shift_right_arithmetic3A_31 = vector.broadcast %shift_right_arithmetic3A_30 : i32 to vector<4x1x1xi32>
    %shift_right_arithmetic3A_32 = arith.shrsi %scan3A_29#0, %shift_right_arithmetic3A_31 : vector<4x1x1xi32>
    %and3A_33 = arith.constant 2147483647 : i32
    %and3A_34 = vector.broadcast %and3A_33 : i32 to vector<4x1x1xi32>
    %and3A_35 = arith.andi %shift_right_arithmetic3A_32, %and3A_34 : vector<4x1x1xi32>
    %xor3A_36 = arith.xori %scan3A_29#0, %and3A_35 : vector<4x1x1xi32>
    %bitcast_convert_type3A_37 = tpu.bitcast %xor3A_36 : vector<4x1x1xi32> -> vector<4x1x1xf32>
    %ge3A = vector.broadcast %bitcast_convert_type3A_37 : vector<4x1x1xf32> to vector<4x384x384xf32>
    %ge3A_38 = arith.cmpf oge, %get3A_2, %ge3A : vector<4x384x384xf32>
    %convert_element_type3A_39 = arith.extui %ge3A_38 : vector<4x384x384xi1> to vector<4x384x384xi32>
    %convert_element_type3A_40 = arith.sitofp %convert_element_type3A_39 : vector<4x384x384xi32> to vector<4x384x384xf32>
    %slice3A = vector.extract_strided_slice %convert_element_type3A_40 {offsets = [0, 0, 0], sizes = [4, 384, 128], strides = [1, 1, 1]} : vector<4x384x384xf32> to vector<4x384x128xf32>
    %slice3A_41 = vector.extract_strided_slice %convert_element_type3A_40 {offsets = [0, 0, 128], sizes = [4, 384, 128], strides = [1, 1, 1]} : vector<4x384x384xf32> to vector<4x384x128xf32>
    %add3A_42 = arith.addf %slice3A, %slice3A_41 : vector<4x384x128xf32>
    %slice3A_43 = vector.extract_strided_slice %convert_element_type3A_40 {offsets = [0, 0, 256], sizes = [4, 384, 128], strides = [1, 1, 1]} : vector<4x384x384xf32> to vector<4x384x128xf32>
    %add3A_44 = arith.addf %add3A_42, %slice3A_43 : vector<4x384x128xf32>
    %slice3A_45 = vector.extract_strided_slice %add3A_44 {offsets = [0, 0, 0], sizes = [4, 192, 128], strides = [1, 1, 1]} : vector<4x384x128xf32> to vector<4x192x128xf32>
    %slice3A_46 = vector.extract_strided_slice %add3A_44 {offsets = [0, 192, 0], sizes = [4, 192, 128], strides = [1, 1, 1]} : vector<4x384x128xf32> to vector<4x192x128xf32>
    %add3A_47 = arith.addf %slice3A_45, %slice3A_46 : vector<4x192x128xf32>
    %slice3A_48 = vector.extract_strided_slice %add3A_47 {offsets = [0, 0, 0], sizes = [4, 96, 128], strides = [1, 1, 1]} : vector<4x192x128xf32> to vector<4x96x128xf32>
    %slice3A_49 = vector.extract_strided_slice %add3A_47 {offsets = [0, 96, 0], sizes = [4, 96, 128], strides = [1, 1, 1]} : vector<4x192x128xf32> to vector<4x96x128xf32>
    %add3A_50 = arith.addf %slice3A_48, %slice3A_49 : vector<4x96x128xf32>
    %slice3A_51 = vector.extract_strided_slice %add3A_50 {offsets = [0, 0, 0], sizes = [4, 48, 128], strides = [1, 1, 1]} : vector<4x96x128xf32> to vector<4x48x128xf32>
    %slice3A_52 = vector.extract_strided_slice %add3A_50 {offsets = [0, 48, 0], sizes = [4, 48, 128], strides = [1, 1, 1]} : vector<4x96x128xf32> to vector<4x48x128xf32>
    %add3A_53 = arith.addf %slice3A_51, %slice3A_52 : vector<4x48x128xf32>
    %slice3A_54 = vector.extract_strided_slice %add3A_53 {offsets = [0, 0, 0], sizes = [4, 24, 128], strides = [1, 1, 1]} : vector<4x48x128xf32> to vector<4x24x128xf32>
    %slice3A_55 = vector.extract_strided_slice %add3A_53 {offsets = [0, 24, 0], sizes = [4, 24, 128], strides = [1, 1, 1]} : vector<4x48x128xf32> to vector<4x24x128xf32>
    %add3A_56 = arith.addf %slice3A_54, %slice3A_55 : vector<4x24x128xf32>
    %slice3A_57 = vector.extract_strided_slice %add3A_56 {offsets = [0, 0, 0], sizes = [4, 8, 128], strides = [1, 1, 1]} : vector<4x24x128xf32> to vector<4x8x128xf32>
    %slice3A_58 = vector.extract_strided_slice %add3A_56 {offsets = [0, 8, 0], sizes = [4, 8, 128], strides = [1, 1, 1]} : vector<4x24x128xf32> to vector<4x8x128xf32>
    %add3A_59 = arith.addf %slice3A_57, %slice3A_58 : vector<4x8x128xf32>
    %slice3A_60 = vector.extract_strided_slice %add3A_56 {offsets = [0, 16, 0], sizes = [4, 8, 128], strides = [1, 1, 1]} : vector<4x24x128xf32> to vector<4x8x128xf32>
    %add3A_61 = arith.addf %add3A_59, %slice3A_60 : vector<4x8x128xf32>
    %reduce_sum3A_62 = arith.constant dense<0.000000e+00> : vector<4xf32>
    %reduce_sum3A_63 = vector.multi_reduction <add>, %add3A_61, %reduce_sum3A_62 [1, 2] : vector<4x8x128xf32> to vector<4xf32>
    %broadcast_in_dim3A_64 = vector.shape_cast %reduce_sum3A_63 : vector<4xf32> to vector<4x1x1xf32>
    %mul3A = arith.mulf %get3A_2, %convert_element_type3A_40 : vector<4x384x384xf32>
    %slice3A_65 = vector.extract_strided_slice %mul3A {offsets = [0, 0, 0], sizes = [4, 384, 128], strides = [1, 1, 1]} : vector<4x384x384xf32> to vector<4x384x128xf32>
    %slice3A_66 = vector.extract_strided_slice %mul3A {offsets = [0, 0, 128], sizes = [4, 384, 128], strides = [1, 1, 1]} : vector<4x384x384xf32> to vector<4x384x128xf32>
    %add3A_67 = arith.addf %slice3A_65, %slice3A_66 : vector<4x384x128xf32>
    %slice3A_68 = vector.extract_strided_slice %mul3A {offsets = [0, 0, 256], sizes = [4, 384, 128], strides = [1, 1, 1]} : vector<4x384x384xf32> to vector<4x384x128xf32>
    %add3A_69 = arith.addf %add3A_67, %slice3A_68 : vector<4x384x128xf32>
    %slice3A_70 = vector.extract_strided_slice %add3A_69 {offsets = [0, 0, 0], sizes = [4, 192, 128], strides = [1, 1, 1]} : vector<4x384x128xf32> to vector<4x192x128xf32>
    %slice3A_71 = vector.extract_strided_slice %add3A_69 {offsets = [0, 192, 0], sizes = [4, 192, 128], strides = [1, 1, 1]} : vector<4x384x128xf32> to vector<4x192x128xf32>
    %add3A_72 = arith.addf %slice3A_70, %slice3A_71 : vector<4x192x128xf32>
    %slice3A_73 = vector.extract_strided_slice %add3A_72 {offsets = [0, 0, 0], sizes = [4, 96, 128], strides = [1, 1, 1]} : vector<4x192x128xf32> to vector<4x96x128xf32>
    %slice3A_74 = vector.extract_strided_slice %add3A_72 {offsets = [0, 96, 0], sizes = [4, 96, 128], strides = [1, 1, 1]} : vector<4x192x128xf32> to vector<4x96x128xf32>
    %add3A_75 = arith.addf %slice3A_73, %slice3A_74 : vector<4x96x128xf32>
    %slice3A_76 = vector.extract_strided_slice %add3A_75 {offsets = [0, 0, 0], sizes = [4, 48, 128], strides = [1, 1, 1]} : vector<4x96x128xf32> to vector<4x48x128xf32>
    %slice3A_77 = vector.extract_strided_slice %add3A_75 {offsets = [0, 48, 0], sizes = [4, 48, 128], strides = [1, 1, 1]} : vector<4x96x128xf32> to vector<4x48x128xf32>
    %add3A_78 = arith.addf %slice3A_76, %slice3A_77 : vector<4x48x128xf32>
    %slice3A_79 = vector.extract_strided_slice %add3A_78 {offsets = [0, 0, 0], sizes = [4, 24, 128], strides = [1, 1, 1]} : vector<4x48x128xf32> to vector<4x24x128xf32>
    %slice3A_80 = vector.extract_strided_slice %add3A_78 {offsets = [0, 24, 0], sizes = [4, 24, 128], strides = [1, 1, 1]} : vector<4x48x128xf32> to vector<4x24x128xf32>
    %add3A_81 = arith.addf %slice3A_79, %slice3A_80 : vector<4x24x128xf32>
    %slice3A_82 = vector.extract_strided_slice %add3A_81 {offsets = [0, 0, 0], sizes = [4, 8, 128], strides = [1, 1, 1]} : vector<4x24x128xf32> to vector<4x8x128xf32>
    %slice3A_83 = vector.extract_strided_slice %add3A_81 {offsets = [0, 8, 0], sizes = [4, 8, 128], strides = [1, 1, 1]} : vector<4x24x128xf32> to vector<4x8x128xf32>
    %add3A_84 = arith.addf %slice3A_82, %slice3A_83 : vector<4x8x128xf32>
    %slice3A_85 = vector.extract_strided_slice %add3A_81 {offsets = [0, 16, 0], sizes = [4, 8, 128], strides = [1, 1, 1]} : vector<4x24x128xf32> to vector<4x8x128xf32>
    %add3A_86 = arith.addf %add3A_84, %slice3A_85 : vector<4x8x128xf32>
    %reduce_sum3A_87 = arith.constant dense<0.000000e+00> : vector<4xf32>
    %reduce_sum3A_88 = vector.multi_reduction <add>, %add3A_86, %reduce_sum3A_87 [1, 2] : vector<4x8x128xf32> to vector<4xf32>
    %broadcast_in_dim3A_89 = vector.shape_cast %reduce_sum3A_88 : vector<4xf32> to vector<4x1x1xf32>
    %div3A = arith.divf %broadcast_in_dim3A_89, %broadcast_in_dim3A_64 : vector<4x1x1xf32>
    %sub3A_90 = vector.broadcast %div3A : vector<4x1x1xf32> to vector<4x384x384xf32>
    %sub3A_91 = arith.subf %get3A_2, %sub3A_90 : vector<4x384x384xf32>
    %mul3A_92 = arith.mulf %sub3A_91, %sub3A_91 : vector<4x384x384xf32>
    %mul3A_93 = arith.mulf %mul3A_92, %convert_element_type3A_40 : vector<4x384x384xf32>
    %slice3A_94 = vector.extract_strided_slice %mul3A_93 {offsets = [0, 0, 0], sizes = [4, 384, 128], strides = [1, 1, 1]} : vector<4x384x384xf32> to vector<4x384x128xf32>
    %slice3A_95 = vector.extract_strided_slice %mul3A_93 {offsets = [0, 0, 128], sizes = [4, 384, 128], strides = [1, 1, 1]} : vector<4x384x384xf32> to vector<4x384x128xf32>
    %add3A_96 = arith.addf %slice3A_94, %slice3A_95 : vector<4x384x128xf32>
    %slice3A_97 = vector.extract_strided_slice %mul3A_93 {offsets = [0, 0, 256], sizes = [4, 384, 128], strides = [1, 1, 1]} : vector<4x384x384xf32> to vector<4x384x128xf32>
    %add3A_98 = arith.addf %add3A_96, %slice3A_97 : vector<4x384x128xf32>
    %slice3A_99 = vector.extract_strided_slice %add3A_98 {offsets = [0, 0, 0], sizes = [4, 192, 128], strides = [1, 1, 1]} : vector<4x384x128xf32> to vector<4x192x128xf32>
    %slice3A_100 = vector.extract_strided_slice %add3A_98 {offsets = [0, 192, 0], sizes = [4, 192, 128], strides = [1, 1, 1]} : vector<4x384x128xf32> to vector<4x192x128xf32>
    %add3A_101 = arith.addf %slice3A_99, %slice3A_100 : vector<4x192x128xf32>
    %slice3A_102 = vector.extract_strided_slice %add3A_101 {offsets = [0, 0, 0], sizes = [4, 96, 128], strides = [1, 1, 1]} : vector<4x192x128xf32> to vector<4x96x128xf32>
    %slice3A_103 = vector.extract_strided_slice %add3A_101 {offsets = [0, 96, 0], sizes = [4, 96, 128], strides = [1, 1, 1]} : vector<4x192x128xf32> to vector<4x96x128xf32>
    %add3A_104 = arith.addf %slice3A_102, %slice3A_103 : vector<4x96x128xf32>
    %slice3A_105 = vector.extract_strided_slice %add3A_104 {offsets = [0, 0, 0], sizes = [4, 48, 128], strides = [1, 1, 1]} : vector<4x96x128xf32> to vector<4x48x128xf32>
    %slice3A_106 = vector.extract_strided_slice %add3A_104 {offsets = [0, 48, 0], sizes = [4, 48, 128], strides = [1, 1, 1]} : vector<4x96x128xf32> to vector<4x48x128xf32>
    %add3A_107 = arith.addf %slice3A_105, %slice3A_106 : vector<4x48x128xf32>
    %slice3A_108 = vector.extract_strided_slice %add3A_107 {offsets = [0, 0, 0], sizes = [4, 24, 128], strides = [1, 1, 1]} : vector<4x48x128xf32> to vector<4x24x128xf32>
    %slice3A_109 = vector.extract_strided_slice %add3A_107 {offsets = [0, 24, 0], sizes = [4, 24, 128], strides = [1, 1, 1]} : vector<4x48x128xf32> to vector<4x24x128xf32>
    %add3A_110 = arith.addf %slice3A_108, %slice3A_109 : vector<4x24x128xf32>
    %slice3A_111 = vector.extract_strided_slice %add3A_110 {offsets = [0, 0, 0], sizes = [4, 8, 128], strides = [1, 1, 1]} : vector<4x24x128xf32> to vector<4x8x128xf32>
    %slice3A_112 = vector.extract_strided_slice %add3A_110 {offsets = [0, 8, 0], sizes = [4, 8, 128], strides = [1, 1, 1]} : vector<4x24x128xf32> to vector<4x8x128xf32>
    %add3A_113 = arith.addf %slice3A_111, %slice3A_112 : vector<4x8x128xf32>
    %slice3A_114 = vector.extract_strided_slice %add3A_110 {offsets = [0, 16, 0], sizes = [4, 8, 128], strides = [1, 1, 1]} : vector<4x24x128xf32> to vector<4x8x128xf32>
    %add3A_115 = arith.addf %add3A_113, %slice3A_114 : vector<4x8x128xf32>
    %reduce_sum3A_116 = arith.constant dense<0.000000e+00> : vector<4xf32>
    %reduce_sum3A_117 = vector.multi_reduction <add>, %add3A_115, %reduce_sum3A_116 [1, 2] : vector<4x8x128xf32> to vector<4xf32>
    %broadcast_in_dim3A_118 = vector.shape_cast %reduce_sum3A_117 : vector<4xf32> to vector<4x1x1xf32>
    %div3A_119 = arith.divf %broadcast_in_dim3A_118, %broadcast_in_dim3A_64 : vector<4x1x1xf32>
    %sqrt3A = math.sqrt %div3A_119 : vector<4x1x1xf32>
    %max3A = arith.constant 9.99999997E-7 : f32
    %max3A_120 = vector.broadcast %max3A : f32 to vector<4x1x1xf32>
    %max3A_121 = arith.maximumf %sqrt3A, %max3A_120 : vector<4x1x1xf32>
    %mul3A_122 = arith.mulf %mul3A_92, %sub3A_91 : vector<4x384x384xf32>
    %mul3A_123 = arith.mulf %mul3A_122, %convert_element_type3A_40 : vector<4x384x384xf32>
    %slice3A_124 = vector.extract_strided_slice %mul3A_123 {offsets = [0, 0, 0], sizes = [4, 384, 128], strides = [1, 1, 1]} : vector<4x384x384xf32> to vector<4x384x128xf32>
    %slice3A_125 = vector.extract_strided_slice %mul3A_123 {offsets = [0, 0, 128], sizes = [4, 384, 128], strides = [1, 1, 1]} : vector<4x384x384xf32> to vector<4x384x128xf32>
    %add3A_126 = arith.addf %slice3A_124, %slice3A_125 : vector<4x384x128xf32>
    %slice3A_127 = vector.extract_strided_slice %mul3A_123 {offsets = [0, 0, 256], sizes = [4, 384, 128], strides = [1, 1, 1]} : vector<4x384x384xf32> to vector<4x384x128xf32>
    %add3A_128 = arith.addf %add3A_126, %slice3A_127 : vector<4x384x128xf32>
    %slice3A_129 = vector.extract_strided_slice %add3A_128 {offsets = [0, 0, 0], sizes = [4, 192, 128], strides = [1, 1, 1]} : vector<4x384x128xf32> to vector<4x192x128xf32>
    %slice3A_130 = vector.extract_strided_slice %add3A_128 {offsets = [0, 192, 0], sizes = [4, 192, 128], strides = [1, 1, 1]} : vector<4x384x128xf32> to vector<4x192x128xf32>
    %add3A_131 = arith.addf %slice3A_129, %slice3A_130 : vector<4x192x128xf32>
    %slice3A_132 = vector.extract_strided_slice %add3A_131 {offsets = [0, 0, 0], sizes = [4, 96, 128], strides = [1, 1, 1]} : vector<4x192x128xf32> to vector<4x96x128xf32>
    %slice3A_133 = vector.extract_strided_slice %add3A_131 {offsets = [0, 96, 0], sizes = [4, 96, 128], strides = [1, 1, 1]} : vector<4x192x128xf32> to vector<4x96x128xf32>
    %add3A_134 = arith.addf %slice3A_132, %slice3A_133 : vector<4x96x128xf32>
    %slice3A_135 = vector.extract_strided_slice %add3A_134 {offsets = [0, 0, 0], sizes = [4, 48, 128], strides = [1, 1, 1]} : vector<4x96x128xf32> to vector<4x48x128xf32>
    %slice3A_136 = vector.extract_strided_slice %add3A_134 {offsets = [0, 48, 0], sizes = [4, 48, 128], strides = [1, 1, 1]} : vector<4x96x128xf32> to vector<4x48x128xf32>
    %add3A_137 = arith.addf %slice3A_135, %slice3A_136 : vector<4x48x128xf32>
    %slice3A_138 = vector.extract_strided_slice %add3A_137 {offsets = [0, 0, 0], sizes = [4, 24, 128], strides = [1, 1, 1]} : vector<4x48x128xf32> to vector<4x24x128xf32>
    %slice3A_139 = vector.extract_strided_slice %add3A_137 {offsets = [0, 24, 0], sizes = [4, 24, 128], strides = [1, 1, 1]} : vector<4x48x128xf32> to vector<4x24x128xf32>
    %add3A_140 = arith.addf %slice3A_138, %slice3A_139 : vector<4x24x128xf32>
    %slice3A_141 = vector.extract_strided_slice %add3A_140 {offsets = [0, 0, 0], sizes = [4, 8, 128], strides = [1, 1, 1]} : vector<4x24x128xf32> to vector<4x8x128xf32>
    %slice3A_142 = vector.extract_strided_slice %add3A_140 {offsets = [0, 8, 0], sizes = [4, 8, 128], strides = [1, 1, 1]} : vector<4x24x128xf32> to vector<4x8x128xf32>
    %add3A_143 = arith.addf %slice3A_141, %slice3A_142 : vector<4x8x128xf32>
    %slice3A_144 = vector.extract_strided_slice %add3A_140 {offsets = [0, 16, 0], sizes = [4, 8, 128], strides = [1, 1, 1]} : vector<4x24x128xf32> to vector<4x8x128xf32>
    %add3A_145 = arith.addf %add3A_143, %slice3A_144 : vector<4x8x128xf32>
    %reduce_sum3A_146 = arith.constant dense<0.000000e+00> : vector<4xf32>
    %reduce_sum3A_147 = vector.multi_reduction <add>, %add3A_145, %reduce_sum3A_146 [1, 2] : vector<4x8x128xf32> to vector<4xf32>
    %broadcast_in_dim3A_148 = vector.shape_cast %reduce_sum3A_147 : vector<4xf32> to vector<4x1x1xf32>
    %div3A_149 = arith.divf %broadcast_in_dim3A_148, %broadcast_in_dim3A_64 : vector<4x1x1xf32>
    %mul3A_150 = arith.mulf %mul3A_92, %mul3A_92 : vector<4x384x384xf32>
    %mul3A_151 = arith.mulf %mul3A_150, %convert_element_type3A_40 : vector<4x384x384xf32>
    %slice3A_152 = vector.extract_strided_slice %mul3A_151 {offsets = [0, 0, 0], sizes = [4, 384, 128], strides = [1, 1, 1]} : vector<4x384x384xf32> to vector<4x384x128xf32>
    %slice3A_153 = vector.extract_strided_slice %mul3A_151 {offsets = [0, 0, 128], sizes = [4, 384, 128], strides = [1, 1, 1]} : vector<4x384x384xf32> to vector<4x384x128xf32>
    %add3A_154 = arith.addf %slice3A_152, %slice3A_153 : vector<4x384x128xf32>
    %slice3A_155 = vector.extract_strided_slice %mul3A_151 {offsets = [0, 0, 256], sizes = [4, 384, 128], strides = [1, 1, 1]} : vector<4x384x384xf32> to vector<4x384x128xf32>
    %add3A_156 = arith.addf %add3A_154, %slice3A_155 : vector<4x384x128xf32>
    %slice3A_157 = vector.extract_strided_slice %add3A_156 {offsets = [0, 0, 0], sizes = [4, 192, 128], strides = [1, 1, 1]} : vector<4x384x128xf32> to vector<4x192x128xf32>
    %slice3A_158 = vector.extract_strided_slice %add3A_156 {offsets = [0, 192, 0], sizes = [4, 192, 128], strides = [1, 1, 1]} : vector<4x384x128xf32> to vector<4x192x128xf32>
    %add3A_159 = arith.addf %slice3A_157, %slice3A_158 : vector<4x192x128xf32>
    %slice3A_160 = vector.extract_strided_slice %add3A_159 {offsets = [0, 0, 0], sizes = [4, 96, 128], strides = [1, 1, 1]} : vector<4x192x128xf32> to vector<4x96x128xf32>
    %slice3A_161 = vector.extract_strided_slice %add3A_159 {offsets = [0, 96, 0], sizes = [4, 96, 128], strides = [1, 1, 1]} : vector<4x192x128xf32> to vector<4x96x128xf32>
    %add3A_162 = arith.addf %slice3A_160, %slice3A_161 : vector<4x96x128xf32>
    %slice3A_163 = vector.extract_strided_slice %add3A_162 {offsets = [0, 0, 0], sizes = [4, 48, 128], strides = [1, 1, 1]} : vector<4x96x128xf32> to vector<4x48x128xf32>
    %slice3A_164 = vector.extract_strided_slice %add3A_162 {offsets = [0, 48, 0], sizes = [4, 48, 128], strides = [1, 1, 1]} : vector<4x96x128xf32> to vector<4x48x128xf32>
    %add3A_165 = arith.addf %slice3A_163, %slice3A_164 : vector<4x48x128xf32>
    %slice3A_166 = vector.extract_strided_slice %add3A_165 {offsets = [0, 0, 0], sizes = [4, 24, 128], strides = [1, 1, 1]} : vector<4x48x128xf32> to vector<4x24x128xf32>
    %slice3A_167 = vector.extract_strided_slice %add3A_165 {offsets = [0, 24, 0], sizes = [4, 24, 128], strides = [1, 1, 1]} : vector<4x48x128xf32> to vector<4x24x128xf32>
    %add3A_168 = arith.addf %slice3A_166, %slice3A_167 : vector<4x24x128xf32>
    %slice3A_169 = vector.extract_strided_slice %add3A_168 {offsets = [0, 0, 0], sizes = [4, 8, 128], strides = [1, 1, 1]} : vector<4x24x128xf32> to vector<4x8x128xf32>
    %slice3A_170 = vector.extract_strided_slice %add3A_168 {offsets = [0, 8, 0], sizes = [4, 8, 128], strides = [1, 1, 1]} : vector<4x24x128xf32> to vector<4x8x128xf32>
    %add3A_171 = arith.addf %slice3A_169, %slice3A_170 : vector<4x8x128xf32>
    %slice3A_172 = vector.extract_strided_slice %add3A_168 {offsets = [0, 16, 0], sizes = [4, 8, 128], strides = [1, 1, 1]} : vector<4x24x128xf32> to vector<4x8x128xf32>
    %add3A_173 = arith.addf %add3A_171, %slice3A_172 : vector<4x8x128xf32>
    %reduce_sum3A_174 = arith.constant dense<0.000000e+00> : vector<4xf32>
    %reduce_sum3A_175 = vector.multi_reduction <add>, %add3A_173, %reduce_sum3A_174 [1, 2] : vector<4x8x128xf32> to vector<4xf32>
    %broadcast_in_dim3A_176 = vector.shape_cast %reduce_sum3A_175 : vector<4xf32> to vector<4x1x1xf32>
    %div3A_177 = arith.divf %broadcast_in_dim3A_176, %broadcast_in_dim3A_64 : vector<4x1x1xf32>
    %mul3A_178 = arith.mulf %max3A_121, %max3A_121 : vector<4x1x1xf32>
    %mul3A_179 = arith.mulf %mul3A_178, %max3A_121 : vector<4x1x1xf32>
    %div3A_180 = arith.divf %div3A_149, %mul3A_179 : vector<4x1x1xf32>
    %jit3A_181 = arith.constant -5.000000e+01 : f32
    %jit3A_182 = arith.constant 5.000000e+01 : f32
    %max3A_183 = vector.broadcast %jit3A_181 : f32 to vector<4x1x1xf32>
    %max3A_184 = arith.maximumf %max3A_183, %div3A_180 : vector<4x1x1xf32>
    %min3A = vector.broadcast %jit3A_182 : f32 to vector<4x1x1xf32>
    %min3A_185 = arith.minimumf %min3A, %max3A_184 : vector<4x1x1xf32>
    %mul3A_186 = arith.mulf %max3A_121, %max3A_121 : vector<4x1x1xf32>
    %mul3A_187 = arith.mulf %mul3A_186, %max3A_121 : vector<4x1x1xf32>
    %mul3A_188 = arith.mulf %mul3A_187, %max3A_121 : vector<4x1x1xf32>
    %div3A_189 = arith.divf %div3A_177, %mul3A_188 : vector<4x1x1xf32>
    %jit3A_190 = arith.constant 0.000000e+00 : f32
    %jit3A_191 = arith.constant 1.000000e+02 : f32
    %max3A_192 = vector.broadcast %jit3A_190 : f32 to vector<4x1x1xf32>
    %max3A_193 = arith.maximumf %max3A_192, %div3A_189 : vector<4x1x1xf32>
    %min3A_194 = vector.broadcast %jit3A_191 : f32 to vector<4x1x1xf32>
    %min3A_195 = arith.minimumf %min3A_194, %max3A_193 : vector<4x1x1xf32>
    %jit3A_196 = arith.constant 0x7F800000 : f32
    %broadcast_in_dim3A_197 = vector.broadcast %jit3A_196 : f32 to vector<4x384x384xf32>
    %select_n3A_198 = arith.select %ge3A_38, %get3A_2, %broadcast_in_dim3A_197 : vector<4x384x384xi1>, vector<4x384x384xf32>
    %slice3A_199 = vector.extract_strided_slice %select_n3A_198 {offsets = [0, 0, 0], sizes = [4, 384, 128], strides = [1, 1, 1]} : vector<4x384x384xf32> to vector<4x384x128xf32>
    %slice3A_200 = vector.extract_strided_slice %select_n3A_198 {offsets = [0, 0, 128], sizes = [4, 384, 128], strides = [1, 1, 1]} : vector<4x384x384xf32> to vector<4x384x128xf32>
    %min3A_201 = arith.minimumf %slice3A_199, %slice3A_200 : vector<4x384x128xf32>
    %slice3A_202 = vector.extract_strided_slice %select_n3A_198 {offsets = [0, 0, 256], sizes = [4, 384, 128], strides = [1, 1, 1]} : vector<4x384x384xf32> to vector<4x384x128xf32>
    %min3A_203 = arith.minimumf %min3A_201, %slice3A_202 : vector<4x384x128xf32>
    %slice3A_204 = vector.extract_strided_slice %min3A_203 {offsets = [0, 0, 0], sizes = [4, 192, 128], strides = [1, 1, 1]} : vector<4x384x128xf32> to vector<4x192x128xf32>
    %slice3A_205 = vector.extract_strided_slice %min3A_203 {offsets = [0, 192, 0], sizes = [4, 192, 128], strides = [1, 1, 1]} : vector<4x384x128xf32> to vector<4x192x128xf32>
    %min3A_206 = arith.minimumf %slice3A_204, %slice3A_205 : vector<4x192x128xf32>
    %slice3A_207 = vector.extract_strided_slice %min3A_206 {offsets = [0, 0, 0], sizes = [4, 96, 128], strides = [1, 1, 1]} : vector<4x192x128xf32> to vector<4x96x128xf32>
    %slice3A_208 = vector.extract_strided_slice %min3A_206 {offsets = [0, 96, 0], sizes = [4, 96, 128], strides = [1, 1, 1]} : vector<4x192x128xf32> to vector<4x96x128xf32>
    %min3A_209 = arith.minimumf %slice3A_207, %slice3A_208 : vector<4x96x128xf32>
    %slice3A_210 = vector.extract_strided_slice %min3A_209 {offsets = [0, 0, 0], sizes = [4, 48, 128], strides = [1, 1, 1]} : vector<4x96x128xf32> to vector<4x48x128xf32>
    %slice3A_211 = vector.extract_strided_slice %min3A_209 {offsets = [0, 48, 0], sizes = [4, 48, 128], strides = [1, 1, 1]} : vector<4x96x128xf32> to vector<4x48x128xf32>
    %min3A_212 = arith.minimumf %slice3A_210, %slice3A_211 : vector<4x48x128xf32>
    %slice3A_213 = vector.extract_strided_slice %min3A_212 {offsets = [0, 0, 0], sizes = [4, 24, 128], strides = [1, 1, 1]} : vector<4x48x128xf32> to vector<4x24x128xf32>
    %slice3A_214 = vector.extract_strided_slice %min3A_212 {offsets = [0, 24, 0], sizes = [4, 24, 128], strides = [1, 1, 1]} : vector<4x48x128xf32> to vector<4x24x128xf32>
    %min3A_215 = arith.minimumf %slice3A_213, %slice3A_214 : vector<4x24x128xf32>
    %slice3A_216 = vector.extract_strided_slice %min3A_215 {offsets = [0, 0, 0], sizes = [4, 8, 128], strides = [1, 1, 1]} : vector<4x24x128xf32> to vector<4x8x128xf32>
    %slice3A_217 = vector.extract_strided_slice %min3A_215 {offsets = [0, 8, 0], sizes = [4, 8, 128], strides = [1, 1, 1]} : vector<4x24x128xf32> to vector<4x8x128xf32>
    %min3A_218 = arith.minimumf %slice3A_216, %slice3A_217 : vector<4x8x128xf32>
    %slice3A_219 = vector.extract_strided_slice %min3A_215 {offsets = [0, 16, 0], sizes = [4, 8, 128], strides = [1, 1, 1]} : vector<4x24x128xf32> to vector<4x8x128xf32>
    %min3A_220 = arith.minimumf %min3A_218, %slice3A_219 : vector<4x8x128xf32>
    %reduce_min3A = arith.constant dense<0x7F800000> : vector<4xf32>
    %reduce_min3A_221 = vector.multi_reduction <minimumf>, %min3A_220, %reduce_min3A [1, 2] : vector<4x8x128xf32> to vector<4xf32>
    %broadcast_in_dim3A_222 = vector.shape_cast %reduce_min3A_221 : vector<4xf32> to vector<4x1x1xf32>
    %neg3A = arith.constant 0.000000e+00 : f32
    %neg3A_223 = arith.constant 0x7F800000 : f32
    %neg3A_224 = arith.subf %neg3A, %neg3A_223 : f32
    %broadcast_in_dim3A_225 = vector.broadcast %neg3A_224 : f32 to vector<4x384x384xf32>
    %select_n3A_226 = arith.select %ge3A_38, %get3A_2, %broadcast_in_dim3A_225 : vector<4x384x384xi1>, vector<4x384x384xf32>
    %slice3A_227 = vector.extract_strided_slice %select_n3A_226 {offsets = [0, 0, 0], sizes = [4, 384, 128], strides = [1, 1, 1]} : vector<4x384x384xf32> to vector<4x384x128xf32>
    %slice3A_228 = vector.extract_strided_slice %select_n3A_226 {offsets = [0, 0, 128], sizes = [4, 384, 128], strides = [1, 1, 1]} : vector<4x384x384xf32> to vector<4x384x128xf32>
    %max3A_229 = arith.maximumf %slice3A_227, %slice3A_228 : vector<4x384x128xf32>
    %slice3A_230 = vector.extract_strided_slice %select_n3A_226 {offsets = [0, 0, 256], sizes = [4, 384, 128], strides = [1, 1, 1]} : vector<4x384x384xf32> to vector<4x384x128xf32>
    %max3A_231 = arith.maximumf %max3A_229, %slice3A_230 : vector<4x384x128xf32>
    %slice3A_232 = vector.extract_strided_slice %max3A_231 {offsets = [0, 0, 0], sizes = [4, 192, 128], strides = [1, 1, 1]} : vector<4x384x128xf32> to vector<4x192x128xf32>
    %slice3A_233 = vector.extract_strided_slice %max3A_231 {offsets = [0, 192, 0], sizes = [4, 192, 128], strides = [1, 1, 1]} : vector<4x384x128xf32> to vector<4x192x128xf32>
    %max3A_234 = arith.maximumf %slice3A_232, %slice3A_233 : vector<4x192x128xf32>
    %slice3A_235 = vector.extract_strided_slice %max3A_234 {offsets = [0, 0, 0], sizes = [4, 96, 128], strides = [1, 1, 1]} : vector<4x192x128xf32> to vector<4x96x128xf32>
    %slice3A_236 = vector.extract_strided_slice %max3A_234 {offsets = [0, 96, 0], sizes = [4, 96, 128], strides = [1, 1, 1]} : vector<4x192x128xf32> to vector<4x96x128xf32>
    %max3A_237 = arith.maximumf %slice3A_235, %slice3A_236 : vector<4x96x128xf32>
    %slice3A_238 = vector.extract_strided_slice %max3A_237 {offsets = [0, 0, 0], sizes = [4, 48, 128], strides = [1, 1, 1]} : vector<4x96x128xf32> to vector<4x48x128xf32>
    %slice3A_239 = vector.extract_strided_slice %max3A_237 {offsets = [0, 48, 0], sizes = [4, 48, 128], strides = [1, 1, 1]} : vector<4x96x128xf32> to vector<4x48x128xf32>
    %max3A_240 = arith.maximumf %slice3A_238, %slice3A_239 : vector<4x48x128xf32>
    %slice3A_241 = vector.extract_strided_slice %max3A_240 {offsets = [0, 0, 0], sizes = [4, 24, 128], strides = [1, 1, 1]} : vector<4x48x128xf32> to vector<4x24x128xf32>
    %slice3A_242 = vector.extract_strided_slice %max3A_240 {offsets = [0, 24, 0], sizes = [4, 24, 128], strides = [1, 1, 1]} : vector<4x48x128xf32> to vector<4x24x128xf32>
    %max3A_243 = arith.maximumf %slice3A_241, %slice3A_242 : vector<4x24x128xf32>
    %slice3A_244 = vector.extract_strided_slice %max3A_243 {offsets = [0, 0, 0], sizes = [4, 8, 128], strides = [1, 1, 1]} : vector<4x24x128xf32> to vector<4x8x128xf32>
    %slice3A_245 = vector.extract_strided_slice %max3A_243 {offsets = [0, 8, 0], sizes = [4, 8, 128], strides = [1, 1, 1]} : vector<4x24x128xf32> to vector<4x8x128xf32>
    %max3A_246 = arith.maximumf %slice3A_244, %slice3A_245 : vector<4x8x128xf32>
    %slice3A_247 = vector.extract_strided_slice %max3A_243 {offsets = [0, 16, 0], sizes = [4, 8, 128], strides = [1, 1, 1]} : vector<4x24x128xf32> to vector<4x8x128xf32>
    %max3A_248 = arith.maximumf %max3A_246, %slice3A_247 : vector<4x8x128xf32>
    %reduce_max3A = arith.constant dense<0xFF800000> : vector<4xf32>
    %reduce_max3A_249 = vector.multi_reduction <maximumf>, %max3A_248, %reduce_max3A [1, 2] : vector<4x8x128xf32> to vector<4xf32>
    %broadcast_in_dim3A_250 = vector.shape_cast %reduce_max3A_249 : vector<4xf32> to vector<4x1x1xf32>
    %mul3A_251 = arith.mulf %get3A_2, %get3A_2 : vector<4x384x384xf32>
    %mul3A_252 = arith.mulf %mul3A_251, %convert_element_type3A_40 : vector<4x384x384xf32>
    %slice3A_253 = vector.extract_strided_slice %mul3A_252 {offsets = [0, 0, 0], sizes = [4, 384, 128], strides = [1, 1, 1]} : vector<4x384x384xf32> to vector<4x384x128xf32>
    %slice3A_254 = vector.extract_strided_slice %mul3A_252 {offsets = [0, 0, 128], sizes = [4, 384, 128], strides = [1, 1, 1]} : vector<4x384x384xf32> to vector<4x384x128xf32>
    %add3A_255 = arith.addf %slice3A_253, %slice3A_254 : vector<4x384x128xf32>
    %slice3A_256 = vector.extract_strided_slice %mul3A_252 {offsets = [0, 0, 256], sizes = [4, 384, 128], strides = [1, 1, 1]} : vector<4x384x384xf32> to vector<4x384x128xf32>
    %add3A_257 = arith.addf %add3A_255, %slice3A_256 : vector<4x384x128xf32>
    %slice3A_258 = vector.extract_strided_slice %add3A_257 {offsets = [0, 0, 0], sizes = [4, 192, 128], strides = [1, 1, 1]} : vector<4x384x128xf32> to vector<4x192x128xf32>
    %slice3A_259 = vector.extract_strided_slice %add3A_257 {offsets = [0, 192, 0], sizes = [4, 192, 128], strides = [1, 1, 1]} : vector<4x384x128xf32> to vector<4x192x128xf32>
    %add3A_260 = arith.addf %slice3A_258, %slice3A_259 : vector<4x192x128xf32>
    %slice3A_261 = vector.extract_strided_slice %add3A_260 {offsets = [0, 0, 0], sizes = [4, 96, 128], strides = [1, 1, 1]} : vector<4x192x128xf32> to vector<4x96x128xf32>
    %slice3A_262 = vector.extract_strided_slice %add3A_260 {offsets = [0, 96, 0], sizes = [4, 96, 128], strides = [1, 1, 1]} : vector<4x192x128xf32> to vector<4x96x128xf32>
    %add3A_263 = arith.addf %slice3A_261, %slice3A_262 : vector<4x96x128xf32>
    %slice3A_264 = vector.extract_strided_slice %add3A_263 {offsets = [0, 0, 0], sizes = [4, 48, 128], strides = [1, 1, 1]} : vector<4x96x128xf32> to vector<4x48x128xf32>
    %slice3A_265 = vector.extract_strided_slice %add3A_263 {offsets = [0, 48, 0], sizes = [4, 48, 128], strides = [1, 1, 1]} : vector<4x96x128xf32> to vector<4x48x128xf32>
    %add3A_266 = arith.addf %slice3A_264, %slice3A_265 : vector<4x48x128xf32>
    %slice3A_267 = vector.extract_strided_slice %add3A_266 {offsets = [0, 0, 0], sizes = [4, 24, 128], strides = [1, 1, 1]} : vector<4x48x128xf32> to vector<4x24x128xf32>
    %slice3A_268 = vector.extract_strided_slice %add3A_266 {offsets = [0, 24, 0], sizes = [4, 24, 128], strides = [1, 1, 1]} : vector<4x48x128xf32> to vector<4x24x128xf32>
    %add3A_269 = arith.addf %slice3A_267, %slice3A_268 : vector<4x24x128xf32>
    %slice3A_270 = vector.extract_strided_slice %add3A_269 {offsets = [0, 0, 0], sizes = [4, 8, 128], strides = [1, 1, 1]} : vector<4x24x128xf32> to vector<4x8x128xf32>
    %slice3A_271 = vector.extract_strided_slice %add3A_269 {offsets = [0, 8, 0], sizes = [4, 8, 128], strides = [1, 1, 1]} : vector<4x24x128xf32> to vector<4x8x128xf32>
    %add3A_272 = arith.addf %slice3A_270, %slice3A_271 : vector<4x8x128xf32>
    %slice3A_273 = vector.extract_strided_slice %add3A_269 {offsets = [0, 16, 0], sizes = [4, 8, 128], strides = [1, 1, 1]} : vector<4x24x128xf32> to vector<4x8x128xf32>
    %add3A_274 = arith.addf %add3A_272, %slice3A_273 : vector<4x8x128xf32>
    %reduce_sum3A_275 = arith.constant dense<0.000000e+00> : vector<4xf32>
    %reduce_sum3A_276 = vector.multi_reduction <add>, %add3A_274, %reduce_sum3A_275 [1, 2] : vector<4x8x128xf32> to vector<4xf32>
    %broadcast_in_dim3A_277 = vector.shape_cast %reduce_sum3A_276 : vector<4xf32> to vector<4x1x1xf32>
    %div3A_278 = arith.divf %broadcast_in_dim3A_277, %broadcast_in_dim3A_64 : vector<4x1x1xf32>
    %abs3A = math.absf %get3A_2 : vector<4x384x384xf32>
    %mul3A_279 = arith.mulf %abs3A, %convert_element_type3A_40 : vector<4x384x384xf32>
    %slice3A_280 = vector.extract_strided_slice %mul3A_279 {offsets = [0, 0, 0], sizes = [4, 384, 128], strides = [1, 1, 1]} : vector<4x384x384xf32> to vector<4x384x128xf32>
    %slice3A_281 = vector.extract_strided_slice %mul3A_279 {offsets = [0, 0, 128], sizes = [4, 384, 128], strides = [1, 1, 1]} : vector<4x384x384xf32> to vector<4x384x128xf32>
    %add3A_282 = arith.addf %slice3A_280, %slice3A_281 : vector<4x384x128xf32>
    %slice3A_283 = vector.extract_strided_slice %mul3A_279 {offsets = [0, 0, 256], sizes = [4, 384, 128], strides = [1, 1, 1]} : vector<4x384x384xf32> to vector<4x384x128xf32>
    %add3A_284 = arith.addf %add3A_282, %slice3A_283 : vector<4x384x128xf32>
    %slice3A_285 = vector.extract_strided_slice %add3A_284 {offsets = [0, 0, 0], sizes = [4, 192, 128], strides = [1, 1, 1]} : vector<4x384x128xf32> to vector<4x192x128xf32>
    %slice3A_286 = vector.extract_strided_slice %add3A_284 {offsets = [0, 192, 0], sizes = [4, 192, 128], strides = [1, 1, 1]} : vector<4x384x128xf32> to vector<4x192x128xf32>
    %add3A_287 = arith.addf %slice3A_285, %slice3A_286 : vector<4x192x128xf32>
    %slice3A_288 = vector.extract_strided_slice %add3A_287 {offsets = [0, 0, 0], sizes = [4, 96, 128], strides = [1, 1, 1]} : vector<4x192x128xf32> to vector<4x96x128xf32>
    %slice3A_289 = vector.extract_strided_slice %add3A_287 {offsets = [0, 96, 0], sizes = [4, 96, 128], strides = [1, 1, 1]} : vector<4x192x128xf32> to vector<4x96x128xf32>
    %add3A_290 = arith.addf %slice3A_288, %slice3A_289 : vector<4x96x128xf32>
    %slice3A_291 = vector.extract_strided_slice %add3A_290 {offsets = [0, 0, 0], sizes = [4, 48, 128], strides = [1, 1, 1]} : vector<4x96x128xf32> to vector<4x48x128xf32>
    %slice3A_292 = vector.extract_strided_slice %add3A_290 {offsets = [0, 48, 0], sizes = [4, 48, 128], strides = [1, 1, 1]} : vector<4x96x128xf32> to vector<4x48x128xf32>
    %add3A_293 = arith.addf %slice3A_291, %slice3A_292 : vector<4x48x128xf32>
    %slice3A_294 = vector.extract_strided_slice %add3A_293 {offsets = [0, 0, 0], sizes = [4, 24, 128], strides = [1, 1, 1]} : vector<4x48x128xf32> to vector<4x24x128xf32>
    %slice3A_295 = vector.extract_strided_slice %add3A_293 {offsets = [0, 24, 0], sizes = [4, 24, 128], strides = [1, 1, 1]} : vector<4x48x128xf32> to vector<4x24x128xf32>
    %add3A_296 = arith.addf %slice3A_294, %slice3A_295 : vector<4x24x128xf32>
    %slice3A_297 = vector.extract_strided_slice %add3A_296 {offsets = [0, 0, 0], sizes = [4, 8, 128], strides = [1, 1, 1]} : vector<4x24x128xf32> to vector<4x8x128xf32>
    %slice3A_298 = vector.extract_strided_slice %add3A_296 {offsets = [0, 8, 0], sizes = [4, 8, 128], strides = [1, 1, 1]} : vector<4x24x128xf32> to vector<4x8x128xf32>
    %add3A_299 = arith.addf %slice3A_297, %slice3A_298 : vector<4x8x128xf32>
    %slice3A_300 = vector.extract_strided_slice %add3A_296 {offsets = [0, 16, 0], sizes = [4, 8, 128], strides = [1, 1, 1]} : vector<4x24x128xf32> to vector<4x8x128xf32>
    %add3A_301 = arith.addf %add3A_299, %slice3A_300 : vector<4x8x128xf32>
    %reduce_sum3A_302 = arith.constant dense<0.000000e+00> : vector<4xf32>
    %reduce_sum3A_303 = vector.multi_reduction <add>, %add3A_301, %reduce_sum3A_302 [1, 2] : vector<4x8x128xf32> to vector<4xf32>
    %broadcast_in_dim3A_304 = vector.shape_cast %reduce_sum3A_303 : vector<4xf32> to vector<4x1x1xf32>
    %div3A_305 = arith.divf %broadcast_in_dim3A_304, %broadcast_in_dim3A_64 : vector<4x1x1xf32>
    %convert_element_type3A_306 = arith.fptosi %broadcast_in_dim3A_64 : vector<4x1x1xf32> to vector<4x1x1xi32>
    %sub3A_307 = arith.constant 147456 : i32
    %sub3A_308 = vector.broadcast %sub3A_307 : i32 to vector<4x1x1xi32>
    %sub3A_309 = arith.subi %sub3A_308, %convert_element_type3A_306 : vector<4x1x1xi32>
    %sub3A_310 = arith.constant 1.000000e+00 : f32
    %sub3A_311 = vector.broadcast %sub3A_310 : f32 to vector<4x1x1xf32>
    %sub3A_312 = arith.subf %broadcast_in_dim3A_64, %sub3A_311 : vector<4x1x1xf32>
    %mul3A_313 = arith.constant 2.500000e-01 : f32
    %mul3A_314 = vector.broadcast %mul3A_313 : f32 to vector<4x1x1xf32>
    %mul3A_315 = arith.mulf %mul3A_314, %sub3A_312 : vector<4x1x1xf32>
    %floor3A = math.floor %mul3A_315 : vector<4x1x1xf32>
    %convert_element_type3A_316 = arith.fptosi %floor3A : vector<4x1x1xf32> to vector<4x1x1xi32>
    %convert_element_type3A_317 = arith.sitofp %convert_element_type3A_316 : vector<4x1x1xi32> to vector<4x1x1xf32>
    %sub3A_318 = arith.subf %mul3A_315, %convert_element_type3A_317 : vector<4x1x1xf32>
    %add3A_319 = arith.addi %sub3A_309, %convert_element_type3A_316 : vector<4x1x1xi32>
    %sub3A_320 = arith.constant 1.000000e+00 : f32
    %sub3A_321 = vector.broadcast %sub3A_320 : f32 to vector<4x1x1xf32>
    %sub3A_322 = arith.subf %broadcast_in_dim3A_64, %sub3A_321 : vector<4x1x1xf32>
    %mul3A_323 = arith.constant 5.000000e-01 : f32
    %mul3A_324 = vector.broadcast %mul3A_323 : f32 to vector<4x1x1xf32>
    %mul3A_325 = arith.mulf %mul3A_324, %sub3A_322 : vector<4x1x1xf32>
    %floor3A_326 = math.floor %mul3A_325 : vector<4x1x1xf32>
    %convert_element_type3A_327 = arith.fptosi %floor3A_326 : vector<4x1x1xf32> to vector<4x1x1xi32>
    %convert_element_type3A_328 = arith.sitofp %convert_element_type3A_327 : vector<4x1x1xi32> to vector<4x1x1xf32>
    %sub3A_329 = arith.subf %mul3A_325, %convert_element_type3A_328 : vector<4x1x1xf32>
    %add3A_330 = arith.addi %sub3A_309, %convert_element_type3A_327 : vector<4x1x1xi32>
    %sub3A_331 = arith.constant 1.000000e+00 : f32
    %sub3A_332 = vector.broadcast %sub3A_331 : f32 to vector<4x1x1xf32>
    %sub3A_333 = arith.subf %broadcast_in_dim3A_64, %sub3A_332 : vector<4x1x1xf32>
    %mul3A_334 = arith.constant 7.500000e-01 : f32
    %mul3A_335 = vector.broadcast %mul3A_334 : f32 to vector<4x1x1xf32>
    %mul3A_336 = arith.mulf %mul3A_335, %sub3A_333 : vector<4x1x1xf32>
    %floor3A_337 = math.floor %mul3A_336 : vector<4x1x1xf32>
    %convert_element_type3A_338 = arith.fptosi %floor3A_337 : vector<4x1x1xf32> to vector<4x1x1xi32>
    %convert_element_type3A_339 = arith.sitofp %convert_element_type3A_338 : vector<4x1x1xi32> to vector<4x1x1xf32>
    %sub3A_340 = arith.subf %mul3A_336, %convert_element_type3A_339 : vector<4x1x1xf32>
    %add3A_341 = arith.addi %sub3A_309, %convert_element_type3A_338 : vector<4x1x1xi32>
    %convert_element_type3A_342 = arith.sitofp %add3A_319 : vector<4x1x1xi32> to vector<4x1x1xf32>
    %add3A_343 = arith.constant 1.000000e+00 : f32
    %add3A_344 = vector.broadcast %add3A_343 : f32 to vector<4x1x1xf32>
    %add3A_345 = arith.addf %convert_element_type3A_342, %add3A_344 : vector<4x1x1xf32>
    %convert_element_type3A_346 = arith.sitofp %add3A_330 : vector<4x1x1xi32> to vector<4x1x1xf32>
    %add3A_347 = arith.constant 1.000000e+00 : f32
    %add3A_348 = vector.broadcast %add3A_347 : f32 to vector<4x1x1xf32>
    %add3A_349 = arith.addf %convert_element_type3A_346, %add3A_348 : vector<4x1x1xf32>
    %convert_element_type3A_350 = arith.sitofp %add3A_341 : vector<4x1x1xi32> to vector<4x1x1xf32>
    %add3A_351 = arith.constant 1.000000e+00 : f32
    %add3A_352 = vector.broadcast %add3A_351 : f32 to vector<4x1x1xf32>
    %add3A_353 = arith.addf %convert_element_type3A_350, %add3A_352 : vector<4x1x1xf32>
    %reshape3A_354 = vector.shape_cast %add3A_345 : vector<4x1x1xf32> to vector<4x1xf32>
    %lt3A_355 = vector.broadcast %reshape3A_354 : vector<4x1xf32> to vector<4x4096xf32>
    %lt3A_356 = arith.cmpf olt, %get3A_7, %lt3A_355 : vector<4x4096xf32>
    %jit3A_357 = arith.constant 1.000000e+00 : f32
    %jit3A_358 = arith.constant 0.000000e+00 : f32
    %broadcast_in_dim3A_359 = vector.broadcast %jit3A_357 : f32 to vector<4x4096xf32>
    %broadcast_in_dim3A_360 = vector.broadcast %jit3A_358 : f32 to vector<4x4096xf32>
    %select_n3A_361 = arith.select %lt3A_356, %broadcast_in_dim3A_359, %broadcast_in_dim3A_360 : vector<4x4096xi1>, vector<4x4096xf32>
    %reduce_sum3A_362 = arith.constant dense<0.000000e+00> : vector<4xf32>
    %reduce_sum3A_363 = vector.multi_reduction <add>, %select_n3A_361, %reduce_sum3A_362 [1] : vector<4x4096xf32> to vector<4xf32>
    %broadcast_in_dim3A_364 = vector.shape_cast %reduce_sum3A_363 : vector<4xf32> to vector<4x1xf32>
    %reshape3A_365 = vector.shape_cast %broadcast_in_dim3A_364 : vector<4x1xf32> to vector<4x1x1xf32>
    %convert_element_type3A_366 = arith.fptosi %reshape3A_365 : vector<4x1x1xf32> to vector<4x1x1xi32>
    %sub3A_367 = arith.constant 2048 : i32
    %sub3A_368 = vector.broadcast %sub3A_367 : i32 to vector<4x1x1xi32>
    %sub3A_369 = arith.subi %convert_element_type3A_366, %sub3A_368 : vector<4x1x1xi32>
    %shift_left3A_370 = arith.constant 20 : i32
    %shift_left3A_371 = vector.broadcast %shift_left3A_370 : i32 to vector<4x1x1xi32>
    %shift_left3A_372 = arith.shli %sub3A_369, %shift_left3A_371 : vector<4x1x1xi32>
    %add3A_373 = arith.constant 1048575 : i32
    %add3A_374 = vector.broadcast %add3A_373 : i32 to vector<4x1x1xi32>
    %add3A_375 = arith.addi %shift_left3A_372, %add3A_374 : vector<4x1x1xi32>
    %reshape3A_376 = vector.shape_cast %add3A_349 : vector<4x1x1xf32> to vector<4x1xf32>
    %lt3A_377 = vector.broadcast %reshape3A_376 : vector<4x1xf32> to vector<4x4096xf32>
    %lt3A_378 = arith.cmpf olt, %get3A_7, %lt3A_377 : vector<4x4096xf32>
    %jit3A_379 = arith.constant 1.000000e+00 : f32
    %jit3A_380 = arith.constant 0.000000e+00 : f32
    %broadcast_in_dim3A_381 = vector.broadcast %jit3A_379 : f32 to vector<4x4096xf32>
    %broadcast_in_dim3A_382 = vector.broadcast %jit3A_380 : f32 to vector<4x4096xf32>
    %select_n3A_383 = arith.select %lt3A_378, %broadcast_in_dim3A_381, %broadcast_in_dim3A_382 : vector<4x4096xi1>, vector<4x4096xf32>
    %reduce_sum3A_384 = arith.constant dense<0.000000e+00> : vector<4xf32>
    %reduce_sum3A_385 = vector.multi_reduction <add>, %select_n3A_383, %reduce_sum3A_384 [1] : vector<4x4096xf32> to vector<4xf32>
    %broadcast_in_dim3A_386 = vector.shape_cast %reduce_sum3A_385 : vector<4xf32> to vector<4x1xf32>
    %reshape3A_387 = vector.shape_cast %broadcast_in_dim3A_386 : vector<4x1xf32> to vector<4x1x1xf32>
    %convert_element_type3A_388 = arith.fptosi %reshape3A_387 : vector<4x1x1xf32> to vector<4x1x1xi32>
    %sub3A_389 = arith.constant 2048 : i32
    %sub3A_390 = vector.broadcast %sub3A_389 : i32 to vector<4x1x1xi32>
    %sub3A_391 = arith.subi %convert_element_type3A_388, %sub3A_390 : vector<4x1x1xi32>
    %shift_left3A_392 = arith.constant 20 : i32
    %shift_left3A_393 = vector.broadcast %shift_left3A_392 : i32 to vector<4x1x1xi32>
    %shift_left3A_394 = arith.shli %sub3A_391, %shift_left3A_393 : vector<4x1x1xi32>
    %add3A_395 = arith.constant 1048575 : i32
    %add3A_396 = vector.broadcast %add3A_395 : i32 to vector<4x1x1xi32>
    %add3A_397 = arith.addi %shift_left3A_394, %add3A_396 : vector<4x1x1xi32>
    %reshape3A_398 = vector.shape_cast %add3A_353 : vector<4x1x1xf32> to vector<4x1xf32>
    %lt3A_399 = vector.broadcast %reshape3A_398 : vector<4x1xf32> to vector<4x4096xf32>
    %lt3A_400 = arith.cmpf olt, %get3A_7, %lt3A_399 : vector<4x4096xf32>
    %jit3A_401 = arith.constant 1.000000e+00 : f32
    %jit3A_402 = arith.constant 0.000000e+00 : f32
    %broadcast_in_dim3A_403 = vector.broadcast %jit3A_401 : f32 to vector<4x4096xf32>
    %broadcast_in_dim3A_404 = vector.broadcast %jit3A_402 : f32 to vector<4x4096xf32>
    %select_n3A_405 = arith.select %lt3A_400, %broadcast_in_dim3A_403, %broadcast_in_dim3A_404 : vector<4x4096xi1>, vector<4x4096xf32>
    %reduce_sum3A_406 = arith.constant dense<0.000000e+00> : vector<4xf32>
    %reduce_sum3A_407 = vector.multi_reduction <add>, %select_n3A_405, %reduce_sum3A_406 [1] : vector<4x4096xf32> to vector<4xf32>
    %broadcast_in_dim3A_408 = vector.shape_cast %reduce_sum3A_407 : vector<4xf32> to vector<4x1xf32>
    %reshape3A_409 = vector.shape_cast %broadcast_in_dim3A_408 : vector<4x1xf32> to vector<4x1x1xf32>
    %convert_element_type3A_410 = arith.fptosi %reshape3A_409 : vector<4x1x1xf32> to vector<4x1x1xi32>
    %sub3A_411 = arith.constant 2048 : i32
    %sub3A_412 = vector.broadcast %sub3A_411 : i32 to vector<4x1x1xi32>
    %sub3A_413 = arith.subi %convert_element_type3A_410, %sub3A_412 : vector<4x1x1xi32>
    %shift_left3A_414 = arith.constant 20 : i32
    %shift_left3A_415 = vector.broadcast %shift_left3A_414 : i32 to vector<4x1x1xi32>
    %shift_left3A_416 = arith.shli %sub3A_413, %shift_left3A_415 : vector<4x1x1xi32>
    %add3A_417 = arith.constant 1048575 : i32
    %add3A_418 = vector.broadcast %add3A_417 : i32 to vector<4x1x1xi32>
    %add3A_419 = arith.addi %shift_left3A_416, %add3A_418 : vector<4x1x1xi32>
    %scan3A_420 = arith.constant 0 : i32
    %scan3A_421 = arith.constant 20 : i32
    %scan3A_422 = arith.addi %scan3A_420, %scan3A_421 : i32
    %scan3A_423 = arith.constant 1 : i32
    %scan3A_424:6 = scf.for %scan3A_1582 = %scan3A_420 to %scan3A_422 step %scan3A_423 iter_args(%scan3A_1583 = %shift_left3A_372, %scan3A_1584 = %add3A_375, %scan3A_1585 = %shift_left3A_394, %scan3A_1586 = %add3A_397, %scan3A_1587 = %shift_left3A_416, %scan3A_1588 = %add3A_419) -> (vector<4x1x1xi32>, vector<4x1x1xi32>, vector<4x1x1xi32>, vector<4x1x1xi32>, vector<4x1x1xi32>, vector<4x1x1xi32>)  : i32 {
      %and3A_1589 = arith.andi %scan3A_1583, %scan3A_1584 : vector<4x1x1xi32>
      %xor3A_1590 = arith.xori %scan3A_1583, %scan3A_1584 : vector<4x1x1xi32>
      %shift_right_arithmetic3A_1591 = arith.constant 1 : i32
      %shift_right_arithmetic3A_1592 = vector.broadcast %shift_right_arithmetic3A_1591 : i32 to vector<4x1x1xi32>
      %shift_right_arithmetic3A_1593 = arith.shrsi %xor3A_1590, %shift_right_arithmetic3A_1592 : vector<4x1x1xi32>
      %add3A_1594 = arith.addi %and3A_1589, %shift_right_arithmetic3A_1593 : vector<4x1x1xi32>
      %le3A_1595 = vector.broadcast %add3A_1594 : vector<4x1x1xi32> to vector<4x384x384xi32>
      %le3A_1596 = arith.cmpi sle, %xor3A, %le3A_1595 : vector<4x384x384xi32>
      %jit3A_1597 = arith.constant 1.000000e+00 : f32
      %jit3A_1598 = arith.constant 0.000000e+00 : f32
      %broadcast_in_dim3A_1599 = vector.broadcast %jit3A_1597 : f32 to vector<4x384x384xf32>
      %broadcast_in_dim3A_1600 = vector.broadcast %jit3A_1598 : f32 to vector<4x384x384xf32>
      %select_n3A_1601 = arith.select %le3A_1596, %broadcast_in_dim3A_1599, %broadcast_in_dim3A_1600 : vector<4x384x384xi1>, vector<4x384x384xf32>
      %slice3A_1602 = vector.extract_strided_slice %select_n3A_1601 {offsets = [0, 0, 0], sizes = [4, 384, 128], strides = [1, 1, 1]} : vector<4x384x384xf32> to vector<4x384x128xf32>
      %slice3A_1603 = vector.extract_strided_slice %select_n3A_1601 {offsets = [0, 0, 128], sizes = [4, 384, 128], strides = [1, 1, 1]} : vector<4x384x384xf32> to vector<4x384x128xf32>
      %add3A_1604 = arith.addf %slice3A_1602, %slice3A_1603 : vector<4x384x128xf32>
      %slice3A_1605 = vector.extract_strided_slice %select_n3A_1601 {offsets = [0, 0, 256], sizes = [4, 384, 128], strides = [1, 1, 1]} : vector<4x384x384xf32> to vector<4x384x128xf32>
      %add3A_1606 = arith.addf %add3A_1604, %slice3A_1605 : vector<4x384x128xf32>
      %slice3A_1607 = vector.extract_strided_slice %add3A_1606 {offsets = [0, 0, 0], sizes = [4, 192, 128], strides = [1, 1, 1]} : vector<4x384x128xf32> to vector<4x192x128xf32>
      %slice3A_1608 = vector.extract_strided_slice %add3A_1606 {offsets = [0, 192, 0], sizes = [4, 192, 128], strides = [1, 1, 1]} : vector<4x384x128xf32> to vector<4x192x128xf32>
      %add3A_1609 = arith.addf %slice3A_1607, %slice3A_1608 : vector<4x192x128xf32>
      %slice3A_1610 = vector.extract_strided_slice %add3A_1609 {offsets = [0, 0, 0], sizes = [4, 96, 128], strides = [1, 1, 1]} : vector<4x192x128xf32> to vector<4x96x128xf32>
      %slice3A_1611 = vector.extract_strided_slice %add3A_1609 {offsets = [0, 96, 0], sizes = [4, 96, 128], strides = [1, 1, 1]} : vector<4x192x128xf32> to vector<4x96x128xf32>
      %add3A_1612 = arith.addf %slice3A_1610, %slice3A_1611 : vector<4x96x128xf32>
      %slice3A_1613 = vector.extract_strided_slice %add3A_1612 {offsets = [0, 0, 0], sizes = [4, 48, 128], strides = [1, 1, 1]} : vector<4x96x128xf32> to vector<4x48x128xf32>
      %slice3A_1614 = vector.extract_strided_slice %add3A_1612 {offsets = [0, 48, 0], sizes = [4, 48, 128], strides = [1, 1, 1]} : vector<4x96x128xf32> to vector<4x48x128xf32>
      %add3A_1615 = arith.addf %slice3A_1613, %slice3A_1614 : vector<4x48x128xf32>
      %slice3A_1616 = vector.extract_strided_slice %add3A_1615 {offsets = [0, 0, 0], sizes = [4, 24, 128], strides = [1, 1, 1]} : vector<4x48x128xf32> to vector<4x24x128xf32>
      %slice3A_1617 = vector.extract_strided_slice %add3A_1615 {offsets = [0, 24, 0], sizes = [4, 24, 128], strides = [1, 1, 1]} : vector<4x48x128xf32> to vector<4x24x128xf32>
      %add3A_1618 = arith.addf %slice3A_1616, %slice3A_1617 : vector<4x24x128xf32>
      %slice3A_1619 = vector.extract_strided_slice %add3A_1618 {offsets = [0, 0, 0], sizes = [4, 8, 128], strides = [1, 1, 1]} : vector<4x24x128xf32> to vector<4x8x128xf32>
      %slice3A_1620 = vector.extract_strided_slice %add3A_1618 {offsets = [0, 8, 0], sizes = [4, 8, 128], strides = [1, 1, 1]} : vector<4x24x128xf32> to vector<4x8x128xf32>
      %add3A_1621 = arith.addf %slice3A_1619, %slice3A_1620 : vector<4x8x128xf32>
      %slice3A_1622 = vector.extract_strided_slice %add3A_1618 {offsets = [0, 16, 0], sizes = [4, 8, 128], strides = [1, 1, 1]} : vector<4x24x128xf32> to vector<4x8x128xf32>
      %add3A_1623 = arith.addf %add3A_1621, %slice3A_1622 : vector<4x8x128xf32>
      %reduce_sum3A_1624 = arith.constant dense<0.000000e+00> : vector<4xf32>
      %reduce_sum3A_1625 = vector.multi_reduction <add>, %add3A_1623, %reduce_sum3A_1624 [1, 2] : vector<4x8x128xf32> to vector<4xf32>
      %broadcast_in_dim3A_1626 = vector.shape_cast %reduce_sum3A_1625 : vector<4xf32> to vector<4x1x1xf32>
      %ge3A_1627 = arith.cmpf oge, %broadcast_in_dim3A_1626, %add3A_345 : vector<4x1x1xf32>
      %add3A_1628 = arith.constant 1 : i32
      %add3A_1629 = vector.broadcast %add3A_1628 : i32 to vector<4x1x1xi32>
      %add3A_1630 = arith.addi %add3A_1594, %add3A_1629 : vector<4x1x1xi32>
      %select_n3A_1631 = arith.select %ge3A_1627, %scan3A_1583, %add3A_1630 : vector<4x1x1xi1>, vector<4x1x1xi32>
      %select_n3A_1632 = arith.select %ge3A_1627, %add3A_1594, %scan3A_1584 : vector<4x1x1xi1>, vector<4x1x1xi32>
      %and3A_1633 = arith.andi %scan3A_1585, %scan3A_1586 : vector<4x1x1xi32>
      %xor3A_1634 = arith.xori %scan3A_1585, %scan3A_1586 : vector<4x1x1xi32>
      %shift_right_arithmetic3A_1635 = arith.constant 1 : i32
      %shift_right_arithmetic3A_1636 = vector.broadcast %shift_right_arithmetic3A_1635 : i32 to vector<4x1x1xi32>
      %shift_right_arithmetic3A_1637 = arith.shrsi %xor3A_1634, %shift_right_arithmetic3A_1636 : vector<4x1x1xi32>
      %add3A_1638 = arith.addi %and3A_1633, %shift_right_arithmetic3A_1637 : vector<4x1x1xi32>
      %le3A_1639 = vector.broadcast %add3A_1638 : vector<4x1x1xi32> to vector<4x384x384xi32>
      %le3A_1640 = arith.cmpi sle, %xor3A, %le3A_1639 : vector<4x384x384xi32>
      %jit3A_1641 = arith.constant 1.000000e+00 : f32
      %jit3A_1642 = arith.constant 0.000000e+00 : f32
      %broadcast_in_dim3A_1643 = vector.broadcast %jit3A_1641 : f32 to vector<4x384x384xf32>
      %broadcast_in_dim3A_1644 = vector.broadcast %jit3A_1642 : f32 to vector<4x384x384xf32>
      %select_n3A_1645 = arith.select %le3A_1640, %broadcast_in_dim3A_1643, %broadcast_in_dim3A_1644 : vector<4x384x384xi1>, vector<4x384x384xf32>
      %slice3A_1646 = vector.extract_strided_slice %select_n3A_1645 {offsets = [0, 0, 0], sizes = [4, 384, 128], strides = [1, 1, 1]} : vector<4x384x384xf32> to vector<4x384x128xf32>
      %slice3A_1647 = vector.extract_strided_slice %select_n3A_1645 {offsets = [0, 0, 128], sizes = [4, 384, 128], strides = [1, 1, 1]} : vector<4x384x384xf32> to vector<4x384x128xf32>
      %add3A_1648 = arith.addf %slice3A_1646, %slice3A_1647 : vector<4x384x128xf32>
      %slice3A_1649 = vector.extract_strided_slice %select_n3A_1645 {offsets = [0, 0, 256], sizes = [4, 384, 128], strides = [1, 1, 1]} : vector<4x384x384xf32> to vector<4x384x128xf32>
      %add3A_1650 = arith.addf %add3A_1648, %slice3A_1649 : vector<4x384x128xf32>
      %slice3A_1651 = vector.extract_strided_slice %add3A_1650 {offsets = [0, 0, 0], sizes = [4, 192, 128], strides = [1, 1, 1]} : vector<4x384x128xf32> to vector<4x192x128xf32>
      %slice3A_1652 = vector.extract_strided_slice %add3A_1650 {offsets = [0, 192, 0], sizes = [4, 192, 128], strides = [1, 1, 1]} : vector<4x384x128xf32> to vector<4x192x128xf32>
      %add3A_1653 = arith.addf %slice3A_1651, %slice3A_1652 : vector<4x192x128xf32>
      %slice3A_1654 = vector.extract_strided_slice %add3A_1653 {offsets = [0, 0, 0], sizes = [4, 96, 128], strides = [1, 1, 1]} : vector<4x192x128xf32> to vector<4x96x128xf32>
      %slice3A_1655 = vector.extract_strided_slice %add3A_1653 {offsets = [0, 96, 0], sizes = [4, 96, 128], strides = [1, 1, 1]} : vector<4x192x128xf32> to vector<4x96x128xf32>
      %add3A_1656 = arith.addf %slice3A_1654, %slice3A_1655 : vector<4x96x128xf32>
      %slice3A_1657 = vector.extract_strided_slice %add3A_1656 {offsets = [0, 0, 0], sizes = [4, 48, 128], strides = [1, 1, 1]} : vector<4x96x128xf32> to vector<4x48x128xf32>
      %slice3A_1658 = vector.extract_strided_slice %add3A_1656 {offsets = [0, 48, 0], sizes = [4, 48, 128], strides = [1, 1, 1]} : vector<4x96x128xf32> to vector<4x48x128xf32>
      %add3A_1659 = arith.addf %slice3A_1657, %slice3A_1658 : vector<4x48x128xf32>
      %slice3A_1660 = vector.extract_strided_slice %add3A_1659 {offsets = [0, 0, 0], sizes = [4, 24, 128], strides = [1, 1, 1]} : vector<4x48x128xf32> to vector<4x24x128xf32>
      %slice3A_1661 = vector.extract_strided_slice %add3A_1659 {offsets = [0, 24, 0], sizes = [4, 24, 128], strides = [1, 1, 1]} : vector<4x48x128xf32> to vector<4x24x128xf32>
      %add3A_1662 = arith.addf %slice3A_1660, %slice3A_1661 : vector<4x24x128xf32>
      %slice3A_1663 = vector.extract_strided_slice %add3A_1662 {offsets = [0, 0, 0], sizes = [4, 8, 128], strides = [1, 1, 1]} : vector<4x24x128xf32> to vector<4x8x128xf32>
      %slice3A_1664 = vector.extract_strided_slice %add3A_1662 {offsets = [0, 8, 0], sizes = [4, 8, 128], strides = [1, 1, 1]} : vector<4x24x128xf32> to vector<4x8x128xf32>
      %add3A_1665 = arith.addf %slice3A_1663, %slice3A_1664 : vector<4x8x128xf32>
      %slice3A_1666 = vector.extract_strided_slice %add3A_1662 {offsets = [0, 16, 0], sizes = [4, 8, 128], strides = [1, 1, 1]} : vector<4x24x128xf32> to vector<4x8x128xf32>
      %add3A_1667 = arith.addf %add3A_1665, %slice3A_1666 : vector<4x8x128xf32>
      %reduce_sum3A_1668 = arith.constant dense<0.000000e+00> : vector<4xf32>
      %reduce_sum3A_1669 = vector.multi_reduction <add>, %add3A_1667, %reduce_sum3A_1668 [1, 2] : vector<4x8x128xf32> to vector<4xf32>
      %broadcast_in_dim3A_1670 = vector.shape_cast %reduce_sum3A_1669 : vector<4xf32> to vector<4x1x1xf32>
      %ge3A_1671 = arith.cmpf oge, %broadcast_in_dim3A_1670, %add3A_349 : vector<4x1x1xf32>
      %add3A_1672 = arith.constant 1 : i32
      %add3A_1673 = vector.broadcast %add3A_1672 : i32 to vector<4x1x1xi32>
      %add3A_1674 = arith.addi %add3A_1638, %add3A_1673 : vector<4x1x1xi32>
      %select_n3A_1675 = arith.select %ge3A_1671, %scan3A_1585, %add3A_1674 : vector<4x1x1xi1>, vector<4x1x1xi32>
      %select_n3A_1676 = arith.select %ge3A_1671, %add3A_1638, %scan3A_1586 : vector<4x1x1xi1>, vector<4x1x1xi32>
      %and3A_1677 = arith.andi %scan3A_1587, %scan3A_1588 : vector<4x1x1xi32>
      %xor3A_1678 = arith.xori %scan3A_1587, %scan3A_1588 : vector<4x1x1xi32>
      %shift_right_arithmetic3A_1679 = arith.constant 1 : i32
      %shift_right_arithmetic3A_1680 = vector.broadcast %shift_right_arithmetic3A_1679 : i32 to vector<4x1x1xi32>
      %shift_right_arithmetic3A_1681 = arith.shrsi %xor3A_1678, %shift_right_arithmetic3A_1680 : vector<4x1x1xi32>
      %add3A_1682 = arith.addi %and3A_1677, %shift_right_arithmetic3A_1681 : vector<4x1x1xi32>
      %le3A_1683 = vector.broadcast %add3A_1682 : vector<4x1x1xi32> to vector<4x384x384xi32>
      %le3A_1684 = arith.cmpi sle, %xor3A, %le3A_1683 : vector<4x384x384xi32>
      %jit3A_1685 = arith.constant 1.000000e+00 : f32
      %jit3A_1686 = arith.constant 0.000000e+00 : f32
      %broadcast_in_dim3A_1687 = vector.broadcast %jit3A_1685 : f32 to vector<4x384x384xf32>
      %broadcast_in_dim3A_1688 = vector.broadcast %jit3A_1686 : f32 to vector<4x384x384xf32>
      %select_n3A_1689 = arith.select %le3A_1684, %broadcast_in_dim3A_1687, %broadcast_in_dim3A_1688 : vector<4x384x384xi1>, vector<4x384x384xf32>
      %slice3A_1690 = vector.extract_strided_slice %select_n3A_1689 {offsets = [0, 0, 0], sizes = [4, 384, 128], strides = [1, 1, 1]} : vector<4x384x384xf32> to vector<4x384x128xf32>
      %slice3A_1691 = vector.extract_strided_slice %select_n3A_1689 {offsets = [0, 0, 128], sizes = [4, 384, 128], strides = [1, 1, 1]} : vector<4x384x384xf32> to vector<4x384x128xf32>
      %add3A_1692 = arith.addf %slice3A_1690, %slice3A_1691 : vector<4x384x128xf32>
      %slice3A_1693 = vector.extract_strided_slice %select_n3A_1689 {offsets = [0, 0, 256], sizes = [4, 384, 128], strides = [1, 1, 1]} : vector<4x384x384xf32> to vector<4x384x128xf32>
      %add3A_1694 = arith.addf %add3A_1692, %slice3A_1693 : vector<4x384x128xf32>
      %slice3A_1695 = vector.extract_strided_slice %add3A_1694 {offsets = [0, 0, 0], sizes = [4, 192, 128], strides = [1, 1, 1]} : vector<4x384x128xf32> to vector<4x192x128xf32>
      %slice3A_1696 = vector.extract_strided_slice %add3A_1694 {offsets = [0, 192, 0], sizes = [4, 192, 128], strides = [1, 1, 1]} : vector<4x384x128xf32> to vector<4x192x128xf32>
      %add3A_1697 = arith.addf %slice3A_1695, %slice3A_1696 : vector<4x192x128xf32>
      %slice3A_1698 = vector.extract_strided_slice %add3A_1697 {offsets = [0, 0, 0], sizes = [4, 96, 128], strides = [1, 1, 1]} : vector<4x192x128xf32> to vector<4x96x128xf32>
      %slice3A_1699 = vector.extract_strided_slice %add3A_1697 {offsets = [0, 96, 0], sizes = [4, 96, 128], strides = [1, 1, 1]} : vector<4x192x128xf32> to vector<4x96x128xf32>
      %add3A_1700 = arith.addf %slice3A_1698, %slice3A_1699 : vector<4x96x128xf32>
      %slice3A_1701 = vector.extract_strided_slice %add3A_1700 {offsets = [0, 0, 0], sizes = [4, 48, 128], strides = [1, 1, 1]} : vector<4x96x128xf32> to vector<4x48x128xf32>
      %slice3A_1702 = vector.extract_strided_slice %add3A_1700 {offsets = [0, 48, 0], sizes = [4, 48, 128], strides = [1, 1, 1]} : vector<4x96x128xf32> to vector<4x48x128xf32>
      %add3A_1703 = arith.addf %slice3A_1701, %slice3A_1702 : vector<4x48x128xf32>
      %slice3A_1704 = vector.extract_strided_slice %add3A_1703 {offsets = [0, 0, 0], sizes = [4, 24, 128], strides = [1, 1, 1]} : vector<4x48x128xf32> to vector<4x24x128xf32>
      %slice3A_1705 = vector.extract_strided_slice %add3A_1703 {offsets = [0, 24, 0], sizes = [4, 24, 128], strides = [1, 1, 1]} : vector<4x48x128xf32> to vector<4x24x128xf32>
      %add3A_1706 = arith.addf %slice3A_1704, %slice3A_1705 : vector<4x24x128xf32>
      %slice3A_1707 = vector.extract_strided_slice %add3A_1706 {offsets = [0, 0, 0], sizes = [4, 8, 128], strides = [1, 1, 1]} : vector<4x24x128xf32> to vector<4x8x128xf32>
      %slice3A_1708 = vector.extract_strided_slice %add3A_1706 {offsets = [0, 8, 0], sizes = [4, 8, 128], strides = [1, 1, 1]} : vector<4x24x128xf32> to vector<4x8x128xf32>
      %add3A_1709 = arith.addf %slice3A_1707, %slice3A_1708 : vector<4x8x128xf32>
      %slice3A_1710 = vector.extract_strided_slice %add3A_1706 {offsets = [0, 16, 0], sizes = [4, 8, 128], strides = [1, 1, 1]} : vector<4x24x128xf32> to vector<4x8x128xf32>
      %add3A_1711 = arith.addf %add3A_1709, %slice3A_1710 : vector<4x8x128xf32>
      %reduce_sum3A_1712 = arith.constant dense<0.000000e+00> : vector<4xf32>
      %reduce_sum3A_1713 = vector.multi_reduction <add>, %add3A_1711, %reduce_sum3A_1712 [1, 2] : vector<4x8x128xf32> to vector<4xf32>
      %broadcast_in_dim3A_1714 = vector.shape_cast %reduce_sum3A_1713 : vector<4xf32> to vector<4x1x1xf32>
      %ge3A_1715 = arith.cmpf oge, %broadcast_in_dim3A_1714, %add3A_353 : vector<4x1x1xf32>
      %add3A_1716 = arith.constant 1 : i32
      %add3A_1717 = vector.broadcast %add3A_1716 : i32 to vector<4x1x1xi32>
      %add3A_1718 = arith.addi %add3A_1682, %add3A_1717 : vector<4x1x1xi32>
      %select_n3A_1719 = arith.select %ge3A_1715, %scan3A_1587, %add3A_1718 : vector<4x1x1xi1>, vector<4x1x1xi32>
      %select_n3A_1720 = arith.select %ge3A_1715, %add3A_1682, %scan3A_1588 : vector<4x1x1xi1>, vector<4x1x1xi32>
      scf.yield %select_n3A_1631, %select_n3A_1632, %select_n3A_1675, %select_n3A_1676, %select_n3A_1719, %select_n3A_1720 : vector<4x1x1xi32>, vector<4x1x1xi32>, vector<4x1x1xi32>, vector<4x1x1xi32>, vector<4x1x1xi32>, vector<4x1x1xi32>
    }
    %le3A = vector.broadcast %scan3A_424#0 : vector<4x1x1xi32> to vector<4x384x384xi32>
    %le3A_425 = arith.cmpi sle, %xor3A, %le3A : vector<4x384x384xi32>
    %jit3A_426 = arith.constant 1.000000e+00 : f32
    %jit3A_427 = arith.constant 0.000000e+00 : f32
    %broadcast_in_dim3A_428 = vector.broadcast %jit3A_426 : f32 to vector<4x384x384xf32>
    %broadcast_in_dim3A_429 = vector.broadcast %jit3A_427 : f32 to vector<4x384x384xf32>
    %select_n3A_430 = arith.select %le3A_425, %broadcast_in_dim3A_428, %broadcast_in_dim3A_429 : vector<4x384x384xi1>, vector<4x384x384xf32>
    %slice3A_431 = vector.extract_strided_slice %select_n3A_430 {offsets = [0, 0, 0], sizes = [4, 384, 128], strides = [1, 1, 1]} : vector<4x384x384xf32> to vector<4x384x128xf32>
    %slice3A_432 = vector.extract_strided_slice %select_n3A_430 {offsets = [0, 0, 128], sizes = [4, 384, 128], strides = [1, 1, 1]} : vector<4x384x384xf32> to vector<4x384x128xf32>
    %add3A_433 = arith.addf %slice3A_431, %slice3A_432 : vector<4x384x128xf32>
    %slice3A_434 = vector.extract_strided_slice %select_n3A_430 {offsets = [0, 0, 256], sizes = [4, 384, 128], strides = [1, 1, 1]} : vector<4x384x384xf32> to vector<4x384x128xf32>
    %add3A_435 = arith.addf %add3A_433, %slice3A_434 : vector<4x384x128xf32>
    %slice3A_436 = vector.extract_strided_slice %add3A_435 {offsets = [0, 0, 0], sizes = [4, 192, 128], strides = [1, 1, 1]} : vector<4x384x128xf32> to vector<4x192x128xf32>
    %slice3A_437 = vector.extract_strided_slice %add3A_435 {offsets = [0, 192, 0], sizes = [4, 192, 128], strides = [1, 1, 1]} : vector<4x384x128xf32> to vector<4x192x128xf32>
    %add3A_438 = arith.addf %slice3A_436, %slice3A_437 : vector<4x192x128xf32>
    %slice3A_439 = vector.extract_strided_slice %add3A_438 {offsets = [0, 0, 0], sizes = [4, 96, 128], strides = [1, 1, 1]} : vector<4x192x128xf32> to vector<4x96x128xf32>
    %slice3A_440 = vector.extract_strided_slice %add3A_438 {offsets = [0, 96, 0], sizes = [4, 96, 128], strides = [1, 1, 1]} : vector<4x192x128xf32> to vector<4x96x128xf32>
    %add3A_441 = arith.addf %slice3A_439, %slice3A_440 : vector<4x96x128xf32>
    %slice3A_442 = vector.extract_strided_slice %add3A_441 {offsets = [0, 0, 0], sizes = [4, 48, 128], strides = [1, 1, 1]} : vector<4x96x128xf32> to vector<4x48x128xf32>
    %slice3A_443 = vector.extract_strided_slice %add3A_441 {offsets = [0, 48, 0], sizes = [4, 48, 128], strides = [1, 1, 1]} : vector<4x96x128xf32> to vector<4x48x128xf32>
    %add3A_444 = arith.addf %slice3A_442, %slice3A_443 : vector<4x48x128xf32>
    %slice3A_445 = vector.extract_strided_slice %add3A_444 {offsets = [0, 0, 0], sizes = [4, 24, 128], strides = [1, 1, 1]} : vector<4x48x128xf32> to vector<4x24x128xf32>
    %slice3A_446 = vector.extract_strided_slice %add3A_444 {offsets = [0, 24, 0], sizes = [4, 24, 128], strides = [1, 1, 1]} : vector<4x48x128xf32> to vector<4x24x128xf32>
    %add3A_447 = arith.addf %slice3A_445, %slice3A_446 : vector<4x24x128xf32>
    %slice3A_448 = vector.extract_strided_slice %add3A_447 {offsets = [0, 0, 0], sizes = [4, 8, 128], strides = [1, 1, 1]} : vector<4x24x128xf32> to vector<4x8x128xf32>
    %slice3A_449 = vector.extract_strided_slice %add3A_447 {offsets = [0, 8, 0], sizes = [4, 8, 128], strides = [1, 1, 1]} : vector<4x24x128xf32> to vector<4x8x128xf32>
    %add3A_450 = arith.addf %slice3A_448, %slice3A_449 : vector<4x8x128xf32>
    %slice3A_451 = vector.extract_strided_slice %add3A_447 {offsets = [0, 16, 0], sizes = [4, 8, 128], strides = [1, 1, 1]} : vector<4x24x128xf32> to vector<4x8x128xf32>
    %add3A_452 = arith.addf %add3A_450, %slice3A_451 : vector<4x8x128xf32>
    %reduce_sum3A_453 = arith.constant dense<0.000000e+00> : vector<4xf32>
    %reduce_sum3A_454 = vector.multi_reduction <add>, %add3A_452, %reduce_sum3A_453 [1, 2] : vector<4x8x128xf32> to vector<4xf32>
    %broadcast_in_dim3A_455 = vector.shape_cast %reduce_sum3A_454 : vector<4xf32> to vector<4x1x1xf32>
    %gt3A = vector.broadcast %scan3A_424#0 : vector<4x1x1xi32> to vector<4x384x384xi32>
    %gt3A_456 = arith.cmpi sgt, %xor3A, %gt3A : vector<4x384x384xi32>
    %jit3A_457 = arith.constant 2147483647 : i32
    %broadcast_in_dim3A_458 = vector.broadcast %jit3A_457 : i32 to vector<4x384x384xi32>
    %select_n3A_459 = arith.select %gt3A_456, %xor3A, %broadcast_in_dim3A_458 : vector<4x384x384xi1>, vector<4x384x384xi32>
    %slice3A_460 = vector.extract_strided_slice %select_n3A_459 {offsets = [0, 0, 0], sizes = [4, 384, 128], strides = [1, 1, 1]} : vector<4x384x384xi32> to vector<4x384x128xi32>
    %slice3A_461 = vector.extract_strided_slice %select_n3A_459 {offsets = [0, 0, 128], sizes = [4, 384, 128], strides = [1, 1, 1]} : vector<4x384x384xi32> to vector<4x384x128xi32>
    %min3A_462 = arith.minsi %slice3A_460, %slice3A_461 : vector<4x384x128xi32>
    %slice3A_463 = vector.extract_strided_slice %select_n3A_459 {offsets = [0, 0, 256], sizes = [4, 384, 128], strides = [1, 1, 1]} : vector<4x384x384xi32> to vector<4x384x128xi32>
    %min3A_464 = arith.minsi %min3A_462, %slice3A_463 : vector<4x384x128xi32>
    %slice3A_465 = vector.extract_strided_slice %min3A_464 {offsets = [0, 0, 0], sizes = [4, 192, 128], strides = [1, 1, 1]} : vector<4x384x128xi32> to vector<4x192x128xi32>
    %slice3A_466 = vector.extract_strided_slice %min3A_464 {offsets = [0, 192, 0], sizes = [4, 192, 128], strides = [1, 1, 1]} : vector<4x384x128xi32> to vector<4x192x128xi32>
    %min3A_467 = arith.minsi %slice3A_465, %slice3A_466 : vector<4x192x128xi32>
    %slice3A_468 = vector.extract_strided_slice %min3A_467 {offsets = [0, 0, 0], sizes = [4, 96, 128], strides = [1, 1, 1]} : vector<4x192x128xi32> to vector<4x96x128xi32>
    %slice3A_469 = vector.extract_strided_slice %min3A_467 {offsets = [0, 96, 0], sizes = [4, 96, 128], strides = [1, 1, 1]} : vector<4x192x128xi32> to vector<4x96x128xi32>
    %min3A_470 = arith.minsi %slice3A_468, %slice3A_469 : vector<4x96x128xi32>
    %slice3A_471 = vector.extract_strided_slice %min3A_470 {offsets = [0, 0, 0], sizes = [4, 48, 128], strides = [1, 1, 1]} : vector<4x96x128xi32> to vector<4x48x128xi32>
    %slice3A_472 = vector.extract_strided_slice %min3A_470 {offsets = [0, 48, 0], sizes = [4, 48, 128], strides = [1, 1, 1]} : vector<4x96x128xi32> to vector<4x48x128xi32>
    %min3A_473 = arith.minsi %slice3A_471, %slice3A_472 : vector<4x48x128xi32>
    %slice3A_474 = vector.extract_strided_slice %min3A_473 {offsets = [0, 0, 0], sizes = [4, 24, 128], strides = [1, 1, 1]} : vector<4x48x128xi32> to vector<4x24x128xi32>
    %slice3A_475 = vector.extract_strided_slice %min3A_473 {offsets = [0, 24, 0], sizes = [4, 24, 128], strides = [1, 1, 1]} : vector<4x48x128xi32> to vector<4x24x128xi32>
    %min3A_476 = arith.minsi %slice3A_474, %slice3A_475 : vector<4x24x128xi32>
    %slice3A_477 = vector.extract_strided_slice %min3A_476 {offsets = [0, 0, 0], sizes = [4, 8, 128], strides = [1, 1, 1]} : vector<4x24x128xi32> to vector<4x8x128xi32>
    %slice3A_478 = vector.extract_strided_slice %min3A_476 {offsets = [0, 8, 0], sizes = [4, 8, 128], strides = [1, 1, 1]} : vector<4x24x128xi32> to vector<4x8x128xi32>
    %min3A_479 = arith.minsi %slice3A_477, %slice3A_478 : vector<4x8x128xi32>
    %slice3A_480 = vector.extract_strided_slice %min3A_476 {offsets = [0, 16, 0], sizes = [4, 8, 128], strides = [1, 1, 1]} : vector<4x24x128xi32> to vector<4x8x128xi32>
    %min3A_481 = arith.minsi %min3A_479, %slice3A_480 : vector<4x8x128xi32>
    %reduce_min3A_482 = arith.constant dense<2147483647> : vector<4xi32>
    %reduce_min3A_483 = vector.multi_reduction <minsi>, %min3A_481, %reduce_min3A_482 [1, 2] : vector<4x8x128xi32> to vector<4xi32>
    %broadcast_in_dim3A_484 = vector.shape_cast %reduce_min3A_483 : vector<4xi32> to vector<4x1x1xi32>
    %convert_element_type3A_485 = arith.sitofp %add3A_319 : vector<4x1x1xi32> to vector<4x1x1xf32>
    %add3A_486 = arith.constant 2.000000e+00 : f32
    %add3A_487 = vector.broadcast %add3A_486 : f32 to vector<4x1x1xf32>
    %add3A_488 = arith.addf %convert_element_type3A_485, %add3A_487 : vector<4x1x1xf32>
    %ge3A_489 = arith.cmpf oge, %broadcast_in_dim3A_455, %add3A_488 : vector<4x1x1xf32>
    %select_n3A_490 = arith.select %ge3A_489, %scan3A_424#0, %broadcast_in_dim3A_484 : vector<4x1x1xi1>, vector<4x1x1xi32>
    %shift_right_arithmetic3A_491 = arith.constant 31 : i32
    %shift_right_arithmetic3A_492 = vector.broadcast %shift_right_arithmetic3A_491 : i32 to vector<4x1x1xi32>
    %shift_right_arithmetic3A_493 = arith.shrsi %scan3A_424#0, %shift_right_arithmetic3A_492 : vector<4x1x1xi32>
    %and3A_494 = arith.constant 2147483647 : i32
    %and3A_495 = vector.broadcast %and3A_494 : i32 to vector<4x1x1xi32>
    %and3A_496 = arith.andi %shift_right_arithmetic3A_493, %and3A_495 : vector<4x1x1xi32>
    %xor3A_497 = arith.xori %scan3A_424#0, %and3A_496 : vector<4x1x1xi32>
    %bitcast_convert_type3A_498 = tpu.bitcast %xor3A_497 : vector<4x1x1xi32> -> vector<4x1x1xf32>
    %shift_right_arithmetic3A_499 = arith.constant 31 : i32
    %shift_right_arithmetic3A_500 = vector.broadcast %shift_right_arithmetic3A_499 : i32 to vector<4x1x1xi32>
    %shift_right_arithmetic3A_501 = arith.shrsi %select_n3A_490, %shift_right_arithmetic3A_500 : vector<4x1x1xi32>
    %and3A_502 = arith.constant 2147483647 : i32
    %and3A_503 = vector.broadcast %and3A_502 : i32 to vector<4x1x1xi32>
    %and3A_504 = arith.andi %shift_right_arithmetic3A_501, %and3A_503 : vector<4x1x1xi32>
    %xor3A_505 = arith.xori %select_n3A_490, %and3A_504 : vector<4x1x1xi32>
    %bitcast_convert_type3A_506 = tpu.bitcast %xor3A_505 : vector<4x1x1xi32> -> vector<4x1x1xf32>
    %gt3A_507 = arith.constant 0.000000e+00 : f32
    %gt3A_508 = vector.broadcast %gt3A_507 : f32 to vector<4x1x1xf32>
    %gt3A_509 = arith.cmpf ogt, %sub3A_318, %gt3A_508 : vector<4x1x1xf32>
    %sub3A_510 = arith.constant 1.000000e+00 : f32
    %sub3A_511 = vector.broadcast %sub3A_510 : f32 to vector<4x1x1xf32>
    %sub3A_512 = arith.subf %sub3A_511, %sub3A_318 : vector<4x1x1xf32>
    %mul3A_513 = arith.mulf %bitcast_convert_type3A_498, %sub3A_512 : vector<4x1x1xf32>
    %mul3A_514 = arith.mulf %bitcast_convert_type3A_506, %sub3A_318 : vector<4x1x1xf32>
    %add3A_515 = arith.addf %mul3A_513, %mul3A_514 : vector<4x1x1xf32>
    %select_n3A_516 = arith.select %gt3A_509, %add3A_515, %bitcast_convert_type3A_498 : vector<4x1x1xi1>, vector<4x1x1xf32>
    %le3A_517 = vector.broadcast %scan3A_424#2 : vector<4x1x1xi32> to vector<4x384x384xi32>
    %le3A_518 = arith.cmpi sle, %xor3A, %le3A_517 : vector<4x384x384xi32>
    %jit3A_519 = arith.constant 1.000000e+00 : f32
    %jit3A_520 = arith.constant 0.000000e+00 : f32
    %broadcast_in_dim3A_521 = vector.broadcast %jit3A_519 : f32 to vector<4x384x384xf32>
    %broadcast_in_dim3A_522 = vector.broadcast %jit3A_520 : f32 to vector<4x384x384xf32>
    %select_n3A_523 = arith.select %le3A_518, %broadcast_in_dim3A_521, %broadcast_in_dim3A_522 : vector<4x384x384xi1>, vector<4x384x384xf32>
    %slice3A_524 = vector.extract_strided_slice %select_n3A_523 {offsets = [0, 0, 0], sizes = [4, 384, 128], strides = [1, 1, 1]} : vector<4x384x384xf32> to vector<4x384x128xf32>
    %slice3A_525 = vector.extract_strided_slice %select_n3A_523 {offsets = [0, 0, 128], sizes = [4, 384, 128], strides = [1, 1, 1]} : vector<4x384x384xf32> to vector<4x384x128xf32>
    %add3A_526 = arith.addf %slice3A_524, %slice3A_525 : vector<4x384x128xf32>
    %slice3A_527 = vector.extract_strided_slice %select_n3A_523 {offsets = [0, 0, 256], sizes = [4, 384, 128], strides = [1, 1, 1]} : vector<4x384x384xf32> to vector<4x384x128xf32>
    %add3A_528 = arith.addf %add3A_526, %slice3A_527 : vector<4x384x128xf32>
    %slice3A_529 = vector.extract_strided_slice %add3A_528 {offsets = [0, 0, 0], sizes = [4, 192, 128], strides = [1, 1, 1]} : vector<4x384x128xf32> to vector<4x192x128xf32>
    %slice3A_530 = vector.extract_strided_slice %add3A_528 {offsets = [0, 192, 0], sizes = [4, 192, 128], strides = [1, 1, 1]} : vector<4x384x128xf32> to vector<4x192x128xf32>
    %add3A_531 = arith.addf %slice3A_529, %slice3A_530 : vector<4x192x128xf32>
    %slice3A_532 = vector.extract_strided_slice %add3A_531 {offsets = [0, 0, 0], sizes = [4, 96, 128], strides = [1, 1, 1]} : vector<4x192x128xf32> to vector<4x96x128xf32>
    %slice3A_533 = vector.extract_strided_slice %add3A_531 {offsets = [0, 96, 0], sizes = [4, 96, 128], strides = [1, 1, 1]} : vector<4x192x128xf32> to vector<4x96x128xf32>
    %add3A_534 = arith.addf %slice3A_532, %slice3A_533 : vector<4x96x128xf32>
    %slice3A_535 = vector.extract_strided_slice %add3A_534 {offsets = [0, 0, 0], sizes = [4, 48, 128], strides = [1, 1, 1]} : vector<4x96x128xf32> to vector<4x48x128xf32>
    %slice3A_536 = vector.extract_strided_slice %add3A_534 {offsets = [0, 48, 0], sizes = [4, 48, 128], strides = [1, 1, 1]} : vector<4x96x128xf32> to vector<4x48x128xf32>
    %add3A_537 = arith.addf %slice3A_535, %slice3A_536 : vector<4x48x128xf32>
    %slice3A_538 = vector.extract_strided_slice %add3A_537 {offsets = [0, 0, 0], sizes = [4, 24, 128], strides = [1, 1, 1]} : vector<4x48x128xf32> to vector<4x24x128xf32>
    %slice3A_539 = vector.extract_strided_slice %add3A_537 {offsets = [0, 24, 0], sizes = [4, 24, 128], strides = [1, 1, 1]} : vector<4x48x128xf32> to vector<4x24x128xf32>
    %add3A_540 = arith.addf %slice3A_538, %slice3A_539 : vector<4x24x128xf32>
    %slice3A_541 = vector.extract_strided_slice %add3A_540 {offsets = [0, 0, 0], sizes = [4, 8, 128], strides = [1, 1, 1]} : vector<4x24x128xf32> to vector<4x8x128xf32>
    %slice3A_542 = vector.extract_strided_slice %add3A_540 {offsets = [0, 8, 0], sizes = [4, 8, 128], strides = [1, 1, 1]} : vector<4x24x128xf32> to vector<4x8x128xf32>
    %add3A_543 = arith.addf %slice3A_541, %slice3A_542 : vector<4x8x128xf32>
    %slice3A_544 = vector.extract_strided_slice %add3A_540 {offsets = [0, 16, 0], sizes = [4, 8, 128], strides = [1, 1, 1]} : vector<4x24x128xf32> to vector<4x8x128xf32>
    %add3A_545 = arith.addf %add3A_543, %slice3A_544 : vector<4x8x128xf32>
    %reduce_sum3A_546 = arith.constant dense<0.000000e+00> : vector<4xf32>
    %reduce_sum3A_547 = vector.multi_reduction <add>, %add3A_545, %reduce_sum3A_546 [1, 2] : vector<4x8x128xf32> to vector<4xf32>
    %broadcast_in_dim3A_548 = vector.shape_cast %reduce_sum3A_547 : vector<4xf32> to vector<4x1x1xf32>
    %gt3A_549 = vector.broadcast %scan3A_424#2 : vector<4x1x1xi32> to vector<4x384x384xi32>
    %gt3A_550 = arith.cmpi sgt, %xor3A, %gt3A_549 : vector<4x384x384xi32>
    %jit3A_551 = arith.constant 2147483647 : i32
    %broadcast_in_dim3A_552 = vector.broadcast %jit3A_551 : i32 to vector<4x384x384xi32>
    %select_n3A_553 = arith.select %gt3A_550, %xor3A, %broadcast_in_dim3A_552 : vector<4x384x384xi1>, vector<4x384x384xi32>
    %slice3A_554 = vector.extract_strided_slice %select_n3A_553 {offsets = [0, 0, 0], sizes = [4, 384, 128], strides = [1, 1, 1]} : vector<4x384x384xi32> to vector<4x384x128xi32>
    %slice3A_555 = vector.extract_strided_slice %select_n3A_553 {offsets = [0, 0, 128], sizes = [4, 384, 128], strides = [1, 1, 1]} : vector<4x384x384xi32> to vector<4x384x128xi32>
    %min3A_556 = arith.minsi %slice3A_554, %slice3A_555 : vector<4x384x128xi32>
    %slice3A_557 = vector.extract_strided_slice %select_n3A_553 {offsets = [0, 0, 256], sizes = [4, 384, 128], strides = [1, 1, 1]} : vector<4x384x384xi32> to vector<4x384x128xi32>
    %min3A_558 = arith.minsi %min3A_556, %slice3A_557 : vector<4x384x128xi32>
    %slice3A_559 = vector.extract_strided_slice %min3A_558 {offsets = [0, 0, 0], sizes = [4, 192, 128], strides = [1, 1, 1]} : vector<4x384x128xi32> to vector<4x192x128xi32>
    %slice3A_560 = vector.extract_strided_slice %min3A_558 {offsets = [0, 192, 0], sizes = [4, 192, 128], strides = [1, 1, 1]} : vector<4x384x128xi32> to vector<4x192x128xi32>
    %min3A_561 = arith.minsi %slice3A_559, %slice3A_560 : vector<4x192x128xi32>
    %slice3A_562 = vector.extract_strided_slice %min3A_561 {offsets = [0, 0, 0], sizes = [4, 96, 128], strides = [1, 1, 1]} : vector<4x192x128xi32> to vector<4x96x128xi32>
    %slice3A_563 = vector.extract_strided_slice %min3A_561 {offsets = [0, 96, 0], sizes = [4, 96, 128], strides = [1, 1, 1]} : vector<4x192x128xi32> to vector<4x96x128xi32>
    %min3A_564 = arith.minsi %slice3A_562, %slice3A_563 : vector<4x96x128xi32>
    %slice3A_565 = vector.extract_strided_slice %min3A_564 {offsets = [0, 0, 0], sizes = [4, 48, 128], strides = [1, 1, 1]} : vector<4x96x128xi32> to vector<4x48x128xi32>
    %slice3A_566 = vector.extract_strided_slice %min3A_564 {offsets = [0, 48, 0], sizes = [4, 48, 128], strides = [1, 1, 1]} : vector<4x96x128xi32> to vector<4x48x128xi32>
    %min3A_567 = arith.minsi %slice3A_565, %slice3A_566 : vector<4x48x128xi32>
    %slice3A_568 = vector.extract_strided_slice %min3A_567 {offsets = [0, 0, 0], sizes = [4, 24, 128], strides = [1, 1, 1]} : vector<4x48x128xi32> to vector<4x24x128xi32>
    %slice3A_569 = vector.extract_strided_slice %min3A_567 {offsets = [0, 24, 0], sizes = [4, 24, 128], strides = [1, 1, 1]} : vector<4x48x128xi32> to vector<4x24x128xi32>
    %min3A_570 = arith.minsi %slice3A_568, %slice3A_569 : vector<4x24x128xi32>
    %slice3A_571 = vector.extract_strided_slice %min3A_570 {offsets = [0, 0, 0], sizes = [4, 8, 128], strides = [1, 1, 1]} : vector<4x24x128xi32> to vector<4x8x128xi32>
    %slice3A_572 = vector.extract_strided_slice %min3A_570 {offsets = [0, 8, 0], sizes = [4, 8, 128], strides = [1, 1, 1]} : vector<4x24x128xi32> to vector<4x8x128xi32>
    %min3A_573 = arith.minsi %slice3A_571, %slice3A_572 : vector<4x8x128xi32>
    %slice3A_574 = vector.extract_strided_slice %min3A_570 {offsets = [0, 16, 0], sizes = [4, 8, 128], strides = [1, 1, 1]} : vector<4x24x128xi32> to vector<4x8x128xi32>
    %min3A_575 = arith.minsi %min3A_573, %slice3A_574 : vector<4x8x128xi32>
    %reduce_min3A_576 = arith.constant dense<2147483647> : vector<4xi32>
    %reduce_min3A_577 = vector.multi_reduction <minsi>, %min3A_575, %reduce_min3A_576 [1, 2] : vector<4x8x128xi32> to vector<4xi32>
    %broadcast_in_dim3A_578 = vector.shape_cast %reduce_min3A_577 : vector<4xi32> to vector<4x1x1xi32>
    %convert_element_type3A_579 = arith.sitofp %add3A_330 : vector<4x1x1xi32> to vector<4x1x1xf32>
    %add3A_580 = arith.constant 2.000000e+00 : f32
    %add3A_581 = vector.broadcast %add3A_580 : f32 to vector<4x1x1xf32>
    %add3A_582 = arith.addf %convert_element_type3A_579, %add3A_581 : vector<4x1x1xf32>
    %ge3A_583 = arith.cmpf oge, %broadcast_in_dim3A_548, %add3A_582 : vector<4x1x1xf32>
    %select_n3A_584 = arith.select %ge3A_583, %scan3A_424#2, %broadcast_in_dim3A_578 : vector<4x1x1xi1>, vector<4x1x1xi32>
    %shift_right_arithmetic3A_585 = arith.constant 31 : i32
    %shift_right_arithmetic3A_586 = vector.broadcast %shift_right_arithmetic3A_585 : i32 to vector<4x1x1xi32>
    %shift_right_arithmetic3A_587 = arith.shrsi %scan3A_424#2, %shift_right_arithmetic3A_586 : vector<4x1x1xi32>
    %and3A_588 = arith.constant 2147483647 : i32
    %and3A_589 = vector.broadcast %and3A_588 : i32 to vector<4x1x1xi32>
    %and3A_590 = arith.andi %shift_right_arithmetic3A_587, %and3A_589 : vector<4x1x1xi32>
    %xor3A_591 = arith.xori %scan3A_424#2, %and3A_590 : vector<4x1x1xi32>
    %bitcast_convert_type3A_592 = tpu.bitcast %xor3A_591 : vector<4x1x1xi32> -> vector<4x1x1xf32>
    %shift_right_arithmetic3A_593 = arith.constant 31 : i32
    %shift_right_arithmetic3A_594 = vector.broadcast %shift_right_arithmetic3A_593 : i32 to vector<4x1x1xi32>
    %shift_right_arithmetic3A_595 = arith.shrsi %select_n3A_584, %shift_right_arithmetic3A_594 : vector<4x1x1xi32>
    %and3A_596 = arith.constant 2147483647 : i32
    %and3A_597 = vector.broadcast %and3A_596 : i32 to vector<4x1x1xi32>
    %and3A_598 = arith.andi %shift_right_arithmetic3A_595, %and3A_597 : vector<4x1x1xi32>
    %xor3A_599 = arith.xori %select_n3A_584, %and3A_598 : vector<4x1x1xi32>
    %bitcast_convert_type3A_600 = tpu.bitcast %xor3A_599 : vector<4x1x1xi32> -> vector<4x1x1xf32>
    %gt3A_601 = arith.constant 0.000000e+00 : f32
    %gt3A_602 = vector.broadcast %gt3A_601 : f32 to vector<4x1x1xf32>
    %gt3A_603 = arith.cmpf ogt, %sub3A_329, %gt3A_602 : vector<4x1x1xf32>
    %sub3A_604 = arith.constant 1.000000e+00 : f32
    %sub3A_605 = vector.broadcast %sub3A_604 : f32 to vector<4x1x1xf32>
    %sub3A_606 = arith.subf %sub3A_605, %sub3A_329 : vector<4x1x1xf32>
    %mul3A_607 = arith.mulf %bitcast_convert_type3A_592, %sub3A_606 : vector<4x1x1xf32>
    %mul3A_608 = arith.mulf %bitcast_convert_type3A_600, %sub3A_329 : vector<4x1x1xf32>
    %add3A_609 = arith.addf %mul3A_607, %mul3A_608 : vector<4x1x1xf32>
    %select_n3A_610 = arith.select %gt3A_603, %add3A_609, %bitcast_convert_type3A_592 : vector<4x1x1xi1>, vector<4x1x1xf32>
    %le3A_611 = vector.broadcast %scan3A_424#4 : vector<4x1x1xi32> to vector<4x384x384xi32>
    %le3A_612 = arith.cmpi sle, %xor3A, %le3A_611 : vector<4x384x384xi32>
    %jit3A_613 = arith.constant 1.000000e+00 : f32
    %jit3A_614 = arith.constant 0.000000e+00 : f32
    %broadcast_in_dim3A_615 = vector.broadcast %jit3A_613 : f32 to vector<4x384x384xf32>
    %broadcast_in_dim3A_616 = vector.broadcast %jit3A_614 : f32 to vector<4x384x384xf32>
    %select_n3A_617 = arith.select %le3A_612, %broadcast_in_dim3A_615, %broadcast_in_dim3A_616 : vector<4x384x384xi1>, vector<4x384x384xf32>
    %slice3A_618 = vector.extract_strided_slice %select_n3A_617 {offsets = [0, 0, 0], sizes = [4, 384, 128], strides = [1, 1, 1]} : vector<4x384x384xf32> to vector<4x384x128xf32>
    %slice3A_619 = vector.extract_strided_slice %select_n3A_617 {offsets = [0, 0, 128], sizes = [4, 384, 128], strides = [1, 1, 1]} : vector<4x384x384xf32> to vector<4x384x128xf32>
    %add3A_620 = arith.addf %slice3A_618, %slice3A_619 : vector<4x384x128xf32>
    %slice3A_621 = vector.extract_strided_slice %select_n3A_617 {offsets = [0, 0, 256], sizes = [4, 384, 128], strides = [1, 1, 1]} : vector<4x384x384xf32> to vector<4x384x128xf32>
    %add3A_622 = arith.addf %add3A_620, %slice3A_621 : vector<4x384x128xf32>
    %slice3A_623 = vector.extract_strided_slice %add3A_622 {offsets = [0, 0, 0], sizes = [4, 192, 128], strides = [1, 1, 1]} : vector<4x384x128xf32> to vector<4x192x128xf32>
    %slice3A_624 = vector.extract_strided_slice %add3A_622 {offsets = [0, 192, 0], sizes = [4, 192, 128], strides = [1, 1, 1]} : vector<4x384x128xf32> to vector<4x192x128xf32>
    %add3A_625 = arith.addf %slice3A_623, %slice3A_624 : vector<4x192x128xf32>
    %slice3A_626 = vector.extract_strided_slice %add3A_625 {offsets = [0, 0, 0], sizes = [4, 96, 128], strides = [1, 1, 1]} : vector<4x192x128xf32> to vector<4x96x128xf32>
    %slice3A_627 = vector.extract_strided_slice %add3A_625 {offsets = [0, 96, 0], sizes = [4, 96, 128], strides = [1, 1, 1]} : vector<4x192x128xf32> to vector<4x96x128xf32>
    %add3A_628 = arith.addf %slice3A_626, %slice3A_627 : vector<4x96x128xf32>
    %slice3A_629 = vector.extract_strided_slice %add3A_628 {offsets = [0, 0, 0], sizes = [4, 48, 128], strides = [1, 1, 1]} : vector<4x96x128xf32> to vector<4x48x128xf32>
    %slice3A_630 = vector.extract_strided_slice %add3A_628 {offsets = [0, 48, 0], sizes = [4, 48, 128], strides = [1, 1, 1]} : vector<4x96x128xf32> to vector<4x48x128xf32>
    %add3A_631 = arith.addf %slice3A_629, %slice3A_630 : vector<4x48x128xf32>
    %slice3A_632 = vector.extract_strided_slice %add3A_631 {offsets = [0, 0, 0], sizes = [4, 24, 128], strides = [1, 1, 1]} : vector<4x48x128xf32> to vector<4x24x128xf32>
    %slice3A_633 = vector.extract_strided_slice %add3A_631 {offsets = [0, 24, 0], sizes = [4, 24, 128], strides = [1, 1, 1]} : vector<4x48x128xf32> to vector<4x24x128xf32>
    %add3A_634 = arith.addf %slice3A_632, %slice3A_633 : vector<4x24x128xf32>
    %slice3A_635 = vector.extract_strided_slice %add3A_634 {offsets = [0, 0, 0], sizes = [4, 8, 128], strides = [1, 1, 1]} : vector<4x24x128xf32> to vector<4x8x128xf32>
    %slice3A_636 = vector.extract_strided_slice %add3A_634 {offsets = [0, 8, 0], sizes = [4, 8, 128], strides = [1, 1, 1]} : vector<4x24x128xf32> to vector<4x8x128xf32>
    %add3A_637 = arith.addf %slice3A_635, %slice3A_636 : vector<4x8x128xf32>
    %slice3A_638 = vector.extract_strided_slice %add3A_634 {offsets = [0, 16, 0], sizes = [4, 8, 128], strides = [1, 1, 1]} : vector<4x24x128xf32> to vector<4x8x128xf32>
    %add3A_639 = arith.addf %add3A_637, %slice3A_638 : vector<4x8x128xf32>
    %reduce_sum3A_640 = arith.constant dense<0.000000e+00> : vector<4xf32>
    %reduce_sum3A_641 = vector.multi_reduction <add>, %add3A_639, %reduce_sum3A_640 [1, 2] : vector<4x8x128xf32> to vector<4xf32>
    %broadcast_in_dim3A_642 = vector.shape_cast %reduce_sum3A_641 : vector<4xf32> to vector<4x1x1xf32>
    %gt3A_643 = vector.broadcast %scan3A_424#4 : vector<4x1x1xi32> to vector<4x384x384xi32>
    %gt3A_644 = arith.cmpi sgt, %xor3A, %gt3A_643 : vector<4x384x384xi32>
    %jit3A_645 = arith.constant 2147483647 : i32
    %broadcast_in_dim3A_646 = vector.broadcast %jit3A_645 : i32 to vector<4x384x384xi32>
    %select_n3A_647 = arith.select %gt3A_644, %xor3A, %broadcast_in_dim3A_646 : vector<4x384x384xi1>, vector<4x384x384xi32>
    %slice3A_648 = vector.extract_strided_slice %select_n3A_647 {offsets = [0, 0, 0], sizes = [4, 384, 128], strides = [1, 1, 1]} : vector<4x384x384xi32> to vector<4x384x128xi32>
    %slice3A_649 = vector.extract_strided_slice %select_n3A_647 {offsets = [0, 0, 128], sizes = [4, 384, 128], strides = [1, 1, 1]} : vector<4x384x384xi32> to vector<4x384x128xi32>
    %min3A_650 = arith.minsi %slice3A_648, %slice3A_649 : vector<4x384x128xi32>
    %slice3A_651 = vector.extract_strided_slice %select_n3A_647 {offsets = [0, 0, 256], sizes = [4, 384, 128], strides = [1, 1, 1]} : vector<4x384x384xi32> to vector<4x384x128xi32>
    %min3A_652 = arith.minsi %min3A_650, %slice3A_651 : vector<4x384x128xi32>
    %slice3A_653 = vector.extract_strided_slice %min3A_652 {offsets = [0, 0, 0], sizes = [4, 192, 128], strides = [1, 1, 1]} : vector<4x384x128xi32> to vector<4x192x128xi32>
    %slice3A_654 = vector.extract_strided_slice %min3A_652 {offsets = [0, 192, 0], sizes = [4, 192, 128], strides = [1, 1, 1]} : vector<4x384x128xi32> to vector<4x192x128xi32>
    %min3A_655 = arith.minsi %slice3A_653, %slice3A_654 : vector<4x192x128xi32>
    %slice3A_656 = vector.extract_strided_slice %min3A_655 {offsets = [0, 0, 0], sizes = [4, 96, 128], strides = [1, 1, 1]} : vector<4x192x128xi32> to vector<4x96x128xi32>
    %slice3A_657 = vector.extract_strided_slice %min3A_655 {offsets = [0, 96, 0], sizes = [4, 96, 128], strides = [1, 1, 1]} : vector<4x192x128xi32> to vector<4x96x128xi32>
    %min3A_658 = arith.minsi %slice3A_656, %slice3A_657 : vector<4x96x128xi32>
    %slice3A_659 = vector.extract_strided_slice %min3A_658 {offsets = [0, 0, 0], sizes = [4, 48, 128], strides = [1, 1, 1]} : vector<4x96x128xi32> to vector<4x48x128xi32>
    %slice3A_660 = vector.extract_strided_slice %min3A_658 {offsets = [0, 48, 0], sizes = [4, 48, 128], strides = [1, 1, 1]} : vector<4x96x128xi32> to vector<4x48x128xi32>
    %min3A_661 = arith.minsi %slice3A_659, %slice3A_660 : vector<4x48x128xi32>
    %slice3A_662 = vector.extract_strided_slice %min3A_661 {offsets = [0, 0, 0], sizes = [4, 24, 128], strides = [1, 1, 1]} : vector<4x48x128xi32> to vector<4x24x128xi32>
    %slice3A_663 = vector.extract_strided_slice %min3A_661 {offsets = [0, 24, 0], sizes = [4, 24, 128], strides = [1, 1, 1]} : vector<4x48x128xi32> to vector<4x24x128xi32>
    %min3A_664 = arith.minsi %slice3A_662, %slice3A_663 : vector<4x24x128xi32>
    %slice3A_665 = vector.extract_strided_slice %min3A_664 {offsets = [0, 0, 0], sizes = [4, 8, 128], strides = [1, 1, 1]} : vector<4x24x128xi32> to vector<4x8x128xi32>
    %slice3A_666 = vector.extract_strided_slice %min3A_664 {offsets = [0, 8, 0], sizes = [4, 8, 128], strides = [1, 1, 1]} : vector<4x24x128xi32> to vector<4x8x128xi32>
    %min3A_667 = arith.minsi %slice3A_665, %slice3A_666 : vector<4x8x128xi32>
    %slice3A_668 = vector.extract_strided_slice %min3A_664 {offsets = [0, 16, 0], sizes = [4, 8, 128], strides = [1, 1, 1]} : vector<4x24x128xi32> to vector<4x8x128xi32>
    %min3A_669 = arith.minsi %min3A_667, %slice3A_668 : vector<4x8x128xi32>
    %reduce_min3A_670 = arith.constant dense<2147483647> : vector<4xi32>
    %reduce_min3A_671 = vector.multi_reduction <minsi>, %min3A_669, %reduce_min3A_670 [1, 2] : vector<4x8x128xi32> to vector<4xi32>
    %broadcast_in_dim3A_672 = vector.shape_cast %reduce_min3A_671 : vector<4xi32> to vector<4x1x1xi32>
    %convert_element_type3A_673 = arith.sitofp %add3A_341 : vector<4x1x1xi32> to vector<4x1x1xf32>
    %add3A_674 = arith.constant 2.000000e+00 : f32
    %add3A_675 = vector.broadcast %add3A_674 : f32 to vector<4x1x1xf32>
    %add3A_676 = arith.addf %convert_element_type3A_673, %add3A_675 : vector<4x1x1xf32>
    %ge3A_677 = arith.cmpf oge, %broadcast_in_dim3A_642, %add3A_676 : vector<4x1x1xf32>
    %select_n3A_678 = arith.select %ge3A_677, %scan3A_424#4, %broadcast_in_dim3A_672 : vector<4x1x1xi1>, vector<4x1x1xi32>
    %shift_right_arithmetic3A_679 = arith.constant 31 : i32
    %shift_right_arithmetic3A_680 = vector.broadcast %shift_right_arithmetic3A_679 : i32 to vector<4x1x1xi32>
    %shift_right_arithmetic3A_681 = arith.shrsi %scan3A_424#4, %shift_right_arithmetic3A_680 : vector<4x1x1xi32>
    %and3A_682 = arith.constant 2147483647 : i32
    %and3A_683 = vector.broadcast %and3A_682 : i32 to vector<4x1x1xi32>
    %and3A_684 = arith.andi %shift_right_arithmetic3A_681, %and3A_683 : vector<4x1x1xi32>
    %xor3A_685 = arith.xori %scan3A_424#4, %and3A_684 : vector<4x1x1xi32>
    %bitcast_convert_type3A_686 = tpu.bitcast %xor3A_685 : vector<4x1x1xi32> -> vector<4x1x1xf32>
    %shift_right_arithmetic3A_687 = arith.constant 31 : i32
    %shift_right_arithmetic3A_688 = vector.broadcast %shift_right_arithmetic3A_687 : i32 to vector<4x1x1xi32>
    %shift_right_arithmetic3A_689 = arith.shrsi %select_n3A_678, %shift_right_arithmetic3A_688 : vector<4x1x1xi32>
    %and3A_690 = arith.constant 2147483647 : i32
    %and3A_691 = vector.broadcast %and3A_690 : i32 to vector<4x1x1xi32>
    %and3A_692 = arith.andi %shift_right_arithmetic3A_689, %and3A_691 : vector<4x1x1xi32>
    %xor3A_693 = arith.xori %select_n3A_678, %and3A_692 : vector<4x1x1xi32>
    %bitcast_convert_type3A_694 = tpu.bitcast %xor3A_693 : vector<4x1x1xi32> -> vector<4x1x1xf32>
    %gt3A_695 = arith.constant 0.000000e+00 : f32
    %gt3A_696 = vector.broadcast %gt3A_695 : f32 to vector<4x1x1xf32>
    %gt3A_697 = arith.cmpf ogt, %sub3A_340, %gt3A_696 : vector<4x1x1xf32>
    %sub3A_698 = arith.constant 1.000000e+00 : f32
    %sub3A_699 = vector.broadcast %sub3A_698 : f32 to vector<4x1x1xf32>
    %sub3A_700 = arith.subf %sub3A_699, %sub3A_340 : vector<4x1x1xf32>
    %mul3A_701 = arith.mulf %bitcast_convert_type3A_686, %sub3A_700 : vector<4x1x1xf32>
    %mul3A_702 = arith.mulf %bitcast_convert_type3A_694, %sub3A_340 : vector<4x1x1xf32>
    %add3A_703 = arith.addf %mul3A_701, %mul3A_702 : vector<4x1x1xf32>
    %select_n3A_704 = arith.select %gt3A_697, %add3A_703, %bitcast_convert_type3A_686 : vector<4x1x1xi1>, vector<4x1x1xf32>
    %sub3A_705 = arith.subf %broadcast_in_dim3A_250, %broadcast_in_dim3A_222 : vector<4x1x1xf32>
    %gt3A_706 = arith.constant 0.000000e+00 : f32
    %gt3A_707 = vector.broadcast %gt3A_706 : f32 to vector<4x1x1xf32>
    %gt3A_708 = arith.cmpf ogt, %sub3A_705, %gt3A_707 : vector<4x1x1xf32>
    %jit3A_709 = arith.constant 1.000000e+00 : f32
    %broadcast_in_dim3A_710 = vector.broadcast %jit3A_709 : f32 to vector<4x1x1xf32>
    %select_n3A_711 = arith.select %gt3A_708, %sub3A_705, %broadcast_in_dim3A_710 : vector<4x1x1xi1>, vector<4x1x1xf32>
    %sub3A_712 = vector.broadcast %broadcast_in_dim3A_222 : vector<4x1x1xf32> to vector<4x384x384xf32>
    %sub3A_713 = arith.subf %get3A_2, %sub3A_712 : vector<4x384x384xf32>
    %div3A_714 = vector.broadcast %select_n3A_711 : vector<4x1x1xf32> to vector<4x384x384xf32>
    %div3A_715 = arith.divf %sub3A_713, %div3A_714 : vector<4x384x384xf32>
    %mul3A_716 = arith.constant 1.600000e+01 : f32
    %mul3A_717 = vector.broadcast %mul3A_716 : f32 to vector<4x384x384xf32>
    %mul3A_718 = arith.mulf %div3A_715, %mul3A_717 : vector<4x384x384xf32>
    %floor3A_719 = math.floor %mul3A_718 : vector<4x384x384xf32>
    %convert_element_type3A_720 = arith.fptosi %floor3A_719 : vector<4x384x384xf32> to vector<4x384x384xi32>
    %jit3A_721 = arith.constant 0 : i32
    %jit3A_722 = arith.constant 15 : i32
    %max3A_723 = vector.broadcast %jit3A_721 : i32 to vector<4x384x384xi32>
    %max3A_724 = arith.maxsi %max3A_723, %convert_element_type3A_720 : vector<4x384x384xi32>
    %min3A_725 = vector.broadcast %jit3A_722 : i32 to vector<4x384x384xi32>
    %min3A_726 = arith.minsi %min3A_725, %max3A_724 : vector<4x384x384xi32>
    %eq3A = arith.constant 0 : i32
    %eq3A_727 = vector.broadcast %eq3A : i32 to vector<4x384x384xi32>
    %eq3A_728 = arith.cmpi eq, %min3A_726, %eq3A_727 : vector<4x384x384xi32>
    %jit3A_729 = arith.constant 0.000000e+00 : f32
    %broadcast_in_dim3A_730 = vector.broadcast %jit3A_729 : f32 to vector<4x384x384xf32>
    %select_n3A_731 = arith.select %eq3A_728, %convert_element_type3A_40, %broadcast_in_dim3A_730 : vector<4x384x384xi1>, vector<4x384x384xf32>
    %slice3A_732 = vector.extract_strided_slice %select_n3A_731 {offsets = [0, 0, 0], sizes = [4, 384, 128], strides = [1, 1, 1]} : vector<4x384x384xf32> to vector<4x384x128xf32>
    %slice3A_733 = vector.extract_strided_slice %select_n3A_731 {offsets = [0, 0, 128], sizes = [4, 384, 128], strides = [1, 1, 1]} : vector<4x384x384xf32> to vector<4x384x128xf32>
    %add3A_734 = arith.addf %slice3A_732, %slice3A_733 : vector<4x384x128xf32>
    %slice3A_735 = vector.extract_strided_slice %select_n3A_731 {offsets = [0, 0, 256], sizes = [4, 384, 128], strides = [1, 1, 1]} : vector<4x384x384xf32> to vector<4x384x128xf32>
    %add3A_736 = arith.addf %add3A_734, %slice3A_735 : vector<4x384x128xf32>
    %slice3A_737 = vector.extract_strided_slice %add3A_736 {offsets = [0, 0, 0], sizes = [4, 192, 128], strides = [1, 1, 1]} : vector<4x384x128xf32> to vector<4x192x128xf32>
    %slice3A_738 = vector.extract_strided_slice %add3A_736 {offsets = [0, 192, 0], sizes = [4, 192, 128], strides = [1, 1, 1]} : vector<4x384x128xf32> to vector<4x192x128xf32>
    %add3A_739 = arith.addf %slice3A_737, %slice3A_738 : vector<4x192x128xf32>
    %slice3A_740 = vector.extract_strided_slice %add3A_739 {offsets = [0, 0, 0], sizes = [4, 96, 128], strides = [1, 1, 1]} : vector<4x192x128xf32> to vector<4x96x128xf32>
    %slice3A_741 = vector.extract_strided_slice %add3A_739 {offsets = [0, 96, 0], sizes = [4, 96, 128], strides = [1, 1, 1]} : vector<4x192x128xf32> to vector<4x96x128xf32>
    %add3A_742 = arith.addf %slice3A_740, %slice3A_741 : vector<4x96x128xf32>
    %slice3A_743 = vector.extract_strided_slice %add3A_742 {offsets = [0, 0, 0], sizes = [4, 48, 128], strides = [1, 1, 1]} : vector<4x96x128xf32> to vector<4x48x128xf32>
    %slice3A_744 = vector.extract_strided_slice %add3A_742 {offsets = [0, 48, 0], sizes = [4, 48, 128], strides = [1, 1, 1]} : vector<4x96x128xf32> to vector<4x48x128xf32>
    %add3A_745 = arith.addf %slice3A_743, %slice3A_744 : vector<4x48x128xf32>
    %slice3A_746 = vector.extract_strided_slice %add3A_745 {offsets = [0, 0, 0], sizes = [4, 24, 128], strides = [1, 1, 1]} : vector<4x48x128xf32> to vector<4x24x128xf32>
    %slice3A_747 = vector.extract_strided_slice %add3A_745 {offsets = [0, 24, 0], sizes = [4, 24, 128], strides = [1, 1, 1]} : vector<4x48x128xf32> to vector<4x24x128xf32>
    %add3A_748 = arith.addf %slice3A_746, %slice3A_747 : vector<4x24x128xf32>
    %slice3A_749 = vector.extract_strided_slice %add3A_748 {offsets = [0, 0, 0], sizes = [4, 8, 128], strides = [1, 1, 1]} : vector<4x24x128xf32> to vector<4x8x128xf32>
    %slice3A_750 = vector.extract_strided_slice %add3A_748 {offsets = [0, 8, 0], sizes = [4, 8, 128], strides = [1, 1, 1]} : vector<4x24x128xf32> to vector<4x8x128xf32>
    %add3A_751 = arith.addf %slice3A_749, %slice3A_750 : vector<4x8x128xf32>
    %slice3A_752 = vector.extract_strided_slice %add3A_748 {offsets = [0, 16, 0], sizes = [4, 8, 128], strides = [1, 1, 1]} : vector<4x24x128xf32> to vector<4x8x128xf32>
    %add3A_753 = arith.addf %add3A_751, %slice3A_752 : vector<4x8x128xf32>
    %reduce_sum3A_754 = arith.constant dense<0.000000e+00> : vector<4xf32>
    %reduce_sum3A_755 = vector.multi_reduction <add>, %add3A_753, %reduce_sum3A_754 [1, 2] : vector<4x8x128xf32> to vector<4xf32>
    %broadcast_in_dim3A_756 = vector.shape_cast %reduce_sum3A_755 : vector<4xf32> to vector<4x1x1xf32>
    %eq3A_757 = arith.constant 1 : i32
    %eq3A_758 = vector.broadcast %eq3A_757 : i32 to vector<4x384x384xi32>
    %eq3A_759 = arith.cmpi eq, %min3A_726, %eq3A_758 : vector<4x384x384xi32>
    %jit3A_760 = arith.constant 0.000000e+00 : f32
    %broadcast_in_dim3A_761 = vector.broadcast %jit3A_760 : f32 to vector<4x384x384xf32>
    %select_n3A_762 = arith.select %eq3A_759, %convert_element_type3A_40, %broadcast_in_dim3A_761 : vector<4x384x384xi1>, vector<4x384x384xf32>
    %slice3A_763 = vector.extract_strided_slice %select_n3A_762 {offsets = [0, 0, 0], sizes = [4, 384, 128], strides = [1, 1, 1]} : vector<4x384x384xf32> to vector<4x384x128xf32>
    %slice3A_764 = vector.extract_strided_slice %select_n3A_762 {offsets = [0, 0, 128], sizes = [4, 384, 128], strides = [1, 1, 1]} : vector<4x384x384xf32> to vector<4x384x128xf32>
    %add3A_765 = arith.addf %slice3A_763, %slice3A_764 : vector<4x384x128xf32>
    %slice3A_766 = vector.extract_strided_slice %select_n3A_762 {offsets = [0, 0, 256], sizes = [4, 384, 128], strides = [1, 1, 1]} : vector<4x384x384xf32> to vector<4x384x128xf32>
    %add3A_767 = arith.addf %add3A_765, %slice3A_766 : vector<4x384x128xf32>
    %slice3A_768 = vector.extract_strided_slice %add3A_767 {offsets = [0, 0, 0], sizes = [4, 192, 128], strides = [1, 1, 1]} : vector<4x384x128xf32> to vector<4x192x128xf32>
    %slice3A_769 = vector.extract_strided_slice %add3A_767 {offsets = [0, 192, 0], sizes = [4, 192, 128], strides = [1, 1, 1]} : vector<4x384x128xf32> to vector<4x192x128xf32>
    %add3A_770 = arith.addf %slice3A_768, %slice3A_769 : vector<4x192x128xf32>
    %slice3A_771 = vector.extract_strided_slice %add3A_770 {offsets = [0, 0, 0], sizes = [4, 96, 128], strides = [1, 1, 1]} : vector<4x192x128xf32> to vector<4x96x128xf32>
    %slice3A_772 = vector.extract_strided_slice %add3A_770 {offsets = [0, 96, 0], sizes = [4, 96, 128], strides = [1, 1, 1]} : vector<4x192x128xf32> to vector<4x96x128xf32>
    %add3A_773 = arith.addf %slice3A_771, %slice3A_772 : vector<4x96x128xf32>
    %slice3A_774 = vector.extract_strided_slice %add3A_773 {offsets = [0, 0, 0], sizes = [4, 48, 128], strides = [1, 1, 1]} : vector<4x96x128xf32> to vector<4x48x128xf32>
    %slice3A_775 = vector.extract_strided_slice %add3A_773 {offsets = [0, 48, 0], sizes = [4, 48, 128], strides = [1, 1, 1]} : vector<4x96x128xf32> to vector<4x48x128xf32>
    %add3A_776 = arith.addf %slice3A_774, %slice3A_775 : vector<4x48x128xf32>
    %slice3A_777 = vector.extract_strided_slice %add3A_776 {offsets = [0, 0, 0], sizes = [4, 24, 128], strides = [1, 1, 1]} : vector<4x48x128xf32> to vector<4x24x128xf32>
    %slice3A_778 = vector.extract_strided_slice %add3A_776 {offsets = [0, 24, 0], sizes = [4, 24, 128], strides = [1, 1, 1]} : vector<4x48x128xf32> to vector<4x24x128xf32>
    %add3A_779 = arith.addf %slice3A_777, %slice3A_778 : vector<4x24x128xf32>
    %slice3A_780 = vector.extract_strided_slice %add3A_779 {offsets = [0, 0, 0], sizes = [4, 8, 128], strides = [1, 1, 1]} : vector<4x24x128xf32> to vector<4x8x128xf32>
    %slice3A_781 = vector.extract_strided_slice %add3A_779 {offsets = [0, 8, 0], sizes = [4, 8, 128], strides = [1, 1, 1]} : vector<4x24x128xf32> to vector<4x8x128xf32>
    %add3A_782 = arith.addf %slice3A_780, %slice3A_781 : vector<4x8x128xf32>
    %slice3A_783 = vector.extract_strided_slice %add3A_779 {offsets = [0, 16, 0], sizes = [4, 8, 128], strides = [1, 1, 1]} : vector<4x24x128xf32> to vector<4x8x128xf32>
    %add3A_784 = arith.addf %add3A_782, %slice3A_783 : vector<4x8x128xf32>
    %reduce_sum3A_785 = arith.constant dense<0.000000e+00> : vector<4xf32>
    %reduce_sum3A_786 = vector.multi_reduction <add>, %add3A_784, %reduce_sum3A_785 [1, 2] : vector<4x8x128xf32> to vector<4xf32>
    %broadcast_in_dim3A_787 = vector.shape_cast %reduce_sum3A_786 : vector<4xf32> to vector<4x1x1xf32>
    %eq3A_788 = arith.constant 2 : i32
    %eq3A_789 = vector.broadcast %eq3A_788 : i32 to vector<4x384x384xi32>
    %eq3A_790 = arith.cmpi eq, %min3A_726, %eq3A_789 : vector<4x384x384xi32>
    %jit3A_791 = arith.constant 0.000000e+00 : f32
    %broadcast_in_dim3A_792 = vector.broadcast %jit3A_791 : f32 to vector<4x384x384xf32>
    %select_n3A_793 = arith.select %eq3A_790, %convert_element_type3A_40, %broadcast_in_dim3A_792 : vector<4x384x384xi1>, vector<4x384x384xf32>
    %slice3A_794 = vector.extract_strided_slice %select_n3A_793 {offsets = [0, 0, 0], sizes = [4, 384, 128], strides = [1, 1, 1]} : vector<4x384x384xf32> to vector<4x384x128xf32>
    %slice3A_795 = vector.extract_strided_slice %select_n3A_793 {offsets = [0, 0, 128], sizes = [4, 384, 128], strides = [1, 1, 1]} : vector<4x384x384xf32> to vector<4x384x128xf32>
    %add3A_796 = arith.addf %slice3A_794, %slice3A_795 : vector<4x384x128xf32>
    %slice3A_797 = vector.extract_strided_slice %select_n3A_793 {offsets = [0, 0, 256], sizes = [4, 384, 128], strides = [1, 1, 1]} : vector<4x384x384xf32> to vector<4x384x128xf32>
    %add3A_798 = arith.addf %add3A_796, %slice3A_797 : vector<4x384x128xf32>
    %slice3A_799 = vector.extract_strided_slice %add3A_798 {offsets = [0, 0, 0], sizes = [4, 192, 128], strides = [1, 1, 1]} : vector<4x384x128xf32> to vector<4x192x128xf32>
    %slice3A_800 = vector.extract_strided_slice %add3A_798 {offsets = [0, 192, 0], sizes = [4, 192, 128], strides = [1, 1, 1]} : vector<4x384x128xf32> to vector<4x192x128xf32>
    %add3A_801 = arith.addf %slice3A_799, %slice3A_800 : vector<4x192x128xf32>
    %slice3A_802 = vector.extract_strided_slice %add3A_801 {offsets = [0, 0, 0], sizes = [4, 96, 128], strides = [1, 1, 1]} : vector<4x192x128xf32> to vector<4x96x128xf32>
    %slice3A_803 = vector.extract_strided_slice %add3A_801 {offsets = [0, 96, 0], sizes = [4, 96, 128], strides = [1, 1, 1]} : vector<4x192x128xf32> to vector<4x96x128xf32>
    %add3A_804 = arith.addf %slice3A_802, %slice3A_803 : vector<4x96x128xf32>
    %slice3A_805 = vector.extract_strided_slice %add3A_804 {offsets = [0, 0, 0], sizes = [4, 48, 128], strides = [1, 1, 1]} : vector<4x96x128xf32> to vector<4x48x128xf32>
    %slice3A_806 = vector.extract_strided_slice %add3A_804 {offsets = [0, 48, 0], sizes = [4, 48, 128], strides = [1, 1, 1]} : vector<4x96x128xf32> to vector<4x48x128xf32>
    %add3A_807 = arith.addf %slice3A_805, %slice3A_806 : vector<4x48x128xf32>
    %slice3A_808 = vector.extract_strided_slice %add3A_807 {offsets = [0, 0, 0], sizes = [4, 24, 128], strides = [1, 1, 1]} : vector<4x48x128xf32> to vector<4x24x128xf32>
    %slice3A_809 = vector.extract_strided_slice %add3A_807 {offsets = [0, 24, 0], sizes = [4, 24, 128], strides = [1, 1, 1]} : vector<4x48x128xf32> to vector<4x24x128xf32>
    %add3A_810 = arith.addf %slice3A_808, %slice3A_809 : vector<4x24x128xf32>
    %slice3A_811 = vector.extract_strided_slice %add3A_810 {offsets = [0, 0, 0], sizes = [4, 8, 128], strides = [1, 1, 1]} : vector<4x24x128xf32> to vector<4x8x128xf32>
    %slice3A_812 = vector.extract_strided_slice %add3A_810 {offsets = [0, 8, 0], sizes = [4, 8, 128], strides = [1, 1, 1]} : vector<4x24x128xf32> to vector<4x8x128xf32>
    %add3A_813 = arith.addf %slice3A_811, %slice3A_812 : vector<4x8x128xf32>
    %slice3A_814 = vector.extract_strided_slice %add3A_810 {offsets = [0, 16, 0], sizes = [4, 8, 128], strides = [1, 1, 1]} : vector<4x24x128xf32> to vector<4x8x128xf32>
    %add3A_815 = arith.addf %add3A_813, %slice3A_814 : vector<4x8x128xf32>
    %reduce_sum3A_816 = arith.constant dense<0.000000e+00> : vector<4xf32>
    %reduce_sum3A_817 = vector.multi_reduction <add>, %add3A_815, %reduce_sum3A_816 [1, 2] : vector<4x8x128xf32> to vector<4xf32>
    %broadcast_in_dim3A_818 = vector.shape_cast %reduce_sum3A_817 : vector<4xf32> to vector<4x1x1xf32>
    %eq3A_819 = arith.constant 3 : i32
    %eq3A_820 = vector.broadcast %eq3A_819 : i32 to vector<4x384x384xi32>
    %eq3A_821 = arith.cmpi eq, %min3A_726, %eq3A_820 : vector<4x384x384xi32>
    %jit3A_822 = arith.constant 0.000000e+00 : f32
    %broadcast_in_dim3A_823 = vector.broadcast %jit3A_822 : f32 to vector<4x384x384xf32>
    %select_n3A_824 = arith.select %eq3A_821, %convert_element_type3A_40, %broadcast_in_dim3A_823 : vector<4x384x384xi1>, vector<4x384x384xf32>
    %slice3A_825 = vector.extract_strided_slice %select_n3A_824 {offsets = [0, 0, 0], sizes = [4, 384, 128], strides = [1, 1, 1]} : vector<4x384x384xf32> to vector<4x384x128xf32>
    %slice3A_826 = vector.extract_strided_slice %select_n3A_824 {offsets = [0, 0, 128], sizes = [4, 384, 128], strides = [1, 1, 1]} : vector<4x384x384xf32> to vector<4x384x128xf32>
    %add3A_827 = arith.addf %slice3A_825, %slice3A_826 : vector<4x384x128xf32>
    %slice3A_828 = vector.extract_strided_slice %select_n3A_824 {offsets = [0, 0, 256], sizes = [4, 384, 128], strides = [1, 1, 1]} : vector<4x384x384xf32> to vector<4x384x128xf32>
    %add3A_829 = arith.addf %add3A_827, %slice3A_828 : vector<4x384x128xf32>
    %slice3A_830 = vector.extract_strided_slice %add3A_829 {offsets = [0, 0, 0], sizes = [4, 192, 128], strides = [1, 1, 1]} : vector<4x384x128xf32> to vector<4x192x128xf32>
    %slice3A_831 = vector.extract_strided_slice %add3A_829 {offsets = [0, 192, 0], sizes = [4, 192, 128], strides = [1, 1, 1]} : vector<4x384x128xf32> to vector<4x192x128xf32>
    %add3A_832 = arith.addf %slice3A_830, %slice3A_831 : vector<4x192x128xf32>
    %slice3A_833 = vector.extract_strided_slice %add3A_832 {offsets = [0, 0, 0], sizes = [4, 96, 128], strides = [1, 1, 1]} : vector<4x192x128xf32> to vector<4x96x128xf32>
    %slice3A_834 = vector.extract_strided_slice %add3A_832 {offsets = [0, 96, 0], sizes = [4, 96, 128], strides = [1, 1, 1]} : vector<4x192x128xf32> to vector<4x96x128xf32>
    %add3A_835 = arith.addf %slice3A_833, %slice3A_834 : vector<4x96x128xf32>
    %slice3A_836 = vector.extract_strided_slice %add3A_835 {offsets = [0, 0, 0], sizes = [4, 48, 128], strides = [1, 1, 1]} : vector<4x96x128xf32> to vector<4x48x128xf32>
    %slice3A_837 = vector.extract_strided_slice %add3A_835 {offsets = [0, 48, 0], sizes = [4, 48, 128], strides = [1, 1, 1]} : vector<4x96x128xf32> to vector<4x48x128xf32>
    %add3A_838 = arith.addf %slice3A_836, %slice3A_837 : vector<4x48x128xf32>
    %slice3A_839 = vector.extract_strided_slice %add3A_838 {offsets = [0, 0, 0], sizes = [4, 24, 128], strides = [1, 1, 1]} : vector<4x48x128xf32> to vector<4x24x128xf32>
    %slice3A_840 = vector.extract_strided_slice %add3A_838 {offsets = [0, 24, 0], sizes = [4, 24, 128], strides = [1, 1, 1]} : vector<4x48x128xf32> to vector<4x24x128xf32>
    %add3A_841 = arith.addf %slice3A_839, %slice3A_840 : vector<4x24x128xf32>
    %slice3A_842 = vector.extract_strided_slice %add3A_841 {offsets = [0, 0, 0], sizes = [4, 8, 128], strides = [1, 1, 1]} : vector<4x24x128xf32> to vector<4x8x128xf32>
    %slice3A_843 = vector.extract_strided_slice %add3A_841 {offsets = [0, 8, 0], sizes = [4, 8, 128], strides = [1, 1, 1]} : vector<4x24x128xf32> to vector<4x8x128xf32>
    %add3A_844 = arith.addf %slice3A_842, %slice3A_843 : vector<4x8x128xf32>
    %slice3A_845 = vector.extract_strided_slice %add3A_841 {offsets = [0, 16, 0], sizes = [4, 8, 128], strides = [1, 1, 1]} : vector<4x24x128xf32> to vector<4x8x128xf32>
    %add3A_846 = arith.addf %add3A_844, %slice3A_845 : vector<4x8x128xf32>
    %reduce_sum3A_847 = arith.constant dense<0.000000e+00> : vector<4xf32>
    %reduce_sum3A_848 = vector.multi_reduction <add>, %add3A_846, %reduce_sum3A_847 [1, 2] : vector<4x8x128xf32> to vector<4xf32>
    %broadcast_in_dim3A_849 = vector.shape_cast %reduce_sum3A_848 : vector<4xf32> to vector<4x1x1xf32>
    %eq3A_850 = arith.constant 4 : i32
    %eq3A_851 = vector.broadcast %eq3A_850 : i32 to vector<4x384x384xi32>
    %eq3A_852 = arith.cmpi eq, %min3A_726, %eq3A_851 : vector<4x384x384xi32>
    %jit3A_853 = arith.constant 0.000000e+00 : f32
    %broadcast_in_dim3A_854 = vector.broadcast %jit3A_853 : f32 to vector<4x384x384xf32>
    %select_n3A_855 = arith.select %eq3A_852, %convert_element_type3A_40, %broadcast_in_dim3A_854 : vector<4x384x384xi1>, vector<4x384x384xf32>
    %slice3A_856 = vector.extract_strided_slice %select_n3A_855 {offsets = [0, 0, 0], sizes = [4, 384, 128], strides = [1, 1, 1]} : vector<4x384x384xf32> to vector<4x384x128xf32>
    %slice3A_857 = vector.extract_strided_slice %select_n3A_855 {offsets = [0, 0, 128], sizes = [4, 384, 128], strides = [1, 1, 1]} : vector<4x384x384xf32> to vector<4x384x128xf32>
    %add3A_858 = arith.addf %slice3A_856, %slice3A_857 : vector<4x384x128xf32>
    %slice3A_859 = vector.extract_strided_slice %select_n3A_855 {offsets = [0, 0, 256], sizes = [4, 384, 128], strides = [1, 1, 1]} : vector<4x384x384xf32> to vector<4x384x128xf32>
    %add3A_860 = arith.addf %add3A_858, %slice3A_859 : vector<4x384x128xf32>
    %slice3A_861 = vector.extract_strided_slice %add3A_860 {offsets = [0, 0, 0], sizes = [4, 192, 128], strides = [1, 1, 1]} : vector<4x384x128xf32> to vector<4x192x128xf32>
    %slice3A_862 = vector.extract_strided_slice %add3A_860 {offsets = [0, 192, 0], sizes = [4, 192, 128], strides = [1, 1, 1]} : vector<4x384x128xf32> to vector<4x192x128xf32>
    %add3A_863 = arith.addf %slice3A_861, %slice3A_862 : vector<4x192x128xf32>
    %slice3A_864 = vector.extract_strided_slice %add3A_863 {offsets = [0, 0, 0], sizes = [4, 96, 128], strides = [1, 1, 1]} : vector<4x192x128xf32> to vector<4x96x128xf32>
    %slice3A_865 = vector.extract_strided_slice %add3A_863 {offsets = [0, 96, 0], sizes = [4, 96, 128], strides = [1, 1, 1]} : vector<4x192x128xf32> to vector<4x96x128xf32>
    %add3A_866 = arith.addf %slice3A_864, %slice3A_865 : vector<4x96x128xf32>
    %slice3A_867 = vector.extract_strided_slice %add3A_866 {offsets = [0, 0, 0], sizes = [4, 48, 128], strides = [1, 1, 1]} : vector<4x96x128xf32> to vector<4x48x128xf32>
    %slice3A_868 = vector.extract_strided_slice %add3A_866 {offsets = [0, 48, 0], sizes = [4, 48, 128], strides = [1, 1, 1]} : vector<4x96x128xf32> to vector<4x48x128xf32>
    %add3A_869 = arith.addf %slice3A_867, %slice3A_868 : vector<4x48x128xf32>
    %slice3A_870 = vector.extract_strided_slice %add3A_869 {offsets = [0, 0, 0], sizes = [4, 24, 128], strides = [1, 1, 1]} : vector<4x48x128xf32> to vector<4x24x128xf32>
    %slice3A_871 = vector.extract_strided_slice %add3A_869 {offsets = [0, 24, 0], sizes = [4, 24, 128], strides = [1, 1, 1]} : vector<4x48x128xf32> to vector<4x24x128xf32>
    %add3A_872 = arith.addf %slice3A_870, %slice3A_871 : vector<4x24x128xf32>
    %slice3A_873 = vector.extract_strided_slice %add3A_872 {offsets = [0, 0, 0], sizes = [4, 8, 128], strides = [1, 1, 1]} : vector<4x24x128xf32> to vector<4x8x128xf32>
    %slice3A_874 = vector.extract_strided_slice %add3A_872 {offsets = [0, 8, 0], sizes = [4, 8, 128], strides = [1, 1, 1]} : vector<4x24x128xf32> to vector<4x8x128xf32>
    %add3A_875 = arith.addf %slice3A_873, %slice3A_874 : vector<4x8x128xf32>
    %slice3A_876 = vector.extract_strided_slice %add3A_872 {offsets = [0, 16, 0], sizes = [4, 8, 128], strides = [1, 1, 1]} : vector<4x24x128xf32> to vector<4x8x128xf32>
    %add3A_877 = arith.addf %add3A_875, %slice3A_876 : vector<4x8x128xf32>
    %reduce_sum3A_878 = arith.constant dense<0.000000e+00> : vector<4xf32>
    %reduce_sum3A_879 = vector.multi_reduction <add>, %add3A_877, %reduce_sum3A_878 [1, 2] : vector<4x8x128xf32> to vector<4xf32>
    %broadcast_in_dim3A_880 = vector.shape_cast %reduce_sum3A_879 : vector<4xf32> to vector<4x1x1xf32>
    %eq3A_881 = arith.constant 5 : i32
    %eq3A_882 = vector.broadcast %eq3A_881 : i32 to vector<4x384x384xi32>
    %eq3A_883 = arith.cmpi eq, %min3A_726, %eq3A_882 : vector<4x384x384xi32>
    %jit3A_884 = arith.constant 0.000000e+00 : f32
    %broadcast_in_dim3A_885 = vector.broadcast %jit3A_884 : f32 to vector<4x384x384xf32>
    %select_n3A_886 = arith.select %eq3A_883, %convert_element_type3A_40, %broadcast_in_dim3A_885 : vector<4x384x384xi1>, vector<4x384x384xf32>
    %slice3A_887 = vector.extract_strided_slice %select_n3A_886 {offsets = [0, 0, 0], sizes = [4, 384, 128], strides = [1, 1, 1]} : vector<4x384x384xf32> to vector<4x384x128xf32>
    %slice3A_888 = vector.extract_strided_slice %select_n3A_886 {offsets = [0, 0, 128], sizes = [4, 384, 128], strides = [1, 1, 1]} : vector<4x384x384xf32> to vector<4x384x128xf32>
    %add3A_889 = arith.addf %slice3A_887, %slice3A_888 : vector<4x384x128xf32>
    %slice3A_890 = vector.extract_strided_slice %select_n3A_886 {offsets = [0, 0, 256], sizes = [4, 384, 128], strides = [1, 1, 1]} : vector<4x384x384xf32> to vector<4x384x128xf32>
    %add3A_891 = arith.addf %add3A_889, %slice3A_890 : vector<4x384x128xf32>
    %slice3A_892 = vector.extract_strided_slice %add3A_891 {offsets = [0, 0, 0], sizes = [4, 192, 128], strides = [1, 1, 1]} : vector<4x384x128xf32> to vector<4x192x128xf32>
    %slice3A_893 = vector.extract_strided_slice %add3A_891 {offsets = [0, 192, 0], sizes = [4, 192, 128], strides = [1, 1, 1]} : vector<4x384x128xf32> to vector<4x192x128xf32>
    %add3A_894 = arith.addf %slice3A_892, %slice3A_893 : vector<4x192x128xf32>
    %slice3A_895 = vector.extract_strided_slice %add3A_894 {offsets = [0, 0, 0], sizes = [4, 96, 128], strides = [1, 1, 1]} : vector<4x192x128xf32> to vector<4x96x128xf32>
    %slice3A_896 = vector.extract_strided_slice %add3A_894 {offsets = [0, 96, 0], sizes = [4, 96, 128], strides = [1, 1, 1]} : vector<4x192x128xf32> to vector<4x96x128xf32>
    %add3A_897 = arith.addf %slice3A_895, %slice3A_896 : vector<4x96x128xf32>
    %slice3A_898 = vector.extract_strided_slice %add3A_897 {offsets = [0, 0, 0], sizes = [4, 48, 128], strides = [1, 1, 1]} : vector<4x96x128xf32> to vector<4x48x128xf32>
    %slice3A_899 = vector.extract_strided_slice %add3A_897 {offsets = [0, 48, 0], sizes = [4, 48, 128], strides = [1, 1, 1]} : vector<4x96x128xf32> to vector<4x48x128xf32>
    %add3A_900 = arith.addf %slice3A_898, %slice3A_899 : vector<4x48x128xf32>
    %slice3A_901 = vector.extract_strided_slice %add3A_900 {offsets = [0, 0, 0], sizes = [4, 24, 128], strides = [1, 1, 1]} : vector<4x48x128xf32> to vector<4x24x128xf32>
    %slice3A_902 = vector.extract_strided_slice %add3A_900 {offsets = [0, 24, 0], sizes = [4, 24, 128], strides = [1, 1, 1]} : vector<4x48x128xf32> to vector<4x24x128xf32>
    %add3A_903 = arith.addf %slice3A_901, %slice3A_902 : vector<4x24x128xf32>
    %slice3A_904 = vector.extract_strided_slice %add3A_903 {offsets = [0, 0, 0], sizes = [4, 8, 128], strides = [1, 1, 1]} : vector<4x24x128xf32> to vector<4x8x128xf32>
    %slice3A_905 = vector.extract_strided_slice %add3A_903 {offsets = [0, 8, 0], sizes = [4, 8, 128], strides = [1, 1, 1]} : vector<4x24x128xf32> to vector<4x8x128xf32>
    %add3A_906 = arith.addf %slice3A_904, %slice3A_905 : vector<4x8x128xf32>
    %slice3A_907 = vector.extract_strided_slice %add3A_903 {offsets = [0, 16, 0], sizes = [4, 8, 128], strides = [1, 1, 1]} : vector<4x24x128xf32> to vector<4x8x128xf32>
    %add3A_908 = arith.addf %add3A_906, %slice3A_907 : vector<4x8x128xf32>
    %reduce_sum3A_909 = arith.constant dense<0.000000e+00> : vector<4xf32>
    %reduce_sum3A_910 = vector.multi_reduction <add>, %add3A_908, %reduce_sum3A_909 [1, 2] : vector<4x8x128xf32> to vector<4xf32>
    %broadcast_in_dim3A_911 = vector.shape_cast %reduce_sum3A_910 : vector<4xf32> to vector<4x1x1xf32>
    %eq3A_912 = arith.constant 6 : i32
    %eq3A_913 = vector.broadcast %eq3A_912 : i32 to vector<4x384x384xi32>
    %eq3A_914 = arith.cmpi eq, %min3A_726, %eq3A_913 : vector<4x384x384xi32>
    %jit3A_915 = arith.constant 0.000000e+00 : f32
    %broadcast_in_dim3A_916 = vector.broadcast %jit3A_915 : f32 to vector<4x384x384xf32>
    %select_n3A_917 = arith.select %eq3A_914, %convert_element_type3A_40, %broadcast_in_dim3A_916 : vector<4x384x384xi1>, vector<4x384x384xf32>
    %slice3A_918 = vector.extract_strided_slice %select_n3A_917 {offsets = [0, 0, 0], sizes = [4, 384, 128], strides = [1, 1, 1]} : vector<4x384x384xf32> to vector<4x384x128xf32>
    %slice3A_919 = vector.extract_strided_slice %select_n3A_917 {offsets = [0, 0, 128], sizes = [4, 384, 128], strides = [1, 1, 1]} : vector<4x384x384xf32> to vector<4x384x128xf32>
    %add3A_920 = arith.addf %slice3A_918, %slice3A_919 : vector<4x384x128xf32>
    %slice3A_921 = vector.extract_strided_slice %select_n3A_917 {offsets = [0, 0, 256], sizes = [4, 384, 128], strides = [1, 1, 1]} : vector<4x384x384xf32> to vector<4x384x128xf32>
    %add3A_922 = arith.addf %add3A_920, %slice3A_921 : vector<4x384x128xf32>
    %slice3A_923 = vector.extract_strided_slice %add3A_922 {offsets = [0, 0, 0], sizes = [4, 192, 128], strides = [1, 1, 1]} : vector<4x384x128xf32> to vector<4x192x128xf32>
    %slice3A_924 = vector.extract_strided_slice %add3A_922 {offsets = [0, 192, 0], sizes = [4, 192, 128], strides = [1, 1, 1]} : vector<4x384x128xf32> to vector<4x192x128xf32>
    %add3A_925 = arith.addf %slice3A_923, %slice3A_924 : vector<4x192x128xf32>
    %slice3A_926 = vector.extract_strided_slice %add3A_925 {offsets = [0, 0, 0], sizes = [4, 96, 128], strides = [1, 1, 1]} : vector<4x192x128xf32> to vector<4x96x128xf32>
    %slice3A_927 = vector.extract_strided_slice %add3A_925 {offsets = [0, 96, 0], sizes = [4, 96, 128], strides = [1, 1, 1]} : vector<4x192x128xf32> to vector<4x96x128xf32>
    %add3A_928 = arith.addf %slice3A_926, %slice3A_927 : vector<4x96x128xf32>
    %slice3A_929 = vector.extract_strided_slice %add3A_928 {offsets = [0, 0, 0], sizes = [4, 48, 128], strides = [1, 1, 1]} : vector<4x96x128xf32> to vector<4x48x128xf32>
    %slice3A_930 = vector.extract_strided_slice %add3A_928 {offsets = [0, 48, 0], sizes = [4, 48, 128], strides = [1, 1, 1]} : vector<4x96x128xf32> to vector<4x48x128xf32>
    %add3A_931 = arith.addf %slice3A_929, %slice3A_930 : vector<4x48x128xf32>
    %slice3A_932 = vector.extract_strided_slice %add3A_931 {offsets = [0, 0, 0], sizes = [4, 24, 128], strides = [1, 1, 1]} : vector<4x48x128xf32> to vector<4x24x128xf32>
    %slice3A_933 = vector.extract_strided_slice %add3A_931 {offsets = [0, 24, 0], sizes = [4, 24, 128], strides = [1, 1, 1]} : vector<4x48x128xf32> to vector<4x24x128xf32>
    %add3A_934 = arith.addf %slice3A_932, %slice3A_933 : vector<4x24x128xf32>
    %slice3A_935 = vector.extract_strided_slice %add3A_934 {offsets = [0, 0, 0], sizes = [4, 8, 128], strides = [1, 1, 1]} : vector<4x24x128xf32> to vector<4x8x128xf32>
    %slice3A_936 = vector.extract_strided_slice %add3A_934 {offsets = [0, 8, 0], sizes = [4, 8, 128], strides = [1, 1, 1]} : vector<4x24x128xf32> to vector<4x8x128xf32>
    %add3A_937 = arith.addf %slice3A_935, %slice3A_936 : vector<4x8x128xf32>
    %slice3A_938 = vector.extract_strided_slice %add3A_934 {offsets = [0, 16, 0], sizes = [4, 8, 128], strides = [1, 1, 1]} : vector<4x24x128xf32> to vector<4x8x128xf32>
    %add3A_939 = arith.addf %add3A_937, %slice3A_938 : vector<4x8x128xf32>
    %reduce_sum3A_940 = arith.constant dense<0.000000e+00> : vector<4xf32>
    %reduce_sum3A_941 = vector.multi_reduction <add>, %add3A_939, %reduce_sum3A_940 [1, 2] : vector<4x8x128xf32> to vector<4xf32>
    %broadcast_in_dim3A_942 = vector.shape_cast %reduce_sum3A_941 : vector<4xf32> to vector<4x1x1xf32>
    %eq3A_943 = arith.constant 7 : i32
    %eq3A_944 = vector.broadcast %eq3A_943 : i32 to vector<4x384x384xi32>
    %eq3A_945 = arith.cmpi eq, %min3A_726, %eq3A_944 : vector<4x384x384xi32>
    %jit3A_946 = arith.constant 0.000000e+00 : f32
    %broadcast_in_dim3A_947 = vector.broadcast %jit3A_946 : f32 to vector<4x384x384xf32>
    %select_n3A_948 = arith.select %eq3A_945, %convert_element_type3A_40, %broadcast_in_dim3A_947 : vector<4x384x384xi1>, vector<4x384x384xf32>
    %slice3A_949 = vector.extract_strided_slice %select_n3A_948 {offsets = [0, 0, 0], sizes = [4, 384, 128], strides = [1, 1, 1]} : vector<4x384x384xf32> to vector<4x384x128xf32>
    %slice3A_950 = vector.extract_strided_slice %select_n3A_948 {offsets = [0, 0, 128], sizes = [4, 384, 128], strides = [1, 1, 1]} : vector<4x384x384xf32> to vector<4x384x128xf32>
    %add3A_951 = arith.addf %slice3A_949, %slice3A_950 : vector<4x384x128xf32>
    %slice3A_952 = vector.extract_strided_slice %select_n3A_948 {offsets = [0, 0, 256], sizes = [4, 384, 128], strides = [1, 1, 1]} : vector<4x384x384xf32> to vector<4x384x128xf32>
    %add3A_953 = arith.addf %add3A_951, %slice3A_952 : vector<4x384x128xf32>
    %slice3A_954 = vector.extract_strided_slice %add3A_953 {offsets = [0, 0, 0], sizes = [4, 192, 128], strides = [1, 1, 1]} : vector<4x384x128xf32> to vector<4x192x128xf32>
    %slice3A_955 = vector.extract_strided_slice %add3A_953 {offsets = [0, 192, 0], sizes = [4, 192, 128], strides = [1, 1, 1]} : vector<4x384x128xf32> to vector<4x192x128xf32>
    %add3A_956 = arith.addf %slice3A_954, %slice3A_955 : vector<4x192x128xf32>
    %slice3A_957 = vector.extract_strided_slice %add3A_956 {offsets = [0, 0, 0], sizes = [4, 96, 128], strides = [1, 1, 1]} : vector<4x192x128xf32> to vector<4x96x128xf32>
    %slice3A_958 = vector.extract_strided_slice %add3A_956 {offsets = [0, 96, 0], sizes = [4, 96, 128], strides = [1, 1, 1]} : vector<4x192x128xf32> to vector<4x96x128xf32>
    %add3A_959 = arith.addf %slice3A_957, %slice3A_958 : vector<4x96x128xf32>
    %slice3A_960 = vector.extract_strided_slice %add3A_959 {offsets = [0, 0, 0], sizes = [4, 48, 128], strides = [1, 1, 1]} : vector<4x96x128xf32> to vector<4x48x128xf32>
    %slice3A_961 = vector.extract_strided_slice %add3A_959 {offsets = [0, 48, 0], sizes = [4, 48, 128], strides = [1, 1, 1]} : vector<4x96x128xf32> to vector<4x48x128xf32>
    %add3A_962 = arith.addf %slice3A_960, %slice3A_961 : vector<4x48x128xf32>
    %slice3A_963 = vector.extract_strided_slice %add3A_962 {offsets = [0, 0, 0], sizes = [4, 24, 128], strides = [1, 1, 1]} : vector<4x48x128xf32> to vector<4x24x128xf32>
    %slice3A_964 = vector.extract_strided_slice %add3A_962 {offsets = [0, 24, 0], sizes = [4, 24, 128], strides = [1, 1, 1]} : vector<4x48x128xf32> to vector<4x24x128xf32>
    %add3A_965 = arith.addf %slice3A_963, %slice3A_964 : vector<4x24x128xf32>
    %slice3A_966 = vector.extract_strided_slice %add3A_965 {offsets = [0, 0, 0], sizes = [4, 8, 128], strides = [1, 1, 1]} : vector<4x24x128xf32> to vector<4x8x128xf32>
    %slice3A_967 = vector.extract_strided_slice %add3A_965 {offsets = [0, 8, 0], sizes = [4, 8, 128], strides = [1, 1, 1]} : vector<4x24x128xf32> to vector<4x8x128xf32>
    %add3A_968 = arith.addf %slice3A_966, %slice3A_967 : vector<4x8x128xf32>
    %slice3A_969 = vector.extract_strided_slice %add3A_965 {offsets = [0, 16, 0], sizes = [4, 8, 128], strides = [1, 1, 1]} : vector<4x24x128xf32> to vector<4x8x128xf32>
    %add3A_970 = arith.addf %add3A_968, %slice3A_969 : vector<4x8x128xf32>
    %reduce_sum3A_971 = arith.constant dense<0.000000e+00> : vector<4xf32>
    %reduce_sum3A_972 = vector.multi_reduction <add>, %add3A_970, %reduce_sum3A_971 [1, 2] : vector<4x8x128xf32> to vector<4xf32>
    %broadcast_in_dim3A_973 = vector.shape_cast %reduce_sum3A_972 : vector<4xf32> to vector<4x1x1xf32>
    %eq3A_974 = arith.constant 8 : i32
    %eq3A_975 = vector.broadcast %eq3A_974 : i32 to vector<4x384x384xi32>
    %eq3A_976 = arith.cmpi eq, %min3A_726, %eq3A_975 : vector<4x384x384xi32>
    %jit3A_977 = arith.constant 0.000000e+00 : f32
    %broadcast_in_dim3A_978 = vector.broadcast %jit3A_977 : f32 to vector<4x384x384xf32>
    %select_n3A_979 = arith.select %eq3A_976, %convert_element_type3A_40, %broadcast_in_dim3A_978 : vector<4x384x384xi1>, vector<4x384x384xf32>
    %slice3A_980 = vector.extract_strided_slice %select_n3A_979 {offsets = [0, 0, 0], sizes = [4, 384, 128], strides = [1, 1, 1]} : vector<4x384x384xf32> to vector<4x384x128xf32>
    %slice3A_981 = vector.extract_strided_slice %select_n3A_979 {offsets = [0, 0, 128], sizes = [4, 384, 128], strides = [1, 1, 1]} : vector<4x384x384xf32> to vector<4x384x128xf32>
    %add3A_982 = arith.addf %slice3A_980, %slice3A_981 : vector<4x384x128xf32>
    %slice3A_983 = vector.extract_strided_slice %select_n3A_979 {offsets = [0, 0, 256], sizes = [4, 384, 128], strides = [1, 1, 1]} : vector<4x384x384xf32> to vector<4x384x128xf32>
    %add3A_984 = arith.addf %add3A_982, %slice3A_983 : vector<4x384x128xf32>
    %slice3A_985 = vector.extract_strided_slice %add3A_984 {offsets = [0, 0, 0], sizes = [4, 192, 128], strides = [1, 1, 1]} : vector<4x384x128xf32> to vector<4x192x128xf32>
    %slice3A_986 = vector.extract_strided_slice %add3A_984 {offsets = [0, 192, 0], sizes = [4, 192, 128], strides = [1, 1, 1]} : vector<4x384x128xf32> to vector<4x192x128xf32>
    %add3A_987 = arith.addf %slice3A_985, %slice3A_986 : vector<4x192x128xf32>
    %slice3A_988 = vector.extract_strided_slice %add3A_987 {offsets = [0, 0, 0], sizes = [4, 96, 128], strides = [1, 1, 1]} : vector<4x192x128xf32> to vector<4x96x128xf32>
    %slice3A_989 = vector.extract_strided_slice %add3A_987 {offsets = [0, 96, 0], sizes = [4, 96, 128], strides = [1, 1, 1]} : vector<4x192x128xf32> to vector<4x96x128xf32>
    %add3A_990 = arith.addf %slice3A_988, %slice3A_989 : vector<4x96x128xf32>
    %slice3A_991 = vector.extract_strided_slice %add3A_990 {offsets = [0, 0, 0], sizes = [4, 48, 128], strides = [1, 1, 1]} : vector<4x96x128xf32> to vector<4x48x128xf32>
    %slice3A_992 = vector.extract_strided_slice %add3A_990 {offsets = [0, 48, 0], sizes = [4, 48, 128], strides = [1, 1, 1]} : vector<4x96x128xf32> to vector<4x48x128xf32>
    %add3A_993 = arith.addf %slice3A_991, %slice3A_992 : vector<4x48x128xf32>
    %slice3A_994 = vector.extract_strided_slice %add3A_993 {offsets = [0, 0, 0], sizes = [4, 24, 128], strides = [1, 1, 1]} : vector<4x48x128xf32> to vector<4x24x128xf32>
    %slice3A_995 = vector.extract_strided_slice %add3A_993 {offsets = [0, 24, 0], sizes = [4, 24, 128], strides = [1, 1, 1]} : vector<4x48x128xf32> to vector<4x24x128xf32>
    %add3A_996 = arith.addf %slice3A_994, %slice3A_995 : vector<4x24x128xf32>
    %slice3A_997 = vector.extract_strided_slice %add3A_996 {offsets = [0, 0, 0], sizes = [4, 8, 128], strides = [1, 1, 1]} : vector<4x24x128xf32> to vector<4x8x128xf32>
    %slice3A_998 = vector.extract_strided_slice %add3A_996 {offsets = [0, 8, 0], sizes = [4, 8, 128], strides = [1, 1, 1]} : vector<4x24x128xf32> to vector<4x8x128xf32>
    %add3A_999 = arith.addf %slice3A_997, %slice3A_998 : vector<4x8x128xf32>
    %slice3A_1000 = vector.extract_strided_slice %add3A_996 {offsets = [0, 16, 0], sizes = [4, 8, 128], strides = [1, 1, 1]} : vector<4x24x128xf32> to vector<4x8x128xf32>
    %add3A_1001 = arith.addf %add3A_999, %slice3A_1000 : vector<4x8x128xf32>
    %reduce_sum3A_1002 = arith.constant dense<0.000000e+00> : vector<4xf32>
    %reduce_sum3A_1003 = vector.multi_reduction <add>, %add3A_1001, %reduce_sum3A_1002 [1, 2] : vector<4x8x128xf32> to vector<4xf32>
    %broadcast_in_dim3A_1004 = vector.shape_cast %reduce_sum3A_1003 : vector<4xf32> to vector<4x1x1xf32>
    %eq3A_1005 = arith.constant 9 : i32
    %eq3A_1006 = vector.broadcast %eq3A_1005 : i32 to vector<4x384x384xi32>
    %eq3A_1007 = arith.cmpi eq, %min3A_726, %eq3A_1006 : vector<4x384x384xi32>
    %jit3A_1008 = arith.constant 0.000000e+00 : f32
    %broadcast_in_dim3A_1009 = vector.broadcast %jit3A_1008 : f32 to vector<4x384x384xf32>
    %select_n3A_1010 = arith.select %eq3A_1007, %convert_element_type3A_40, %broadcast_in_dim3A_1009 : vector<4x384x384xi1>, vector<4x384x384xf32>
    %slice3A_1011 = vector.extract_strided_slice %select_n3A_1010 {offsets = [0, 0, 0], sizes = [4, 384, 128], strides = [1, 1, 1]} : vector<4x384x384xf32> to vector<4x384x128xf32>
    %slice3A_1012 = vector.extract_strided_slice %select_n3A_1010 {offsets = [0, 0, 128], sizes = [4, 384, 128], strides = [1, 1, 1]} : vector<4x384x384xf32> to vector<4x384x128xf32>
    %add3A_1013 = arith.addf %slice3A_1011, %slice3A_1012 : vector<4x384x128xf32>
    %slice3A_1014 = vector.extract_strided_slice %select_n3A_1010 {offsets = [0, 0, 256], sizes = [4, 384, 128], strides = [1, 1, 1]} : vector<4x384x384xf32> to vector<4x384x128xf32>
    %add3A_1015 = arith.addf %add3A_1013, %slice3A_1014 : vector<4x384x128xf32>
    %slice3A_1016 = vector.extract_strided_slice %add3A_1015 {offsets = [0, 0, 0], sizes = [4, 192, 128], strides = [1, 1, 1]} : vector<4x384x128xf32> to vector<4x192x128xf32>
    %slice3A_1017 = vector.extract_strided_slice %add3A_1015 {offsets = [0, 192, 0], sizes = [4, 192, 128], strides = [1, 1, 1]} : vector<4x384x128xf32> to vector<4x192x128xf32>
    %add3A_1018 = arith.addf %slice3A_1016, %slice3A_1017 : vector<4x192x128xf32>
    %slice3A_1019 = vector.extract_strided_slice %add3A_1018 {offsets = [0, 0, 0], sizes = [4, 96, 128], strides = [1, 1, 1]} : vector<4x192x128xf32> to vector<4x96x128xf32>
    %slice3A_1020 = vector.extract_strided_slice %add3A_1018 {offsets = [0, 96, 0], sizes = [4, 96, 128], strides = [1, 1, 1]} : vector<4x192x128xf32> to vector<4x96x128xf32>
    %add3A_1021 = arith.addf %slice3A_1019, %slice3A_1020 : vector<4x96x128xf32>
    %slice3A_1022 = vector.extract_strided_slice %add3A_1021 {offsets = [0, 0, 0], sizes = [4, 48, 128], strides = [1, 1, 1]} : vector<4x96x128xf32> to vector<4x48x128xf32>
    %slice3A_1023 = vector.extract_strided_slice %add3A_1021 {offsets = [0, 48, 0], sizes = [4, 48, 128], strides = [1, 1, 1]} : vector<4x96x128xf32> to vector<4x48x128xf32>
    %add3A_1024 = arith.addf %slice3A_1022, %slice3A_1023 : vector<4x48x128xf32>
    %slice3A_1025 = vector.extract_strided_slice %add3A_1024 {offsets = [0, 0, 0], sizes = [4, 24, 128], strides = [1, 1, 1]} : vector<4x48x128xf32> to vector<4x24x128xf32>
    %slice3A_1026 = vector.extract_strided_slice %add3A_1024 {offsets = [0, 24, 0], sizes = [4, 24, 128], strides = [1, 1, 1]} : vector<4x48x128xf32> to vector<4x24x128xf32>
    %add3A_1027 = arith.addf %slice3A_1025, %slice3A_1026 : vector<4x24x128xf32>
    %slice3A_1028 = vector.extract_strided_slice %add3A_1027 {offsets = [0, 0, 0], sizes = [4, 8, 128], strides = [1, 1, 1]} : vector<4x24x128xf32> to vector<4x8x128xf32>
    %slice3A_1029 = vector.extract_strided_slice %add3A_1027 {offsets = [0, 8, 0], sizes = [4, 8, 128], strides = [1, 1, 1]} : vector<4x24x128xf32> to vector<4x8x128xf32>
    %add3A_1030 = arith.addf %slice3A_1028, %slice3A_1029 : vector<4x8x128xf32>
    %slice3A_1031 = vector.extract_strided_slice %add3A_1027 {offsets = [0, 16, 0], sizes = [4, 8, 128], strides = [1, 1, 1]} : vector<4x24x128xf32> to vector<4x8x128xf32>
    %add3A_1032 = arith.addf %add3A_1030, %slice3A_1031 : vector<4x8x128xf32>
    %reduce_sum3A_1033 = arith.constant dense<0.000000e+00> : vector<4xf32>
    %reduce_sum3A_1034 = vector.multi_reduction <add>, %add3A_1032, %reduce_sum3A_1033 [1, 2] : vector<4x8x128xf32> to vector<4xf32>
    %broadcast_in_dim3A_1035 = vector.shape_cast %reduce_sum3A_1034 : vector<4xf32> to vector<4x1x1xf32>
    %eq3A_1036 = arith.constant 10 : i32
    %eq3A_1037 = vector.broadcast %eq3A_1036 : i32 to vector<4x384x384xi32>
    %eq3A_1038 = arith.cmpi eq, %min3A_726, %eq3A_1037 : vector<4x384x384xi32>
    %jit3A_1039 = arith.constant 0.000000e+00 : f32
    %broadcast_in_dim3A_1040 = vector.broadcast %jit3A_1039 : f32 to vector<4x384x384xf32>
    %select_n3A_1041 = arith.select %eq3A_1038, %convert_element_type3A_40, %broadcast_in_dim3A_1040 : vector<4x384x384xi1>, vector<4x384x384xf32>
    %slice3A_1042 = vector.extract_strided_slice %select_n3A_1041 {offsets = [0, 0, 0], sizes = [4, 384, 128], strides = [1, 1, 1]} : vector<4x384x384xf32> to vector<4x384x128xf32>
    %slice3A_1043 = vector.extract_strided_slice %select_n3A_1041 {offsets = [0, 0, 128], sizes = [4, 384, 128], strides = [1, 1, 1]} : vector<4x384x384xf32> to vector<4x384x128xf32>
    %add3A_1044 = arith.addf %slice3A_1042, %slice3A_1043 : vector<4x384x128xf32>
    %slice3A_1045 = vector.extract_strided_slice %select_n3A_1041 {offsets = [0, 0, 256], sizes = [4, 384, 128], strides = [1, 1, 1]} : vector<4x384x384xf32> to vector<4x384x128xf32>
    %add3A_1046 = arith.addf %add3A_1044, %slice3A_1045 : vector<4x384x128xf32>
    %slice3A_1047 = vector.extract_strided_slice %add3A_1046 {offsets = [0, 0, 0], sizes = [4, 192, 128], strides = [1, 1, 1]} : vector<4x384x128xf32> to vector<4x192x128xf32>
    %slice3A_1048 = vector.extract_strided_slice %add3A_1046 {offsets = [0, 192, 0], sizes = [4, 192, 128], strides = [1, 1, 1]} : vector<4x384x128xf32> to vector<4x192x128xf32>
    %add3A_1049 = arith.addf %slice3A_1047, %slice3A_1048 : vector<4x192x128xf32>
    %slice3A_1050 = vector.extract_strided_slice %add3A_1049 {offsets = [0, 0, 0], sizes = [4, 96, 128], strides = [1, 1, 1]} : vector<4x192x128xf32> to vector<4x96x128xf32>
    %slice3A_1051 = vector.extract_strided_slice %add3A_1049 {offsets = [0, 96, 0], sizes = [4, 96, 128], strides = [1, 1, 1]} : vector<4x192x128xf32> to vector<4x96x128xf32>
    %add3A_1052 = arith.addf %slice3A_1050, %slice3A_1051 : vector<4x96x128xf32>
    %slice3A_1053 = vector.extract_strided_slice %add3A_1052 {offsets = [0, 0, 0], sizes = [4, 48, 128], strides = [1, 1, 1]} : vector<4x96x128xf32> to vector<4x48x128xf32>
    %slice3A_1054 = vector.extract_strided_slice %add3A_1052 {offsets = [0, 48, 0], sizes = [4, 48, 128], strides = [1, 1, 1]} : vector<4x96x128xf32> to vector<4x48x128xf32>
    %add3A_1055 = arith.addf %slice3A_1053, %slice3A_1054 : vector<4x48x128xf32>
    %slice3A_1056 = vector.extract_strided_slice %add3A_1055 {offsets = [0, 0, 0], sizes = [4, 24, 128], strides = [1, 1, 1]} : vector<4x48x128xf32> to vector<4x24x128xf32>
    %slice3A_1057 = vector.extract_strided_slice %add3A_1055 {offsets = [0, 24, 0], sizes = [4, 24, 128], strides = [1, 1, 1]} : vector<4x48x128xf32> to vector<4x24x128xf32>
    %add3A_1058 = arith.addf %slice3A_1056, %slice3A_1057 : vector<4x24x128xf32>
    %slice3A_1059 = vector.extract_strided_slice %add3A_1058 {offsets = [0, 0, 0], sizes = [4, 8, 128], strides = [1, 1, 1]} : vector<4x24x128xf32> to vector<4x8x128xf32>
    %slice3A_1060 = vector.extract_strided_slice %add3A_1058 {offsets = [0, 8, 0], sizes = [4, 8, 128], strides = [1, 1, 1]} : vector<4x24x128xf32> to vector<4x8x128xf32>
    %add3A_1061 = arith.addf %slice3A_1059, %slice3A_1060 : vector<4x8x128xf32>
    %slice3A_1062 = vector.extract_strided_slice %add3A_1058 {offsets = [0, 16, 0], sizes = [4, 8, 128], strides = [1, 1, 1]} : vector<4x24x128xf32> to vector<4x8x128xf32>
    %add3A_1063 = arith.addf %add3A_1061, %slice3A_1062 : vector<4x8x128xf32>
    %reduce_sum3A_1064 = arith.constant dense<0.000000e+00> : vector<4xf32>
    %reduce_sum3A_1065 = vector.multi_reduction <add>, %add3A_1063, %reduce_sum3A_1064 [1, 2] : vector<4x8x128xf32> to vector<4xf32>
    %broadcast_in_dim3A_1066 = vector.shape_cast %reduce_sum3A_1065 : vector<4xf32> to vector<4x1x1xf32>
    %eq3A_1067 = arith.constant 11 : i32
    %eq3A_1068 = vector.broadcast %eq3A_1067 : i32 to vector<4x384x384xi32>
    %eq3A_1069 = arith.cmpi eq, %min3A_726, %eq3A_1068 : vector<4x384x384xi32>
    %jit3A_1070 = arith.constant 0.000000e+00 : f32
    %broadcast_in_dim3A_1071 = vector.broadcast %jit3A_1070 : f32 to vector<4x384x384xf32>
    %select_n3A_1072 = arith.select %eq3A_1069, %convert_element_type3A_40, %broadcast_in_dim3A_1071 : vector<4x384x384xi1>, vector<4x384x384xf32>
    %slice3A_1073 = vector.extract_strided_slice %select_n3A_1072 {offsets = [0, 0, 0], sizes = [4, 384, 128], strides = [1, 1, 1]} : vector<4x384x384xf32> to vector<4x384x128xf32>
    %slice3A_1074 = vector.extract_strided_slice %select_n3A_1072 {offsets = [0, 0, 128], sizes = [4, 384, 128], strides = [1, 1, 1]} : vector<4x384x384xf32> to vector<4x384x128xf32>
    %add3A_1075 = arith.addf %slice3A_1073, %slice3A_1074 : vector<4x384x128xf32>
    %slice3A_1076 = vector.extract_strided_slice %select_n3A_1072 {offsets = [0, 0, 256], sizes = [4, 384, 128], strides = [1, 1, 1]} : vector<4x384x384xf32> to vector<4x384x128xf32>
    %add3A_1077 = arith.addf %add3A_1075, %slice3A_1076 : vector<4x384x128xf32>
    %slice3A_1078 = vector.extract_strided_slice %add3A_1077 {offsets = [0, 0, 0], sizes = [4, 192, 128], strides = [1, 1, 1]} : vector<4x384x128xf32> to vector<4x192x128xf32>
    %slice3A_1079 = vector.extract_strided_slice %add3A_1077 {offsets = [0, 192, 0], sizes = [4, 192, 128], strides = [1, 1, 1]} : vector<4x384x128xf32> to vector<4x192x128xf32>
    %add3A_1080 = arith.addf %slice3A_1078, %slice3A_1079 : vector<4x192x128xf32>
    %slice3A_1081 = vector.extract_strided_slice %add3A_1080 {offsets = [0, 0, 0], sizes = [4, 96, 128], strides = [1, 1, 1]} : vector<4x192x128xf32> to vector<4x96x128xf32>
    %slice3A_1082 = vector.extract_strided_slice %add3A_1080 {offsets = [0, 96, 0], sizes = [4, 96, 128], strides = [1, 1, 1]} : vector<4x192x128xf32> to vector<4x96x128xf32>
    %add3A_1083 = arith.addf %slice3A_1081, %slice3A_1082 : vector<4x96x128xf32>
    %slice3A_1084 = vector.extract_strided_slice %add3A_1083 {offsets = [0, 0, 0], sizes = [4, 48, 128], strides = [1, 1, 1]} : vector<4x96x128xf32> to vector<4x48x128xf32>
    %slice3A_1085 = vector.extract_strided_slice %add3A_1083 {offsets = [0, 48, 0], sizes = [4, 48, 128], strides = [1, 1, 1]} : vector<4x96x128xf32> to vector<4x48x128xf32>
    %add3A_1086 = arith.addf %slice3A_1084, %slice3A_1085 : vector<4x48x128xf32>
    %slice3A_1087 = vector.extract_strided_slice %add3A_1086 {offsets = [0, 0, 0], sizes = [4, 24, 128], strides = [1, 1, 1]} : vector<4x48x128xf32> to vector<4x24x128xf32>
    %slice3A_1088 = vector.extract_strided_slice %add3A_1086 {offsets = [0, 24, 0], sizes = [4, 24, 128], strides = [1, 1, 1]} : vector<4x48x128xf32> to vector<4x24x128xf32>
    %add3A_1089 = arith.addf %slice3A_1087, %slice3A_1088 : vector<4x24x128xf32>
    %slice3A_1090 = vector.extract_strided_slice %add3A_1089 {offsets = [0, 0, 0], sizes = [4, 8, 128], strides = [1, 1, 1]} : vector<4x24x128xf32> to vector<4x8x128xf32>
    %slice3A_1091 = vector.extract_strided_slice %add3A_1089 {offsets = [0, 8, 0], sizes = [4, 8, 128], strides = [1, 1, 1]} : vector<4x24x128xf32> to vector<4x8x128xf32>
    %add3A_1092 = arith.addf %slice3A_1090, %slice3A_1091 : vector<4x8x128xf32>
    %slice3A_1093 = vector.extract_strided_slice %add3A_1089 {offsets = [0, 16, 0], sizes = [4, 8, 128], strides = [1, 1, 1]} : vector<4x24x128xf32> to vector<4x8x128xf32>
    %add3A_1094 = arith.addf %add3A_1092, %slice3A_1093 : vector<4x8x128xf32>
    %reduce_sum3A_1095 = arith.constant dense<0.000000e+00> : vector<4xf32>
    %reduce_sum3A_1096 = vector.multi_reduction <add>, %add3A_1094, %reduce_sum3A_1095 [1, 2] : vector<4x8x128xf32> to vector<4xf32>
    %broadcast_in_dim3A_1097 = vector.shape_cast %reduce_sum3A_1096 : vector<4xf32> to vector<4x1x1xf32>
    %eq3A_1098 = arith.constant 12 : i32
    %eq3A_1099 = vector.broadcast %eq3A_1098 : i32 to vector<4x384x384xi32>
    %eq3A_1100 = arith.cmpi eq, %min3A_726, %eq3A_1099 : vector<4x384x384xi32>
    %jit3A_1101 = arith.constant 0.000000e+00 : f32
    %broadcast_in_dim3A_1102 = vector.broadcast %jit3A_1101 : f32 to vector<4x384x384xf32>
    %select_n3A_1103 = arith.select %eq3A_1100, %convert_element_type3A_40, %broadcast_in_dim3A_1102 : vector<4x384x384xi1>, vector<4x384x384xf32>
    %slice3A_1104 = vector.extract_strided_slice %select_n3A_1103 {offsets = [0, 0, 0], sizes = [4, 384, 128], strides = [1, 1, 1]} : vector<4x384x384xf32> to vector<4x384x128xf32>
    %slice3A_1105 = vector.extract_strided_slice %select_n3A_1103 {offsets = [0, 0, 128], sizes = [4, 384, 128], strides = [1, 1, 1]} : vector<4x384x384xf32> to vector<4x384x128xf32>
    %add3A_1106 = arith.addf %slice3A_1104, %slice3A_1105 : vector<4x384x128xf32>
    %slice3A_1107 = vector.extract_strided_slice %select_n3A_1103 {offsets = [0, 0, 256], sizes = [4, 384, 128], strides = [1, 1, 1]} : vector<4x384x384xf32> to vector<4x384x128xf32>
    %add3A_1108 = arith.addf %add3A_1106, %slice3A_1107 : vector<4x384x128xf32>
    %slice3A_1109 = vector.extract_strided_slice %add3A_1108 {offsets = [0, 0, 0], sizes = [4, 192, 128], strides = [1, 1, 1]} : vector<4x384x128xf32> to vector<4x192x128xf32>
    %slice3A_1110 = vector.extract_strided_slice %add3A_1108 {offsets = [0, 192, 0], sizes = [4, 192, 128], strides = [1, 1, 1]} : vector<4x384x128xf32> to vector<4x192x128xf32>
    %add3A_1111 = arith.addf %slice3A_1109, %slice3A_1110 : vector<4x192x128xf32>
    %slice3A_1112 = vector.extract_strided_slice %add3A_1111 {offsets = [0, 0, 0], sizes = [4, 96, 128], strides = [1, 1, 1]} : vector<4x192x128xf32> to vector<4x96x128xf32>
    %slice3A_1113 = vector.extract_strided_slice %add3A_1111 {offsets = [0, 96, 0], sizes = [4, 96, 128], strides = [1, 1, 1]} : vector<4x192x128xf32> to vector<4x96x128xf32>
    %add3A_1114 = arith.addf %slice3A_1112, %slice3A_1113 : vector<4x96x128xf32>
    %slice3A_1115 = vector.extract_strided_slice %add3A_1114 {offsets = [0, 0, 0], sizes = [4, 48, 128], strides = [1, 1, 1]} : vector<4x96x128xf32> to vector<4x48x128xf32>
    %slice3A_1116 = vector.extract_strided_slice %add3A_1114 {offsets = [0, 48, 0], sizes = [4, 48, 128], strides = [1, 1, 1]} : vector<4x96x128xf32> to vector<4x48x128xf32>
    %add3A_1117 = arith.addf %slice3A_1115, %slice3A_1116 : vector<4x48x128xf32>
    %slice3A_1118 = vector.extract_strided_slice %add3A_1117 {offsets = [0, 0, 0], sizes = [4, 24, 128], strides = [1, 1, 1]} : vector<4x48x128xf32> to vector<4x24x128xf32>
    %slice3A_1119 = vector.extract_strided_slice %add3A_1117 {offsets = [0, 24, 0], sizes = [4, 24, 128], strides = [1, 1, 1]} : vector<4x48x128xf32> to vector<4x24x128xf32>
    %add3A_1120 = arith.addf %slice3A_1118, %slice3A_1119 : vector<4x24x128xf32>
    %slice3A_1121 = vector.extract_strided_slice %add3A_1120 {offsets = [0, 0, 0], sizes = [4, 8, 128], strides = [1, 1, 1]} : vector<4x24x128xf32> to vector<4x8x128xf32>
    %slice3A_1122 = vector.extract_strided_slice %add3A_1120 {offsets = [0, 8, 0], sizes = [4, 8, 128], strides = [1, 1, 1]} : vector<4x24x128xf32> to vector<4x8x128xf32>
    %add3A_1123 = arith.addf %slice3A_1121, %slice3A_1122 : vector<4x8x128xf32>
    %slice3A_1124 = vector.extract_strided_slice %add3A_1120 {offsets = [0, 16, 0], sizes = [4, 8, 128], strides = [1, 1, 1]} : vector<4x24x128xf32> to vector<4x8x128xf32>
    %add3A_1125 = arith.addf %add3A_1123, %slice3A_1124 : vector<4x8x128xf32>
    %reduce_sum3A_1126 = arith.constant dense<0.000000e+00> : vector<4xf32>
    %reduce_sum3A_1127 = vector.multi_reduction <add>, %add3A_1125, %reduce_sum3A_1126 [1, 2] : vector<4x8x128xf32> to vector<4xf32>
    %broadcast_in_dim3A_1128 = vector.shape_cast %reduce_sum3A_1127 : vector<4xf32> to vector<4x1x1xf32>
    %eq3A_1129 = arith.constant 13 : i32
    %eq3A_1130 = vector.broadcast %eq3A_1129 : i32 to vector<4x384x384xi32>
    %eq3A_1131 = arith.cmpi eq, %min3A_726, %eq3A_1130 : vector<4x384x384xi32>
    %jit3A_1132 = arith.constant 0.000000e+00 : f32
    %broadcast_in_dim3A_1133 = vector.broadcast %jit3A_1132 : f32 to vector<4x384x384xf32>
    %select_n3A_1134 = arith.select %eq3A_1131, %convert_element_type3A_40, %broadcast_in_dim3A_1133 : vector<4x384x384xi1>, vector<4x384x384xf32>
    %slice3A_1135 = vector.extract_strided_slice %select_n3A_1134 {offsets = [0, 0, 0], sizes = [4, 384, 128], strides = [1, 1, 1]} : vector<4x384x384xf32> to vector<4x384x128xf32>
    %slice3A_1136 = vector.extract_strided_slice %select_n3A_1134 {offsets = [0, 0, 128], sizes = [4, 384, 128], strides = [1, 1, 1]} : vector<4x384x384xf32> to vector<4x384x128xf32>
    %add3A_1137 = arith.addf %slice3A_1135, %slice3A_1136 : vector<4x384x128xf32>
    %slice3A_1138 = vector.extract_strided_slice %select_n3A_1134 {offsets = [0, 0, 256], sizes = [4, 384, 128], strides = [1, 1, 1]} : vector<4x384x384xf32> to vector<4x384x128xf32>
    %add3A_1139 = arith.addf %add3A_1137, %slice3A_1138 : vector<4x384x128xf32>
    %slice3A_1140 = vector.extract_strided_slice %add3A_1139 {offsets = [0, 0, 0], sizes = [4, 192, 128], strides = [1, 1, 1]} : vector<4x384x128xf32> to vector<4x192x128xf32>
    %slice3A_1141 = vector.extract_strided_slice %add3A_1139 {offsets = [0, 192, 0], sizes = [4, 192, 128], strides = [1, 1, 1]} : vector<4x384x128xf32> to vector<4x192x128xf32>
    %add3A_1142 = arith.addf %slice3A_1140, %slice3A_1141 : vector<4x192x128xf32>
    %slice3A_1143 = vector.extract_strided_slice %add3A_1142 {offsets = [0, 0, 0], sizes = [4, 96, 128], strides = [1, 1, 1]} : vector<4x192x128xf32> to vector<4x96x128xf32>
    %slice3A_1144 = vector.extract_strided_slice %add3A_1142 {offsets = [0, 96, 0], sizes = [4, 96, 128], strides = [1, 1, 1]} : vector<4x192x128xf32> to vector<4x96x128xf32>
    %add3A_1145 = arith.addf %slice3A_1143, %slice3A_1144 : vector<4x96x128xf32>
    %slice3A_1146 = vector.extract_strided_slice %add3A_1145 {offsets = [0, 0, 0], sizes = [4, 48, 128], strides = [1, 1, 1]} : vector<4x96x128xf32> to vector<4x48x128xf32>
    %slice3A_1147 = vector.extract_strided_slice %add3A_1145 {offsets = [0, 48, 0], sizes = [4, 48, 128], strides = [1, 1, 1]} : vector<4x96x128xf32> to vector<4x48x128xf32>
    %add3A_1148 = arith.addf %slice3A_1146, %slice3A_1147 : vector<4x48x128xf32>
    %slice3A_1149 = vector.extract_strided_slice %add3A_1148 {offsets = [0, 0, 0], sizes = [4, 24, 128], strides = [1, 1, 1]} : vector<4x48x128xf32> to vector<4x24x128xf32>
    %slice3A_1150 = vector.extract_strided_slice %add3A_1148 {offsets = [0, 24, 0], sizes = [4, 24, 128], strides = [1, 1, 1]} : vector<4x48x128xf32> to vector<4x24x128xf32>
    %add3A_1151 = arith.addf %slice3A_1149, %slice3A_1150 : vector<4x24x128xf32>
    %slice3A_1152 = vector.extract_strided_slice %add3A_1151 {offsets = [0, 0, 0], sizes = [4, 8, 128], strides = [1, 1, 1]} : vector<4x24x128xf32> to vector<4x8x128xf32>
    %slice3A_1153 = vector.extract_strided_slice %add3A_1151 {offsets = [0, 8, 0], sizes = [4, 8, 128], strides = [1, 1, 1]} : vector<4x24x128xf32> to vector<4x8x128xf32>
    %add3A_1154 = arith.addf %slice3A_1152, %slice3A_1153 : vector<4x8x128xf32>
    %slice3A_1155 = vector.extract_strided_slice %add3A_1151 {offsets = [0, 16, 0], sizes = [4, 8, 128], strides = [1, 1, 1]} : vector<4x24x128xf32> to vector<4x8x128xf32>
    %add3A_1156 = arith.addf %add3A_1154, %slice3A_1155 : vector<4x8x128xf32>
    %reduce_sum3A_1157 = arith.constant dense<0.000000e+00> : vector<4xf32>
    %reduce_sum3A_1158 = vector.multi_reduction <add>, %add3A_1156, %reduce_sum3A_1157 [1, 2] : vector<4x8x128xf32> to vector<4xf32>
    %broadcast_in_dim3A_1159 = vector.shape_cast %reduce_sum3A_1158 : vector<4xf32> to vector<4x1x1xf32>
    %eq3A_1160 = arith.constant 14 : i32
    %eq3A_1161 = vector.broadcast %eq3A_1160 : i32 to vector<4x384x384xi32>
    %eq3A_1162 = arith.cmpi eq, %min3A_726, %eq3A_1161 : vector<4x384x384xi32>
    %jit3A_1163 = arith.constant 0.000000e+00 : f32
    %broadcast_in_dim3A_1164 = vector.broadcast %jit3A_1163 : f32 to vector<4x384x384xf32>
    %select_n3A_1165 = arith.select %eq3A_1162, %convert_element_type3A_40, %broadcast_in_dim3A_1164 : vector<4x384x384xi1>, vector<4x384x384xf32>
    %slice3A_1166 = vector.extract_strided_slice %select_n3A_1165 {offsets = [0, 0, 0], sizes = [4, 384, 128], strides = [1, 1, 1]} : vector<4x384x384xf32> to vector<4x384x128xf32>
    %slice3A_1167 = vector.extract_strided_slice %select_n3A_1165 {offsets = [0, 0, 128], sizes = [4, 384, 128], strides = [1, 1, 1]} : vector<4x384x384xf32> to vector<4x384x128xf32>
    %add3A_1168 = arith.addf %slice3A_1166, %slice3A_1167 : vector<4x384x128xf32>
    %slice3A_1169 = vector.extract_strided_slice %select_n3A_1165 {offsets = [0, 0, 256], sizes = [4, 384, 128], strides = [1, 1, 1]} : vector<4x384x384xf32> to vector<4x384x128xf32>
    %add3A_1170 = arith.addf %add3A_1168, %slice3A_1169 : vector<4x384x128xf32>
    %slice3A_1171 = vector.extract_strided_slice %add3A_1170 {offsets = [0, 0, 0], sizes = [4, 192, 128], strides = [1, 1, 1]} : vector<4x384x128xf32> to vector<4x192x128xf32>
    %slice3A_1172 = vector.extract_strided_slice %add3A_1170 {offsets = [0, 192, 0], sizes = [4, 192, 128], strides = [1, 1, 1]} : vector<4x384x128xf32> to vector<4x192x128xf32>
    %add3A_1173 = arith.addf %slice3A_1171, %slice3A_1172 : vector<4x192x128xf32>
    %slice3A_1174 = vector.extract_strided_slice %add3A_1173 {offsets = [0, 0, 0], sizes = [4, 96, 128], strides = [1, 1, 1]} : vector<4x192x128xf32> to vector<4x96x128xf32>
    %slice3A_1175 = vector.extract_strided_slice %add3A_1173 {offsets = [0, 96, 0], sizes = [4, 96, 128], strides = [1, 1, 1]} : vector<4x192x128xf32> to vector<4x96x128xf32>
    %add3A_1176 = arith.addf %slice3A_1174, %slice3A_1175 : vector<4x96x128xf32>
    %slice3A_1177 = vector.extract_strided_slice %add3A_1176 {offsets = [0, 0, 0], sizes = [4, 48, 128], strides = [1, 1, 1]} : vector<4x96x128xf32> to vector<4x48x128xf32>
    %slice3A_1178 = vector.extract_strided_slice %add3A_1176 {offsets = [0, 48, 0], sizes = [4, 48, 128], strides = [1, 1, 1]} : vector<4x96x128xf32> to vector<4x48x128xf32>
    %add3A_1179 = arith.addf %slice3A_1177, %slice3A_1178 : vector<4x48x128xf32>
    %slice3A_1180 = vector.extract_strided_slice %add3A_1179 {offsets = [0, 0, 0], sizes = [4, 24, 128], strides = [1, 1, 1]} : vector<4x48x128xf32> to vector<4x24x128xf32>
    %slice3A_1181 = vector.extract_strided_slice %add3A_1179 {offsets = [0, 24, 0], sizes = [4, 24, 128], strides = [1, 1, 1]} : vector<4x48x128xf32> to vector<4x24x128xf32>
    %add3A_1182 = arith.addf %slice3A_1180, %slice3A_1181 : vector<4x24x128xf32>
    %slice3A_1183 = vector.extract_strided_slice %add3A_1182 {offsets = [0, 0, 0], sizes = [4, 8, 128], strides = [1, 1, 1]} : vector<4x24x128xf32> to vector<4x8x128xf32>
    %slice3A_1184 = vector.extract_strided_slice %add3A_1182 {offsets = [0, 8, 0], sizes = [4, 8, 128], strides = [1, 1, 1]} : vector<4x24x128xf32> to vector<4x8x128xf32>
    %add3A_1185 = arith.addf %slice3A_1183, %slice3A_1184 : vector<4x8x128xf32>
    %slice3A_1186 = vector.extract_strided_slice %add3A_1182 {offsets = [0, 16, 0], sizes = [4, 8, 128], strides = [1, 1, 1]} : vector<4x24x128xf32> to vector<4x8x128xf32>
    %add3A_1187 = arith.addf %add3A_1185, %slice3A_1186 : vector<4x8x128xf32>
    %reduce_sum3A_1188 = arith.constant dense<0.000000e+00> : vector<4xf32>
    %reduce_sum3A_1189 = vector.multi_reduction <add>, %add3A_1187, %reduce_sum3A_1188 [1, 2] : vector<4x8x128xf32> to vector<4xf32>
    %broadcast_in_dim3A_1190 = vector.shape_cast %reduce_sum3A_1189 : vector<4xf32> to vector<4x1x1xf32>
    %eq3A_1191 = arith.constant 15 : i32
    %eq3A_1192 = vector.broadcast %eq3A_1191 : i32 to vector<4x384x384xi32>
    %eq3A_1193 = arith.cmpi eq, %min3A_726, %eq3A_1192 : vector<4x384x384xi32>
    %jit3A_1194 = arith.constant 0.000000e+00 : f32
    %broadcast_in_dim3A_1195 = vector.broadcast %jit3A_1194 : f32 to vector<4x384x384xf32>
    %select_n3A_1196 = arith.select %eq3A_1193, %convert_element_type3A_40, %broadcast_in_dim3A_1195 : vector<4x384x384xi1>, vector<4x384x384xf32>
    %slice3A_1197 = vector.extract_strided_slice %select_n3A_1196 {offsets = [0, 0, 0], sizes = [4, 384, 128], strides = [1, 1, 1]} : vector<4x384x384xf32> to vector<4x384x128xf32>
    %slice3A_1198 = vector.extract_strided_slice %select_n3A_1196 {offsets = [0, 0, 128], sizes = [4, 384, 128], strides = [1, 1, 1]} : vector<4x384x384xf32> to vector<4x384x128xf32>
    %add3A_1199 = arith.addf %slice3A_1197, %slice3A_1198 : vector<4x384x128xf32>
    %slice3A_1200 = vector.extract_strided_slice %select_n3A_1196 {offsets = [0, 0, 256], sizes = [4, 384, 128], strides = [1, 1, 1]} : vector<4x384x384xf32> to vector<4x384x128xf32>
    %add3A_1201 = arith.addf %add3A_1199, %slice3A_1200 : vector<4x384x128xf32>
    %slice3A_1202 = vector.extract_strided_slice %add3A_1201 {offsets = [0, 0, 0], sizes = [4, 192, 128], strides = [1, 1, 1]} : vector<4x384x128xf32> to vector<4x192x128xf32>
    %slice3A_1203 = vector.extract_strided_slice %add3A_1201 {offsets = [0, 192, 0], sizes = [4, 192, 128], strides = [1, 1, 1]} : vector<4x384x128xf32> to vector<4x192x128xf32>
    %add3A_1204 = arith.addf %slice3A_1202, %slice3A_1203 : vector<4x192x128xf32>
    %slice3A_1205 = vector.extract_strided_slice %add3A_1204 {offsets = [0, 0, 0], sizes = [4, 96, 128], strides = [1, 1, 1]} : vector<4x192x128xf32> to vector<4x96x128xf32>
    %slice3A_1206 = vector.extract_strided_slice %add3A_1204 {offsets = [0, 96, 0], sizes = [4, 96, 128], strides = [1, 1, 1]} : vector<4x192x128xf32> to vector<4x96x128xf32>
    %add3A_1207 = arith.addf %slice3A_1205, %slice3A_1206 : vector<4x96x128xf32>
    %slice3A_1208 = vector.extract_strided_slice %add3A_1207 {offsets = [0, 0, 0], sizes = [4, 48, 128], strides = [1, 1, 1]} : vector<4x96x128xf32> to vector<4x48x128xf32>
    %slice3A_1209 = vector.extract_strided_slice %add3A_1207 {offsets = [0, 48, 0], sizes = [4, 48, 128], strides = [1, 1, 1]} : vector<4x96x128xf32> to vector<4x48x128xf32>
    %add3A_1210 = arith.addf %slice3A_1208, %slice3A_1209 : vector<4x48x128xf32>
    %slice3A_1211 = vector.extract_strided_slice %add3A_1210 {offsets = [0, 0, 0], sizes = [4, 24, 128], strides = [1, 1, 1]} : vector<4x48x128xf32> to vector<4x24x128xf32>
    %slice3A_1212 = vector.extract_strided_slice %add3A_1210 {offsets = [0, 24, 0], sizes = [4, 24, 128], strides = [1, 1, 1]} : vector<4x48x128xf32> to vector<4x24x128xf32>
    %add3A_1213 = arith.addf %slice3A_1211, %slice3A_1212 : vector<4x24x128xf32>
    %slice3A_1214 = vector.extract_strided_slice %add3A_1213 {offsets = [0, 0, 0], sizes = [4, 8, 128], strides = [1, 1, 1]} : vector<4x24x128xf32> to vector<4x8x128xf32>
    %slice3A_1215 = vector.extract_strided_slice %add3A_1213 {offsets = [0, 8, 0], sizes = [4, 8, 128], strides = [1, 1, 1]} : vector<4x24x128xf32> to vector<4x8x128xf32>
    %add3A_1216 = arith.addf %slice3A_1214, %slice3A_1215 : vector<4x8x128xf32>
    %slice3A_1217 = vector.extract_strided_slice %add3A_1213 {offsets = [0, 16, 0], sizes = [4, 8, 128], strides = [1, 1, 1]} : vector<4x24x128xf32> to vector<4x8x128xf32>
    %add3A_1218 = arith.addf %add3A_1216, %slice3A_1217 : vector<4x8x128xf32>
    %reduce_sum3A_1219 = arith.constant dense<0.000000e+00> : vector<4xf32>
    %reduce_sum3A_1220 = vector.multi_reduction <add>, %add3A_1218, %reduce_sum3A_1219 [1, 2] : vector<4x8x128xf32> to vector<4xf32>
    %broadcast_in_dim3A_1221 = vector.shape_cast %reduce_sum3A_1220 : vector<4xf32> to vector<4x1x1xf32>
    %add3A_1222 = arith.addf %broadcast_in_dim3A_756, %broadcast_in_dim3A_787 : vector<4x1x1xf32>
    %add3A_1223 = arith.addf %add3A_1222, %broadcast_in_dim3A_818 : vector<4x1x1xf32>
    %add3A_1224 = arith.addf %add3A_1223, %broadcast_in_dim3A_849 : vector<4x1x1xf32>
    %add3A_1225 = arith.addf %add3A_1224, %broadcast_in_dim3A_880 : vector<4x1x1xf32>
    %add3A_1226 = arith.addf %add3A_1225, %broadcast_in_dim3A_911 : vector<4x1x1xf32>
    %add3A_1227 = arith.addf %add3A_1226, %broadcast_in_dim3A_942 : vector<4x1x1xf32>
    %add3A_1228 = arith.addf %add3A_1227, %broadcast_in_dim3A_973 : vector<4x1x1xf32>
    %add3A_1229 = arith.addf %add3A_1228, %broadcast_in_dim3A_1004 : vector<4x1x1xf32>
    %add3A_1230 = arith.addf %add3A_1229, %broadcast_in_dim3A_1035 : vector<4x1x1xf32>
    %add3A_1231 = arith.addf %add3A_1230, %broadcast_in_dim3A_1066 : vector<4x1x1xf32>
    %add3A_1232 = arith.addf %add3A_1231, %broadcast_in_dim3A_1097 : vector<4x1x1xf32>
    %add3A_1233 = arith.addf %add3A_1232, %broadcast_in_dim3A_1128 : vector<4x1x1xf32>
    %add3A_1234 = arith.addf %add3A_1233, %broadcast_in_dim3A_1159 : vector<4x1x1xf32>
    %add3A_1235 = arith.addf %add3A_1234, %broadcast_in_dim3A_1190 : vector<4x1x1xf32>
    %add3A_1236 = arith.addf %add3A_1235, %broadcast_in_dim3A_1221 : vector<4x1x1xf32>
    %max3A_1237 = arith.constant 1.000000e+00 : f32
    %max3A_1238 = vector.broadcast %max3A_1237 : f32 to vector<4x1x1xf32>
    %max3A_1239 = arith.maximumf %add3A_1236, %max3A_1238 : vector<4x1x1xf32>
    %div3A_1240 = arith.divf %broadcast_in_dim3A_756, %max3A_1239 : vector<4x1x1xf32>
    %max3A_1241 = arith.constant 9.99999997E-7 : f32
    %max3A_1242 = vector.broadcast %max3A_1241 : f32 to vector<4x1x1xf32>
    %max3A_1243 = arith.maximumf %div3A_1240, %max3A_1242 : vector<4x1x1xf32>
    %log3A = math.log %max3A_1243 : vector<4x1x1xf32>
    %mul3A_1244 = arith.mulf %max3A_1243, %log3A : vector<4x1x1xf32>
    %sub3A_1245 = arith.constant 0.000000e+00 : f32
    %sub3A_1246 = vector.broadcast %sub3A_1245 : f32 to vector<4x1x1xf32>
    %sub3A_1247 = arith.subf %sub3A_1246, %mul3A_1244 : vector<4x1x1xf32>
    %div3A_1248 = arith.divf %broadcast_in_dim3A_787, %max3A_1239 : vector<4x1x1xf32>
    %max3A_1249 = arith.constant 9.99999997E-7 : f32
    %max3A_1250 = vector.broadcast %max3A_1249 : f32 to vector<4x1x1xf32>
    %max3A_1251 = arith.maximumf %div3A_1248, %max3A_1250 : vector<4x1x1xf32>
    %log3A_1252 = math.log %max3A_1251 : vector<4x1x1xf32>
    %mul3A_1253 = arith.mulf %max3A_1251, %log3A_1252 : vector<4x1x1xf32>
    %sub3A_1254 = arith.subf %sub3A_1247, %mul3A_1253 : vector<4x1x1xf32>
    %div3A_1255 = arith.divf %broadcast_in_dim3A_818, %max3A_1239 : vector<4x1x1xf32>
    %max3A_1256 = arith.constant 9.99999997E-7 : f32
    %max3A_1257 = vector.broadcast %max3A_1256 : f32 to vector<4x1x1xf32>
    %max3A_1258 = arith.maximumf %div3A_1255, %max3A_1257 : vector<4x1x1xf32>
    %log3A_1259 = math.log %max3A_1258 : vector<4x1x1xf32>
    %mul3A_1260 = arith.mulf %max3A_1258, %log3A_1259 : vector<4x1x1xf32>
    %sub3A_1261 = arith.subf %sub3A_1254, %mul3A_1260 : vector<4x1x1xf32>
    %div3A_1262 = arith.divf %broadcast_in_dim3A_849, %max3A_1239 : vector<4x1x1xf32>
    %max3A_1263 = arith.constant 9.99999997E-7 : f32
    %max3A_1264 = vector.broadcast %max3A_1263 : f32 to vector<4x1x1xf32>
    %max3A_1265 = arith.maximumf %div3A_1262, %max3A_1264 : vector<4x1x1xf32>
    %log3A_1266 = math.log %max3A_1265 : vector<4x1x1xf32>
    %mul3A_1267 = arith.mulf %max3A_1265, %log3A_1266 : vector<4x1x1xf32>
    %sub3A_1268 = arith.subf %sub3A_1261, %mul3A_1267 : vector<4x1x1xf32>
    %div3A_1269 = arith.divf %broadcast_in_dim3A_880, %max3A_1239 : vector<4x1x1xf32>
    %max3A_1270 = arith.constant 9.99999997E-7 : f32
    %max3A_1271 = vector.broadcast %max3A_1270 : f32 to vector<4x1x1xf32>
    %max3A_1272 = arith.maximumf %div3A_1269, %max3A_1271 : vector<4x1x1xf32>
    %log3A_1273 = math.log %max3A_1272 : vector<4x1x1xf32>
    %mul3A_1274 = arith.mulf %max3A_1272, %log3A_1273 : vector<4x1x1xf32>
    %sub3A_1275 = arith.subf %sub3A_1268, %mul3A_1274 : vector<4x1x1xf32>
    %div3A_1276 = arith.divf %broadcast_in_dim3A_911, %max3A_1239 : vector<4x1x1xf32>
    %max3A_1277 = arith.constant 9.99999997E-7 : f32
    %max3A_1278 = vector.broadcast %max3A_1277 : f32 to vector<4x1x1xf32>
    %max3A_1279 = arith.maximumf %div3A_1276, %max3A_1278 : vector<4x1x1xf32>
    %log3A_1280 = math.log %max3A_1279 : vector<4x1x1xf32>
    %mul3A_1281 = arith.mulf %max3A_1279, %log3A_1280 : vector<4x1x1xf32>
    %sub3A_1282 = arith.subf %sub3A_1275, %mul3A_1281 : vector<4x1x1xf32>
    %div3A_1283 = arith.divf %broadcast_in_dim3A_942, %max3A_1239 : vector<4x1x1xf32>
    %max3A_1284 = arith.constant 9.99999997E-7 : f32
    %max3A_1285 = vector.broadcast %max3A_1284 : f32 to vector<4x1x1xf32>
    %max3A_1286 = arith.maximumf %div3A_1283, %max3A_1285 : vector<4x1x1xf32>
    %log3A_1287 = math.log %max3A_1286 : vector<4x1x1xf32>
    %mul3A_1288 = arith.mulf %max3A_1286, %log3A_1287 : vector<4x1x1xf32>
    %sub3A_1289 = arith.subf %sub3A_1282, %mul3A_1288 : vector<4x1x1xf32>
    %div3A_1290 = arith.divf %broadcast_in_dim3A_973, %max3A_1239 : vector<4x1x1xf32>
    %max3A_1291 = arith.constant 9.99999997E-7 : f32
    %max3A_1292 = vector.broadcast %max3A_1291 : f32 to vector<4x1x1xf32>
    %max3A_1293 = arith.maximumf %div3A_1290, %max3A_1292 : vector<4x1x1xf32>
    %log3A_1294 = math.log %max3A_1293 : vector<4x1x1xf32>
    %mul3A_1295 = arith.mulf %max3A_1293, %log3A_1294 : vector<4x1x1xf32>
    %sub3A_1296 = arith.subf %sub3A_1289, %mul3A_1295 : vector<4x1x1xf32>
    %div3A_1297 = arith.divf %broadcast_in_dim3A_1004, %max3A_1239 : vector<4x1x1xf32>
    %max3A_1298 = arith.constant 9.99999997E-7 : f32
    %max3A_1299 = vector.broadcast %max3A_1298 : f32 to vector<4x1x1xf32>
    %max3A_1300 = arith.maximumf %div3A_1297, %max3A_1299 : vector<4x1x1xf32>
    %log3A_1301 = math.log %max3A_1300 : vector<4x1x1xf32>
    %mul3A_1302 = arith.mulf %max3A_1300, %log3A_1301 : vector<4x1x1xf32>
    %sub3A_1303 = arith.subf %sub3A_1296, %mul3A_1302 : vector<4x1x1xf32>
    %div3A_1304 = arith.divf %broadcast_in_dim3A_1035, %max3A_1239 : vector<4x1x1xf32>
    %max3A_1305 = arith.constant 9.99999997E-7 : f32
    %max3A_1306 = vector.broadcast %max3A_1305 : f32 to vector<4x1x1xf32>
    %max3A_1307 = arith.maximumf %div3A_1304, %max3A_1306 : vector<4x1x1xf32>
    %log3A_1308 = math.log %max3A_1307 : vector<4x1x1xf32>
    %mul3A_1309 = arith.mulf %max3A_1307, %log3A_1308 : vector<4x1x1xf32>
    %sub3A_1310 = arith.subf %sub3A_1303, %mul3A_1309 : vector<4x1x1xf32>
    %div3A_1311 = arith.divf %broadcast_in_dim3A_1066, %max3A_1239 : vector<4x1x1xf32>
    %max3A_1312 = arith.constant 9.99999997E-7 : f32
    %max3A_1313 = vector.broadcast %max3A_1312 : f32 to vector<4x1x1xf32>
    %max3A_1314 = arith.maximumf %div3A_1311, %max3A_1313 : vector<4x1x1xf32>
    %log3A_1315 = math.log %max3A_1314 : vector<4x1x1xf32>
    %mul3A_1316 = arith.mulf %max3A_1314, %log3A_1315 : vector<4x1x1xf32>
    %sub3A_1317 = arith.subf %sub3A_1310, %mul3A_1316 : vector<4x1x1xf32>
    %div3A_1318 = arith.divf %broadcast_in_dim3A_1097, %max3A_1239 : vector<4x1x1xf32>
    %max3A_1319 = arith.constant 9.99999997E-7 : f32
    %max3A_1320 = vector.broadcast %max3A_1319 : f32 to vector<4x1x1xf32>
    %max3A_1321 = arith.maximumf %div3A_1318, %max3A_1320 : vector<4x1x1xf32>
    %log3A_1322 = math.log %max3A_1321 : vector<4x1x1xf32>
    %mul3A_1323 = arith.mulf %max3A_1321, %log3A_1322 : vector<4x1x1xf32>
    %sub3A_1324 = arith.subf %sub3A_1317, %mul3A_1323 : vector<4x1x1xf32>
    %div3A_1325 = arith.divf %broadcast_in_dim3A_1128, %max3A_1239 : vector<4x1x1xf32>
    %max3A_1326 = arith.constant 9.99999997E-7 : f32
    %max3A_1327 = vector.broadcast %max3A_1326 : f32 to vector<4x1x1xf32>
    %max3A_1328 = arith.maximumf %div3A_1325, %max3A_1327 : vector<4x1x1xf32>
    %log3A_1329 = math.log %max3A_1328 : vector<4x1x1xf32>
    %mul3A_1330 = arith.mulf %max3A_1328, %log3A_1329 : vector<4x1x1xf32>
    %sub3A_1331 = arith.subf %sub3A_1324, %mul3A_1330 : vector<4x1x1xf32>
    %div3A_1332 = arith.divf %broadcast_in_dim3A_1159, %max3A_1239 : vector<4x1x1xf32>
    %max3A_1333 = arith.constant 9.99999997E-7 : f32
    %max3A_1334 = vector.broadcast %max3A_1333 : f32 to vector<4x1x1xf32>
    %max3A_1335 = arith.maximumf %div3A_1332, %max3A_1334 : vector<4x1x1xf32>
    %log3A_1336 = math.log %max3A_1335 : vector<4x1x1xf32>
    %mul3A_1337 = arith.mulf %max3A_1335, %log3A_1336 : vector<4x1x1xf32>
    %sub3A_1338 = arith.subf %sub3A_1331, %mul3A_1337 : vector<4x1x1xf32>
    %div3A_1339 = arith.divf %broadcast_in_dim3A_1190, %max3A_1239 : vector<4x1x1xf32>
    %max3A_1340 = arith.constant 9.99999997E-7 : f32
    %max3A_1341 = vector.broadcast %max3A_1340 : f32 to vector<4x1x1xf32>
    %max3A_1342 = arith.maximumf %div3A_1339, %max3A_1341 : vector<4x1x1xf32>
    %log3A_1343 = math.log %max3A_1342 : vector<4x1x1xf32>
    %mul3A_1344 = arith.mulf %max3A_1342, %log3A_1343 : vector<4x1x1xf32>
    %sub3A_1345 = arith.subf %sub3A_1338, %mul3A_1344 : vector<4x1x1xf32>
    %div3A_1346 = arith.divf %broadcast_in_dim3A_1221, %max3A_1239 : vector<4x1x1xf32>
    %max3A_1347 = arith.constant 9.99999997E-7 : f32
    %max3A_1348 = vector.broadcast %max3A_1347 : f32 to vector<4x1x1xf32>
    %max3A_1349 = arith.maximumf %div3A_1346, %max3A_1348 : vector<4x1x1xf32>
    %log3A_1350 = math.log %max3A_1349 : vector<4x1x1xf32>
    %mul3A_1351 = arith.mulf %max3A_1349, %log3A_1350 : vector<4x1x1xf32>
    %sub3A_1352 = arith.subf %sub3A_1345, %mul3A_1351 : vector<4x1x1xf32>
    %sub3A_1353 = arith.subf %broadcast_in_dim3A_222, %broadcast_in_dim3A_250 : vector<4x1x1xf32>
    %abs3A_1354 = math.absf %sub3A_1353 : vector<4x1x1xf32>
    %abs3A_1355 = math.absf %broadcast_in_dim3A_250 : vector<4x1x1xf32>
    %mul3A_1356 = arith.constant 9.99999974E-6 : f32
    %mul3A_1357 = vector.broadcast %mul3A_1356 : f32 to vector<4x1x1xf32>
    %mul3A_1358 = arith.mulf %mul3A_1357, %abs3A_1355 : vector<4x1x1xf32>
    %add3A_1359 = arith.constant 9.99999993E-9 : f32
    %add3A_1360 = vector.broadcast %add3A_1359 : f32 to vector<4x1x1xf32>
    %add3A_1361 = arith.addf %add3A_1360, %mul3A_1358 : vector<4x1x1xf32>
    %le3A_1362 = arith.cmpf ole, %abs3A_1354, %add3A_1361 : vector<4x1x1xf32>
    %jit3A_1363 = arith.constant 0.000000e+00 : f32
    %broadcast_in_dim3A_1364 = vector.broadcast %jit3A_1363 : f32 to vector<4x1x1xf32>
    %select_n3A_1365 = arith.select %le3A_1362, %broadcast_in_dim3A_1364, %sub3A_1352 : vector<4x1x1xi1>, vector<4x1x1xf32>
    %slice3A_1366 = vector.extract_strided_slice %get3A_2 {offsets = [0, 1, 0], sizes = [4, 1, 384], strides = [1, 1, 1]} : vector<4x384x384xf32> to vector<4x1x384xf32>
    %slice3A_1367 = vector.extract_strided_slice %get3A_2 {offsets = [0, 0, 0], sizes = [4, 1, 384], strides = [1, 1, 1]} : vector<4x384x384xf32> to vector<4x1x384xf32>
    %sub3A_1368 = arith.subf %slice3A_1366, %slice3A_1367 : vector<4x1x384xf32>
    %slice3A_1369 = vector.extract_strided_slice %get3A_2 {offsets = [0, 2, 0], sizes = [4, 382, 384], strides = [1, 1, 1]} : vector<4x384x384xf32> to vector<4x382x384xf32>
    %slice3A_1370 = vector.extract_strided_slice %get3A_2 {offsets = [0, 0, 0], sizes = [4, 382, 384], strides = [1, 1, 1]} : vector<4x384x384xf32> to vector<4x382x384xf32>
    %sub3A_1371 = arith.subf %slice3A_1369, %slice3A_1370 : vector<4x382x384xf32>
    %mul3A_1372 = arith.constant 5.000000e-01 : f32
    %mul3A_1373 = vector.broadcast %mul3A_1372 : f32 to vector<4x382x384xf32>
    %mul3A_1374 = arith.mulf %sub3A_1371, %mul3A_1373 : vector<4x382x384xf32>
    %slice3A_1375 = vector.extract_strided_slice %get3A_2 {offsets = [0, 383, 0], sizes = [4, 1, 384], strides = [1, 1, 1]} : vector<4x384x384xf32> to vector<4x1x384xf32>
    %slice3A_1376 = vector.extract_strided_slice %get3A_2 {offsets = [0, 382, 0], sizes = [4, 1, 384], strides = [1, 1, 1]} : vector<4x384x384xf32> to vector<4x1x384xf32>
    %sub3A_1377 = arith.subf %slice3A_1375, %slice3A_1376 : vector<4x1x384xf32>
    %concatenate3A = tpu.concatenate %sub3A_1368, %mul3A_1374, %sub3A_1377 in 1 : vector<4x1x384xf32>, vector<4x382x384xf32>, vector<4x1x384xf32> -> vector<4x384x384xf32>
    %slice3A_1378 = vector.extract_strided_slice %get3A_2 {offsets = [0, 0, 1], sizes = [4, 384, 1], strides = [1, 1, 1]} : vector<4x384x384xf32> to vector<4x384x1xf32>
    %slice3A_1379 = vector.extract_strided_slice %get3A_2 {offsets = [0, 0, 0], sizes = [4, 384, 1], strides = [1, 1, 1]} : vector<4x384x384xf32> to vector<4x384x1xf32>
    %sub3A_1380 = arith.subf %slice3A_1378, %slice3A_1379 : vector<4x384x1xf32>
    %slice3A_1381 = vector.extract_strided_slice %get3A_2 {offsets = [0, 0, 2], sizes = [4, 384, 382], strides = [1, 1, 1]} : vector<4x384x384xf32> to vector<4x384x382xf32>
    %slice3A_1382 = vector.extract_strided_slice %get3A_2 {offsets = [0, 0, 0], sizes = [4, 384, 382], strides = [1, 1, 1]} : vector<4x384x384xf32> to vector<4x384x382xf32>
    %sub3A_1383 = arith.subf %slice3A_1381, %slice3A_1382 : vector<4x384x382xf32>
    %mul3A_1384 = arith.constant 5.000000e-01 : f32
    %mul3A_1385 = vector.broadcast %mul3A_1384 : f32 to vector<4x384x382xf32>
    %mul3A_1386 = arith.mulf %sub3A_1383, %mul3A_1385 : vector<4x384x382xf32>
    %slice3A_1387 = vector.extract_strided_slice %get3A_2 {offsets = [0, 0, 383], sizes = [4, 384, 1], strides = [1, 1, 1]} : vector<4x384x384xf32> to vector<4x384x1xf32>
    %slice3A_1388 = vector.extract_strided_slice %get3A_2 {offsets = [0, 0, 382], sizes = [4, 384, 1], strides = [1, 1, 1]} : vector<4x384x384xf32> to vector<4x384x1xf32>
    %sub3A_1389 = arith.subf %slice3A_1387, %slice3A_1388 : vector<4x384x1xf32>
    %concatenate3A_1390 = tpu.concatenate %sub3A_1380, %mul3A_1386, %sub3A_1389 in 2 : vector<4x384x1xf32>, vector<4x384x382xf32>, vector<4x384x1xf32> -> vector<4x384x384xf32>
    %mul3A_1391 = arith.mulf %concatenate3A, %concatenate3A : vector<4x384x384xf32>
    %mul3A_1392 = arith.mulf %concatenate3A_1390, %concatenate3A_1390 : vector<4x384x384xf32>
    %add3A_1393 = arith.addf %mul3A_1391, %mul3A_1392 : vector<4x384x384xf32>
    %sqrt3A_1394 = math.sqrt %add3A_1393 : vector<4x384x384xf32>
    %mul3A_1395 = arith.mulf %sqrt3A_1394, %convert_element_type3A_40 : vector<4x384x384xf32>
    %slice3A_1396 = vector.extract_strided_slice %mul3A_1395 {offsets = [0, 0, 0], sizes = [4, 384, 128], strides = [1, 1, 1]} : vector<4x384x384xf32> to vector<4x384x128xf32>
    %slice3A_1397 = vector.extract_strided_slice %mul3A_1395 {offsets = [0, 0, 128], sizes = [4, 384, 128], strides = [1, 1, 1]} : vector<4x384x384xf32> to vector<4x384x128xf32>
    %add3A_1398 = arith.addf %slice3A_1396, %slice3A_1397 : vector<4x384x128xf32>
    %slice3A_1399 = vector.extract_strided_slice %mul3A_1395 {offsets = [0, 0, 256], sizes = [4, 384, 128], strides = [1, 1, 1]} : vector<4x384x384xf32> to vector<4x384x128xf32>
    %add3A_1400 = arith.addf %add3A_1398, %slice3A_1399 : vector<4x384x128xf32>
    %slice3A_1401 = vector.extract_strided_slice %add3A_1400 {offsets = [0, 0, 0], sizes = [4, 192, 128], strides = [1, 1, 1]} : vector<4x384x128xf32> to vector<4x192x128xf32>
    %slice3A_1402 = vector.extract_strided_slice %add3A_1400 {offsets = [0, 192, 0], sizes = [4, 192, 128], strides = [1, 1, 1]} : vector<4x384x128xf32> to vector<4x192x128xf32>
    %add3A_1403 = arith.addf %slice3A_1401, %slice3A_1402 : vector<4x192x128xf32>
    %slice3A_1404 = vector.extract_strided_slice %add3A_1403 {offsets = [0, 0, 0], sizes = [4, 96, 128], strides = [1, 1, 1]} : vector<4x192x128xf32> to vector<4x96x128xf32>
    %slice3A_1405 = vector.extract_strided_slice %add3A_1403 {offsets = [0, 96, 0], sizes = [4, 96, 128], strides = [1, 1, 1]} : vector<4x192x128xf32> to vector<4x96x128xf32>
    %add3A_1406 = arith.addf %slice3A_1404, %slice3A_1405 : vector<4x96x128xf32>
    %slice3A_1407 = vector.extract_strided_slice %add3A_1406 {offsets = [0, 0, 0], sizes = [4, 48, 128], strides = [1, 1, 1]} : vector<4x96x128xf32> to vector<4x48x128xf32>
    %slice3A_1408 = vector.extract_strided_slice %add3A_1406 {offsets = [0, 48, 0], sizes = [4, 48, 128], strides = [1, 1, 1]} : vector<4x96x128xf32> to vector<4x48x128xf32>
    %add3A_1409 = arith.addf %slice3A_1407, %slice3A_1408 : vector<4x48x128xf32>
    %slice3A_1410 = vector.extract_strided_slice %add3A_1409 {offsets = [0, 0, 0], sizes = [4, 24, 128], strides = [1, 1, 1]} : vector<4x48x128xf32> to vector<4x24x128xf32>
    %slice3A_1411 = vector.extract_strided_slice %add3A_1409 {offsets = [0, 24, 0], sizes = [4, 24, 128], strides = [1, 1, 1]} : vector<4x48x128xf32> to vector<4x24x128xf32>
    %add3A_1412 = arith.addf %slice3A_1410, %slice3A_1411 : vector<4x24x128xf32>
    %slice3A_1413 = vector.extract_strided_slice %add3A_1412 {offsets = [0, 0, 0], sizes = [4, 8, 128], strides = [1, 1, 1]} : vector<4x24x128xf32> to vector<4x8x128xf32>
    %slice3A_1414 = vector.extract_strided_slice %add3A_1412 {offsets = [0, 8, 0], sizes = [4, 8, 128], strides = [1, 1, 1]} : vector<4x24x128xf32> to vector<4x8x128xf32>
    %add3A_1415 = arith.addf %slice3A_1413, %slice3A_1414 : vector<4x8x128xf32>
    %slice3A_1416 = vector.extract_strided_slice %add3A_1412 {offsets = [0, 16, 0], sizes = [4, 8, 128], strides = [1, 1, 1]} : vector<4x24x128xf32> to vector<4x8x128xf32>
    %add3A_1417 = arith.addf %add3A_1415, %slice3A_1416 : vector<4x8x128xf32>
    %reduce_sum3A_1418 = arith.constant dense<0.000000e+00> : vector<4xf32>
    %reduce_sum3A_1419 = vector.multi_reduction <add>, %add3A_1417, %reduce_sum3A_1418 [1, 2] : vector<4x8x128xf32> to vector<4xf32>
    %broadcast_in_dim3A_1420 = vector.shape_cast %reduce_sum3A_1419 : vector<4xf32> to vector<4x1x1xf32>
    %div3A_1421 = arith.divf %broadcast_in_dim3A_1420, %broadcast_in_dim3A_64 : vector<4x1x1xf32>
    %sub3A_1422 = vector.broadcast %div3A_1421 : vector<4x1x1xf32> to vector<4x384x384xf32>
    %sub3A_1423 = arith.subf %sqrt3A_1394, %sub3A_1422 : vector<4x384x384xf32>
    %mul3A_1424 = arith.mulf %sub3A_1423, %sub3A_1423 : vector<4x384x384xf32>
    %mul3A_1425 = arith.mulf %mul3A_1424, %convert_element_type3A_40 : vector<4x384x384xf32>
    %slice3A_1426 = vector.extract_strided_slice %mul3A_1425 {offsets = [0, 0, 0], sizes = [4, 384, 128], strides = [1, 1, 1]} : vector<4x384x384xf32> to vector<4x384x128xf32>
    %slice3A_1427 = vector.extract_strided_slice %mul3A_1425 {offsets = [0, 0, 128], sizes = [4, 384, 128], strides = [1, 1, 1]} : vector<4x384x384xf32> to vector<4x384x128xf32>
    %add3A_1428 = arith.addf %slice3A_1426, %slice3A_1427 : vector<4x384x128xf32>
    %slice3A_1429 = vector.extract_strided_slice %mul3A_1425 {offsets = [0, 0, 256], sizes = [4, 384, 128], strides = [1, 1, 1]} : vector<4x384x384xf32> to vector<4x384x128xf32>
    %add3A_1430 = arith.addf %add3A_1428, %slice3A_1429 : vector<4x384x128xf32>
    %slice3A_1431 = vector.extract_strided_slice %add3A_1430 {offsets = [0, 0, 0], sizes = [4, 192, 128], strides = [1, 1, 1]} : vector<4x384x128xf32> to vector<4x192x128xf32>
    %slice3A_1432 = vector.extract_strided_slice %add3A_1430 {offsets = [0, 192, 0], sizes = [4, 192, 128], strides = [1, 1, 1]} : vector<4x384x128xf32> to vector<4x192x128xf32>
    %add3A_1433 = arith.addf %slice3A_1431, %slice3A_1432 : vector<4x192x128xf32>
    %slice3A_1434 = vector.extract_strided_slice %add3A_1433 {offsets = [0, 0, 0], sizes = [4, 96, 128], strides = [1, 1, 1]} : vector<4x192x128xf32> to vector<4x96x128xf32>
    %slice3A_1435 = vector.extract_strided_slice %add3A_1433 {offsets = [0, 96, 0], sizes = [4, 96, 128], strides = [1, 1, 1]} : vector<4x192x128xf32> to vector<4x96x128xf32>
    %add3A_1436 = arith.addf %slice3A_1434, %slice3A_1435 : vector<4x96x128xf32>
    %slice3A_1437 = vector.extract_strided_slice %add3A_1436 {offsets = [0, 0, 0], sizes = [4, 48, 128], strides = [1, 1, 1]} : vector<4x96x128xf32> to vector<4x48x128xf32>
    %slice3A_1438 = vector.extract_strided_slice %add3A_1436 {offsets = [0, 48, 0], sizes = [4, 48, 128], strides = [1, 1, 1]} : vector<4x96x128xf32> to vector<4x48x128xf32>
    %add3A_1439 = arith.addf %slice3A_1437, %slice3A_1438 : vector<4x48x128xf32>
    %slice3A_1440 = vector.extract_strided_slice %add3A_1439 {offsets = [0, 0, 0], sizes = [4, 24, 128], strides = [1, 1, 1]} : vector<4x48x128xf32> to vector<4x24x128xf32>
    %slice3A_1441 = vector.extract_strided_slice %add3A_1439 {offsets = [0, 24, 0], sizes = [4, 24, 128], strides = [1, 1, 1]} : vector<4x48x128xf32> to vector<4x24x128xf32>
    %add3A_1442 = arith.addf %slice3A_1440, %slice3A_1441 : vector<4x24x128xf32>
    %slice3A_1443 = vector.extract_strided_slice %add3A_1442 {offsets = [0, 0, 0], sizes = [4, 8, 128], strides = [1, 1, 1]} : vector<4x24x128xf32> to vector<4x8x128xf32>
    %slice3A_1444 = vector.extract_strided_slice %add3A_1442 {offsets = [0, 8, 0], sizes = [4, 8, 128], strides = [1, 1, 1]} : vector<4x24x128xf32> to vector<4x8x128xf32>
    %add3A_1445 = arith.addf %slice3A_1443, %slice3A_1444 : vector<4x8x128xf32>
    %slice3A_1446 = vector.extract_strided_slice %add3A_1442 {offsets = [0, 16, 0], sizes = [4, 8, 128], strides = [1, 1, 1]} : vector<4x24x128xf32> to vector<4x8x128xf32>
    %add3A_1447 = arith.addf %add3A_1445, %slice3A_1446 : vector<4x8x128xf32>
    %reduce_sum3A_1448 = arith.constant dense<0.000000e+00> : vector<4xf32>
    %reduce_sum3A_1449 = vector.multi_reduction <add>, %add3A_1447, %reduce_sum3A_1448 [1, 2] : vector<4x8x128xf32> to vector<4xf32>
    %broadcast_in_dim3A_1450 = vector.shape_cast %reduce_sum3A_1449 : vector<4xf32> to vector<4x1x1xf32>
    %div3A_1451 = arith.divf %broadcast_in_dim3A_1450, %broadcast_in_dim3A_64 : vector<4x1x1xf32>
    %sqrt3A_1452 = math.sqrt %div3A_1451 : vector<4x1x1xf32>
    %iota3A = tpu.iota {dimensions = array<i32: 1>} : vector<4x384x384xi32>
    %convert_element_type3A_1453 = arith.sitofp %iota3A : vector<4x384x384xi32> to vector<4x384x384xf32>
    %iota3A_1454 = tpu.iota {dimensions = array<i32: 2>} : vector<4x384x384xi32>
    %convert_element_type3A_1455 = arith.sitofp %iota3A_1454 : vector<4x384x384xi32> to vector<4x384x384xf32>
    %mul3A_1456 = arith.mulf %convert_element_type3A_1453, %convert_element_type3A_40 : vector<4x384x384xf32>
    %slice3A_1457 = vector.extract_strided_slice %mul3A_1456 {offsets = [0, 0, 0], sizes = [4, 384, 128], strides = [1, 1, 1]} : vector<4x384x384xf32> to vector<4x384x128xf32>
    %slice3A_1458 = vector.extract_strided_slice %mul3A_1456 {offsets = [0, 0, 128], sizes = [4, 384, 128], strides = [1, 1, 1]} : vector<4x384x384xf32> to vector<4x384x128xf32>
    %add3A_1459 = arith.addf %slice3A_1457, %slice3A_1458 : vector<4x384x128xf32>
    %slice3A_1460 = vector.extract_strided_slice %mul3A_1456 {offsets = [0, 0, 256], sizes = [4, 384, 128], strides = [1, 1, 1]} : vector<4x384x384xf32> to vector<4x384x128xf32>
    %add3A_1461 = arith.addf %add3A_1459, %slice3A_1460 : vector<4x384x128xf32>
    %slice3A_1462 = vector.extract_strided_slice %add3A_1461 {offsets = [0, 0, 0], sizes = [4, 192, 128], strides = [1, 1, 1]} : vector<4x384x128xf32> to vector<4x192x128xf32>
    %slice3A_1463 = vector.extract_strided_slice %add3A_1461 {offsets = [0, 192, 0], sizes = [4, 192, 128], strides = [1, 1, 1]} : vector<4x384x128xf32> to vector<4x192x128xf32>
    %add3A_1464 = arith.addf %slice3A_1462, %slice3A_1463 : vector<4x192x128xf32>
    %slice3A_1465 = vector.extract_strided_slice %add3A_1464 {offsets = [0, 0, 0], sizes = [4, 96, 128], strides = [1, 1, 1]} : vector<4x192x128xf32> to vector<4x96x128xf32>
    %slice3A_1466 = vector.extract_strided_slice %add3A_1464 {offsets = [0, 96, 0], sizes = [4, 96, 128], strides = [1, 1, 1]} : vector<4x192x128xf32> to vector<4x96x128xf32>
    %add3A_1467 = arith.addf %slice3A_1465, %slice3A_1466 : vector<4x96x128xf32>
    %slice3A_1468 = vector.extract_strided_slice %add3A_1467 {offsets = [0, 0, 0], sizes = [4, 48, 128], strides = [1, 1, 1]} : vector<4x96x128xf32> to vector<4x48x128xf32>
    %slice3A_1469 = vector.extract_strided_slice %add3A_1467 {offsets = [0, 48, 0], sizes = [4, 48, 128], strides = [1, 1, 1]} : vector<4x96x128xf32> to vector<4x48x128xf32>
    %add3A_1470 = arith.addf %slice3A_1468, %slice3A_1469 : vector<4x48x128xf32>
    %slice3A_1471 = vector.extract_strided_slice %add3A_1470 {offsets = [0, 0, 0], sizes = [4, 24, 128], strides = [1, 1, 1]} : vector<4x48x128xf32> to vector<4x24x128xf32>
    %slice3A_1472 = vector.extract_strided_slice %add3A_1470 {offsets = [0, 24, 0], sizes = [4, 24, 128], strides = [1, 1, 1]} : vector<4x48x128xf32> to vector<4x24x128xf32>
    %add3A_1473 = arith.addf %slice3A_1471, %slice3A_1472 : vector<4x24x128xf32>
    %slice3A_1474 = vector.extract_strided_slice %add3A_1473 {offsets = [0, 0, 0], sizes = [4, 8, 128], strides = [1, 1, 1]} : vector<4x24x128xf32> to vector<4x8x128xf32>
    %slice3A_1475 = vector.extract_strided_slice %add3A_1473 {offsets = [0, 8, 0], sizes = [4, 8, 128], strides = [1, 1, 1]} : vector<4x24x128xf32> to vector<4x8x128xf32>
    %add3A_1476 = arith.addf %slice3A_1474, %slice3A_1475 : vector<4x8x128xf32>
    %slice3A_1477 = vector.extract_strided_slice %add3A_1473 {offsets = [0, 16, 0], sizes = [4, 8, 128], strides = [1, 1, 1]} : vector<4x24x128xf32> to vector<4x8x128xf32>
    %add3A_1478 = arith.addf %add3A_1476, %slice3A_1477 : vector<4x8x128xf32>
    %reduce_sum3A_1479 = arith.constant dense<0.000000e+00> : vector<4xf32>
    %reduce_sum3A_1480 = vector.multi_reduction <add>, %add3A_1478, %reduce_sum3A_1479 [1, 2] : vector<4x8x128xf32> to vector<4xf32>
    %broadcast_in_dim3A_1481 = vector.shape_cast %reduce_sum3A_1480 : vector<4xf32> to vector<4x1x1xf32>
    %div3A_1482 = arith.divf %broadcast_in_dim3A_1481, %broadcast_in_dim3A_64 : vector<4x1x1xf32>
    %div3A_1483 = arith.constant 3.830000e+02 : f32
    %div3A_1484 = vector.broadcast %div3A_1483 : f32 to vector<4x1x1xf32>
    %div3A_1485 = arith.divf %div3A_1482, %div3A_1484 : vector<4x1x1xf32>
    %mul3A_1486 = arith.mulf %convert_element_type3A_1455, %convert_element_type3A_40 : vector<4x384x384xf32>
    %slice3A_1487 = vector.extract_strided_slice %mul3A_1486 {offsets = [0, 0, 0], sizes = [4, 384, 128], strides = [1, 1, 1]} : vector<4x384x384xf32> to vector<4x384x128xf32>
    %slice3A_1488 = vector.extract_strided_slice %mul3A_1486 {offsets = [0, 0, 128], sizes = [4, 384, 128], strides = [1, 1, 1]} : vector<4x384x384xf32> to vector<4x384x128xf32>
    %add3A_1489 = arith.addf %slice3A_1487, %slice3A_1488 : vector<4x384x128xf32>
    %slice3A_1490 = vector.extract_strided_slice %mul3A_1486 {offsets = [0, 0, 256], sizes = [4, 384, 128], strides = [1, 1, 1]} : vector<4x384x384xf32> to vector<4x384x128xf32>
    %add3A_1491 = arith.addf %add3A_1489, %slice3A_1490 : vector<4x384x128xf32>
    %slice3A_1492 = vector.extract_strided_slice %add3A_1491 {offsets = [0, 0, 0], sizes = [4, 192, 128], strides = [1, 1, 1]} : vector<4x384x128xf32> to vector<4x192x128xf32>
    %slice3A_1493 = vector.extract_strided_slice %add3A_1491 {offsets = [0, 192, 0], sizes = [4, 192, 128], strides = [1, 1, 1]} : vector<4x384x128xf32> to vector<4x192x128xf32>
    %add3A_1494 = arith.addf %slice3A_1492, %slice3A_1493 : vector<4x192x128xf32>
    %slice3A_1495 = vector.extract_strided_slice %add3A_1494 {offsets = [0, 0, 0], sizes = [4, 96, 128], strides = [1, 1, 1]} : vector<4x192x128xf32> to vector<4x96x128xf32>
    %slice3A_1496 = vector.extract_strided_slice %add3A_1494 {offsets = [0, 96, 0], sizes = [4, 96, 128], strides = [1, 1, 1]} : vector<4x192x128xf32> to vector<4x96x128xf32>
    %add3A_1497 = arith.addf %slice3A_1495, %slice3A_1496 : vector<4x96x128xf32>
    %slice3A_1498 = vector.extract_strided_slice %add3A_1497 {offsets = [0, 0, 0], sizes = [4, 48, 128], strides = [1, 1, 1]} : vector<4x96x128xf32> to vector<4x48x128xf32>
    %slice3A_1499 = vector.extract_strided_slice %add3A_1497 {offsets = [0, 48, 0], sizes = [4, 48, 128], strides = [1, 1, 1]} : vector<4x96x128xf32> to vector<4x48x128xf32>
    %add3A_1500 = arith.addf %slice3A_1498, %slice3A_1499 : vector<4x48x128xf32>
    %slice3A_1501 = vector.extract_strided_slice %add3A_1500 {offsets = [0, 0, 0], sizes = [4, 24, 128], strides = [1, 1, 1]} : vector<4x48x128xf32> to vector<4x24x128xf32>
    %slice3A_1502 = vector.extract_strided_slice %add3A_1500 {offsets = [0, 24, 0], sizes = [4, 24, 128], strides = [1, 1, 1]} : vector<4x48x128xf32> to vector<4x24x128xf32>
    %add3A_1503 = arith.addf %slice3A_1501, %slice3A_1502 : vector<4x24x128xf32>
    %slice3A_1504 = vector.extract_strided_slice %add3A_1503 {offsets = [0, 0, 0], sizes = [4, 8, 128], strides = [1, 1, 1]} : vector<4x24x128xf32> to vector<4x8x128xf32>
    %slice3A_1505 = vector.extract_strided_slice %add3A_1503 {offsets = [0, 8, 0], sizes = [4, 8, 128], strides = [1, 1, 1]} : vector<4x24x128xf32> to vector<4x8x128xf32>
    %add3A_1506 = arith.addf %slice3A_1504, %slice3A_1505 : vector<4x8x128xf32>
    %slice3A_1507 = vector.extract_strided_slice %add3A_1503 {offsets = [0, 16, 0], sizes = [4, 8, 128], strides = [1, 1, 1]} : vector<4x24x128xf32> to vector<4x8x128xf32>
    %add3A_1508 = arith.addf %add3A_1506, %slice3A_1507 : vector<4x8x128xf32>
    %reduce_sum3A_1509 = arith.constant dense<0.000000e+00> : vector<4xf32>
    %reduce_sum3A_1510 = vector.multi_reduction <add>, %add3A_1508, %reduce_sum3A_1509 [1, 2] : vector<4x8x128xf32> to vector<4xf32>
    %broadcast_in_dim3A_1511 = vector.shape_cast %reduce_sum3A_1510 : vector<4xf32> to vector<4x1x1xf32>
    %div3A_1512 = arith.divf %broadcast_in_dim3A_1511, %broadcast_in_dim3A_64 : vector<4x1x1xf32>
    %div3A_1513 = arith.constant 3.830000e+02 : f32
    %div3A_1514 = vector.broadcast %div3A_1513 : f32 to vector<4x1x1xf32>
    %div3A_1515 = arith.divf %div3A_1512, %div3A_1514 : vector<4x1x1xf32>
    %div3A_1516 = arith.constant 1.474560e+05 : f32
    %div3A_1517 = vector.broadcast %div3A_1516 : f32 to vector<4x1x1xf32>
    %div3A_1518 = arith.divf %broadcast_in_dim3A_64, %div3A_1517 : vector<4x1x1xf32>
    %reshape3A_1519 = vector.shape_cast %div3A : vector<4x1x1xf32> to vector<4x1xf32>
    %reshape3A_1520 = vector.shape_cast %sqrt3A : vector<4x1x1xf32> to vector<4x1xf32>
    %reshape3A_1521 = vector.shape_cast %broadcast_in_dim3A_222 : vector<4x1x1xf32> to vector<4x1xf32>
    %reshape3A_1522 = vector.shape_cast %broadcast_in_dim3A_250 : vector<4x1x1xf32> to vector<4x1xf32>
    %reshape3A_1523 = vector.shape_cast %select_n3A_516 : vector<4x1x1xf32> to vector<4x1xf32>
    %reshape3A_1524 = vector.shape_cast %select_n3A_610 : vector<4x1x1xf32> to vector<4x1xf32>
    %reshape3A_1525 = vector.shape_cast %select_n3A_704 : vector<4x1x1xf32> to vector<4x1xf32>
    %reshape3A_1526 = vector.shape_cast %div3A_278 : vector<4x1x1xf32> to vector<4x1xf32>
    %reshape3A_1527 = vector.shape_cast %select_n3A_1365 : vector<4x1x1xf32> to vector<4x1xf32>
    %reshape3A_1528 = vector.shape_cast %min3A_185 : vector<4x1x1xf32> to vector<4x1xf32>
    %reshape3A_1529 = vector.shape_cast %min3A_195 : vector<4x1x1xf32> to vector<4x1xf32>
    %reshape3A_1530 = vector.shape_cast %div3A_1518 : vector<4x1x1xf32> to vector<4x1xf32>
    %reshape3A_1531 = vector.shape_cast %div3A_1421 : vector<4x1x1xf32> to vector<4x1xf32>
    %reshape3A_1532 = vector.shape_cast %sqrt3A_1452 : vector<4x1x1xf32> to vector<4x1xf32>
    %reshape3A_1533 = vector.shape_cast %div3A_1485 : vector<4x1x1xf32> to vector<4x1xf32>
    %reshape3A_1534 = vector.shape_cast %div3A_1515 : vector<4x1x1xf32> to vector<4x1xf32>
    %reshape3A_1535 = vector.shape_cast %div3A_1518 : vector<4x1x1xf32> to vector<4x1xf32>
    %reshape3A_1536 = vector.shape_cast %div3A_305 : vector<4x1x1xf32> to vector<4x1xf32>
    %concatenate3A_1537 = tpu.concatenate %reshape3A_1519, %reshape3A_1520, %reshape3A_1521, %reshape3A_1522, %reshape3A_1523, %reshape3A_1524, %reshape3A_1525, %reshape3A_1526, %reshape3A_1527, %reshape3A_1528, %reshape3A_1529, %reshape3A_1530, %reshape3A_1531, %reshape3A_1532, %reshape3A_1533, %reshape3A_1534, %reshape3A_1535, %reshape3A_1536 in 1 : vector<4x1xf32>, vector<4x1xf32>, vector<4x1xf32>, vector<4x1xf32>, vector<4x1xf32>, vector<4x1xf32>, vector<4x1xf32>, vector<4x1xf32>, vector<4x1xf32>, vector<4x1xf32>, vector<4x1xf32>, vector<4x1xf32>, vector<4x1xf32>, vector<4x1xf32>, vector<4x1xf32>, vector<4x1xf32>, vector<4x1xf32>, vector<4x1xf32> -> vector<4x18xf32>
    %get3A_1538 = arith.constant 0 : index
    %get3A_1539 = arith.constant 0 : index
    %get3A_1540 = vector.load %arg3[%get3A_1538, %get3A_1539] : memref<18x256xf32, #tpu.memory_space<vmem>>, vector<18x256xf32>
    %dot_general3A = arith.constant dense<0.000000e+00> : vector<4x256xf32>
    %dot_general3A_1541 = tpu.matmul %concatenate3A_1537, %get3A_1540, %dot_general3A {dimension_numbers = #tpu.dot_dimension_numbers<[1], [0], [0], [1], [0, 0, 1, 1], [], []>, transpose_lhs_hint = false} : vector<4x18xf32>, vector<18x256xf32>, vector<4x256xf32> -> vector<4x256xf32>
    %get3A_1542 = arith.constant 0 : index
    %get3A_1543 = arith.constant 0 : index
    %get3A_1544 = vector.load %arg4[%get3A_1542, %get3A_1543] : memref<1x256xf32, #tpu.memory_space<vmem>>, vector<1x256xf32>
    %add3A_1545 = vector.broadcast %get3A_1544 : vector<1x256xf32> to vector<4x256xf32>
    %add3A_1546 = arith.addf %dot_general3A_1541, %add3A_1545 : vector<4x256xf32>
    %reduce_sum3A_1547 = arith.constant dense<0.000000e+00> : vector<4xf32>
    %reduce_sum3A_1548 = vector.multi_reduction <add>, %add3A_1546, %reduce_sum3A_1547 [1] : vector<4x256xf32> to vector<4xf32>
    %broadcast_in_dim3A_1549 = vector.shape_cast %reduce_sum3A_1548 : vector<4xf32> to vector<4x1xf32>
    %div3A_1550 = arith.constant 2.560000e+02 : f32
    %div3A_1551 = vector.broadcast %div3A_1550 : f32 to vector<4x1xf32>
    %div3A_1552 = arith.divf %broadcast_in_dim3A_1549, %div3A_1551 : vector<4x1xf32>
    %sub3A_1553 = vector.broadcast %div3A_1552 : vector<4x1xf32> to vector<4x256xf32>
    %sub3A_1554 = arith.subf %add3A_1546, %sub3A_1553 : vector<4x256xf32>
    %mul3A_1555 = arith.mulf %sub3A_1554, %sub3A_1554 : vector<4x256xf32>
    %reduce_sum3A_1556 = arith.constant dense<0.000000e+00> : vector<4xf32>
    %reduce_sum3A_1557 = vector.multi_reduction <add>, %mul3A_1555, %reduce_sum3A_1556 [1] : vector<4x256xf32> to vector<4xf32>
    %broadcast_in_dim3A_1558 = vector.shape_cast %reduce_sum3A_1557 : vector<4xf32> to vector<4x1xf32>
    %div3A_1559 = arith.constant 2.560000e+02 : f32
    %div3A_1560 = vector.broadcast %div3A_1559 : f32 to vector<4x1xf32>
    %div3A_1561 = arith.divf %broadcast_in_dim3A_1558, %div3A_1560 : vector<4x1xf32>
    %add3A_1562 = arith.constant 9.99999974E-6 : f32
    %add3A_1563 = vector.broadcast %add3A_1562 : f32 to vector<4x1xf32>
    %add3A_1564 = arith.addf %div3A_1561, %add3A_1563 : vector<4x1xf32>
    %rsqrt3A = math.rsqrt %add3A_1564 : vector<4x1xf32>
    %mul3A_1565 = vector.broadcast %rsqrt3A : vector<4x1xf32> to vector<4x256xf32>
    %mul3A_1566 = arith.mulf %sub3A_1554, %mul3A_1565 : vector<4x256xf32>
    %get3A_1567 = arith.constant 0 : index
    %get3A_1568 = arith.constant 0 : index
    %get3A_1569 = vector.load %arg5[%get3A_1567, %get3A_1568] : memref<1x256xf32, #tpu.memory_space<vmem>>, vector<1x256xf32>
    %mul3A_1570 = vector.broadcast %get3A_1569 : vector<1x256xf32> to vector<4x256xf32>
    %mul3A_1571 = arith.mulf %mul3A_1566, %mul3A_1570 : vector<4x256xf32>
    %get3A_1572 = arith.constant 0 : index
    %get3A_1573 = arith.constant 0 : index
    %get3A_1574 = vector.load %arg6[%get3A_1572, %get3A_1573] : memref<1x256xf32, #tpu.memory_space<vmem>>, vector<1x256xf32>
    %add3A_1575 = vector.broadcast %get3A_1574 : vector<1x256xf32> to vector<4x256xf32>
    %add3A_1576 = arith.addf %mul3A_1571, %add3A_1575 : vector<4x256xf32>
    %swap3A = arith.constant 0 : index
    %swap3A_1577 = arith.constant 0 : index
    %swap3A_1578 = arith.constant 0 : index
    %swap3A_1579 = vector.load %arg7[%swap3A, %swap3A_1577, %swap3A_1578] : memref<1x4x256xf32, #tpu.memory_space<vmem>>, vector<1x4x256xf32>
    %swap3A_1580 = vector.shape_cast %swap3A_1579 : vector<1x4x256xf32> to vector<4x256xf32>
    %swap3A_1581 = vector.shape_cast %add3A_1576 : vector<4x256xf32> to vector<1x4x256xf32>
    tpu.vector_store %arg7[%swap3A, %swap3A_1577, %swap3A_1578], %swap3A_1581 {strides = array<i32>} : memref<1x4x256xf32, #tpu.memory_space<vmem>>, vector<1x4x256xf32>,
    return
  }
  func.func @transform_0(%arg0: i32) -> (i32, i32, i32) {
    %c0_i32 = arith.constant 0 : i32
    %c0_i32_0 = arith.constant 0 : i32
    %c0_i32_1 = arith.constant 0 : i32
    return %arg0, %c0_i32, %c0_i32_0 : i32, i32, i32
  }
  func.func @transform_1(%arg0: i32) -> (i32, i32, i32) {
    %c0_i32 = arith.constant 0 : i32
    %c0_i32_0 = arith.constant 0 : i32
    %c0_i32_1 = arith.constant 0 : i32
    return %arg0, %c0_i32, %c0_i32_0 : i32, i32, i32
  }
  func.func @transform_2(%arg0: i32) -> (i32, i32) {
    %c0_i32 = arith.constant 0 : i32
    %c0_i32_0 = arith.constant 0 : i32
    %c0_i32_1 = arith.constant 0 : i32
    return %c0_i32, %c0_i32_0 : i32, i32
  }
  func.func @transform_3(%arg0: i32) -> (i32, i32) {
    %c0_i32 = arith.constant 0 : i32
    %c0_i32_0 = arith.constant 0 : i32
    %c0_i32_1 = arith.constant 0 : i32
    return %c0_i32, %c0_i32_0 : i32, i32
  }
  func.func @transform_4(%arg0: i32) -> (i32, i32) {
    %c0_i32 = arith.constant 0 : i32
    %c0_i32_0 = arith.constant 0 : i32
    %c0_i32_1 = arith.constant 0 : i32
    return %c0_i32, %c0_i32_0 : i32, i32
  }
  func.func @transform_5(%arg0: i32) -> (i32, i32) {
    %c0_i32 = arith.constant 0 : i32
    %c0_i32_0 = arith.constant 0 : i32
    %c0_i32_1 = arith.constant 0 : i32
    return %c0_i32, %c0_i32_0 : i32, i32
  }
  func.func @transform_6(%arg0: i32) -> (i32, i32, i32) {
    %c0_i32 = arith.constant 0 : i32
    %c0_i32_0 = arith.constant 0 : i32
    %c0_i32_1 = arith.constant 0 : i32
    return %arg0, %c0_i32, %c0_i32_0 : i32, i32, i32
  }
}

</mosaic_0001>

<sc_bundles>
// kernel: _run.4.cloned.1.call-start
scs
__scs_entry_jumppad:
0x0: {  	(pc) =	sbr.rel $0x88, $3  }
0x1: {  	(tag) =	ssettag $0x0;
	lr =	simm.s32 $0x1  }
0x2: {  	[smem:$0x3F9C] =	sst lr;
	_ =	strace $0xD0000000  }
0x3: {  	_ = 	snop  }
0x4: {  	_ = 	snop  }
0x5: {  	_ = 	snop  }
0x6: {  	_ = 	snop  }
0x7: {  	_ = 	snop  }
__scs_overlays_trampoline_lowered:
0x8: {  	[smem:$0x3FAB] =	sst s0  }
0x9: {  	[smem:$0x3FAC] =	sst s1  }
0xa: {  	[smem:$0x3FAD] =	sst s2  }
0xb: {  	[smem:$0x3FAE] =	sst s3  }
0xc: {  	[smem:$0x3FAF] =	sst s4  }
0xd: {  	[smem:$0x3FB0] =	sst s5  }
0xe: {  	[smem:$0x3FB1] =	sst s6  }
0xf: {  	[smem:$0x3FB2] =	sst s7  }
0x10: {  	[smem:$0x3FB3] =	sst s8  }
0x11: {  	[smem:$0x3FB4] =	sst s9;
	s0 =	simm.s32 @!p0 $0x0  }
0x12: {  	s1 =	sld [smem:$0x3F9A];
	s0 =	simm.s32 @p0 $0x1  }
0x13: {  	[smem:$0x3FB5] =	sst s0;
	s0 =	simm.s32 @!p1 $0x0  }
0x14: {  	s2 =	sld [smem:$0x3F99];
	s0 =	simm.s32 @p1 $0x1  }
0x15: {  	[smem:$0x3FB6] =	sst s0;
	s0 =	simm.s32 @!p2 $0x0  }
0x16: {  	s3 =	sld [smem:$0x3FDB];
	s0 =	simm.s32 @p2 $0x1  }
0x17: {  	s4 =	simm.s32 $0x1BF5;
	[smem:$0x3FB8] =	sst s0  }
0x18: {  	s0 =	sld [smem:$0x3F9B];
	_ =	swait.ge [sflag:s4], $0x0  }
0x19: {  	s7 =	sld [smem:$0x3F9C]  }
0x1a: {  	s8 =	sadd.s32 $0xFFFFE003, lr  }
0x1b: {  	s9 =	sadd.s32 $0xFFFFFEF7, lr;
	s5 =	simm.s32 $0xFFFFFFFF;
	p2 =	slt.u32 s8, $0xFFFFF086  }
0x1c: {  	p1 =	slt.u32 s9, $0xF7A;
	s5 =	simm.s32 @!p2 $0x0  }
0x1d: {  	s5 =	simm.s32 @p1 $0x1;
	p0 =	seq.s32 s7, s2  }
0x1e: {  	s7 =	smul.u32 @!p0 $0xF7A, s2;
	p2 =	seq.s32 @!p0 s5, $0x0  }
0x1f: {  	s9 =	smul.u32 $0xF7A, s1;
	s8 =	simm.s32 @!p0 $0x1BF5;
	p2 =	por !p2, p0  }
0x20: {  	[sflag:s8] =	ssyncset.s32 @!p0 $0xFFFFF086;
	s6 =	sadd.s32 @!p0 s3, s7;
	s7 =	simm.s32 @!p0 $0x108  }
0x21: {  	s3 =	sadd.s32 s3, s9;
	s6 =	sadd.s32 @!p0 $0x88, s6;
	s7 =	simm.s32 @p2 $0x1082  }
0x22: {  	[simem:s7], [sflag:s8] =	dma.local @!p0 [hbm:s6], $0xF7A  }
0x23: {  	s9 =	sor.u32 $0xD0000000, s2;
	s6 =	simm.s32 $0x108;
	_ =	swait.ge @!p0 [sflag:s8], $0x0  }
0x24: {  	s3 =	sadd.s32 $0x88, s3;
	s6 =	simm.s32 @!p1 $0x1082;
	[sflag:s4] =	ssyncset.s32 $0xFFFFF086  }
0x25: {  	[simem:s6], [sflag:s4] =	dma.local [hbm:s3], $0xF7A  }
0x26: {  	[smem:$0x3F9C] =	sst s1;
	(tag) =	ssettag s2;
	_ =	strace s9  }
0x27: {  	s1 =	sld [smem:$0x3FAC]  }
0x28: {  	s2 =	sld [smem:$0x3FAD]  }
0x29: {  	s4 =	sld [smem:$0x3FAF]  }
0x2a: {  	p0 =	seq.s32 s5, $0x0;
	s5 =	sld [smem:$0x3FB0]  }
0x2b: {  	s6 =	sld [smem:$0x3FB1]  }
0x2c: {  	s7 =	sld [smem:$0x3FB2]  }
0x2d: {  	s3 =	simm.s32 $0x108;
	s8 =	sld [smem:$0x3FB3]  }
0x2e: {  	s3 =	simm.s32 @!p0 $0x1082;
	s9 =	sld [smem:$0x3FB4]  }
0x2f: {  	lr =	sadd.s32 s0, s3;
	s0 =	sld [smem:$0x3FAB]  }
0x30: {  	s3 =	sld [smem:$0x3FAE]  }
0x31: {  	[smem:$0x3FB7] =	sst s10  }
0x32: {  	s10 =	sld [smem:$0x3FB5];
	_ =	sdelay $0x3  }
0x33: {  	p0 =	seq.s32 s10, $0x1;
	s10 =	sld [smem:$0x3FB7];
	_ =	sdelay $0x3  }
0x34: {  	[smem:$0x3FB7] =	sst s10  }
0x35: {  	s10 =	sld [smem:$0x3FB6];
	_ =	sdelay $0x3  }
0x36: {  	p1 =	seq.s32 s10, $0x1;
	s10 =	sld [smem:$0x3FB7];
	_ =	sdelay $0x3  }
0x37: {  	[smem:$0x3FB7] =	sst s10  }
0x38: {  	s10 =	sld [smem:$0x3FB8]  }
0x39: {  	_ = 	snop;
	(pc) =	sbr.ind lr, $3  }
0x3a: {  	_ = 	snop  }
0x3b: {  	_ = 	snop  }
0x3c: {  	p2 =	seq.s32 s10, $0x1;
	s10 =	sld [smem:$0x3FB7]  }
0x3d: {  	_ =	shalt  }
0x3e: {  	_ =	shalt  }
0x3f: {  	_ =	shalt  }
0x40: {  	_ =	shalt  }
0x41: {  	_ =	shalt  }
0x42: {  	_ =	shalt  }
0x43: {  	_ =	shalt  }
0x44: {  	_ =	shalt  }
0x45: {  	_ =	shalt  }
0x46: {  	_ =	shalt  }
0x47: {  	_ =	shalt  }
0x48: {  	_ =	shalt  }
0x49: {  	_ =	shalt  }
0x4a: {  	_ =	shalt  }
0x4b: {  	_ =	shalt  }
0x4c: {  	_ =	shalt  }
0x4d: {  	_ =	shalt  }
0x4e: {  	_ =	shalt  }
0x4f: {  	_ =	shalt  }
0x50: {  	_ =	shalt  }
0x51: {  	_ =	shalt  }
0x52: {  	_ =	shalt  }
0x53: {  	_ =	shalt  }
0x54: {  	_ =	shalt  }
0x55: {  	_ =	shalt  }
0x56: {  	_ =	shalt  }
0x57: {  	_ =	shalt  }
0x58: {  	_ =	shalt  }
0x59: {  	_ =	shalt  }
0x5a: {  	_ =	shalt  }
0x5b: {  	_ =	shalt  }
0x5c: {  	_ =	shalt  }
0x5d: {  	_ =	shalt  }
0x5e: {  	_ =	shalt  }
0x5f: {  	_ =	shalt  }
0x60: {  	_ =	shalt  }
0x61: {  	_ =	shalt  }
0x62: {  	_ =	shalt  }
0x63: {  	_ =	shalt  }
0x64: {  	_ =	shalt  }
0x65: {  	_ =	shalt  }
0x66: {  	_ =	shalt  }
0x67: {  	_ =	shalt  }
0x68: {  	_ =	shalt  }
0x69: {  	_ =	shalt  }
0x6a: {  	_ =	shalt  }
0x6b: {  	_ =	shalt  }
0x6c: {  	_ =	shalt  }
0x6d: {  	_ =	shalt  }
0x6e: {  	_ =	shalt  }
0x6f: {  	_ =	shalt  }
0x70: {  	_ =	shalt  }
0x71: {  	_ =	shalt  }
0x72: {  	_ =	shalt  }
0x73: {  	_ =	shalt  }
0x74: {  	_ =	shalt  }
0x75: {  	_ =	shalt  }
0x76: {  	_ =	shalt  }
0x77: {  	_ =	shalt  }
0x78: {  	_ =	shalt  }
0x79: {  	_ =	shalt  }
0x7a: {  	_ =	shalt  }
0x7b: {  	_ =	shalt  }
0x7c: {  	_ =	shalt  }
0x7d: {  	_ =	shalt  }
0x7e: {  	_ =	shalt  }
0x7f: {  	_ =	shalt  }
0x80: {  	_ =	shalt  }
0x81: {  	_ =	shalt  }
0x82: {  	_ =	shalt  }
0x83: {  	_ =	shalt  }
0x84: {  	_ =	shalt  }
0x85: {  	_ =	shalt  }
0x86: {  	_ =	shalt  }
0x87: {  	_ =	shalt  }
.Lfunc_end0:
.L_simem_size_0:
called_computation_lowered:
.L_overlay_start_0:
0x88: {  	s2 =	sld [smem:$0x3FD9]  }
0x89: {  	s3 =	sld [smem:$0x3FFE];
	_ =	sdelay $0x1  }
0x8a: {  	s1 =	srdreg.scid  }
0x8b: {  	s0 =	sand.u32 $0x1, s1  }
0x8c: {  	s16 =	sshll.u32 s0, $0xA;
	s2 =	sadd.s32 s3, s2  }
0x8d: {  	s2 =	sadd.s32 s2, s16  }
0x8e: {  	[smem:$0x3FC3] =	sst s2  }
0x8f: {  	_ = 	snop  }
0x90: {  	(tm) =	ssettm $0x1  }
0x91: {  	s17 =	sld [smem:$0x3FFB];
	_ =	sdelay $0x3  }
0x92: {  	_ =	strace s17  }
0x93: {  	s2 =	sld [smem:$0x3FFC];
	_ =	sdelay $0x3  }
0x94: {  	_ =	strace s2  }
0x95: {  	s2 =	sld [smem:$0x3FFD];
	_ =	sdelay $0x3  }
0x96: {  	_ =	strace s2  }
0x97: {  	_ =	strace $0x8FFFFFFF  }
0x98: {  	s18 =	sld [smem:$0x3FDB];
	_ =	sdelay $0x1  }
0x99: {  	s19 =	simm.s32 $_scs_section_size  }
0x9a: {  	s4 =	simm.s32 $_size__tile_overlayer_lowered;
	s5 =	simm.s32 $_tile_overlayer_lowered  }
0x9b: {  	s22 =	simm.s32 $0x1BFF;
	s21 =	sshll.u32 s5, $0x1;
	s2 =	sadd.s32 s19, s18  }
0x9c: {  	s6 =	simm.s32 $0x0;
	s20 =	sshll.u32 s4, $0x1;
	s4 =	sadd.s32 s21, s2  }
0x9d: {  	[timem:s6], [sflag:s22] =	dma.local [hbm:s4], s20  }
0x9e: {  	_ =	swait.ge [sflag:s22], s20  }
0x9f: {  	s3 =	ssub.s32 $0x0, s20;
	[sflag:s22] =	ssyncset.done $0x0  }
0xa0: {  	[sflag:s22] =	ssyncadd.s32 s3;
	_ =	sdelay $0x1  }
0xa1: {  	s23 =	simm.s32 $0x1B8B  }
0xa2: {  	_ =	swait.ge [sflag:s23], $0x1  }
0xa3: {  	[sflag:s23] =	ssyncset.done $0x0  }
0xa4: {  	s25 =	simm.s32 $0x1B8E;
	s24 =	sld [smem:$0x3FFE];
	[sflag:s23] =	ssyncadd.s32 $0xFFFFFFFF  }
0xa5: {  	s26 =	simm.s32 $execute0_lowered;
	[smem:$0x3FD2] =	sst s25  }
0xa6: {  	s4 =	sshll.u32 s26, $0x1;
	_ =	strace $0x80000046;
	[dreg:$0x1] =	wrdreg $0xFFFFFFFF  }
0xa7: {  	s28 =	simm.s32 $_size_execute0_lowered;
	s2 =	sadd.s32 s2, s4;
	[dreg:$0x0] =	wrdreg $0x0  }
0xa8: {  	s4 =	sshll.u32 s28, $0x1;
	[dreg:$0x2] =	wrdreg s2  }
0xa9: {  	[dreg:$0x3] =	wrdreg s4  }
0xaa: {  	[dreg:$0x4] =	wrdreg $0xC0  }
0xab: {  	_ =	task [dreg:s6], $0x5FFFF  }
0xac: {  	[dreg:$0x1] =	wrdreg $0xFFFFFFFF  }
0xad: {  	[dreg:$0x0] =	wrdreg $0x60  }
0xae: {  	[dreg:$0x2] =	wrdreg s24  }
0xaf: {  	[dreg:$0x3] =	wrdreg $0x9  }
0xb0: {  	_ =	task.clear_ibuf [dreg:s6], $0x4FFFF;
	_ =	strace $0x90000046  }
0xb1: {  	s29 =	simm.s32 $0x9;
	_ =	strace $0x80000048  }
0xb2: {  	_ =	swait.ge [sflag:s29], $0x1  }
0xb3: {  	[sflag:s29] =	ssyncadd.s32 $0xFFFFFFFF  }
0xb4: {  	_ =	strace $0x90000048  }
0xb5: {  	_ =	sfence  }
0xb6: {  	s30 =	sld [smem:$0x0];
	_ =	sdelay $0x2  }
0xb7: {  	s31 =	sshll.u32 s1, $0xD;
	s1 =	sshrl.u32 s1, $0x2  }
0xb8: {  	s3 =	sand.u32 $0x4000, s31;
	s1 =	sadd.s32 s1, s30  }
0xb9: {  	s0 =	sor.u32 s3, s0;
	s1 =	sshll.u32 s1, $0x11  }
0xba: {  	s0 =	sor.u32 s1, s0  }
0xbb: {  	s0 =	sadd.s32 $0x8F2B, s0  }
0xbc: {  	[sflag:s0] =	ssyncadd.remote.s32 $0x1  }
0xbd: {  	_ =	sfence.sel $0xFFFF  }
0xbe: {  	[dreg:$0x0] =	wrdreg $0xFFFFFFFF;
	(pc) =	sbr.abs _section_cstart, $3  }
0xbf: {  	[dreg:$0x1] =	wrdreg $0xFFFFFFFF  }
0xc0: {  	_ =	task.clear_ibuf [dreg:s6], $0x2FFFF;
	_ =	strace $0x9FFFFFFF  }
0xc1: {  	(tm) =	ssettm $0x7FFFFFFF  }
tec
execute0_lowered:
.L_overlay_start_1:
0x0: {  	(tag) =	ssettag $0x1  }
0x1: {  	s5 =	rddreg [dreg:$0x0]  }
0x2: {  	s0 =	rddreg [dreg:$0x1]  }
0x3: {  	s1 =	simm.s32 $0x0;
	s2 =	srdreg.scid;
	s8 =	simm.s32 $0x1  }
0x4: {  	s9 =	simm.s32 $0x2;
	s10 =	simm.s32 $0x18000;
	s3 =	sand.u32 $0x1, s2  }
0x5: {  	v0 =	vlaneseq.u32;
	s11 =	simm.s32 $0x3;
	s12 =	simm.s32 $0x0;
	s6 =	ssub.s32 $0x2, s3  }
0x6: {  	[smem:$0x7FF] =	sst s1;
	s4 =	sadd.s32 $0xC00, s5;
	v1 =	vmul.u32 $0x1000, v0;
	s7 =	sshrl.u32 s6, $0x1  }
0x7: {  	s2 =	stileid.u32;
	s5 =	sadd.s32 $0x1B0C00, s5;
	s7 =	ssub.s32 s6, s7  }
0x8: {  	v2 =	vimm.f32 $1.000000000e+00;
	v0 =	vimm.f32 $0.0e+00;
	_ =	strace $0x80000047;
	v1 =	vor.u32 $0x800, v1;
	s6 =	sshll.u32 s2, $0x1;
	s7 =	smax.u32 s7, $0x1  }
.LBB2_1:
0x9: {  	s13 =	simm.s32 $0x0  }
.LBB2_2:
0xa: {  	s16 =	simm.s32 $0x0;
	s14 =	simm.s32 $0x200  }
.LBB2_3:
0xb: {  	p0 =	sne.s32 s14, $0x3FE00;
	[tilespmem:s16+$0x70] =	vst v0  }
0xc: {  	[tilespmem:s16+$0x0] =	vst v0  }
0xd: {  	[tilespmem:s16+$0x10] =	vst v0  }
.Ltmp0:
0xe: {  	[tilespmem:s16+$0x20] =	vst v0;
	(pc) =	sbr.rel @p0 .LBB2_3-.Ltmp0, $4  }
0xf: {  	[tilespmem:s16+$0x30] =	vst v0  }
0x10: {  	[tilespmem:s16+$0x40] =	vst v0  }
0x11: {  	[tilespmem:s16+$0x50] =	vst v0  }
0x12: {  	[tilespmem:s16+$0x60] =	vst v0;
	s16 =	sshra.s32 s14, $0x2;
	s14 =	sadd.s32 $0x200, s14  }
0x13: {  	[tilespmem:s16+$0x70] =	vst v0;
	s14 =	sshll.u32 s13, $0x5  }
0x14: {  	[tilespmem:s16+$0x0] =	vst v0;
	s14 =	sor.u32 s14, s6  }
0x15: {  	[tilespmem:s16+$0x10] =	vst v0;
	s14 =	sor.u32 s3, s14  }
0x16: {  	[tilespmem:s16+$0x20] =	vst v0;
	s15 =	smul.u32 $0x24000, s14  }
0x17: {  	[tilespmem:s16+$0x30] =	vst v0  }
0x18: {  	[tilespmem:s16+$0x40] =	vst v0;
	s15 =	sshrl.u32 s15, $0x3  }
0x19: {  	[tilespmem:s16+$0x50] =	vst v0;
	s17 =	simm.s32 $0x10000;
	s15 =	sadd.s32 s4, s15  }
0x1a: {  	[tilespmem:s16+$0x60] =	vst v0;
	s16 =	simm.s32 $0x10;
	s18 =	simm.s32 $0x10100;
	s19 =	sadd.s32 $0x0, s15  }
.LBB2_5:
0x1b: {  	[tilespmem:s17], [sflag:$0x1] =	stream.linear.gather [hbm4b:s19+s1], $0x80, $0x38;
	[tilespmem:$0x19000] =	vst v63  }
0x1c: {  	s19 =	smov.u32 s16;
	s17 =	smov.u32 s18;
	p0 =	sne.s32 s16, $0x7F0  }
.Ltmp1:
0x1d: {  	s16 =	sadd.s32 $0x10, s16;
	(pc) =	sbr.rel @p0 .LBB2_5-.Ltmp1, $2  }
0x1e: {  	_ =	sdelay $0x2  }
0x1f: {  	s18 =	sadd.s32 $0x100, s18;
	s19 =	sadd.s32 s19, s15  }
0x20: {  	[tilespmem:s17], [sflag:$0x1] =	stream.linear.gather [hbm4b:s19+s1], $0x80, $0x38;
	[tilespmem:$0x19000] =	vst v63  }
0x21: {  	s16 =	sadd.s32 $0x800, s15;
	s17 =	simm.s32 $0x10080  }
0x22: {  	s18 =	simm.s32 $0x10;
	s19 =	simm.s32 $0x10180;
	s20 =	sadd.s32 $0x0, s16  }
.LBB2_7:
0x23: {  	[tilespmem:s17], [sflag:$0x2] =	stream.linear.gather [hbm4b:s20+s1], $0x80, $0x38;
	[tilespmem:$0x19000] =	vst v63  }
0x24: {  	s20 =	smov.u32 s18;
	s17 =	smov.u32 s19;
	p0 =	sne.s32 s18, $0x7F0  }
.Ltmp2:
0x25: {  	s18 =	sadd.s32 $0x10, s18;
	(pc) =	sbr.rel @p0 .LBB2_7-.Ltmp2, $2  }
0x26: {  	_ =	sdelay $0x2  }
0x27: {  	s19 =	sadd.s32 $0x100, s19;
	s20 =	sadd.s32 s20, s16  }
0x28: {  	[tilespmem:s17], [sflag:$0x2] =	stream.linear.gather [hbm4b:s20+s1], $0x80, $0x38;
	[tilespmem:$0x19000] =	vst v63  }
0x29: {  	_ =	swait.ge [sflag:s8], $0x4000  }
0x2a: {  	[sflag:s8] =	ssyncset.done $0x0  }
0x2b: {  	s16 =	simm.s32 $0x0;
	[sflag:s8] =	ssyncadd.s32 $0xFFFFC000  }
.LBB2_9:
0x2c: {  	s17 =	sshra.s32 s16, $0x2  }
0x2d: {  	v3 =	vld [tilespmem:s17+$0x10000];
	_ =	sdelay $0x4  }
0x2e: {  	v4 =	vshra.s32 v3, $0x1F  }
0x2f: {  	v4 =	vand.u32 $0x7FF00000, v4  }
0x30: {  	v3 =	vxor.u32 v3, v4  }
0x31: {  	v3 =	vshra.s32 v3, $0x14  }
0x32: {  	v3 =	vadd.s32 v1, v3;
	_ =	sdelay $0x4  }
0x33: {  	[tilespmem:v3+s1+$0x0] =	vst.idx.add.f32.msk $0xffff, v2  }
0x34: {  	v3 =	vld [tilespmem:s17+$0x10010];
	_ =	sdelay $0x4  }
0x35: {  	v57 =	vshra.s32 v3, $0x1F  }
0x36: {  	v4 =	vand.u32 $0x7FF00000, v57  }
0x37: {  	v3 =	vxor.u32 v3, v4  }
0x38: {  	v3 =	vshra.s32 v3, $0x14  }
0x39: {  	v3 =	vadd.s32 v1, v3;
	_ =	sdelay $0x4  }
0x3a: {  	[tilespmem:v3+s1+$0x0] =	vst.idx.add.f32.msk $0xffff, v2  }
0x3b: {  	v3 =	vld [tilespmem:s17+$0x10020];
	_ =	sdelay $0x4  }
0x3c: {  	v58 =	vshra.s32 v3, $0x1F  }
0x3d: {  	v4 =	vand.u32 $0x7FF00000, v58  }
0x3e: {  	v3 =	vxor.u32 v3, v4  }
0x3f: {  	v3 =	vshra.s32 v3, $0x14  }
0x40: {  	v3 =	vadd.s32 v1, v3;
	_ =	sdelay $0x4  }
0x41: {  	[tilespmem:v3+s1+$0x0] =	vst.idx.add.f32.msk $0xffff, v2  }
0x42: {  	v3 =	vld [tilespmem:s17+$0x10030];
	_ =	sdelay $0x4  }
0x43: {  	v59 =	vshra.s32 v3, $0x1F  }
0x44: {  	v4 =	vand.u32 $0x7FF00000, v59  }
0x45: {  	v3 =	vxor.u32 v3, v4  }
0x46: {  	v3 =	vshra.s32 v3, $0x14  }
0x47: {  	v3 =	vadd.s32 v1, v3;
	_ =	sdelay $0x4  }
0x48: {  	[tilespmem:v3+s1+$0x0] =	vst.idx.add.f32.msk $0xffff, v2  }
0x49: {  	v3 =	vld [tilespmem:s17+$0x10040];
	_ =	sdelay $0x4  }
0x4a: {  	v60 =	vshra.s32 v3, $0x1F  }
0x4b: {  	v4 =	vand.u32 $0x7FF00000, v60  }
0x4c: {  	v3 =	vxor.u32 v3, v4  }
0x4d: {  	v3 =	vshra.s32 v3, $0x14  }
0x4e: {  	v3 =	vadd.s32 v1, v3;
	_ =	sdelay $0x4  }
0x4f: {  	[tilespmem:v3+s1+$0x0] =	vst.idx.add.f32.msk $0xffff, v2  }
0x50: {  	v3 =	vld [tilespmem:s17+$0x10050];
	_ =	sdelay $0x4  }
0x51: {  	v61 =	vshra.s32 v3, $0x1F  }
0x52: {  	v4 =	vand.u32 $0x7FF00000, v61  }
0x53: {  	v3 =	vxor.u32 v3, v4  }
0x54: {  	v3 =	vshra.s32 v3, $0x14  }
0x55: {  	v3 =	vadd.s32 v1, v3;
	_ =	sdelay $0x4  }
0x56: {  	[tilespmem:v3+s1+$0x0] =	vst.idx.add.f32.msk $0xffff, v2  }
0x57: {  	v3 =	vld [tilespmem:s17+$0x10060];
	_ =	sdelay $0x4  }
0x58: {  	v62 =	vshra.s32 v3, $0x1F  }
0x59: {  	v4 =	vand.u32 $0x7FF00000, v62  }
0x5a: {  	v3 =	vxor.u32 v3, v4  }
0x5b: {  	v3 =	vshra.s32 v3, $0x14  }
0x5c: {  	v3 =	vadd.s32 v1, v3;
	_ =	sdelay $0x4  }
0x5d: {  	[tilespmem:v3+s1+$0x0] =	vst.idx.add.f32.msk $0xffff, v2  }
0x5e: {  	v3 =	vld [tilespmem:s17+$0x10070];
	_ =	sdelay $0x4  }
0x5f: {  	v63 =	vshra.s32 v3, $0x1F  }
0x60: {  	v4 =	vand.u32 $0x7FF00000, v63  }
0x61: {  	v3 =	vxor.u32 v3, v4  }
0x62: {  	v3 =	vshra.s32 v3, $0x14  }
0x63: {  	p0 =	sne.s32 s16, $0x1FC00;
	v3 =	vadd.s32 v1, v3  }
.Ltmp3:
0x64: {  	_ = 	snop;
	(pc) =	sbr.rel @p0 .LBB2_9-.Ltmp3, $2  }
0x65: {  	_ =	sdelay $0x2  }
0x66: {  	s16 =	sadd.s32 $0x400, s16;
	[tilespmem:v3+s1+$0x0] =	vst.idx.add.f32.msk $0xffff, v2  }
0x67: {  	s16 =	sadd.s32 $0x1000, s15;
	s17 =	simm.s32 $0x10000  }
0x68: {  	s18 =	simm.s32 $0x10;
	s19 =	simm.s32 $0x10100;
	s20 =	sadd.s32 $0x0, s16  }
.LBB2_11:
0x69: {  	[tilespmem:s17], [sflag:$0x1] =	stream.linear.gather [hbm4b:s20+s1], $0x80, $0x38;
	[tilespmem:$0x19000] =	vst v63  }
0x6a: {  	s20 =	smov.u32 s18;
	s17 =	smov.u32 s19;
	p0 =	sne.s32 s18, $0x7F0  }
.Ltmp4:
0x6b: {  	s18 =	sadd.s32 $0x10, s18;
	(pc) =	sbr.rel @p0 .LBB2_11-.Ltmp4, $2  }
0x6c: {  	_ =	sdelay $0x2  }
0x6d: {  	s19 =	sadd.s32 $0x100, s19;
	s20 =	sadd.s32 s20, s16  }
0x6e: {  	[tilespmem:s17], [sflag:$0x1] =	stream.linear.gather [hbm4b:s20+s1], $0x80, $0x38;
	[tilespmem:$0x19000] =	vst v63  }
0x6f: {  	_ =	swait.ge [sflag:s9], $0x4000  }
0x70: {  	[sflag:s9] =	ssyncset.done $0x0  }
0x71: {  	s16 =	simm.s32 $0x0;
	[sflag:s9] =	ssyncadd.s32 $0xFFFFC000  }
.LBB2_13:
0x72: {  	s17 =	sshra.s32 s16, $0x2  }
0x73: {  	v3 =	vld [tilespmem:s17+$0x10080];
	_ =	sdelay $0x4  }
0x74: {  	v4 =	vshra.s32 v3, $0x1F  }
0x75: {  	v4 =	vand.u32 $0x7FF00000, v4  }
0x76: {  	v3 =	vxor.u32 v3, v4  }
0x77: {  	v3 =	vshra.s32 v3, $0x14  }
0x78: {  	v3 =	vadd.s32 v1, v3;
	_ =	sdelay $0x4  }
0x79: {  	[tilespmem:v3+s1+$0x0] =	vst.idx.add.f32.msk $0xffff, v2  }
0x7a: {  	v3 =	vld [tilespmem:s17+$0x10090];
	_ =	sdelay $0x4  }
0x7b: {  	v57 =	vshra.s32 v3, $0x1F  }
0x7c: {  	v4 =	vand.u32 $0x7FF00000, v57  }
0x7d: {  	v3 =	vxor.u32 v3, v4  }
0x7e: {  	v3 =	vshra.s32 v3, $0x14  }
0x7f: {  	v3 =	vadd.s32 v1, v3;
	_ =	sdelay $0x4  }
0x80: {  	[tilespmem:v3+s1+$0x0] =	vst.idx.add.f32.msk $0xffff, v2  }
0x81: {  	v3 =	vld [tilespmem:s17+$0x100A0];
	_ =	sdelay $0x4  }
0x82: {  	v58 =	vshra.s32 v3, $0x1F  }
0x83: {  	v4 =	vand.u32 $0x7FF00000, v58  }
0x84: {  	v3 =	vxor.u32 v3, v4  }
0x85: {  	v3 =	vshra.s32 v3, $0x14  }
0x86: {  	v3 =	vadd.s32 v1, v3;
	_ =	sdelay $0x4  }
0x87: {  	[tilespmem:v3+s1+$0x0] =	vst.idx.add.f32.msk $0xffff, v2  }
0x88: {  	v3 =	vld [tilespmem:s17+$0x100B0];
	_ =	sdelay $0x4  }
0x89: {  	v59 =	vshra.s32 v3, $0x1F  }
0x8a: {  	v4 =	vand.u32 $0x7FF00000, v59  }
0x8b: {  	v3 =	vxor.u32 v3, v4  }
0x8c: {  	v3 =	vshra.s32 v3, $0x14  }
0x8d: {  	v3 =	vadd.s32 v1, v3;
	_ =	sdelay $0x4  }
0x8e: {  	[tilespmem:v3+s1+$0x0] =	vst.idx.add.f32.msk $0xffff, v2  }
0x8f: {  	v3 =	vld [tilespmem:s17+$0x100C0];
	_ =	sdelay $0x4  }
0x90: {  	v60 =	vshra.s32 v3, $0x1F  }
0x91: {  	v4 =	vand.u32 $0x7FF00000, v60  }
0x92: {  	v3 =	vxor.u32 v3, v4  }
0x93: {  	v3 =	vshra.s32 v3, $0x14  }
0x94: {  	v3 =	vadd.s32 v1, v3;
	_ =	sdelay $0x4  }
0x95: {  	[tilespmem:v3+s1+$0x0] =	vst.idx.add.f32.msk $0xffff, v2  }
0x96: {  	v3 =	vld [tilespmem:s17+$0x100D0];
	_ =	sdelay $0x4  }
0x97: {  	v61 =	vshra.s32 v3, $0x1F  }
0x98: {  	v4 =	vand.u32 $0x7FF00000, v61  }
0x99: {  	v3 =	vxor.u32 v3, v4  }
0x9a: {  	v3 =	vshra.s32 v3, $0x14  }
0x9b: {  	v3 =	vadd.s32 v1, v3;
	_ =	sdelay $0x4  }
0x9c: {  	[tilespmem:v3+s1+$0x0] =	vst.idx.add.f32.msk $0xffff, v2  }
0x9d: {  	v3 =	vld [tilespmem:s17+$0x100E0];
	_ =	sdelay $0x4  }
0x9e: {  	v62 =	vshra.s32 v3, $0x1F  }
0x9f: {  	v4 =	vand.u32 $0x7FF00000, v62  }
0xa0: {  	v3 =	vxor.u32 v3, v4  }
0xa1: {  	v3 =	vshra.s32 v3, $0x14  }
0xa2: {  	v3 =	vadd.s32 v1, v3;
	_ =	sdelay $0x4  }
0xa3: {  	[tilespmem:v3+s1+$0x0] =	vst.idx.add.f32.msk $0xffff, v2  }
0xa4: {  	v3 =	vld [tilespmem:s17+$0x100F0];
	_ =	sdelay $0x4  }
0xa5: {  	v63 =	vshra.s32 v3, $0x1F  }
0xa6: {  	v4 =	vand.u32 $0x7FF00000, v63  }
0xa7: {  	v3 =	vxor.u32 v3, v4  }
0xa8: {  	v3 =	vshra.s32 v3, $0x14  }
0xa9: {  	p0 =	sne.s32 s16, $0x1FC00;
	v3 =	vadd.s32 v1, v3  }
.Ltmp5:
0xaa: {  	_ = 	snop;
	(pc) =	sbr.rel @p0 .LBB2_13-.Ltmp5, $2  }
0xab: {  	_ =	sdelay $0x2  }
0xac: {  	s16 =	sadd.s32 $0x400, s16;
	[tilespmem:v3+s1+$0x0] =	vst.idx.add.f32.msk $0xffff, v2  }
0xad: {  	s16 =	sadd.s32 $0x1800, s15;
	s17 =	simm.s32 $0x10080  }
0xae: {  	s18 =	simm.s32 $0x10;
	s19 =	simm.s32 $0x10180;
	s20 =	sadd.s32 $0x0, s16  }
.LBB2_15:
0xaf: {  	[tilespmem:s17], [sflag:$0x2] =	stream.linear.gather [hbm4b:s20+s1], $0x80, $0x38;
	[tilespmem:$0x19000] =	vst v63  }
0xb0: {  	s20 =	smov.u32 s18;
	s17 =	smov.u32 s19;
	p0 =	sne.s32 s18, $0x7F0  }
.Ltmp6:
0xb1: {  	s18 =	sadd.s32 $0x10, s18;
	(pc) =	sbr.rel @p0 .LBB2_15-.Ltmp6, $2  }
0xb2: {  	_ =	sdelay $0x2  }
0xb3: {  	s19 =	sadd.s32 $0x100, s19;
	s20 =	sadd.s32 s20, s16  }
0xb4: {  	[tilespmem:s17], [sflag:$0x2] =	stream.linear.gather [hbm4b:s20+s1], $0x80, $0x38;
	[tilespmem:$0x19000] =	vst v63  }
0xb5: {  	_ =	swait.ge [sflag:s8], $0x4000  }
0xb6: {  	[sflag:s8] =	ssyncset.done $0x0  }
0xb7: {  	s16 =	simm.s32 $0x0;
	[sflag:s8] =	ssyncadd.s32 $0xFFFFC000  }
.LBB2_17:
0xb8: {  	s17 =	sshra.s32 s16, $0x2  }
0xb9: {  	v3 =	vld [tilespmem:s17+$0x10000];
	_ =	sdelay $0x4  }
0xba: {  	v4 =	vshra.s32 v3, $0x1F  }
0xbb: {  	v4 =	vand.u32 $0x7FF00000, v4  }
0xbc: {  	v3 =	vxor.u32 v3, v4  }
0xbd: {  	v3 =	vshra.s32 v3, $0x14  }
0xbe: {  	v3 =	vadd.s32 v1, v3;
	_ =	sdelay $0x4  }
0xbf: {  	[tilespmem:v3+s1+$0x0] =	vst.idx.add.f32.msk $0xffff, v2  }
0xc0: {  	v3 =	vld [tilespmem:s17+$0x10010];
	_ =	sdelay $0x4  }
0xc1: {  	v57 =	vshra.s32 v3, $0x1F  }
0xc2: {  	v4 =	vand.u32 $0x7FF00000, v57  }
0xc3: {  	v3 =	vxor.u32 v3, v4  }
0xc4: {  	v3 =	vshra.s32 v3, $0x14  }
0xc5: {  	v3 =	vadd.s32 v1, v3;
	_ =	sdelay $0x4  }
0xc6: {  	[tilespmem:v3+s1+$0x0] =	vst.idx.add.f32.msk $0xffff, v2  }
0xc7: {  	v3 =	vld [tilespmem:s17+$0x10020];
	_ =	sdelay $0x4  }
0xc8: {  	v58 =	vshra.s32 v3, $0x1F  }
0xc9: {  	v4 =	vand.u32 $0x7FF00000, v58  }
0xca: {  	v3 =	vxor.u32 v3, v4  }
0xcb: {  	v3 =	vshra.s32 v3, $0x14  }
0xcc: {  	v3 =	vadd.s32 v1, v3;
	_ =	sdelay $0x4  }
0xcd: {  	[tilespmem:v3+s1+$0x0] =	vst.idx.add.f32.msk $0xffff, v2  }
0xce: {  	v3 =	vld [tilespmem:s17+$0x10030];
	_ =	sdelay $0x4  }
0xcf: {  	v59 =	vshra.s32 v3, $0x1F  }
0xd0: {  	v4 =	vand.u32 $0x7FF00000, v59  }
0xd1: {  	v3 =	vxor.u32 v3, v4  }
0xd2: {  	v3 =	vshra.s32 v3, $0x14  }
0xd3: {  	v3 =	vadd.s32 v1, v3;
	_ =	sdelay $0x4  }
0xd4: {  	[tilespmem:v3+s1+$0x0] =	vst.idx.add.f32.msk $0xffff, v2  }
0xd5: {  	v3 =	vld [tilespmem:s17+$0x10040];
	_ =	sdelay $0x4  }
0xd6: {  	v60 =	vshra.s32 v3, $0x1F  }
0xd7: {  	v4 =	vand.u32 $0x7FF00000, v60  }
0xd8: {  	v3 =	vxor.u32 v3, v4  }
0xd9: {  	v3 =	vshra.s32 v3, $0x14  }
0xda: {  	v3 =	vadd.s32 v1, v3;
	_ =	sdelay $0x4  }
0xdb: {  	[tilespmem:v3+s1+$0x0] =	vst.idx.add.f32.msk $0xffff, v2  }
0xdc: {  	v3 =	vld [tilespmem:s17+$0x10050];
	_ =	sdelay $0x4  }
0xdd: {  	v61 =	vshra.s32 v3, $0x1F  }
0xde: {  	v4 =	vand.u32 $0x7FF00000, v61  }
0xdf: {  	v3 =	vxor.u32 v3, v4  }
0xe0: {  	v3 =	vshra.s32 v3, $0x14  }
0xe1: {  	v3 =	vadd.s32 v1, v3;
	_ =	sdelay $0x4  }
0xe2: {  	[tilespmem:v3+s1+$0x0] =	vst.idx.add.f32.msk $0xffff, v2  }
0xe3: {  	v3 =	vld [tilespmem:s17+$0x10060];
	_ =	sdelay $0x4  }
0xe4: {  	v62 =	vshra.s32 v3, $0x1F  }
0xe5: {  	v4 =	vand.u32 $0x7FF00000, v62  }
0xe6: {  	v3 =	vxor.u32 v3, v4  }
0xe7: {  	v3 =	vshra.s32 v3, $0x14  }
0xe8: {  	v3 =	vadd.s32 v1, v3;
	_ =	sdelay $0x4  }
0xe9: {  	[tilespmem:v3+s1+$0x0] =	vst.idx.add.f32.msk $0xffff, v2  }
0xea: {  	v3 =	vld [tilespmem:s17+$0x10070];
	_ =	sdelay $0x4  }
0xeb: {  	v63 =	vshra.s32 v3, $0x1F  }
0xec: {  	v4 =	vand.u32 $0x7FF00000, v63  }
0xed: {  	v3 =	vxor.u32 v3, v4  }
0xee: {  	v3 =	vshra.s32 v3, $0x14  }
0xef: {  	p0 =	sne.s32 s16, $0x1FC00;
	v3 =	vadd.s32 v1, v3  }
.Ltmp7:
0xf0: {  	_ = 	snop;
	(pc) =	sbr.rel @p0 .LBB2_17-.Ltmp7, $2  }
0xf1: {  	_ =	sdelay $0x2  }
0xf2: {  	s16 =	sadd.s32 $0x400, s16;
	[tilespmem:v3+s1+$0x0] =	vst.idx.add.f32.msk $0xffff, v2  }
0xf3: {  	s16 =	sadd.s32 $0x2000, s15;
	s17 =	simm.s32 $0x10000  }
0xf4: {  	s18 =	simm.s32 $0x10;
	s19 =	simm.s32 $0x10100;
	s20 =	sadd.s32 $0x0, s16  }
.LBB2_19:
0xf5: {  	[tilespmem:s17], [sflag:$0x1] =	stream.linear.gather [hbm4b:s20+s1], $0x80, $0x38;
	[tilespmem:$0x19000] =	vst v63  }
0xf6: {  	s20 =	smov.u32 s18;
	s17 =	smov.u32 s19;
	p0 =	sne.s32 s18, $0x7F0  }
.Ltmp8:
0xf7: {  	s18 =	sadd.s32 $0x10, s18;
	(pc) =	sbr.rel @p0 .LBB2_19-.Ltmp8, $2  }
0xf8: {  	_ =	sdelay $0x2  }
0xf9: {  	s19 =	sadd.s32 $0x100, s19;
	s20 =	sadd.s32 s20, s16  }
0xfa: {  	[tilespmem:s17], [sflag:$0x1] =	stream.linear.gather [hbm4b:s20+s1], $0x80, $0x38;
	[tilespmem:$0x19000] =	vst v63  }
0xfb: {  	_ =	swait.ge [sflag:s9], $0x4000  }
0xfc: {  	[sflag:s9] =	ssyncset.done $0x0  }
0xfd: {  	s16 =	simm.s32 $0x0;
	[sflag:s9] =	ssyncadd.s32 $0xFFFFC000  }
.LBB2_21:
0xfe: {  	s17 =	sshra.s32 s16, $0x2  }
0xff: {  	v3 =	vld [tilespmem:s17+$0x10080];
	_ =	sdelay $0x4  }
0x100: {  	v4 =	vshra.s32 v3, $0x1F  }
0x101: {  	v4 =	vand.u32 $0x7FF00000, v4  }
0x102: {  	v3 =	vxor.u32 v3, v4  }
0x103: {  	v3 =	vshra.s32 v3, $0x14  }
0x104: {  	v3 =	vadd.s32 v1, v3;
	_ =	sdelay $0x4  }
0x105: {  	[tilespmem:v3+s1+$0x0] =	vst.idx.add.f32.msk $0xffff, v2  }
0x106: {  	v3 =	vld [tilespmem:s17+$0x10090];
	_ =	sdelay $0x4  }
0x107: {  	v57 =	vshra.s32 v3, $0x1F  }
0x108: {  	v4 =	vand.u32 $0x7FF00000, v57  }
0x109: {  	v3 =	vxor.u32 v3, v4  }
0x10a: {  	v3 =	vshra.s32 v3, $0x14  }
0x10b: {  	v3 =	vadd.s32 v1, v3;
	_ =	sdelay $0x4  }
0x10c: {  	[tilespmem:v3+s1+$0x0] =	vst.idx.add.f32.msk $0xffff, v2  }
0x10d: {  	v3 =	vld [tilespmem:s17+$0x100A0];
	_ =	sdelay $0x4  }
0x10e: {  	v58 =	vshra.s32 v3, $0x1F  }
0x10f: {  	v4 =	vand.u32 $0x7FF00000, v58  }
0x110: {  	v3 =	vxor.u32 v3, v4  }
0x111: {  	v3 =	vshra.s32 v3, $0x14  }
0x112: {  	v3 =	vadd.s32 v1, v3;
	_ =	sdelay $0x4  }
0x113: {  	[tilespmem:v3+s1+$0x0] =	vst.idx.add.f32.msk $0xffff, v2  }
0x114: {  	v3 =	vld [tilespmem:s17+$0x100B0];
	_ =	sdelay $0x4  }
0x115: {  	v59 =	vshra.s32 v3, $0x1F  }
0x116: {  	v4 =	vand.u32 $0x7FF00000, v59  }
0x117: {  	v3 =	vxor.u32 v3, v4  }
0x118: {  	v3 =	vshra.s32 v3, $0x14  }
0x119: {  	v3 =	vadd.s32 v1, v3;
	_ =	sdelay $0x4  }
0x11a: {  	[tilespmem:v3+s1+$0x0] =	vst.idx.add.f32.msk $0xffff, v2  }
0x11b: {  	v3 =	vld [tilespmem:s17+$0x100C0];
	_ =	sdelay $0x4  }
0x11c: {  	v60 =	vshra.s32 v3, $0x1F  }
0x11d: {  	v4 =	vand.u32 $0x7FF00000, v60  }
0x11e: {  	v3 =	vxor.u32 v3, v4  }
0x11f: {  	v3 =	vshra.s32 v3, $0x14  }
0x120: {  	v3 =	vadd.s32 v1, v3;
	_ =	sdelay $0x4  }
0x121: {  	[tilespmem:v3+s1+$0x0] =	vst.idx.add.f32.msk $0xffff, v2  }
0x122: {  	v3 =	vld [tilespmem:s17+$0x100D0];
	_ =	sdelay $0x4  }
0x123: {  	v61 =	vshra.s32 v3, $0x1F  }
0x124: {  	v4 =	vand.u32 $0x7FF00000, v61  }
0x125: {  	v3 =	vxor.u32 v3, v4  }
0x126: {  	v3 =	vshra.s32 v3, $0x14  }
0x127: {  	v3 =	vadd.s32 v1, v3;
	_ =	sdelay $0x4  }
0x128: {  	[tilespmem:v3+s1+$0x0] =	vst.idx.add.f32.msk $0xffff, v2  }
0x129: {  	v3 =	vld [tilespmem:s17+$0x100E0];
	_ =	sdelay $0x4  }
0x12a: {  	v62 =	vshra.s32 v3, $0x1F  }
0x12b: {  	v4 =	vand.u32 $0x7FF00000, v62  }
0x12c: {  	v3 =	vxor.u32 v3, v4  }
0x12d: {  	v3 =	vshra.s32 v3, $0x14  }
0x12e: {  	v3 =	vadd.s32 v1, v3;
	_ =	sdelay $0x4  }
0x12f: {  	[tilespmem:v3+s1+$0x0] =	vst.idx.add.f32.msk $0xffff, v2  }
0x130: {  	v3 =	vld [tilespmem:s17+$0x100F0];
	_ =	sdelay $0x4  }
0x131: {  	v63 =	vshra.s32 v3, $0x1F  }
0x132: {  	v4 =	vand.u32 $0x7FF00000, v63  }
0x133: {  	v3 =	vxor.u32 v3, v4  }
0x134: {  	v3 =	vshra.s32 v3, $0x14  }
0x135: {  	p0 =	sne.s32 s16, $0x1FC00;
	v3 =	vadd.s32 v1, v3  }
.Ltmp9:
0x136: {  	_ = 	snop;
	(pc) =	sbr.rel @p0 .LBB2_21-.Ltmp9, $2  }
0x137: {  	_ =	sdelay $0x2  }
0x138: {  	s16 =	sadd.s32 $0x400, s16;
	[tilespmem:v3+s1+$0x0] =	vst.idx.add.f32.msk $0xffff, v2  }
0x139: {  	s16 =	sadd.s32 $0x2800, s15;
	s17 =	simm.s32 $0x10080  }
0x13a: {  	s18 =	simm.s32 $0x10;
	s19 =	simm.s32 $0x10180;
	s20 =	sadd.s32 $0x0, s16  }
.LBB2_23:
0x13b: {  	[tilespmem:s17], [sflag:$0x2] =	stream.linear.gather [hbm4b:s20+s1], $0x80, $0x38;
	[tilespmem:$0x19000] =	vst v63  }
0x13c: {  	s20 =	smov.u32 s18;
	s17 =	smov.u32 s19;
	p0 =	sne.s32 s18, $0x7F0  }
.Ltmp10:
0x13d: {  	s18 =	sadd.s32 $0x10, s18;
	(pc) =	sbr.rel @p0 .LBB2_23-.Ltmp10, $2  }
0x13e: {  	_ =	sdelay $0x2  }
0x13f: {  	s19 =	sadd.s32 $0x100, s19;
	s20 =	sadd.s32 s20, s16  }
0x140: {  	[tilespmem:s17], [sflag:$0x2] =	stream.linear.gather [hbm4b:s20+s1], $0x80, $0x38;
	[tilespmem:$0x19000] =	vst v63  }
0x141: {  	_ =	swait.ge [sflag:s8], $0x4000  }
0x142: {  	[sflag:s8] =	ssyncset.done $0x0  }
0x143: {  	s16 =	simm.s32 $0x0;
	[sflag:s8] =	ssyncadd.s32 $0xFFFFC000  }
.LBB2_25:
0x144: {  	s17 =	sshra.s32 s16, $0x2  }
0x145: {  	v3 =	vld [tilespmem:s17+$0x10000];
	_ =	sdelay $0x4  }
0x146: {  	v4 =	vshra.s32 v3, $0x1F  }
0x147: {  	v4 =	vand.u32 $0x7FF00000, v4  }
0x148: {  	v3 =	vxor.u32 v3, v4  }
0x149: {  	v3 =	vshra.s32 v3, $0x14  }
0x14a: {  	v3 =	vadd.s32 v1, v3;
	_ =	sdelay $0x4  }
0x14b: {  	[tilespmem:v3+s1+$0x0] =	vst.idx.add.f32.msk $0xffff, v2  }
0x14c: {  	v3 =	vld [tilespmem:s17+$0x10010];
	_ =	sdelay $0x4  }
0x14d: {  	v57 =	vshra.s32 v3, $0x1F  }
0x14e: {  	v4 =	vand.u32 $0x7FF00000, v57  }
0x14f: {  	v3 =	vxor.u32 v3, v4  }
0x150: {  	v3 =	vshra.s32 v3, $0x14  }
0x151: {  	v3 =	vadd.s32 v1, v3;
	_ =	sdelay $0x4  }
0x152: {  	[tilespmem:v3+s1+$0x0] =	vst.idx.add.f32.msk $0xffff, v2  }
0x153: {  	v3 =	vld [tilespmem:s17+$0x10020];
	_ =	sdelay $0x4  }
0x154: {  	v58 =	vshra.s32 v3, $0x1F  }
0x155: {  	v4 =	vand.u32 $0x7FF00000, v58  }
0x156: {  	v3 =	vxor.u32 v3, v4  }
0x157: {  	v3 =	vshra.s32 v3, $0x14  }
0x158: {  	v3 =	vadd.s32 v1, v3;
	_ =	sdelay $0x4  }
0x159: {  	[tilespmem:v3+s1+$0x0] =	vst.idx.add.f32.msk $0xffff, v2  }
0x15a: {  	v3 =	vld [tilespmem:s17+$0x10030];
	_ =	sdelay $0x4  }
0x15b: {  	v59 =	vshra.s32 v3, $0x1F  }
0x15c: {  	v4 =	vand.u32 $0x7FF00000, v59  }
0x15d: {  	v3 =	vxor.u32 v3, v4  }
0x15e: {  	v3 =	vshra.s32 v3, $0x14  }
0x15f: {  	v3 =	vadd.s32 v1, v3;
	_ =	sdelay $0x4  }
0x160: {  	[tilespmem:v3+s1+$0x0] =	vst.idx.add.f32.msk $0xffff, v2  }
0x161: {  	v3 =	vld [tilespmem:s17+$0x10040];
	_ =	sdelay $0x4  }
0x162: {  	v60 =	vshra.s32 v3, $0x1F  }
0x163: {  	v4 =	vand.u32 $0x7FF00000, v60  }
0x164: {  	v3 =	vxor.u32 v3, v4  }
0x165: {  	v3 =	vshra.s32 v3, $0x14  }
0x166: {  	v3 =	vadd.s32 v1, v3;
	_ =	sdelay $0x4  }
0x167: {  	[tilespmem:v3+s1+$0x0] =	vst.idx.add.f32.msk $0xffff, v2  }
0x168: {  	v3 =	vld [tilespmem:s17+$0x10050];
	_ =	sdelay $0x4  }
0x169: {  	v61 =	vshra.s32 v3, $0x1F  }
0x16a: {  	v4 =	vand.u32 $0x7FF00000, v61  }
0x16b: {  	v3 =	vxor.u32 v3, v4  }
0x16c: {  	v3 =	vshra.s32 v3, $0x14  }
0x16d: {  	v3 =	vadd.s32 v1, v3;
	_ =	sdelay $0x4  }
0x16e: {  	[tilespmem:v3+s1+$0x0] =	vst.idx.add.f32.msk $0xffff, v2  }
0x16f: {  	v3 =	vld [tilespmem:s17+$0x10060];
	_ =	sdelay $0x4  }
0x170: {  	v62 =	vshra.s32 v3, $0x1F  }
0x171: {  	v4 =	vand.u32 $0x7FF00000, v62  }
0x172: {  	v3 =	vxor.u32 v3, v4  }
0x173: {  	v3 =	vshra.s32 v3, $0x14  }
0x174: {  	v3 =	vadd.s32 v1, v3;
	_ =	sdelay $0x4  }
0x175: {  	[tilespmem:v3+s1+$0x0] =	vst.idx.add.f32.msk $0xffff, v2  }
0x176: {  	v3 =	vld [tilespmem:s17+$0x10070];
	_ =	sdelay $0x4  }
0x177: {  	v63 =	vshra.s32 v3, $0x1F  }
0x178: {  	v4 =	vand.u32 $0x7FF00000, v63  }
0x179: {  	v3 =	vxor.u32 v3, v4  }
0x17a: {  	v3 =	vshra.s32 v3, $0x14  }
0x17b: {  	p0 =	sne.s32 s16, $0x1FC00;
	v3 =	vadd.s32 v1, v3  }
.Ltmp11:
0x17c: {  	_ = 	snop;
	(pc) =	sbr.rel @p0 .LBB2_25-.Ltmp11, $2  }
0x17d: {  	_ =	sdelay $0x2  }
0x17e: {  	s16 =	sadd.s32 $0x400, s16;
	[tilespmem:v3+s1+$0x0] =	vst.idx.add.f32.msk $0xffff, v2  }
0x17f: {  	s16 =	sadd.s32 $0x3000, s15;
	s17 =	simm.s32 $0x10000  }
0x180: {  	s18 =	simm.s32 $0x10;
	s19 =	simm.s32 $0x10100;
	s20 =	sadd.s32 $0x0, s16  }
.LBB2_27:
0x181: {  	[tilespmem:s17], [sflag:$0x1] =	stream.linear.gather [hbm4b:s20+s1], $0x80, $0x38;
	[tilespmem:$0x19000] =	vst v63  }
0x182: {  	s20 =	smov.u32 s18;
	s17 =	smov.u32 s19;
	p0 =	sne.s32 s18, $0x7F0  }
.Ltmp12:
0x183: {  	s18 =	sadd.s32 $0x10, s18;
	(pc) =	sbr.rel @p0 .LBB2_27-.Ltmp12, $2  }
0x184: {  	_ =	sdelay $0x2  }
0x185: {  	s19 =	sadd.s32 $0x100, s19;
	s20 =	sadd.s32 s20, s16  }
0x186: {  	[tilespmem:s17], [sflag:$0x1] =	stream.linear.gather [hbm4b:s20+s1], $0x80, $0x38;
	[tilespmem:$0x19000] =	vst v63  }
0x187: {  	_ =	swait.ge [sflag:s9], $0x4000  }
0x188: {  	[sflag:s9] =	ssyncset.done $0x0  }
0x189: {  	s16 =	simm.s32 $0x0;
	[sflag:s9] =	ssyncadd.s32 $0xFFFFC000  }
.LBB2_29:
0x18a: {  	s17 =	sshra.s32 s16, $0x2  }
0x18b: {  	v3 =	vld [tilespmem:s17+$0x10080];
	_ =	sdelay $0x4  }
0x18c: {  	v4 =	vshra.s32 v3, $0x1F  }
0x18d: {  	v4 =	vand.u32 $0x7FF00000, v4  }
0x18e: {  	v3 =	vxor.u32 v3, v4  }
0x18f: {  	v3 =	vshra.s32 v3, $0x14  }
0x190: {  	v3 =	vadd.s32 v1, v3;
	_ =	sdelay $0x4  }
0x191: {  	[tilespmem:v3+s1+$0x0] =	vst.idx.add.f32.msk $0xffff, v2  }
0x192: {  	v3 =	vld [tilespmem:s17+$0x10090];
	_ =	sdelay $0x4  }
0x193: {  	v57 =	vshra.s32 v3, $0x1F  }
0x194: {  	v4 =	vand.u32 $0x7FF00000, v57  }
0x195: {  	v3 =	vxor.u32 v3, v4  }
0x196: {  	v3 =	vshra.s32 v3, $0x14  }
0x197: {  	v3 =	vadd.s32 v1, v3;
	_ =	sdelay $0x4  }
0x198: {  	[tilespmem:v3+s1+$0x0] =	vst.idx.add.f32.msk $0xffff, v2  }
0x199: {  	v3 =	vld [tilespmem:s17+$0x100A0];
	_ =	sdelay $0x4  }
0x19a: {  	v58 =	vshra.s32 v3, $0x1F  }
0x19b: {  	v4 =	vand.u32 $0x7FF00000, v58  }
0x19c: {  	v3 =	vxor.u32 v3, v4  }
0x19d: {  	v3 =	vshra.s32 v3, $0x14  }
0x19e: {  	v3 =	vadd.s32 v1, v3;
	_ =	sdelay $0x4  }
0x19f: {  	[tilespmem:v3+s1+$0x0] =	vst.idx.add.f32.msk $0xffff, v2  }
0x1a0: {  	v3 =	vld [tilespmem:s17+$0x100B0];
	_ =	sdelay $0x4  }
0x1a1: {  	v59 =	vshra.s32 v3, $0x1F  }
0x1a2: {  	v4 =	vand.u32 $0x7FF00000, v59  }
0x1a3: {  	v3 =	vxor.u32 v3, v4  }
0x1a4: {  	v3 =	vshra.s32 v3, $0x14  }
0x1a5: {  	v3 =	vadd.s32 v1, v3;
	_ =	sdelay $0x4  }
0x1a6: {  	[tilespmem:v3+s1+$0x0] =	vst.idx.add.f32.msk $0xffff, v2  }
0x1a7: {  	v3 =	vld [tilespmem:s17+$0x100C0];
	_ =	sdelay $0x4  }
0x1a8: {  	v60 =	vshra.s32 v3, $0x1F  }
0x1a9: {  	v4 =	vand.u32 $0x7FF00000, v60  }
0x1aa: {  	v3 =	vxor.u32 v3, v4  }
0x1ab: {  	v3 =	vshra.s32 v3, $0x14  }
0x1ac: {  	v3 =	vadd.s32 v1, v3;
	_ =	sdelay $0x4  }
0x1ad: {  	[tilespmem:v3+s1+$0x0] =	vst.idx.add.f32.msk $0xffff, v2  }
0x1ae: {  	v3 =	vld [tilespmem:s17+$0x100D0];
	_ =	sdelay $0x4  }
0x1af: {  	v61 =	vshra.s32 v3, $0x1F  }
0x1b0: {  	v4 =	vand.u32 $0x7FF00000, v61  }
0x1b1: {  	v3 =	vxor.u32 v3, v4  }
0x1b2: {  	v3 =	vshra.s32 v3, $0x14  }
0x1b3: {  	v3 =	vadd.s32 v1, v3;
	_ =	sdelay $0x4  }
0x1b4: {  	[tilespmem:v3+s1+$0x0] =	vst.idx.add.f32.msk $0xffff, v2  }
0x1b5: {  	v3 =	vld [tilespmem:s17+$0x100E0];
	_ =	sdelay $0x4  }
0x1b6: {  	v62 =	vshra.s32 v3, $0x1F  }
0x1b7: {  	v4 =	vand.u32 $0x7FF00000, v62  }
0x1b8: {  	v3 =	vxor.u32 v3, v4  }
0x1b9: {  	v3 =	vshra.s32 v3, $0x14  }
0x1ba: {  	v3 =	vadd.s32 v1, v3;
	_ =	sdelay $0x4  }
0x1bb: {  	[tilespmem:v3+s1+$0x0] =	vst.idx.add.f32.msk $0xffff, v2  }
0x1bc: {  	v3 =	vld [tilespmem:s17+$0x100F0];
	_ =	sdelay $0x4  }
0x1bd: {  	v63 =	vshra.s32 v3, $0x1F  }
0x1be: {  	v4 =	vand.u32 $0x7FF00000, v63  }
0x1bf: {  	v3 =	vxor.u32 v3, v4  }
0x1c0: {  	v3 =	vshra.s32 v3, $0x14  }
0x1c1: {  	p0 =	sne.s32 s16, $0x1FC00;
	v3 =	vadd.s32 v1, v3  }
.Ltmp13:
0x1c2: {  	_ = 	snop;
	(pc) =	sbr.rel @p0 .LBB2_29-.Ltmp13, $2  }
0x1c3: {  	_ =	sdelay $0x2  }
0x1c4: {  	s16 =	sadd.s32 $0x400, s16;
	[tilespmem:v3+s1+$0x0] =	vst.idx.add.f32.msk $0xffff, v2  }
0x1c5: {  	s16 =	sadd.s32 $0x3800, s15;
	s17 =	simm.s32 $0x10080  }
0x1c6: {  	s18 =	simm.s32 $0x10;
	s19 =	simm.s32 $0x10180;
	s20 =	sadd.s32 $0x0, s16  }
.LBB2_31:
0x1c7: {  	[tilespmem:s17], [sflag:$0x2] =	stream.linear.gather [hbm4b:s20+s1], $0x80, $0x38;
	[tilespmem:$0x19000] =	vst v63  }
0x1c8: {  	s20 =	smov.u32 s18;
	s17 =	smov.u32 s19;
	p0 =	sne.s32 s18, $0x7F0  }
.Ltmp14:
0x1c9: {  	s18 =	sadd.s32 $0x10, s18;
	(pc) =	sbr.rel @p0 .LBB2_31-.Ltmp14, $2  }
0x1ca: {  	_ =	sdelay $0x2  }
0x1cb: {  	s19 =	sadd.s32 $0x100, s19;
	s20 =	sadd.s32 s20, s16  }
0x1cc: {  	[tilespmem:s17], [sflag:$0x2] =	stream.linear.gather [hbm4b:s20+s1], $0x80, $0x38;
	[tilespmem:$0x19000] =	vst v63  }
0x1cd: {  	_ =	swait.ge [sflag:s8], $0x4000  }
0x1ce: {  	[sflag:s8] =	ssyncset.done $0x0  }
0x1cf: {  	s16 =	simm.s32 $0x0;
	[sflag:s8] =	ssyncadd.s32 $0xFFFFC000  }
.LBB2_33:
0x1d0: {  	s17 =	sshra.s32 s16, $0x2  }
0x1d1: {  	v3 =	vld [tilespmem:s17+$0x10000];
	_ =	sdelay $0x4  }
0x1d2: {  	v4 =	vshra.s32 v3, $0x1F  }
0x1d3: {  	v4 =	vand.u32 $0x7FF00000, v4  }
0x1d4: {  	v3 =	vxor.u32 v3, v4  }
0x1d5: {  	v3 =	vshra.s32 v3, $0x14  }
0x1d6: {  	v3 =	vadd.s32 v1, v3;
	_ =	sdelay $0x4  }
0x1d7: {  	[tilespmem:v3+s1+$0x0] =	vst.idx.add.f32.msk $0xffff, v2  }
0x1d8: {  	v3 =	vld [tilespmem:s17+$0x10010];
	_ =	sdelay $0x4  }
0x1d9: {  	v57 =	vshra.s32 v3, $0x1F  }
0x1da: {  	v4 =	vand.u32 $0x7FF00000, v57  }
0x1db: {  	v3 =	vxor.u32 v3, v4  }
0x1dc: {  	v3 =	vshra.s32 v3, $0x14  }
0x1dd: {  	v3 =	vadd.s32 v1, v3;
	_ =	sdelay $0x4  }
0x1de: {  	[tilespmem:v3+s1+$0x0] =	vst.idx.add.f32.msk $0xffff, v2  }
0x1df: {  	v3 =	vld [tilespmem:s17+$0x10020];
	_ =	sdelay $0x4  }
0x1e0: {  	v58 =	vshra.s32 v3, $0x1F  }
0x1e1: {  	v4 =	vand.u32 $0x7FF00000, v58  }
0x1e2: {  	v3 =	vxor.u32 v3, v4  }
0x1e3: {  	v3 =	vshra.s32 v3, $0x14  }
0x1e4: {  	v3 =	vadd.s32 v1, v3;
	_ =	sdelay $0x4  }
0x1e5: {  	[tilespmem:v3+s1+$0x0] =	vst.idx.add.f32.msk $0xffff, v2  }
0x1e6: {  	v3 =	vld [tilespmem:s17+$0x10030];
	_ =	sdelay $0x4  }
0x1e7: {  	v59 =	vshra.s32 v3, $0x1F  }
0x1e8: {  	v4 =	vand.u32 $0x7FF00000, v59  }
0x1e9: {  	v3 =	vxor.u32 v3, v4  }
0x1ea: {  	v3 =	vshra.s32 v3, $0x14  }
0x1eb: {  	v3 =	vadd.s32 v1, v3;
	_ =	sdelay $0x4  }
0x1ec: {  	[tilespmem:v3+s1+$0x0] =	vst.idx.add.f32.msk $0xffff, v2  }
0x1ed: {  	v3 =	vld [tilespmem:s17+$0x10040];
	_ =	sdelay $0x4  }
0x1ee: {  	v60 =	vshra.s32 v3, $0x1F  }
0x1ef: {  	v4 =	vand.u32 $0x7FF00000, v60  }
0x1f0: {  	v3 =	vxor.u32 v3, v4  }
0x1f1: {  	v3 =	vshra.s32 v3, $0x14  }
0x1f2: {  	v3 =	vadd.s32 v1, v3;
	_ =	sdelay $0x4  }
0x1f3: {  	[tilespmem:v3+s1+$0x0] =	vst.idx.add.f32.msk $0xffff, v2  }
0x1f4: {  	v3 =	vld [tilespmem:s17+$0x10050];
	_ =	sdelay $0x4  }
0x1f5: {  	v61 =	vshra.s32 v3, $0x1F  }
0x1f6: {  	v4 =	vand.u32 $0x7FF00000, v61  }
0x1f7: {  	v3 =	vxor.u32 v3, v4  }
0x1f8: {  	v3 =	vshra.s32 v3, $0x14  }
0x1f9: {  	v3 =	vadd.s32 v1, v3;
	_ =	sdelay $0x4  }
0x1fa: {  	[tilespmem:v3+s1+$0x0] =	vst.idx.add.f32.msk $0xffff, v2  }
0x1fb: {  	v3 =	vld [tilespmem:s17+$0x10060];
	_ =	sdelay $0x4  }
0x1fc: {  	v62 =	vshra.s32 v3, $0x1F  }
0x1fd: {  	v4 =	vand.u32 $0x7FF00000, v62  }
0x1fe: {  	v3 =	vxor.u32 v3, v4  }
0x1ff: {  	v3 =	vshra.s32 v3, $0x14  }
0x200: {  	v3 =	vadd.s32 v1, v3;
	_ =	sdelay $0x4  }
0x201: {  	[tilespmem:v3+s1+$0x0] =	vst.idx.add.f32.msk $0xffff, v2  }
0x202: {  	v3 =	vld [tilespmem:s17+$0x10070];
	_ =	sdelay $0x4  }
0x203: {  	v63 =	vshra.s32 v3, $0x1F  }
0x204: {  	v4 =	vand.u32 $0x7FF00000, v63  }
0x205: {  	v3 =	vxor.u32 v3, v4  }
0x206: {  	v3 =	vshra.s32 v3, $0x14  }
0x207: {  	p0 =	sne.s32 s16, $0x1FC00;
	v3 =	vadd.s32 v1, v3  }
.Ltmp15:
0x208: {  	_ = 	snop;
	(pc) =	sbr.rel @p0 .LBB2_33-.Ltmp15, $2  }
0x209: {  	_ =	sdelay $0x2  }
0x20a: {  	s16 =	sadd.s32 $0x400, s16;
	[tilespmem:v3+s1+$0x0] =	vst.idx.add.f32.msk $0xffff, v2  }
0x20b: {  	s15 =	sadd.s32 $0x4000, s15;
	s16 =	simm.s32 $0x10000  }
0x20c: {  	s17 =	simm.s32 $0x10;
	s18 =	simm.s32 $0x10100;
	s19 =	sadd.s32 $0x0, s15  }
.LBB2_35:
0x20d: {  	[tilespmem:s16], [sflag:$0x1] =	stream.linear.gather [hbm4b:s19+s1], $0x80, $0x38;
	[tilespmem:$0x19000] =	vst v63  }
0x20e: {  	s19 =	smov.u32 s17;
	s16 =	smov.u32 s18;
	p0 =	sne.s32 s17, $0x7F0  }
.Ltmp16:
0x20f: {  	s17 =	sadd.s32 $0x10, s17;
	(pc) =	sbr.rel @p0 .LBB2_35-.Ltmp16, $2  }
0x210: {  	_ =	sdelay $0x2  }
0x211: {  	s18 =	sadd.s32 $0x100, s18;
	s19 =	sadd.s32 s19, s15  }
0x212: {  	[tilespmem:s16], [sflag:$0x1] =	stream.linear.gather [hbm4b:s19+s1], $0x80, $0x38;
	[tilespmem:$0x19000] =	vst v63  }
0x213: {  	_ =	swait.ge [sflag:s9], $0x4000  }
0x214: {  	[sflag:s9] =	ssyncset.done $0x0  }
0x215: {  	s15 =	simm.s32 $0x0;
	[sflag:s9] =	ssyncadd.s32 $0xFFFFC000  }
.LBB2_37:
0x216: {  	s16 =	sshra.s32 s15, $0x2  }
0x217: {  	v3 =	vld [tilespmem:s16+$0x10080];
	_ =	sdelay $0x4  }
0x218: {  	v4 =	vshra.s32 v3, $0x1F  }
0x219: {  	v4 =	vand.u32 $0x7FF00000, v4  }
0x21a: {  	v3 =	vxor.u32 v3, v4  }
0x21b: {  	v3 =	vshra.s32 v3, $0x14  }
0x21c: {  	v3 =	vadd.s32 v1, v3;
	_ =	sdelay $0x4  }
0x21d: {  	[tilespmem:v3+s1+$0x0] =	vst.idx.add.f32.msk $0xffff, v2  }
0x21e: {  	v3 =	vld [tilespmem:s16+$0x10090];
	_ =	sdelay $0x4  }
0x21f: {  	v57 =	vshra.s32 v3, $0x1F  }
0x220: {  	v4 =	vand.u32 $0x7FF00000, v57  }
0x221: {  	v3 =	vxor.u32 v3, v4  }
0x222: {  	v3 =	vshra.s32 v3, $0x14  }
0x223: {  	v3 =	vadd.s32 v1, v3;
	_ =	sdelay $0x4  }
0x224: {  	[tilespmem:v3+s1+$0x0] =	vst.idx.add.f32.msk $0xffff, v2  }
0x225: {  	v3 =	vld [tilespmem:s16+$0x100A0];
	_ =	sdelay $0x4  }
0x226: {  	v58 =	vshra.s32 v3, $0x1F  }
0x227: {  	v4 =	vand.u32 $0x7FF00000, v58  }
0x228: {  	v3 =	vxor.u32 v3, v4  }
0x229: {  	v3 =	vshra.s32 v3, $0x14  }
0x22a: {  	v3 =	vadd.s32 v1, v3;
	_ =	sdelay $0x4  }
0x22b: {  	[tilespmem:v3+s1+$0x0] =	vst.idx.add.f32.msk $0xffff, v2  }
0x22c: {  	v3 =	vld [tilespmem:s16+$0x100B0];
	_ =	sdelay $0x4  }
0x22d: {  	v59 =	vshra.s32 v3, $0x1F  }
0x22e: {  	v4 =	vand.u32 $0x7FF00000, v59  }
0x22f: {  	v3 =	vxor.u32 v3, v4  }
0x230: {  	v3 =	vshra.s32 v3, $0x14  }
0x231: {  	v3 =	vadd.s32 v1, v3;
	_ =	sdelay $0x4  }
0x232: {  	[tilespmem:v3+s1+$0x0] =	vst.idx.add.f32.msk $0xffff, v2  }
0x233: {  	v3 =	vld [tilespmem:s16+$0x100C0];
	_ =	sdelay $0x4  }
0x234: {  	v60 =	vshra.s32 v3, $0x1F  }
0x235: {  	v4 =	vand.u32 $0x7FF00000, v60  }
0x236: {  	v3 =	vxor.u32 v3, v4  }
0x237: {  	v3 =	vshra.s32 v3, $0x14  }
0x238: {  	v3 =	vadd.s32 v1, v3;
	_ =	sdelay $0x4  }
0x239: {  	[tilespmem:v3+s1+$0x0] =	vst.idx.add.f32.msk $0xffff, v2  }
0x23a: {  	v3 =	vld [tilespmem:s16+$0x100D0];
	_ =	sdelay $0x4  }
0x23b: {  	v61 =	vshra.s32 v3, $0x1F  }
0x23c: {  	v4 =	vand.u32 $0x7FF00000, v61  }
0x23d: {  	v3 =	vxor.u32 v3, v4  }
0x23e: {  	v3 =	vshra.s32 v3, $0x14  }
0x23f: {  	v3 =	vadd.s32 v1, v3;
	_ =	sdelay $0x4  }
0x240: {  	[tilespmem:v3+s1+$0x0] =	vst.idx.add.f32.msk $0xffff, v2  }
0x241: {  	v3 =	vld [tilespmem:s16+$0x100E0];
	_ =	sdelay $0x4  }
0x242: {  	v62 =	vshra.s32 v3, $0x1F  }
0x243: {  	v4 =	vand.u32 $0x7FF00000, v62  }
0x244: {  	v3 =	vxor.u32 v3, v4  }
0x245: {  	v3 =	vshra.s32 v3, $0x14  }
0x246: {  	v3 =	vadd.s32 v1, v3;
	_ =	sdelay $0x4  }
0x247: {  	[tilespmem:v3+s1+$0x0] =	vst.idx.add.f32.msk $0xffff, v2  }
0x248: {  	v3 =	vld [tilespmem:s16+$0x100F0];
	_ =	sdelay $0x4  }
0x249: {  	v63 =	vshra.s32 v3, $0x1F  }
0x24a: {  	v4 =	vand.u32 $0x7FF00000, v63  }
0x24b: {  	v3 =	vxor.u32 v3, v4  }
0x24c: {  	v3 =	vshra.s32 v3, $0x14  }
0x24d: {  	p0 =	sne.s32 s15, $0x1FC00;
	v3 =	vadd.s32 v1, v3  }
.Ltmp17:
0x24e: {  	_ = 	snop;
	(pc) =	sbr.rel @p0 .LBB2_37-.Ltmp17, $2  }
0x24f: {  	_ =	sdelay $0x2  }
0x250: {  	s15 =	sadd.s32 $0x400, s15;
	[tilespmem:v3+s1+$0x0] =	vst.idx.add.f32.msk $0xffff, v2  }
0x251: {  	_ =	swait.ge [sflag:s8], $0x4000  }
0x252: {  	[sflag:s8] =	ssyncset.done $0x0  }
0x253: {  	s15 =	simm.s32 $0x0;
	s16 =	simm.s32 $0x0;
	[sflag:s8] =	ssyncadd.s32 $0xFFFFC000  }
.LBB2_39:
0x254: {  	s17 =	sshra.s32 s16, $0x2  }
0x255: {  	v3 =	vld [tilespmem:s17+$0x10000];
	_ =	sdelay $0x4  }
0x256: {  	v4 =	vshra.s32 v3, $0x1F  }
0x257: {  	v4 =	vand.u32 $0x7FF00000, v4  }
0x258: {  	v3 =	vxor.u32 v3, v4  }
0x259: {  	v3 =	vshra.s32 v3, $0x14  }
0x25a: {  	v3 =	vadd.s32 v1, v3;
	_ =	sdelay $0x4  }
0x25b: {  	[tilespmem:v3+s15+$0x0] =	vst.idx.add.f32.msk $0xffff, v2  }
0x25c: {  	v3 =	vld [tilespmem:s17+$0x10010];
	_ =	sdelay $0x4  }
0x25d: {  	v57 =	vshra.s32 v3, $0x1F  }
0x25e: {  	v4 =	vand.u32 $0x7FF00000, v57  }
0x25f: {  	v3 =	vxor.u32 v3, v4  }
0x260: {  	v3 =	vshra.s32 v3, $0x14  }
0x261: {  	v3 =	vadd.s32 v1, v3;
	_ =	sdelay $0x4  }
0x262: {  	[tilespmem:v3+s15+$0x0] =	vst.idx.add.f32.msk $0xffff, v2  }
0x263: {  	v3 =	vld [tilespmem:s17+$0x10020];
	_ =	sdelay $0x4  }
0x264: {  	v58 =	vshra.s32 v3, $0x1F  }
0x265: {  	v4 =	vand.u32 $0x7FF00000, v58  }
0x266: {  	v3 =	vxor.u32 v3, v4  }
0x267: {  	v3 =	vshra.s32 v3, $0x14  }
0x268: {  	v3 =	vadd.s32 v1, v3;
	_ =	sdelay $0x4  }
0x269: {  	[tilespmem:v3+s15+$0x0] =	vst.idx.add.f32.msk $0xffff, v2  }
0x26a: {  	v3 =	vld [tilespmem:s17+$0x10030];
	_ =	sdelay $0x4  }
0x26b: {  	v59 =	vshra.s32 v3, $0x1F  }
0x26c: {  	v4 =	vand.u32 $0x7FF00000, v59  }
0x26d: {  	v3 =	vxor.u32 v3, v4  }
0x26e: {  	v3 =	vshra.s32 v3, $0x14  }
0x26f: {  	v3 =	vadd.s32 v1, v3;
	_ =	sdelay $0x4  }
0x270: {  	[tilespmem:v3+s15+$0x0] =	vst.idx.add.f32.msk $0xffff, v2  }
0x271: {  	v3 =	vld [tilespmem:s17+$0x10040];
	_ =	sdelay $0x4  }
0x272: {  	v60 =	vshra.s32 v3, $0x1F  }
0x273: {  	v4 =	vand.u32 $0x7FF00000, v60  }
0x274: {  	v3 =	vxor.u32 v3, v4  }
0x275: {  	v3 =	vshra.s32 v3, $0x14  }
0x276: {  	v3 =	vadd.s32 v1, v3;
	_ =	sdelay $0x4  }
0x277: {  	[tilespmem:v3+s15+$0x0] =	vst.idx.add.f32.msk $0xffff, v2  }
0x278: {  	v3 =	vld [tilespmem:s17+$0x10050];
	_ =	sdelay $0x4  }
0x279: {  	v61 =	vshra.s32 v3, $0x1F  }
0x27a: {  	v4 =	vand.u32 $0x7FF00000, v61  }
0x27b: {  	v3 =	vxor.u32 v3, v4  }
0x27c: {  	v3 =	vshra.s32 v3, $0x14  }
0x27d: {  	v3 =	vadd.s32 v1, v3;
	_ =	sdelay $0x4  }
0x27e: {  	[tilespmem:v3+s15+$0x0] =	vst.idx.add.f32.msk $0xffff, v2  }
0x27f: {  	v3 =	vld [tilespmem:s17+$0x10060];
	_ =	sdelay $0x4  }
0x280: {  	v62 =	vshra.s32 v3, $0x1F  }
0x281: {  	v4 =	vand.u32 $0x7FF00000, v62  }
0x282: {  	v3 =	vxor.u32 v3, v4  }
0x283: {  	v3 =	vshra.s32 v3, $0x14  }
0x284: {  	v3 =	vadd.s32 v1, v3;
	_ =	sdelay $0x4  }
0x285: {  	[tilespmem:v3+s15+$0x0] =	vst.idx.add.f32.msk $0xffff, v2  }
0x286: {  	v3 =	vld [tilespmem:s17+$0x10070];
	_ =	sdelay $0x4  }
0x287: {  	v63 =	vshra.s32 v3, $0x1F  }
0x288: {  	v4 =	vand.u32 $0x7FF00000, v63  }
0x289: {  	v3 =	vxor.u32 v3, v4  }
0x28a: {  	v3 =	vshra.s32 v3, $0x14  }
0x28b: {  	p0 =	sne.s32 s16, $0x1FC00;
	v3 =	vadd.s32 v1, v3  }
.Ltmp18:
0x28c: {  	_ = 	snop;
	(pc) =	sbr.rel @p0 .LBB2_39-.Ltmp18, $2  }
0x28d: {  	_ =	sdelay $0x2  }
0x28e: {  	s16 =	sadd.s32 $0x400, s16;
	[tilespmem:v3+s15+$0x0] =	vst.idx.add.f32.msk $0xffff, v2  }
0x28f: {  	s16 =	sand.u32 $0xFF0, s15;
	v4 =	vld [tilespmem:s15+$0x0]  }
0x290: {  	v3 =	vld [tilespmem:s16+$0x1000];
	_ =	sdelay $0x1  }
0x291: {  	v5 =	vld [tilespmem:s16+$0x2000];
	_ =	sdelay $0x1  }
0x292: {  	v6 =	vld [tilespmem:s16+$0x3000]  }
0x293: {  	v3 =	vadd.f32 v3, v4  }
0x294: {  	v36 =	vld [tilespmem:s16+$0x4000]  }
0x295: {  	v3 =	vadd.f32 v5, v3  }
0x296: {  	v37 =	vld [tilespmem:s16+$0x5000]  }
0x297: {  	v3 =	vadd.f32 v6, v3  }
0x298: {  	v38 =	vld [tilespmem:s16+$0x6000]  }
0x299: {  	v3 =	vadd.f32 v36, v3  }
0x29a: {  	v39 =	vld [tilespmem:s16+$0x7000]  }
0x29b: {  	v3 =	vadd.f32 v37, v3  }
0x29c: {  	v40 =	vld [tilespmem:s16+$0x8000]  }
0x29d: {  	v3 =	vadd.f32 v38, v3  }
0x29e: {  	v41 =	vld [tilespmem:s16+$0x9000]  }
0x29f: {  	v3 =	vadd.f32 v39, v3  }
0x2a0: {  	v42 =	vld [tilespmem:s16+$0xA000]  }
0x2a1: {  	v3 =	vadd.f32 v40, v3  }
0x2a2: {  	v43 =	vld [tilespmem:s16+$0xB000]  }
0x2a3: {  	v3 =	vadd.f32 v41, v3  }
0x2a4: {  	v44 =	vld [tilespmem:s16+$0xC000]  }
0x2a5: {  	v3 =	vadd.f32 v42, v3  }
0x2a6: {  	v45 =	vld [tilespmem:s16+$0xD000]  }
0x2a7: {  	v3 =	vadd.f32 v43, v3  }
0x2a8: {  	v46 =	vld [tilespmem:s16+$0xE000]  }
0x2a9: {  	v3 =	vadd.f32 v44, v3  }
0x2aa: {  	v47 =	vld [tilespmem:s16+$0xF000]  }
0x2ab: {  	v3 =	vadd.f32 v45, v3;
	_ =	sdelay $0x1  }
0x2ac: {  	v3 =	vadd.f32 v46, v3;
	_ =	sdelay $0x1  }
0x2ad: {  	v3 =	vadd.f32 v47, v3;
	_ =	sdelay $0x1  }
0x2ae: {  	(xrf2) =	vadd.scan.msk.f32 $0xffff, v3;
	_ =	sdelay $0x9  }
0x2af: {  	s31 =	simm.f32 $0.0e+00;
	v3, _, _ =	vpop (xrf2)  }
0x2b0: {  	v3 =	vadd.f32 s31, v3  }
0x2b1: {  	s15 =	simm.s32 $0x10;
	s16 =	simm.s32 $0x18000  }
0x2b2: {  	s17 =	sand.u32 $0xFF0, s15;
	[tilespmem:s16+$0x0] =	vst v3  }
0x2b3: {  	v48 =	vld [tilespmem:s17+$0x1000]  }
0x2b4: {  	v49 =	vld [tilespmem:s15+$0x0];
	_ =	sdelay $0x1  }
0x2b5: {  	v50 =	vld [tilespmem:s17+$0x2000];
	_ =	sdelay $0x1  }
0x2b6: {  	v7 =	vld [tilespmem:s17+$0x3000]  }
0x2b7: {  	v4 =	vadd.f32 v48, v49  }
0x2b8: {  	v51 =	vld [tilespmem:s17+$0x4000]  }
0x2b9: {  	v4 =	vadd.f32 v50, v4  }
0x2ba: {  	v52 =	vld [tilespmem:s17+$0x5000]  }
0x2bb: {  	v4 =	vadd.f32 v7, v4  }
0x2bc: {  	v53 =	vld [tilespmem:s17+$0x6000]  }
0x2bd: {  	v4 =	vadd.f32 v51, v4  }
0x2be: {  	v54 =	vld [tilespmem:s17+$0x7000]  }
0x2bf: {  	(xrf0) =	vmax.scan.msk.f32 $0xffff, v3;
	v3 =	vadd.f32 v52, v4  }
0x2c0: {  	v55 =	vld [tilespmem:s17+$0x8000]  }
0x2c1: {  	v3 =	vadd.f32 v53, v3  }
0x2c2: {  	v56 =	vld [tilespmem:s17+$0x9000]  }
0x2c3: {  	v3 =	vadd.f32 v54, v3  }
0x2c4: {  	v57 =	vld [tilespmem:s17+$0xA000]  }
0x2c5: {  	v3 =	vadd.f32 v55, v3  }
0x2c6: {  	v59 =	vld [tilespmem:s17+$0xB000]  }
0x2c7: {  	v3 =	vadd.f32 v56, v3  }
0x2c8: {  	v60 =	vld [tilespmem:s17+$0xC000]  }
0x2c9: {  	v3 =	vadd.f32 v57, v3  }
0x2ca: {  	v61 =	vld [tilespmem:s17+$0xD000]  }
0x2cb: {  	v3 =	vadd.f32 v59, v3  }
0x2cc: {  	v62 =	vld [tilespmem:s17+$0xE000];
	v58, _, _ =	vpop (xrf0)  }
0x2cd: {  	(v2sf) =	vpush v58, $0xF;
	v3 =	vadd.f32 v60, v3  }
0x2ce: {  	v63 =	vld [tilespmem:s17+$0xF000]  }
0x2cf: {  	v3 =	vadd.f32 v61, v3;
	_ =	sdelay $0x1  }
0x2d0: {  	v3 =	vadd.f32 v62, v3;
	_ =	sdelay $0x1  }
0x2d1: {  	v3 =	vadd.f32 v63, v3;
	_ =	sdelay $0x1  }
0x2d2: {  	(xrf2) =	vadd.scan.msk.f32 $0xffff, v3;
	_ =	sdelay $0x6  }
0x2d3: {  	s18 =	simm.s32 $0x30;
	s17 =	simm.s32 $0x20;
	s20 =	spop (v2sf)  }
.LBB2_41:
0x2d4: {  	p0 =	sne.s32 s18, $0xFF0;
	_ =	sdelay $0x1  }
0x2d5: {  	v3, _, _ =	vpop (xrf2)  }
0x2d6: {  	v3 =	vadd.f32 s20, v3  }
0x2d7: {  	s16 =	sadd.s32 $0x10, s16  }
0x2d8: {  	s19 =	sand.u32 $0xFF0, s17;
	s17 =	smov.u32 s18;
	[tilespmem:s16+$0x0] =	vst v3;
	(xrf0) =	vmax.scan.msk.f32 $0xffff, v3  }
0x2d9: {  	s15 =	sadd.s32 $0x10, s15;
	v3 =	vld [tilespmem:s19+$0x1000]  }
0x2da: {  	v4 =	vld [tilespmem:s15+$0x0];
	_ =	sdelay $0x1  }
0x2db: {  	v5 =	vld [tilespmem:s19+$0x2000];
	_ =	sdelay $0x1  }
0x2dc: {  	v6 =	vld [tilespmem:s19+$0x3000];
	v7, _, _ =	vpop (xrf0)  }
0x2dd: {  	v3 =	vadd.f32 v3, v4;
	(v2sf) =	vpush v7, $0xF  }
0x2de: {  	v4 =	vld [tilespmem:s19+$0x4000]  }
0x2df: {  	v3 =	vadd.f32 v5, v3  }
0x2e0: {  	v5 =	vld [tilespmem:s19+$0x5000]  }
0x2e1: {  	v3 =	vadd.f32 v6, v3  }
0x2e2: {  	v6 =	vld [tilespmem:s19+$0x6000]  }
0x2e3: {  	v3 =	vadd.f32 v4, v3  }
0x2e4: {  	v4 =	vld [tilespmem:s19+$0x7000]  }
0x2e5: {  	v3 =	vadd.f32 v5, v3  }
0x2e6: {  	v5 =	vld [tilespmem:s19+$0x8000]  }
0x2e7: {  	v3 =	vadd.f32 v6, v3  }
0x2e8: {  	v6 =	vld [tilespmem:s19+$0x9000]  }
0x2e9: {  	v3 =	vadd.f32 v4, v3  }
0x2ea: {  	v4 =	vld [tilespmem:s19+$0xA000]  }
0x2eb: {  	v3 =	vadd.f32 v5, v3  }
0x2ec: {  	v5 =	vld [tilespmem:s19+$0xB000];
	s20 =	spop (v2sf)  }
0x2ed: {  	v3 =	vadd.f32 v6, v3  }
0x2ee: {  	v6 =	vld [tilespmem:s19+$0xC000]  }
0x2ef: {  	v3 =	vadd.f32 v4, v3  }
0x2f0: {  	v4 =	vld [tilespmem:s19+$0xD000]  }
0x2f1: {  	v3 =	vadd.f32 v5, v3  }
0x2f2: {  	v5 =	vld [tilespmem:s19+$0xE000]  }
0x2f3: {  	v3 =	vadd.f32 v6, v3  }
0x2f4: {  	v6 =	vld [tilespmem:s19+$0xF000]  }
0x2f5: {  	v3 =	vadd.f32 v4, v3;
	_ =	sdelay $0x1  }
0x2f6: {  	v3 =	vadd.f32 v5, v3;
	_ =	sdelay $0x1  }
0x2f7: {  	v3 =	vadd.f32 v6, v3;
	_ =	sdelay $0x1  }
0x2f8: {  	(xrf2) =	vadd.scan.msk.f32 $0xffff, v3;
	_ =	sdelay $0x2  }
.Ltmp19:
0x2f9: {  	(pc) =	sbr.rel @p0 .LBB2_41-.Ltmp19, $2  }
0x2fa: {  	_ =	sdelay $0x2  }
0x2fb: {  	s18 =	sadd.s32 $0x10, s18  }
0x2fc: {  	_ =	sdelay $0x1  }
0x2fd: {  	v3, _, _ =	vpop (xrf2)  }
0x2fe: {  	v3 =	vadd.f32 s20, v3  }
0x2ff: {  	s16 =	sadd.s32 $0x10, s16  }
0x300: {  	s17 =	sand.u32 $0xFF0, s17;
	[tilespmem:s16+$0x0] =	vst v3  }
0x301: {  	s15 =	sadd.s32 $0x10, s15;
	v4 =	vld [tilespmem:s17+$0x1000]  }
0x302: {  	v5 =	vld [tilespmem:s15+$0x0];
	_ =	sdelay $0x1  }
0x303: {  	v6 =	vld [tilespmem:s17+$0x2000];
	_ =	sdelay $0x1  }
0x304: {  	v7 =	vld [tilespmem:s17+$0x3000]  }
0x305: {  	v4 =	vadd.f32 v4, v5  }
0x306: {  	v50 =	vld [tilespmem:s17+$0x4000]  }
0x307: {  	v4 =	vadd.f32 v6, v4  }
0x308: {  	v51 =	vld [tilespmem:s17+$0x5000]  }
0x309: {  	v4 =	vadd.f32 v7, v4  }
0x30a: {  	v52 =	vld [tilespmem:s17+$0x6000]  }
0x30b: {  	v4 =	vadd.f32 v50, v4  }
0x30c: {  	v53 =	vld [tilespmem:s17+$0x7000]  }
0x30d: {  	v4 =	vadd.f32 v51, v4  }
0x30e: {  	v54 =	vld [tilespmem:s17+$0x8000]  }
0x30f: {  	v4 =	vadd.f32 v52, v4  }
0x310: {  	v55 =	vld [tilespmem:s17+$0x9000]  }
0x311: {  	v4 =	vadd.f32 v53, v4  }
0x312: {  	v56 =	vld [tilespmem:s17+$0xA000]  }
0x313: {  	v4 =	vadd.f32 v54, v4  }
0x314: {  	v57 =	vld [tilespmem:s17+$0xB000]  }
0x315: {  	v4 =	vadd.f32 v55, v4  }
0x316: {  	v58 =	vld [tilespmem:s17+$0xC000]  }
0x317: {  	(xrf0) =	vmax.scan.msk.f32 $0xffff, v3;
	v3 =	vadd.f32 v56, v4  }
0x318: {  	v59 =	vld [tilespmem:s17+$0xD000]  }
0x319: {  	v3 =	vadd.f32 v57, v3  }
0x31a: {  	v60 =	vld [tilespmem:s17+$0xE000]  }
0x31b: {  	v3 =	vadd.f32 v58, v3  }
0x31c: {  	v61 =	vld [tilespmem:s17+$0xF000]  }
0x31d: {  	v62, _, _ =	vpop (xrf0);
	v3 =	vadd.f32 v59, v3  }
0x31e: {  	(v2sf) =	vpush v62, $0xF  }
0x31f: {  	v3 =	vadd.f32 v60, v3;
	_ =	sdelay $0x1  }
0x320: {  	v3 =	vadd.f32 v61, v3;
	_ =	sdelay $0x1  }
0x321: {  	(xrf2) =	vadd.scan.msk.f32 $0xffff, v3;
	_ =	sdelay $0x9  }
0x322: {  	s29 =	spop (v2sf);
	v3, _, _ =	vpop (xrf2)  }
0x323: {  	v3 =	vadd.f32 s29, v3;
	_ =	sdelay $0x1  }
0x324: {  	(xrf0) =	vmax.scan.msk.f32 $0xffff, v3;
	_ =	sdelay $0x5  }
0x325: {  	v63, _, _ =	vpop (xrf0)  }
0x326: {  	(v2sf) =	vpush v63, $0xF;
	_ =	sdelay $0xa  }
0x327: {  	s14 =	sshll.u32 s14, $0x9;
	s13 =	sadd.s32 $0x1, s13;
	s30 =	sadd.s32 $0x10, s16  }
0x328: {  	s14 =	sadd.s32 s5, s14;
	p0 =	sne.s32 s13, $0x3;
	[tilespmem:s30+$0x0] =	vst v3  }
0x329: {  	[hbm4b:s14+s1] =	stream.linear.scatter [tilespmem:s10], [sflag:$0x3], $0x1000, $0x38;
	[tilespmem:$0x19000] =	vst v63  }
.Ltmp20:
0x32a: {  	_ = 	snop;
	(pc) =	sbr.rel @p0 .LBB2_2-.Ltmp20, $4  }
0x32b: {  	s31 =	spop (v2sf)  }
0x32c: {  	_ =	swait.ge [sflag:s11], $0x1000  }
0x32d: {  	[sflag:s11] =	ssyncset.done $0x0  }
0x32e: {  	[sflag:s11] =	ssyncadd.s32 $0xFFFFF000  }
0x32f: {  	s12 =	sadd.s32 $0x1, s12  }
0x330: {  	p0 =	sne.s32 s12, s7  }
.Ltmp21:
0x331: {  	_ = 	snop;
	(pc) =	sbr.rel @p0 .LBB2_1-.Ltmp21, $1  }
0x332: {  	_ =	sdelay $0x3  }
0x333: {  	_ =	sfence.sel $0x180000  }
0x334: {  	[bflag:$0x0] =	sbarrier.arrive $0xFFFF  }
0x335: {  	p0 =	sne.s32 s2, $0x0;
	_ =	strace $0x90000047  }
0x336: {  	s0 =	sadd.s32 @!p0 $0x100000, s0;
	[bflag:$0x2] =	sbarrier.arrive $0xFFFF  }
0x337: {  	[sflag:s0] =	ssyncadd.tile.s32 @!p0 $0x1;
	_ =	shalt  }
.Lfunc_end2:
_tile_overlayer_lowered:
.L_overlay_start_2:
0x338: {  	(tag) =	ssettag $0x2  }
0x339: {  	s0 =	rddreg [dreg:$0x0];
	s2 =	stileid.u32  }
0x33a: {  	s1 =	rddreg [dreg:$0x1];
	p0 =	sne.s32 s2, $0x0  }
0x33b: {  	s3 =	rddreg [dreg:$0x2];
	[bflag:$0x3] =	sbarrier.arrive $0xFFFF;
	s2 =	simm.s32 @!p0 $0x1C03  }
0x33c: {  	[timem:s3], [sflag:s2] =	dma.local @!p0 [hbm:s0], s1  }
0x33d: {  	s0 =	simm.s32 @!p0 $0x3  }
0x33e: {  	_ =	swait.ge @!p0 [sflag:s0], s1  }
0x33f: {  	s1 =	ssub.s32 @!p0 $0x0, s1;
	[sflag:s0] =	ssyncset.done @!p0 $0x0  }
0x340: {  	[sflag:s0] =	ssyncadd.s32 @!p0 s1  }
0x341: {  	[bflag:$0x3] =	sbarrier.arrive $0xFFFF  }
0x342: {  	_ =	shalt  }

</sc_bundles>
